<compile_context>
chip_gen: v7x
topology: tpu7x:2x2x1
jax: 0.10.2.dev20260603
libtpu: 0.0.44.dev20260713+nightly
codegen_flags: <defaults>
</compile_context>

<pallas_src>
import functools

import jax
import jax.numpy as jnp
from jax import lax
from jax.experimental import pallas as pl
from jax.experimental.pallas import tpu as pltpu
from jax.experimental.pallas import tpu_sc as plsc

N_TOTAL = 8_000_000
NBINS = 10
LANES = 16
NWORKERS = 32
TILE = 128

BLK = 65536
R = BLK // TILE
TC_BLOCKS = 43
TC_N = TC_BLOCKS * BLK

MAIN = (N_TOTAL // (TILE * NWORKERS)) * TILE * NWORKERS
PER_W = (MAIN - TC_N) // NWORKERS
CHUNK = 115 * TILE
NCHUNK = PER_W // CHUNK
UNROLL = 8
TAIL_OFF = MAIN
TAIL = N_TOTAL - TAIL_OFF


def _sc_pass(pred, target):
    mesh = plsc.VectorSubcoreMesh(core_axis_name="c", subcore_axis_name="s")

    @functools.partial(
        pl.kernel,
        out_type=(
            jax.ShapeDtypeStruct((NWORKERS, NBINS, LANES), jnp.float32),
            jax.ShapeDtypeStruct((NWORKERS, NBINS, LANES), jnp.float32),
        ),
        name="ghmr_sc_pass",
        mesh=mesh,
        scratch_types=[
            pltpu.VMEM((CHUNK,), jnp.float32),
            pltpu.VMEM((CHUNK,), jnp.float32),
            pltpu.VMEM((CHUNK,), jnp.float32),
            pltpu.VMEM((CHUNK,), jnp.float32),
            pltpu.VMEM((NBINS, LANES), jnp.float32),
            pltpu.VMEM((NBINS, LANES), jnp.float32),
            pltpu.SemaphoreType.DMA,
            pltpu.SemaphoreType.DMA,
            pltpu.SemaphoreType.DMA,
            pltpu.SemaphoreType.DMA,
        ],
        compiler_params=pltpu.CompilerParams(needs_layout_passes=False),
    )
    def sc_kernel(pred_hbm, target_hbm, cnt_hbm, sum_hbm, pbuf0, pbuf1, tbuf0, tbuf1, acc_cnt, acc_sum, sp0, sp1, st0, st1):
        pbufs = [pbuf0, pbuf1]
        tbufs = [tbuf0, tbuf1]
        wid = lax.axis_index("s") * 2 + lax.axis_index("c")
        base = TC_N + wid * PER_W
        for r in range(NBINS):
            acc_cnt[r, :] = jnp.zeros((LANES,), jnp.float32)
            acc_sum[r, :] = jnp.zeros((LANES,), jnp.float32)
        lane = lax.iota(jnp.int32, LANES)
        ones = jnp.ones((LANES,), jnp.float32)
        psem = [sp0, sp1]
        tsem = [st0, st1]

        def start(c, slot):
            off = pl.multiple_of(base + c * CHUNK, TILE)
            pltpu.make_async_copy(pred_hbm.at[0, pl.ds(off, CHUNK)], pbufs[slot], psem[slot]).start()
            pltpu.make_async_copy(target_hbm.at[0, pl.ds(off, CHUNK)], tbufs[slot], tsem[slot]).start()

        def wait(slot):
            pltpu.make_async_copy(pred_hbm.at[0, pl.ds(base, CHUNK)], pbufs[slot], psem[slot]).wait()
            pltpu.make_async_copy(target_hbm.at[0, pl.ds(base, CHUNK)], tbufs[slot], tsem[slot]).wait()

        def vec_body(pbuf, tbuf, off):
            p = pbuf[pl.ds(off, LANES)]
            t = tbuf[pl.ds(off, LANES)]
            d = p - t
            ad = jnp.abs(d)
            diff = jnp.minimum(ad, jnp.float32(360.0) - ad)
            bf = diff * jnp.float32(10.0 / 180.0)
            b = jnp.minimum(bf.astype(jnp.int32), 9)
            m = jnp.minimum(ad, jnp.float32(1.0))
            loss = jnp.float32(0.5) * m * m + (ad - m)
            plsc.addupdate_scatter(acc_cnt, [b, lane], ones)
            plsc.addupdate_scatter(acc_sum, [b, lane], loss)

        start(0, 0)
        for c in range(NCHUNK):
            slot = c & 1
            if c + 1 < NCHUNK:
                start(c + 1, slot ^ 1)
            wait(slot)

            @plsc.parallel_loop(0, CHUNK, step=LANES, unroll=UNROLL)
            def body(off):
                vec_body(pbufs[slot], tbufs[slot], pl.multiple_of(off, LANES))

        @pl.when(wid == 0)
        def _tail():
            pltpu.make_async_copy(
                pred_hbm.at[0, pl.ds(TAIL_OFF, TAIL)], pbufs[0].at[pl.ds(0, TAIL)], psem[0]
            ).start()
            pltpu.make_async_copy(
                target_hbm.at[0, pl.ds(TAIL_OFF, TAIL)], tbufs[0].at[pl.ds(0, TAIL)], tsem[0]
            ).start()
            pltpu.make_async_copy(
                pred_hbm.at[0, pl.ds(TAIL_OFF, TAIL)], pbufs[0].at[pl.ds(0, TAIL)], psem[0]
            ).wait()
            pltpu.make_async_copy(
                target_hbm.at[0, pl.ds(TAIL_OFF, TAIL)], tbufs[0].at[pl.ds(0, TAIL)], tsem[0]
            ).wait()

            @plsc.parallel_loop(0, TAIL, step=LANES, unroll=8)
            def tail_body(off):
                vec_body(pbufs[0], tbufs[0], pl.multiple_of(off, LANES))

        pltpu.sync_copy(acc_cnt, cnt_hbm.at[wid])
        pltpu.sync_copy(acc_sum, sum_hbm.at[wid])

    return sc_kernel(pred, target)


def _tc_pass(pred, target):
    def body(p_ref, t_ref, o_ref):
        i = pl.program_id(0)
        p = p_ref[...].reshape(R, TILE)
        t = t_ref[...].reshape(R, TILE)
        d = p - t
        ad = jnp.abs(d)
        diff = jnp.minimum(ad, jnp.float32(360.0) - ad)
        bf = diff * jnp.float32(10.0 / 180.0)
        m = jnp.minimum(ad, jnp.float32(1.0))
        loss = jnp.float32(0.5) * m * m + (ad - m)
        zero = jnp.zeros((1, TILE), jnp.float32)
        crows = [zero]
        srows = [jnp.sum(loss, axis=0, keepdims=True)]
        for k in range(1, NBINS):
            mask_f = (bf >= jnp.float32(k)).astype(jnp.float32)
            crows.append(jnp.sum(mask_f, axis=0, keepdims=True))
            srows.append(jnp.sum(mask_f * loss, axis=0, keepdims=True))
        upd = jnp.concatenate(crows + srows, axis=0)

        @pl.when(i == 0)
        def _init():
            o_ref[...] = jnp.zeros((2 * NBINS, TILE), jnp.float32)

        o_ref[...] = o_ref[...] + upd

    return pl.pallas_call(
        body,
        grid=(TC_BLOCKS,),
        in_specs=[
            pl.BlockSpec((1, BLK), lambda i: (0, i)),
            pl.BlockSpec((1, BLK), lambda i: (0, i)),
        ],
        out_specs=pl.BlockSpec((2 * NBINS, TILE), lambda i: (0, 0)),
        out_shape=jax.ShapeDtypeStruct((2 * NBINS, TILE), jnp.float32),
    )(pred, target)


def _combine(sc_cnt, sc_sum, tc_acc):
    def ck(xc_ref, xs_ref, tc_ref, o_ref):
        total = jnp.float32(N_TOTAL)
        counts_sc = jnp.sum(jnp.sum(xc_ref[...], axis=0), axis=1, keepdims=True)
        sums_sc = jnp.sum(jnp.sum(xs_ref[...], axis=0), axis=1, keepdims=True)
        tcs = jnp.sum(tc_ref[...], axis=1, keepdims=True)
        ccum = tcs[0:NBINS]
        scum = tcs[NBINS : 2 * NBINS]
        zero1 = jnp.zeros((1, 1), jnp.float32)
        cc = jnp.concatenate([jnp.full((1, 1), jnp.float32(TC_N)), ccum[1:NBINS]], axis=0)
        cnext = jnp.concatenate([ccum[1:NBINS], zero1], axis=0)
        counts_tc = cc - cnext
        snext = jnp.concatenate([scum[1:NBINS], zero1], axis=0)
        sums_tc = scum - snext
        counts = counts_sc + counts_tc
        sums = sums_sc + sums_tc
        accm = jnp.where(counts > 0, jnp.float32(0.1) * counts, jnp.float32(0.0))
        n = jnp.sum((counts > 0).astype(jnp.float32))
        n_safe = jnp.maximum(n, jnp.float32(1.0))
        w = jnp.where(
            accm > 0,
            total / (n_safe * jnp.maximum(accm, jnp.float32(1e-12))),
            jnp.float32(0.0),
        )
        walpha = jnp.where(
            w > 0,
            jnp.exp(jnp.float32(0.75) * jnp.log(jnp.maximum(w, jnp.float32(1e-30)))),
            jnp.float32(0.0),
        )
        tot = jnp.sum(jnp.where(counts > 0, walpha * sums, jnp.float32(0.0)))
        tot = jnp.where(n > 0, tot, jnp.sum(sums))
        o_ref[...] = jnp.reshape(tot / total, (1, 1))

    return pl.pallas_call(ck, out_shape=jax.ShapeDtypeStruct((1, 1), jnp.float32))(
        sc_cnt, sc_sum, tc_acc
    )


def kernel(pred, target):
    p = pred.T
    t = target.T
    cnt, sm = _sc_pass(p, t)
    tc_acc = _tc_pass(p, t)
    return _combine(cnt, sm, tc_acc)[0, 0]

# --- scband reference (transcript-rebuilt; emitter-appended) ---
"""Pipeline reference for scband-ghmr-loss-7164005449995 (READ-ONLY COPY).

The authoritative reference and input builder live on the scoring server;
editing this copy changes nothing except your own understanding.
"""

import jax, jax.numpy as jnp
import numpy as np

BINS = 10
ALPHA = 0.75
MOMENTUM = 0.9
MU = 1.0
N = 8000000


def setup_inputs(seed: int = 0) -> dict:
    key = jax.random.key(seed)
    k1, k2 = jax.random.split(key)
    pred = jax.random.uniform(k1, (N, 1), dtype=jnp.float32, minval=0.0, maxval=360.0)
    target = jax.random.uniform(k2, (N, 1), dtype=jnp.float32, minval=0.0, maxval=360.0)
    return {"pred": pred, "target": target}


def reference(pred, target):
    edges = [float(x) / BINS for x in range(BINS + 1)]
    edges[-1] += 1e-06
    diff = jnp.abs(pred - target)
    diff = jnp.minimum(diff, 360.0 - diff)
    g = diff / 180.0
    total = float(g.size)
    # per-bin counts (histogram over gradient-norm proxy g)
    counts = jnp.stack([jnp.sum((g >= edges[i]) & (g < edges[i + 1])) for i in range(BINS)]).astype(jnp.float32)
    # momentum EMA update starting from acc_sum = 0.0 (single forward call)
    acc = jnp.where(counts > 0, (1.0 - MOMENTUM) * counts, 0.0)
    n = jnp.sum(counts > 0).astype(jnp.float32)
    n_safe = jnp.maximum(n, 1.0)
    w_vals = jnp.where(acc > 0, total / (n_safe * jnp.maximum(acc, 1e-12)), 0.0)
    weights = jnp.zeros_like(g)
    for i in range(BINS):
        mask = (g >= edges[i]) & (g < edges[i + 1])
        weights = jnp.where(mask & (acc[i] > 0), w_vals[i], weights)
    weights = jnp.where(n > 0, weights, jnp.ones_like(g))
    weights = weights ** ALPHA
    # smooth_l1 with beta = MU, reduction='none'
    d = pred - target
    ad = jnp.abs(d)
    loss = jnp.where(ad < MU, 0.5 * ad * ad / MU, ad - 0.5 * MU)
    loss = loss * weights
    return jnp.mean(loss)

if __name__ == "__main__":
    import jax
    _d = setup_inputs()
    print(jax.jit(kernel)(*tuple(_d.values())))

</pallas_src>

<mosaic_0001>
#map = affine_map<(d0, d1) -> (0, 0)>
#map1 = affine_map<(d0, d1) -> (0, 0, 0)>
module attributes {stable_mosaic.version = 14 : i64} {
  func.func @ghmr_sc_pass(%arg0: i32, %arg1: i32, %arg2: memref<1x8000000xf32, #tpu.memory_space<hbm>>, %arg3: memref<1x8000000xf32, #tpu.memory_space<hbm>>, %arg4: memref<32x10x16xf32, #tpu.memory_space<hbm>>, %arg5: memref<32x10x16xf32, #tpu.memory_space<hbm>>, %arg6: memref<14720xf32, #tpu.memory_space<vmem>>, %arg7: memref<14720xf32, #tpu.memory_space<vmem>>, %arg8: memref<14720xf32, #tpu.memory_space<vmem>>, %arg9: memref<14720xf32, #tpu.memory_space<vmem>>, %arg10: memref<10x16xf32, #tpu.memory_space<vmem>>, %arg11: memref<10x16xf32, #tpu.memory_space<vmem>>, %arg12: memref<!tpu.dma_semaphore, #tpu.memory_space<semaphore_mem>>, %arg13: memref<!tpu.dma_semaphore, #tpu.memory_space<semaphore_mem>>, %arg14: memref<!tpu.dma_semaphore, #tpu.memory_space<semaphore_mem>>, %arg15: memref<!tpu.dma_semaphore, #tpu.memory_space<semaphore_mem>>) attributes {dimension_semantics = [#tpu.dimension_semantics<core_parallel>, #tpu.dimension_semantics<subcore_parallel>], iteration_bounds = array<i64: 2, 16>, scalar_prefetch = 0 : i64, scratch_operands = 10 : i64, tpu.core_type = #tpu.core_type<sc_vector_subcore>, window_params = [{transform_indices = #map}, {transform_indices = #map}, {transform_indices = #map1}, {transform_indices = #map1}]} {
    %mul3A = arith.constant 2 : i32
    %mul3A_0 = arith.muli %arg1, %mul3A : i32
    %add3A = arith.addi %mul3A_0, %arg0 : i32
    %mul3A_1 = arith.constant 161920 : i32
    %mul3A_2 = arith.muli %add3A, %mul3A_1 : i32
    %add3A_3 = arith.constant 2818048 : i32
    %add3A_4 = arith.addi %add3A_3, %mul3A_2 : i32
    %broadcast_in_dim3A = arith.constant 0.000000e+00 : f32
    %broadcast_in_dim3A_5 = vector.broadcast %broadcast_in_dim3A : f32 to vector<16xf32>
    %swap3A = arith.constant 0 : i32
    %swap3A_6 = arith.index_cast %swap3A : i32 to index
    %swap3A_7 = arith.constant 0 : index
    %swap3A_8 = tpu.vector_load %arg10[%swap3A_6, %swap3A_7] {strides = array<i32>} : memref<10x16xf32, #tpu.memory_space<vmem>>, vector<16xf32>,
    tpu.vector_store %arg10[%swap3A_6, %swap3A_7], %broadcast_in_dim3A_5 {strides = array<i32>} : memref<10x16xf32, #tpu.memory_space<vmem>>, vector<16xf32>,
    %broadcast_in_dim3A_9 = arith.constant 0.000000e+00 : f32
    %broadcast_in_dim3A_10 = vector.broadcast %broadcast_in_dim3A_9 : f32 to vector<16xf32>
    %swap3A_11 = arith.constant 0 : i32
    %swap3A_12 = arith.index_cast %swap3A_11 : i32 to index
    %swap3A_13 = arith.constant 0 : index
    %swap3A_14 = tpu.vector_load %arg11[%swap3A_12, %swap3A_13] {strides = array<i32>} : memref<10x16xf32, #tpu.memory_space<vmem>>, vector<16xf32>,
    tpu.vector_store %arg11[%swap3A_12, %swap3A_13], %broadcast_in_dim3A_10 {strides = array<i32>} : memref<10x16xf32, #tpu.memory_space<vmem>>, vector<16xf32>,
    %broadcast_in_dim3A_15 = arith.constant 0.000000e+00 : f32
    %broadcast_in_dim3A_16 = vector.broadcast %broadcast_in_dim3A_15 : f32 to vector<16xf32>
    %swap3A_17 = arith.constant 1 : i32
    %swap3A_18 = arith.index_cast %swap3A_17 : i32 to index
    %swap3A_19 = arith.constant 0 : index
    %swap3A_20 = tpu.vector_load %arg10[%swap3A_18, %swap3A_19] {strides = array<i32>} : memref<10x16xf32, #tpu.memory_space<vmem>>, vector<16xf32>,
    tpu.vector_store %arg10[%swap3A_18, %swap3A_19], %broadcast_in_dim3A_16 {strides = array<i32>} : memref<10x16xf32, #tpu.memory_space<vmem>>, vector<16xf32>,
    %broadcast_in_dim3A_21 = arith.constant 0.000000e+00 : f32
    %broadcast_in_dim3A_22 = vector.broadcast %broadcast_in_dim3A_21 : f32 to vector<16xf32>
    %swap3A_23 = arith.constant 1 : i32
    %swap3A_24 = arith.index_cast %swap3A_23 : i32 to index
    %swap3A_25 = arith.constant 0 : index
    %swap3A_26 = tpu.vector_load %arg11[%swap3A_24, %swap3A_25] {strides = array<i32>} : memref<10x16xf32, #tpu.memory_space<vmem>>, vector<16xf32>,
    tpu.vector_store %arg11[%swap3A_24, %swap3A_25], %broadcast_in_dim3A_22 {strides = array<i32>} : memref<10x16xf32, #tpu.memory_space<vmem>>, vector<16xf32>,
    %broadcast_in_dim3A_27 = arith.constant 0.000000e+00 : f32
    %broadcast_in_dim3A_28 = vector.broadcast %broadcast_in_dim3A_27 : f32 to vector<16xf32>
    %swap3A_29 = arith.constant 2 : i32
    %swap3A_30 = arith.index_cast %swap3A_29 : i32 to index
    %swap3A_31 = arith.constant 0 : index
    %swap3A_32 = tpu.vector_load %arg10[%swap3A_30, %swap3A_31] {strides = array<i32>} : memref<10x16xf32, #tpu.memory_space<vmem>>, vector<16xf32>,
    tpu.vector_store %arg10[%swap3A_30, %swap3A_31], %broadcast_in_dim3A_28 {strides = array<i32>} : memref<10x16xf32, #tpu.memory_space<vmem>>, vector<16xf32>,
    %broadcast_in_dim3A_33 = arith.constant 0.000000e+00 : f32
    %broadcast_in_dim3A_34 = vector.broadcast %broadcast_in_dim3A_33 : f32 to vector<16xf32>
    %swap3A_35 = arith.constant 2 : i32
    %swap3A_36 = arith.index_cast %swap3A_35 : i32 to index
    %swap3A_37 = arith.constant 0 : index
    %swap3A_38 = tpu.vector_load %arg11[%swap3A_36, %swap3A_37] {strides = array<i32>} : memref<10x16xf32, #tpu.memory_space<vmem>>, vector<16xf32>,
    tpu.vector_store %arg11[%swap3A_36, %swap3A_37], %broadcast_in_dim3A_34 {strides = array<i32>} : memref<10x16xf32, #tpu.memory_space<vmem>>, vector<16xf32>,
    %broadcast_in_dim3A_39 = arith.constant 0.000000e+00 : f32
    %broadcast_in_dim3A_40 = vector.broadcast %broadcast_in_dim3A_39 : f32 to vector<16xf32>
    %swap3A_41 = arith.constant 3 : i32
    %swap3A_42 = arith.index_cast %swap3A_41 : i32 to index
    %swap3A_43 = arith.constant 0 : index
    %swap3A_44 = tpu.vector_load %arg10[%swap3A_42, %swap3A_43] {strides = array<i32>} : memref<10x16xf32, #tpu.memory_space<vmem>>, vector<16xf32>,
    tpu.vector_store %arg10[%swap3A_42, %swap3A_43], %broadcast_in_dim3A_40 {strides = array<i32>} : memref<10x16xf32, #tpu.memory_space<vmem>>, vector<16xf32>,
    %broadcast_in_dim3A_45 = arith.constant 0.000000e+00 : f32
    %broadcast_in_dim3A_46 = vector.broadcast %broadcast_in_dim3A_45 : f32 to vector<16xf32>
    %swap3A_47 = arith.constant 3 : i32
    %swap3A_48 = arith.index_cast %swap3A_47 : i32 to index
    %swap3A_49 = arith.constant 0 : index
    %swap3A_50 = tpu.vector_load %arg11[%swap3A_48, %swap3A_49] {strides = array<i32>} : memref<10x16xf32, #tpu.memory_space<vmem>>, vector<16xf32>,
    tpu.vector_store %arg11[%swap3A_48, %swap3A_49], %broadcast_in_dim3A_46 {strides = array<i32>} : memref<10x16xf32, #tpu.memory_space<vmem>>, vector<16xf32>,
    %broadcast_in_dim3A_51 = arith.constant 0.000000e+00 : f32
    %broadcast_in_dim3A_52 = vector.broadcast %broadcast_in_dim3A_51 : f32 to vector<16xf32>
    %swap3A_53 = arith.constant 4 : i32
    %swap3A_54 = arith.index_cast %swap3A_53 : i32 to index
    %swap3A_55 = arith.constant 0 : index
    %swap3A_56 = tpu.vector_load %arg10[%swap3A_54, %swap3A_55] {strides = array<i32>} : memref<10x16xf32, #tpu.memory_space<vmem>>, vector<16xf32>,
    tpu.vector_store %arg10[%swap3A_54, %swap3A_55], %broadcast_in_dim3A_52 {strides = array<i32>} : memref<10x16xf32, #tpu.memory_space<vmem>>, vector<16xf32>,
    %broadcast_in_dim3A_57 = arith.constant 0.000000e+00 : f32
    %broadcast_in_dim3A_58 = vector.broadcast %broadcast_in_dim3A_57 : f32 to vector<16xf32>
    %swap3A_59 = arith.constant 4 : i32
    %swap3A_60 = arith.index_cast %swap3A_59 : i32 to index
    %swap3A_61 = arith.constant 0 : index
    %swap3A_62 = tpu.vector_load %arg11[%swap3A_60, %swap3A_61] {strides = array<i32>} : memref<10x16xf32, #tpu.memory_space<vmem>>, vector<16xf32>,
    tpu.vector_store %arg11[%swap3A_60, %swap3A_61], %broadcast_in_dim3A_58 {strides = array<i32>} : memref<10x16xf32, #tpu.memory_space<vmem>>, vector<16xf32>,
    %broadcast_in_dim3A_63 = arith.constant 0.000000e+00 : f32
    %broadcast_in_dim3A_64 = vector.broadcast %broadcast_in_dim3A_63 : f32 to vector<16xf32>
    %swap3A_65 = arith.constant 5 : i32
    %swap3A_66 = arith.index_cast %swap3A_65 : i32 to index
    %swap3A_67 = arith.constant 0 : index
    %swap3A_68 = tpu.vector_load %arg10[%swap3A_66, %swap3A_67] {strides = array<i32>} : memref<10x16xf32, #tpu.memory_space<vmem>>, vector<16xf32>,
    tpu.vector_store %arg10[%swap3A_66, %swap3A_67], %broadcast_in_dim3A_64 {strides = array<i32>} : memref<10x16xf32, #tpu.memory_space<vmem>>, vector<16xf32>,
    %broadcast_in_dim3A_69 = arith.constant 0.000000e+00 : f32
    %broadcast_in_dim3A_70 = vector.broadcast %broadcast_in_dim3A_69 : f32 to vector<16xf32>
    %swap3A_71 = arith.constant 5 : i32
    %swap3A_72 = arith.index_cast %swap3A_71 : i32 to index
    %swap3A_73 = arith.constant 0 : index
    %swap3A_74 = tpu.vector_load %arg11[%swap3A_72, %swap3A_73] {strides = array<i32>} : memref<10x16xf32, #tpu.memory_space<vmem>>, vector<16xf32>,
    tpu.vector_store %arg11[%swap3A_72, %swap3A_73], %broadcast_in_dim3A_70 {strides = array<i32>} : memref<10x16xf32, #tpu.memory_space<vmem>>, vector<16xf32>,
    %broadcast_in_dim3A_75 = arith.constant 0.000000e+00 : f32
    %broadcast_in_dim3A_76 = vector.broadcast %broadcast_in_dim3A_75 : f32 to vector<16xf32>
    %swap3A_77 = arith.constant 6 : i32
    %swap3A_78 = arith.index_cast %swap3A_77 : i32 to index
    %swap3A_79 = arith.constant 0 : index
    %swap3A_80 = tpu.vector_load %arg10[%swap3A_78, %swap3A_79] {strides = array<i32>} : memref<10x16xf32, #tpu.memory_space<vmem>>, vector<16xf32>,
    tpu.vector_store %arg10[%swap3A_78, %swap3A_79], %broadcast_in_dim3A_76 {strides = array<i32>} : memref<10x16xf32, #tpu.memory_space<vmem>>, vector<16xf32>,
    %broadcast_in_dim3A_81 = arith.constant 0.000000e+00 : f32
    %broadcast_in_dim3A_82 = vector.broadcast %broadcast_in_dim3A_81 : f32 to vector<16xf32>
    %swap3A_83 = arith.constant 6 : i32
    %swap3A_84 = arith.index_cast %swap3A_83 : i32 to index
    %swap3A_85 = arith.constant 0 : index
    %swap3A_86 = tpu.vector_load %arg11[%swap3A_84, %swap3A_85] {strides = array<i32>} : memref<10x16xf32, #tpu.memory_space<vmem>>, vector<16xf32>,
    tpu.vector_store %arg11[%swap3A_84, %swap3A_85], %broadcast_in_dim3A_82 {strides = array<i32>} : memref<10x16xf32, #tpu.memory_space<vmem>>, vector<16xf32>,
    %broadcast_in_dim3A_87 = arith.constant 0.000000e+00 : f32
    %broadcast_in_dim3A_88 = vector.broadcast %broadcast_in_dim3A_87 : f32 to vector<16xf32>
    %swap3A_89 = arith.constant 7 : i32
    %swap3A_90 = arith.index_cast %swap3A_89 : i32 to index
    %swap3A_91 = arith.constant 0 : index
    %swap3A_92 = tpu.vector_load %arg10[%swap3A_90, %swap3A_91] {strides = array<i32>} : memref<10x16xf32, #tpu.memory_space<vmem>>, vector<16xf32>,
    tpu.vector_store %arg10[%swap3A_90, %swap3A_91], %broadcast_in_dim3A_88 {strides = array<i32>} : memref<10x16xf32, #tpu.memory_space<vmem>>, vector<16xf32>,
    %broadcast_in_dim3A_93 = arith.constant 0.000000e+00 : f32
    %broadcast_in_dim3A_94 = vector.broadcast %broadcast_in_dim3A_93 : f32 to vector<16xf32>
    %swap3A_95 = arith.constant 7 : i32
    %swap3A_96 = arith.index_cast %swap3A_95 : i32 to index
    %swap3A_97 = arith.constant 0 : index
    %swap3A_98 = tpu.vector_load %arg11[%swap3A_96, %swap3A_97] {strides = array<i32>} : memref<10x16xf32, #tpu.memory_space<vmem>>, vector<16xf32>,
    tpu.vector_store %arg11[%swap3A_96, %swap3A_97], %broadcast_in_dim3A_94 {strides = array<i32>} : memref<10x16xf32, #tpu.memory_space<vmem>>, vector<16xf32>,
    %broadcast_in_dim3A_99 = arith.constant 0.000000e+00 : f32
    %broadcast_in_dim3A_100 = vector.broadcast %broadcast_in_dim3A_99 : f32 to vector<16xf32>
    %swap3A_101 = arith.constant 8 : i32
    %swap3A_102 = arith.index_cast %swap3A_101 : i32 to index
    %swap3A_103 = arith.constant 0 : index
    %swap3A_104 = tpu.vector_load %arg10[%swap3A_102, %swap3A_103] {strides = array<i32>} : memref<10x16xf32, #tpu.memory_space<vmem>>, vector<16xf32>,
    tpu.vector_store %arg10[%swap3A_102, %swap3A_103], %broadcast_in_dim3A_100 {strides = array<i32>} : memref<10x16xf32, #tpu.memory_space<vmem>>, vector<16xf32>,
    %broadcast_in_dim3A_105 = arith.constant 0.000000e+00 : f32
    %broadcast_in_dim3A_106 = vector.broadcast %broadcast_in_dim3A_105 : f32 to vector<16xf32>
    %swap3A_107 = arith.constant 8 : i32
    %swap3A_108 = arith.index_cast %swap3A_107 : i32 to index
    %swap3A_109 = arith.constant 0 : index
    %swap3A_110 = tpu.vector_load %arg11[%swap3A_108, %swap3A_109] {strides = array<i32>} : memref<10x16xf32, #tpu.memory_space<vmem>>, vector<16xf32>,
    tpu.vector_store %arg11[%swap3A_108, %swap3A_109], %broadcast_in_dim3A_106 {strides = array<i32>} : memref<10x16xf32, #tpu.memory_space<vmem>>, vector<16xf32>,
    %broadcast_in_dim3A_111 = arith.constant 0.000000e+00 : f32
    %broadcast_in_dim3A_112 = vector.broadcast %broadcast_in_dim3A_111 : f32 to vector<16xf32>
    %swap3A_113 = arith.constant 9 : i32
    %swap3A_114 = arith.index_cast %swap3A_113 : i32 to index
    %swap3A_115 = arith.constant 0 : index
    %swap3A_116 = tpu.vector_load %arg10[%swap3A_114, %swap3A_115] {strides = array<i32>} : memref<10x16xf32, #tpu.memory_space<vmem>>, vector<16xf32>,
    tpu.vector_store %arg10[%swap3A_114, %swap3A_115], %broadcast_in_dim3A_112 {strides = array<i32>} : memref<10x16xf32, #tpu.memory_space<vmem>>, vector<16xf32>,
    %broadcast_in_dim3A_117 = arith.constant 0.000000e+00 : f32
    %broadcast_in_dim3A_118 = vector.broadcast %broadcast_in_dim3A_117 : f32 to vector<16xf32>
    %swap3A_119 = arith.constant 9 : i32
    %swap3A_120 = arith.index_cast %swap3A_119 : i32 to index
    %swap3A_121 = arith.constant 0 : index
    %swap3A_122 = tpu.vector_load %arg11[%swap3A_120, %swap3A_121] {strides = array<i32>} : memref<10x16xf32, #tpu.memory_space<vmem>>, vector<16xf32>,
    tpu.vector_store %arg11[%swap3A_120, %swap3A_121], %broadcast_in_dim3A_118 {strides = array<i32>} : memref<10x16xf32, #tpu.memory_space<vmem>>, vector<16xf32>,
    %iota3A = tpu.iota {dimensions = array<i32: 0>} : vector<16xi32>
    %broadcast_in_dim3A_123 = arith.constant 1.000000e+00 : f32
    %broadcast_in_dim3A_124 = vector.broadcast %broadcast_in_dim3A_123 : f32 to vector<16xf32>
    %add3A_125 = arith.constant 0 : i32
    %add3A_126 = arith.addi %add3A_4, %add3A_125 : i32
    %multiple_of3A = tpu.assume_multiple %add3A_126, 128 : i32
    %dma_start3A = arith.constant 0 : i32
    %dma_start3A_127 = tpu.memref_slice %arg2[%dma_start3A, %multiple_of3A] : memref<1x8000000xf32, #tpu.memory_space<hbm>> -> memref<1x14720xf32, #tpu.memory_space<hbm>>
    %dma_start3A_128 = tpu.memref_squeeze %dma_start3A_127 : memref<1x14720xf32, #tpu.memory_space<hbm>> -> memref<14720xf32, #tpu.memory_space<hbm>>
    %dma_start3A_129 = tpu.memref_slice %arg2[%dma_start3A, %multiple_of3A] : memref<1x8000000xf32, #tpu.memory_space<hbm>> -> memref<1x14720xf32, #tpu.memory_space<hbm>>
    %dma_start3A_130 = tpu.memref_squeeze %dma_start3A_129 : memref<1x14720xf32, #tpu.memory_space<hbm>> -> memref<14720xf32, #tpu.memory_space<hbm>>
    tpu.enqueue_dma source(%dma_start3A_130 : memref<14720xf32, #tpu.memory_space<hbm>>) target(%arg6 : memref<14720xf32, #tpu.memory_space<vmem>>) target_semaphore(%arg12 : memref<!tpu.dma_semaphore, #tpu.memory_space<semaphore_mem>>)
    %dma_start3A_131 = arith.constant 0 : i32
    %dma_start3A_132 = tpu.memref_slice %arg3[%dma_start3A_131, %multiple_of3A] : memref<1x8000000xf32, #tpu.memory_space<hbm>> -> memref<1x14720xf32, #tpu.memory_space<hbm>>
    %dma_start3A_133 = tpu.memref_squeeze %dma_start3A_132 : memref<1x14720xf32, #tpu.memory_space<hbm>> -> memref<14720xf32, #tpu.memory_space<hbm>>
    %dma_start3A_134 = tpu.memref_slice %arg3[%dma_start3A_131, %multiple_of3A] : memref<1x8000000xf32, #tpu.memory_space<hbm>> -> memref<1x14720xf32, #tpu.memory_space<hbm>>
    %dma_start3A_135 = tpu.memref_squeeze %dma_start3A_134 : memref<1x14720xf32, #tpu.memory_space<hbm>> -> memref<14720xf32, #tpu.memory_space<hbm>>
    tpu.enqueue_dma source(%dma_start3A_135 : memref<14720xf32, #tpu.memory_space<hbm>>) target(%arg8 : memref<14720xf32, #tpu.memory_space<vmem>>) target_semaphore(%arg14 : memref<!tpu.dma_semaphore, #tpu.memory_space<semaphore_mem>>)
    %add3A_136 = arith.constant 14720 : i32
    %add3A_137 = arith.addi %add3A_4, %add3A_136 : i32
    %multiple_of3A_138 = tpu.assume_multiple %add3A_137, 128 : i32
    %dma_start3A_139 = arith.constant 0 : i32
    %dma_start3A_140 = tpu.memref_slice %arg2[%dma_start3A_139, %multiple_of3A_138] : memref<1x8000000xf32, #tpu.memory_space<hbm>> -> memref<1x14720xf32, #tpu.memory_space<hbm>>
    %dma_start3A_141 = tpu.memref_squeeze %dma_start3A_140 : memref<1x14720xf32, #tpu.memory_space<hbm>> -> memref<14720xf32, #tpu.memory_space<hbm>>
    %dma_start3A_142 = tpu.memref_slice %arg2[%dma_start3A_139, %multiple_of3A_138] : memref<1x8000000xf32, #tpu.memory_space<hbm>> -> memref<1x14720xf32, #tpu.memory_space<hbm>>
    %dma_start3A_143 = tpu.memref_squeeze %dma_start3A_142 : memref<1x14720xf32, #tpu.memory_space<hbm>> -> memref<14720xf32, #tpu.memory_space<hbm>>
    tpu.enqueue_dma source(%dma_start3A_143 : memref<14720xf32, #tpu.memory_space<hbm>>) target(%arg7 : memref<14720xf32, #tpu.memory_space<vmem>>) target_semaphore(%arg13 : memref<!tpu.dma_semaphore, #tpu.memory_space<semaphore_mem>>)
    %dma_start3A_144 = arith.constant 0 : i32
    %dma_start3A_145 = tpu.memref_slice %arg3[%dma_start3A_144, %multiple_of3A_138] : memref<1x8000000xf32, #tpu.memory_space<hbm>> -> memref<1x14720xf32, #tpu.memory_space<hbm>>
    %dma_start3A_146 = tpu.memref_squeeze %dma_start3A_145 : memref<1x14720xf32, #tpu.memory_space<hbm>> -> memref<14720xf32, #tpu.memory_space<hbm>>
    %dma_start3A_147 = tpu.memref_slice %arg3[%dma_start3A_144, %multiple_of3A_138] : memref<1x8000000xf32, #tpu.memory_space<hbm>> -> memref<1x14720xf32, #tpu.memory_space<hbm>>
    %dma_start3A_148 = tpu.memref_squeeze %dma_start3A_147 : memref<1x14720xf32, #tpu.memory_space<hbm>> -> memref<14720xf32, #tpu.memory_space<hbm>>
    tpu.enqueue_dma source(%dma_start3A_148 : memref<14720xf32, #tpu.memory_space<hbm>>) target(%arg9 : memref<14720xf32, #tpu.memory_space<vmem>>) target_semaphore(%arg15 : memref<!tpu.dma_semaphore, #tpu.memory_space<semaphore_mem>>)
    %dma_wait3A = arith.constant 0 : i32
    %dma_wait3A_149 = tpu.memref_slice %arg2[%dma_wait3A, %add3A_4] : memref<1x8000000xf32, #tpu.memory_space<hbm>> -> memref<1x14720xf32, #tpu.memory_space<hbm>>
    %dma_wait3A_150 = tpu.memref_squeeze %dma_wait3A_149 : memref<1x14720xf32, #tpu.memory_space<hbm>> -> memref<14720xf32, #tpu.memory_space<hbm>>
    %dma_wait3A_151 = tpu.memref_slice %arg2[%dma_wait3A, %add3A_4] : memref<1x8000000xf32, #tpu.memory_space<hbm>> -> memref<1x14720xf32, #tpu.memory_space<hbm>>
    %dma_wait3A_152 = tpu.memref_squeeze %dma_wait3A_151 : memref<1x14720xf32, #tpu.memory_space<hbm>> -> memref<14720xf32, #tpu.memory_space<hbm>>
    tpu.wait_dma2 semaphore(%arg12 : memref<!tpu.dma_semaphore, #tpu.memory_space<semaphore_mem>>) src(%dma_wait3A_152 : memref<14720xf32, #tpu.memory_space<hbm>>) dst(%arg6 : memref<14720xf32, #tpu.memory_space<vmem>>)
    %dma_wait3A_153 = arith.constant 0 : i32
    %dma_wait3A_154 = tpu.memref_slice %arg3[%dma_wait3A_153, %add3A_4] : memref<1x8000000xf32, #tpu.memory_space<hbm>> -> memref<1x14720xf32, #tpu.memory_space<hbm>>
    %dma_wait3A_155 = tpu.memref_squeeze %dma_wait3A_154 : memref<1x14720xf32, #tpu.memory_space<hbm>> -> memref<14720xf32, #tpu.memory_space<hbm>>
    %dma_wait3A_156 = tpu.memref_slice %arg3[%dma_wait3A_153, %add3A_4] : memref<1x8000000xf32, #tpu.memory_space<hbm>> -> memref<1x14720xf32, #tpu.memory_space<hbm>>
    %dma_wait3A_157 = tpu.memref_squeeze %dma_wait3A_156 : memref<1x14720xf32, #tpu.memory_space<hbm>> -> memref<14720xf32, #tpu.memory_space<hbm>>
    tpu.wait_dma2 semaphore(%arg14 : memref<!tpu.dma_semaphore, #tpu.memory_space<semaphore_mem>>) src(%dma_wait3A_157 : memref<14720xf32, #tpu.memory_space<hbm>>) dst(%arg8 : memref<14720xf32, #tpu.memory_space<vmem>>)
    %parallel_loop3A = arith.constant 0 : i32
    %parallel_loop3A_158 = arith.constant 14720 : i32
    %parallel_loop3A_159 = arith.constant 16 : i32
    scf.for %parallel_loop3A_409 = %parallel_loop3A to %parallel_loop3A_158 step %parallel_loop3A_159  : i32 {
      %parallel_loop3A_410 = tpu.assume_multiple %parallel_loop3A_409, 16 : i32
      %parallel_loop3A_411 = arith.index_cast %parallel_loop3A_410 : i32 to index
      %parallel_loop3A_412 = tpu.vector_load %arg6[%parallel_loop3A_411] {strides = array<i32>} : memref<14720xf32, #tpu.memory_space<vmem>>, vector<16xf32>,
      %parallel_loop3A_413 = arith.index_cast %parallel_loop3A_410 : i32 to index
      %parallel_loop3A_414 = tpu.vector_load %arg8[%parallel_loop3A_413] {strides = array<i32>} : memref<14720xf32, #tpu.memory_space<vmem>>, vector<16xf32>,
      %parallel_loop3A_415 = arith.subf %parallel_loop3A_412, %parallel_loop3A_414 : vector<16xf32>
      %parallel_loop3A_416 = math.absf %parallel_loop3A_415 : vector<16xf32>
      %parallel_loop3A_417 = arith.constant 3.600000e+02 : f32
      %parallel_loop3A_418 = vector.broadcast %parallel_loop3A_417 : f32 to vector<16xf32>
      %parallel_loop3A_419 = arith.subf %parallel_loop3A_418, %parallel_loop3A_416 : vector<16xf32>
      %parallel_loop3A_420 = arith.minimumf %parallel_loop3A_416, %parallel_loop3A_419 : vector<16xf32>
      %parallel_loop3A_421 = arith.constant 0.055555556 : f32
      %parallel_loop3A_422 = vector.broadcast %parallel_loop3A_421 : f32 to vector<16xf32>
      %parallel_loop3A_423 = arith.mulf %parallel_loop3A_420, %parallel_loop3A_422 : vector<16xf32>
      %parallel_loop3A_424 = arith.fptosi %parallel_loop3A_423 : vector<16xf32> to vector<16xi32>
      %parallel_loop3A_425 = arith.constant 9 : i32
      %parallel_loop3A_426 = vector.broadcast %parallel_loop3A_425 : i32 to vector<16xi32>
      %parallel_loop3A_427 = arith.minsi %parallel_loop3A_424, %parallel_loop3A_426 : vector<16xi32>
      %parallel_loop3A_428 = arith.constant 1.000000e+00 : f32
      %parallel_loop3A_429 = vector.broadcast %parallel_loop3A_428 : f32 to vector<16xf32>
      %parallel_loop3A_430 = arith.minimumf %parallel_loop3A_416, %parallel_loop3A_429 : vector<16xf32>
      %parallel_loop3A_431 = arith.constant 5.000000e-01 : f32
      %parallel_loop3A_432 = vector.broadcast %parallel_loop3A_431 : f32 to vector<16xf32>
      %parallel_loop3A_433 = arith.mulf %parallel_loop3A_432, %parallel_loop3A_430 : vector<16xf32>
      %parallel_loop3A_434 = arith.mulf %parallel_loop3A_433, %parallel_loop3A_430 : vector<16xf32>
      %parallel_loop3A_435 = arith.subf %parallel_loop3A_416, %parallel_loop3A_430 : vector<16xf32>
      %parallel_loop3A_436 = arith.addf %parallel_loop3A_434, %parallel_loop3A_435 : vector<16xf32>
      tpu.vector_store_idx %arg10[%parallel_loop3A_427, %iota3A], %broadcast_in_dim3A_124 {add = true} : memref<10x16xf32, #tpu.memory_space<vmem>>[vector<16xi32>, vector<16xi32>], vector<16xf32>,
      tpu.vector_store_idx %arg11[%parallel_loop3A_427, %iota3A], %parallel_loop3A_436 {add = true} : memref<10x16xf32, #tpu.memory_space<vmem>>[vector<16xi32>, vector<16xi32>], vector<16xf32>,
    } {sc.loop_unroll_factor = 8 : i64, sc.parallel_access}
    %add3A_160 = arith.constant 29440 : i32
    %add3A_161 = arith.addi %add3A_4, %add3A_160 : i32
    %multiple_of3A_162 = tpu.assume_multiple %add3A_161, 128 : i32
    %dma_start3A_163 = arith.constant 0 : i32
    %dma_start3A_164 = tpu.memref_slice %arg2[%dma_start3A_163, %multiple_of3A_162] : memref<1x8000000xf32, #tpu.memory_space<hbm>> -> memref<1x14720xf32, #tpu.memory_space<hbm>>
    %dma_start3A_165 = tpu.memref_squeeze %dma_start3A_164 : memref<1x14720xf32, #tpu.memory_space<hbm>> -> memref<14720xf32, #tpu.memory_space<hbm>>
    %dma_start3A_166 = tpu.memref_slice %arg2[%dma_start3A_163, %multiple_of3A_162] : memref<1x8000000xf32, #tpu.memory_space<hbm>> -> memref<1x14720xf32, #tpu.memory_space<hbm>>
    %dma_start3A_167 = tpu.memref_squeeze %dma_start3A_166 : memref<1x14720xf32, #tpu.memory_space<hbm>> -> memref<14720xf32, #tpu.memory_space<hbm>>
    tpu.enqueue_dma source(%dma_start3A_167 : memref<14720xf32, #tpu.memory_space<hbm>>) target(%arg6 : memref<14720xf32, #tpu.memory_space<vmem>>) target_semaphore(%arg12 : memref<!tpu.dma_semaphore, #tpu.memory_space<semaphore_mem>>)
    %dma_start3A_168 = arith.constant 0 : i32
    %dma_start3A_169 = tpu.memref_slice %arg3[%dma_start3A_168, %multiple_of3A_162] : memref<1x8000000xf32, #tpu.memory_space<hbm>> -> memref<1x14720xf32, #tpu.memory_space<hbm>>
    %dma_start3A_170 = tpu.memref_squeeze %dma_start3A_169 : memref<1x14720xf32, #tpu.memory_space<hbm>> -> memref<14720xf32, #tpu.memory_space<hbm>>
    %dma_start3A_171 = tpu.memref_slice %arg3[%dma_start3A_168, %multiple_of3A_162] : memref<1x8000000xf32, #tpu.memory_space<hbm>> -> memref<1x14720xf32, #tpu.memory_space<hbm>>
    %dma_start3A_172 = tpu.memref_squeeze %dma_start3A_171 : memref<1x14720xf32, #tpu.memory_space<hbm>> -> memref<14720xf32, #tpu.memory_space<hbm>>
    tpu.enqueue_dma source(%dma_start3A_172 : memref<14720xf32, #tpu.memory_space<hbm>>) target(%arg8 : memref<14720xf32, #tpu.memory_space<vmem>>) target_semaphore(%arg14 : memref<!tpu.dma_semaphore, #tpu.memory_space<semaphore_mem>>)
    %dma_wait3A_173 = arith.constant 0 : i32
    %dma_wait3A_174 = tpu.memref_slice %arg2[%dma_wait3A_173, %add3A_4] : memref<1x8000000xf32, #tpu.memory_space<hbm>> -> memref<1x14720xf32, #tpu.memory_space<hbm>>
    %dma_wait3A_175 = tpu.memref_squeeze %dma_wait3A_174 : memref<1x14720xf32, #tpu.memory_space<hbm>> -> memref<14720xf32, #tpu.memory_space<hbm>>
    %dma_wait3A_176 = tpu.memref_slice %arg2[%dma_wait3A_173, %add3A_4] : memref<1x8000000xf32, #tpu.memory_space<hbm>> -> memref<1x14720xf32, #tpu.memory_space<hbm>>
    %dma_wait3A_177 = tpu.memref_squeeze %dma_wait3A_176 : memref<1x14720xf32, #tpu.memory_space<hbm>> -> memref<14720xf32, #tpu.memory_space<hbm>>
    tpu.wait_dma2 semaphore(%arg13 : memref<!tpu.dma_semaphore, #tpu.memory_space<semaphore_mem>>) src(%dma_wait3A_177 : memref<14720xf32, #tpu.memory_space<hbm>>) dst(%arg7 : memref<14720xf32, #tpu.memory_space<vmem>>)
    %dma_wait3A_178 = arith.constant 0 : i32
    %dma_wait3A_179 = tpu.memref_slice %arg3[%dma_wait3A_178, %add3A_4] : memref<1x8000000xf32, #tpu.memory_space<hbm>> -> memref<1x14720xf32, #tpu.memory_space<hbm>>
    %dma_wait3A_180 = tpu.memref_squeeze %dma_wait3A_179 : memref<1x14720xf32, #tpu.memory_space<hbm>> -> memref<14720xf32, #tpu.memory_space<hbm>>
    %dma_wait3A_181 = tpu.memref_slice %arg3[%dma_wait3A_178, %add3A_4] : memref<1x8000000xf32, #tpu.memory_space<hbm>> -> memref<1x14720xf32, #tpu.memory_space<hbm>>
    %dma_wait3A_182 = tpu.memref_squeeze %dma_wait3A_181 : memref<1x14720xf32, #tpu.memory_space<hbm>> -> memref<14720xf32, #tpu.memory_space<hbm>>
    tpu.wait_dma2 semaphore(%arg15 : memref<!tpu.dma_semaphore, #tpu.memory_space<semaphore_mem>>) src(%dma_wait3A_182 : memref<14720xf32, #tpu.memory_space<hbm>>) dst(%arg9 : memref<14720xf32, #tpu.memory_space<vmem>>)
    %parallel_loop3A_183 = arith.constant 0 : i32
    %parallel_loop3A_184 = arith.constant 14720 : i32
    %parallel_loop3A_185 = arith.constant 16 : i32
    scf.for %parallel_loop3A_409 = %parallel_loop3A_183 to %parallel_loop3A_184 step %parallel_loop3A_185  : i32 {
      %parallel_loop3A_410 = tpu.assume_multiple %parallel_loop3A_409, 16 : i32
      %parallel_loop3A_411 = arith.index_cast %parallel_loop3A_410 : i32 to index
      %parallel_loop3A_412 = tpu.vector_load %arg7[%parallel_loop3A_411] {strides = array<i32>} : memref<14720xf32, #tpu.memory_space<vmem>>, vector<16xf32>,
      %parallel_loop3A_413 = arith.index_cast %parallel_loop3A_410 : i32 to index
      %parallel_loop3A_414 = tpu.vector_load %arg9[%parallel_loop3A_413] {strides = array<i32>} : memref<14720xf32, #tpu.memory_space<vmem>>, vector<16xf32>,
      %parallel_loop3A_415 = arith.subf %parallel_loop3A_412, %parallel_loop3A_414 : vector<16xf32>
      %parallel_loop3A_416 = math.absf %parallel_loop3A_415 : vector<16xf32>
      %parallel_loop3A_417 = arith.constant 3.600000e+02 : f32
      %parallel_loop3A_418 = vector.broadcast %parallel_loop3A_417 : f32 to vector<16xf32>
      %parallel_loop3A_419 = arith.subf %parallel_loop3A_418, %parallel_loop3A_416 : vector<16xf32>
      %parallel_loop3A_420 = arith.minimumf %parallel_loop3A_416, %parallel_loop3A_419 : vector<16xf32>
      %parallel_loop3A_421 = arith.constant 0.055555556 : f32
      %parallel_loop3A_422 = vector.broadcast %parallel_loop3A_421 : f32 to vector<16xf32>
      %parallel_loop3A_423 = arith.mulf %parallel_loop3A_420, %parallel_loop3A_422 : vector<16xf32>
      %parallel_loop3A_424 = arith.fptosi %parallel_loop3A_423 : vector<16xf32> to vector<16xi32>
      %parallel_loop3A_425 = arith.constant 9 : i32
      %parallel_loop3A_426 = vector.broadcast %parallel_loop3A_425 : i32 to vector<16xi32>
      %parallel_loop3A_427 = arith.minsi %parallel_loop3A_424, %parallel_loop3A_426 : vector<16xi32>
      %parallel_loop3A_428 = arith.constant 1.000000e+00 : f32
      %parallel_loop3A_429 = vector.broadcast %parallel_loop3A_428 : f32 to vector<16xf32>
      %parallel_loop3A_430 = arith.minimumf %parallel_loop3A_416, %parallel_loop3A_429 : vector<16xf32>
      %parallel_loop3A_431 = arith.constant 5.000000e-01 : f32
      %parallel_loop3A_432 = vector.broadcast %parallel_loop3A_431 : f32 to vector<16xf32>
      %parallel_loop3A_433 = arith.mulf %parallel_loop3A_432, %parallel_loop3A_430 : vector<16xf32>
      %parallel_loop3A_434 = arith.mulf %parallel_loop3A_433, %parallel_loop3A_430 : vector<16xf32>
      %parallel_loop3A_435 = arith.subf %parallel_loop3A_416, %parallel_loop3A_430 : vector<16xf32>
      %parallel_loop3A_436 = arith.addf %parallel_loop3A_434, %parallel_loop3A_435 : vector<16xf32>
      tpu.vector_store_idx %arg10[%parallel_loop3A_427, %iota3A], %broadcast_in_dim3A_124 {add = true} : memref<10x16xf32, #tpu.memory_space<vmem>>[vector<16xi32>, vector<16xi32>], vector<16xf32>,
      tpu.vector_store_idx %arg11[%parallel_loop3A_427, %iota3A], %parallel_loop3A_436 {add = true} : memref<10x16xf32, #tpu.memory_space<vmem>>[vector<16xi32>, vector<16xi32>], vector<16xf32>,
    } {sc.loop_unroll_factor = 8 : i64, sc.parallel_access}
    %add3A_186 = arith.constant 44160 : i32
    %add3A_187 = arith.addi %add3A_4, %add3A_186 : i32
    %multiple_of3A_188 = tpu.assume_multiple %add3A_187, 128 : i32
    %dma_start3A_189 = arith.constant 0 : i32
    %dma_start3A_190 = tpu.memref_slice %arg2[%dma_start3A_189, %multiple_of3A_188] : memref<1x8000000xf32, #tpu.memory_space<hbm>> -> memref<1x14720xf32, #tpu.memory_space<hbm>>
    %dma_start3A_191 = tpu.memref_squeeze %dma_start3A_190 : memref<1x14720xf32, #tpu.memory_space<hbm>> -> memref<14720xf32, #tpu.memory_space<hbm>>
    %dma_start3A_192 = tpu.memref_slice %arg2[%dma_start3A_189, %multiple_of3A_188] : memref<1x8000000xf32, #tpu.memory_space<hbm>> -> memref<1x14720xf32, #tpu.memory_space<hbm>>
    %dma_start3A_193 = tpu.memref_squeeze %dma_start3A_192 : memref<1x14720xf32, #tpu.memory_space<hbm>> -> memref<14720xf32, #tpu.memory_space<hbm>>
    tpu.enqueue_dma source(%dma_start3A_193 : memref<14720xf32, #tpu.memory_space<hbm>>) target(%arg7 : memref<14720xf32, #tpu.memory_space<vmem>>) target_semaphore(%arg13 : memref<!tpu.dma_semaphore, #tpu.memory_space<semaphore_mem>>)
    %dma_start3A_194 = arith.constant 0 : i32
    %dma_start3A_195 = tpu.memref_slice %arg3[%dma_start3A_194, %multiple_of3A_188] : memref<1x8000000xf32, #tpu.memory_space<hbm>> -> memref<1x14720xf32, #tpu.memory_space<hbm>>
    %dma_start3A_196 = tpu.memref_squeeze %dma_start3A_195 : memref<1x14720xf32, #tpu.memory_space<hbm>> -> memref<14720xf32, #tpu.memory_space<hbm>>
    %dma_start3A_197 = tpu.memref_slice %arg3[%dma_start3A_194, %multiple_of3A_188] : memref<1x8000000xf32, #tpu.memory_space<hbm>> -> memref<1x14720xf32, #tpu.memory_space<hbm>>
    %dma_start3A_198 = tpu.memref_squeeze %dma_start3A_197 : memref<1x14720xf32, #tpu.memory_space<hbm>> -> memref<14720xf32, #tpu.memory_space<hbm>>
    tpu.enqueue_dma source(%dma_start3A_198 : memref<14720xf32, #tpu.memory_space<hbm>>) target(%arg9 : memref<14720xf32, #tpu.memory_space<vmem>>) target_semaphore(%arg15 : memref<!tpu.dma_semaphore, #tpu.memory_space<semaphore_mem>>)
    %dma_wait3A_199 = arith.constant 0 : i32
    %dma_wait3A_200 = tpu.memref_slice %arg2[%dma_wait3A_199, %add3A_4] : memref<1x8000000xf32, #tpu.memory_space<hbm>> -> memref<1x14720xf32, #tpu.memory_space<hbm>>
    %dma_wait3A_201 = tpu.memref_squeeze %dma_wait3A_200 : memref<1x14720xf32, #tpu.memory_space<hbm>> -> memref<14720xf32, #tpu.memory_space<hbm>>
    %dma_wait3A_202 = tpu.memref_slice %arg2[%dma_wait3A_199, %add3A_4] : memref<1x8000000xf32, #tpu.memory_space<hbm>> -> memref<1x14720xf32, #tpu.memory_space<hbm>>
    %dma_wait3A_203 = tpu.memref_squeeze %dma_wait3A_202 : memref<1x14720xf32, #tpu.memory_space<hbm>> -> memref<14720xf32, #tpu.memory_space<hbm>>
    tpu.wait_dma2 semaphore(%arg12 : memref<!tpu.dma_semaphore, #tpu.memory_space<semaphore_mem>>) src(%dma_wait3A_203 : memref<14720xf32, #tpu.memory_space<hbm>>) dst(%arg6 : memref<14720xf32, #tpu.memory_space<vmem>>)
    %dma_wait3A_204 = arith.constant 0 : i32
    %dma_wait3A_205 = tpu.memref_slice %arg3[%dma_wait3A_204, %add3A_4] : memref<1x8000000xf32, #tpu.memory_space<hbm>> -> memref<1x14720xf32, #tpu.memory_space<hbm>>
    %dma_wait3A_206 = tpu.memref_squeeze %dma_wait3A_205 : memref<1x14720xf32, #tpu.memory_space<hbm>> -> memref<14720xf32, #tpu.memory_space<hbm>>
    %dma_wait3A_207 = tpu.memref_slice %arg3[%dma_wait3A_204, %add3A_4] : memref<1x8000000xf32, #tpu.memory_space<hbm>> -> memref<1x14720xf32, #tpu.memory_space<hbm>>
    %dma_wait3A_208 = tpu.memref_squeeze %dma_wait3A_207 : memref<1x14720xf32, #tpu.memory_space<hbm>> -> memref<14720xf32, #tpu.memory_space<hbm>>
    tpu.wait_dma2 semaphore(%arg14 : memref<!tpu.dma_semaphore, #tpu.memory_space<semaphore_mem>>) src(%dma_wait3A_208 : memref<14720xf32, #tpu.memory_space<hbm>>) dst(%arg8 : memref<14720xf32, #tpu.memory_space<vmem>>)
    %parallel_loop3A_209 = arith.constant 0 : i32
    %parallel_loop3A_210 = arith.constant 14720 : i32
    %parallel_loop3A_211 = arith.constant 16 : i32
    scf.for %parallel_loop3A_409 = %parallel_loop3A_209 to %parallel_loop3A_210 step %parallel_loop3A_211  : i32 {
      %parallel_loop3A_410 = tpu.assume_multiple %parallel_loop3A_409, 16 : i32
      %parallel_loop3A_411 = arith.index_cast %parallel_loop3A_410 : i32 to index
      %parallel_loop3A_412 = tpu.vector_load %arg6[%parallel_loop3A_411] {strides = array<i32>} : memref<14720xf32, #tpu.memory_space<vmem>>, vector<16xf32>,
      %parallel_loop3A_413 = arith.index_cast %parallel_loop3A_410 : i32 to index
      %parallel_loop3A_414 = tpu.vector_load %arg8[%parallel_loop3A_413] {strides = array<i32>} : memref<14720xf32, #tpu.memory_space<vmem>>, vector<16xf32>,
      %parallel_loop3A_415 = arith.subf %parallel_loop3A_412, %parallel_loop3A_414 : vector<16xf32>
      %parallel_loop3A_416 = math.absf %parallel_loop3A_415 : vector<16xf32>
      %parallel_loop3A_417 = arith.constant 3.600000e+02 : f32
      %parallel_loop3A_418 = vector.broadcast %parallel_loop3A_417 : f32 to vector<16xf32>
      %parallel_loop3A_419 = arith.subf %parallel_loop3A_418, %parallel_loop3A_416 : vector<16xf32>
      %parallel_loop3A_420 = arith.minimumf %parallel_loop3A_416, %parallel_loop3A_419 : vector<16xf32>
      %parallel_loop3A_421 = arith.constant 0.055555556 : f32
      %parallel_loop3A_422 = vector.broadcast %parallel_loop3A_421 : f32 to vector<16xf32>
      %parallel_loop3A_423 = arith.mulf %parallel_loop3A_420, %parallel_loop3A_422 : vector<16xf32>
      %parallel_loop3A_424 = arith.fptosi %parallel_loop3A_423 : vector<16xf32> to vector<16xi32>
      %parallel_loop3A_425 = arith.constant 9 : i32
      %parallel_loop3A_426 = vector.broadcast %parallel_loop3A_425 : i32 to vector<16xi32>
      %parallel_loop3A_427 = arith.minsi %parallel_loop3A_424, %parallel_loop3A_426 : vector<16xi32>
      %parallel_loop3A_428 = arith.constant 1.000000e+00 : f32
      %parallel_loop3A_429 = vector.broadcast %parallel_loop3A_428 : f32 to vector<16xf32>
      %parallel_loop3A_430 = arith.minimumf %parallel_loop3A_416, %parallel_loop3A_429 : vector<16xf32>
      %parallel_loop3A_431 = arith.constant 5.000000e-01 : f32
      %parallel_loop3A_432 = vector.broadcast %parallel_loop3A_431 : f32 to vector<16xf32>
      %parallel_loop3A_433 = arith.mulf %parallel_loop3A_432, %parallel_loop3A_430 : vector<16xf32>
      %parallel_loop3A_434 = arith.mulf %parallel_loop3A_433, %parallel_loop3A_430 : vector<16xf32>
      %parallel_loop3A_435 = arith.subf %parallel_loop3A_416, %parallel_loop3A_430 : vector<16xf32>
      %parallel_loop3A_436 = arith.addf %parallel_loop3A_434, %parallel_loop3A_435 : vector<16xf32>
      tpu.vector_store_idx %arg10[%parallel_loop3A_427, %iota3A], %broadcast_in_dim3A_124 {add = true} : memref<10x16xf32, #tpu.memory_space<vmem>>[vector<16xi32>, vector<16xi32>], vector<16xf32>,
      tpu.vector_store_idx %arg11[%parallel_loop3A_427, %iota3A], %parallel_loop3A_436 {add = true} : memref<10x16xf32, #tpu.memory_space<vmem>>[vector<16xi32>, vector<16xi32>], vector<16xf32>,
    } {sc.loop_unroll_factor = 8 : i64, sc.parallel_access}
    %add3A_212 = arith.constant 58880 : i32
    %add3A_213 = arith.addi %add3A_4, %add3A_212 : i32
    %multiple_of3A_214 = tpu.assume_multiple %add3A_213, 128 : i32
    %dma_start3A_215 = arith.constant 0 : i32
    %dma_start3A_216 = tpu.memref_slice %arg2[%dma_start3A_215, %multiple_of3A_214] : memref<1x8000000xf32, #tpu.memory_space<hbm>> -> memref<1x14720xf32, #tpu.memory_space<hbm>>
    %dma_start3A_217 = tpu.memref_squeeze %dma_start3A_216 : memref<1x14720xf32, #tpu.memory_space<hbm>> -> memref<14720xf32, #tpu.memory_space<hbm>>
    %dma_start3A_218 = tpu.memref_slice %arg2[%dma_start3A_215, %multiple_of3A_214] : memref<1x8000000xf32, #tpu.memory_space<hbm>> -> memref<1x14720xf32, #tpu.memory_space<hbm>>
    %dma_start3A_219 = tpu.memref_squeeze %dma_start3A_218 : memref<1x14720xf32, #tpu.memory_space<hbm>> -> memref<14720xf32, #tpu.memory_space<hbm>>
    tpu.enqueue_dma source(%dma_start3A_219 : memref<14720xf32, #tpu.memory_space<hbm>>) target(%arg6 : memref<14720xf32, #tpu.memory_space<vmem>>) target_semaphore(%arg12 : memref<!tpu.dma_semaphore, #tpu.memory_space<semaphore_mem>>)
    %dma_start3A_220 = arith.constant 0 : i32
    %dma_start3A_221 = tpu.memref_slice %arg3[%dma_start3A_220, %multiple_of3A_214] : memref<1x8000000xf32, #tpu.memory_space<hbm>> -> memref<1x14720xf32, #tpu.memory_space<hbm>>
    %dma_start3A_222 = tpu.memref_squeeze %dma_start3A_221 : memref<1x14720xf32, #tpu.memory_space<hbm>> -> memref<14720xf32, #tpu.memory_space<hbm>>
    %dma_start3A_223 = tpu.memref_slice %arg3[%dma_start3A_220, %multiple_of3A_214] : memref<1x8000000xf32, #tpu.memory_space<hbm>> -> memref<1x14720xf32, #tpu.memory_space<hbm>>
    %dma_start3A_224 = tpu.memref_squeeze %dma_start3A_223 : memref<1x14720xf32, #tpu.memory_space<hbm>> -> memref<14720xf32, #tpu.memory_space<hbm>>
    tpu.enqueue_dma source(%dma_start3A_224 : memref<14720xf32, #tpu.memory_space<hbm>>) target(%arg8 : memref<14720xf32, #tpu.memory_space<vmem>>) target_semaphore(%arg14 : memref<!tpu.dma_semaphore, #tpu.memory_space<semaphore_mem>>)
    %dma_wait3A_225 = arith.constant 0 : i32
    %dma_wait3A_226 = tpu.memref_slice %arg2[%dma_wait3A_225, %add3A_4] : memref<1x8000000xf32, #tpu.memory_space<hbm>> -> memref<1x14720xf32, #tpu.memory_space<hbm>>
    %dma_wait3A_227 = tpu.memref_squeeze %dma_wait3A_226 : memref<1x14720xf32, #tpu.memory_space<hbm>> -> memref<14720xf32, #tpu.memory_space<hbm>>
    %dma_wait3A_228 = tpu.memref_slice %arg2[%dma_wait3A_225, %add3A_4] : memref<1x8000000xf32, #tpu.memory_space<hbm>> -> memref<1x14720xf32, #tpu.memory_space<hbm>>
    %dma_wait3A_229 = tpu.memref_squeeze %dma_wait3A_228 : memref<1x14720xf32, #tpu.memory_space<hbm>> -> memref<14720xf32, #tpu.memory_space<hbm>>
    tpu.wait_dma2 semaphore(%arg13 : memref<!tpu.dma_semaphore, #tpu.memory_space<semaphore_mem>>) src(%dma_wait3A_229 : memref<14720xf32, #tpu.memory_space<hbm>>) dst(%arg7 : memref<14720xf32, #tpu.memory_space<vmem>>)
    %dma_wait3A_230 = arith.constant 0 : i32
    %dma_wait3A_231 = tpu.memref_slice %arg3[%dma_wait3A_230, %add3A_4] : memref<1x8000000xf32, #tpu.memory_space<hbm>> -> memref<1x14720xf32, #tpu.memory_space<hbm>>
    %dma_wait3A_232 = tpu.memref_squeeze %dma_wait3A_231 : memref<1x14720xf32, #tpu.memory_space<hbm>> -> memref<14720xf32, #tpu.memory_space<hbm>>
    %dma_wait3A_233 = tpu.memref_slice %arg3[%dma_wait3A_230, %add3A_4] : memref<1x8000000xf32, #tpu.memory_space<hbm>> -> memref<1x14720xf32, #tpu.memory_space<hbm>>
    %dma_wait3A_234 = tpu.memref_squeeze %dma_wait3A_233 : memref<1x14720xf32, #tpu.memory_space<hbm>> -> memref<14720xf32, #tpu.memory_space<hbm>>
    tpu.wait_dma2 semaphore(%arg15 : memref<!tpu.dma_semaphore, #tpu.memory_space<semaphore_mem>>) src(%dma_wait3A_234 : memref<14720xf32, #tpu.memory_space<hbm>>) dst(%arg9 : memref<14720xf32, #tpu.memory_space<vmem>>)
    %parallel_loop3A_235 = arith.constant 0 : i32
    %parallel_loop3A_236 = arith.constant 14720 : i32
    %parallel_loop3A_237 = arith.constant 16 : i32
    scf.for %parallel_loop3A_409 = %parallel_loop3A_235 to %parallel_loop3A_236 step %parallel_loop3A_237  : i32 {
      %parallel_loop3A_410 = tpu.assume_multiple %parallel_loop3A_409, 16 : i32
      %parallel_loop3A_411 = arith.index_cast %parallel_loop3A_410 : i32 to index
      %parallel_loop3A_412 = tpu.vector_load %arg7[%parallel_loop3A_411] {strides = array<i32>} : memref<14720xf32, #tpu.memory_space<vmem>>, vector<16xf32>,
      %parallel_loop3A_413 = arith.index_cast %parallel_loop3A_410 : i32 to index
      %parallel_loop3A_414 = tpu.vector_load %arg9[%parallel_loop3A_413] {strides = array<i32>} : memref<14720xf32, #tpu.memory_space<vmem>>, vector<16xf32>,
      %parallel_loop3A_415 = arith.subf %parallel_loop3A_412, %parallel_loop3A_414 : vector<16xf32>
      %parallel_loop3A_416 = math.absf %parallel_loop3A_415 : vector<16xf32>
      %parallel_loop3A_417 = arith.constant 3.600000e+02 : f32
      %parallel_loop3A_418 = vector.broadcast %parallel_loop3A_417 : f32 to vector<16xf32>
      %parallel_loop3A_419 = arith.subf %parallel_loop3A_418, %parallel_loop3A_416 : vector<16xf32>
      %parallel_loop3A_420 = arith.minimumf %parallel_loop3A_416, %parallel_loop3A_419 : vector<16xf32>
      %parallel_loop3A_421 = arith.constant 0.055555556 : f32
      %parallel_loop3A_422 = vector.broadcast %parallel_loop3A_421 : f32 to vector<16xf32>
      %parallel_loop3A_423 = arith.mulf %parallel_loop3A_420, %parallel_loop3A_422 : vector<16xf32>
      %parallel_loop3A_424 = arith.fptosi %parallel_loop3A_423 : vector<16xf32> to vector<16xi32>
      %parallel_loop3A_425 = arith.constant 9 : i32
      %parallel_loop3A_426 = vector.broadcast %parallel_loop3A_425 : i32 to vector<16xi32>
      %parallel_loop3A_427 = arith.minsi %parallel_loop3A_424, %parallel_loop3A_426 : vector<16xi32>
      %parallel_loop3A_428 = arith.constant 1.000000e+00 : f32
      %parallel_loop3A_429 = vector.broadcast %parallel_loop3A_428 : f32 to vector<16xf32>
      %parallel_loop3A_430 = arith.minimumf %parallel_loop3A_416, %parallel_loop3A_429 : vector<16xf32>
      %parallel_loop3A_431 = arith.constant 5.000000e-01 : f32
      %parallel_loop3A_432 = vector.broadcast %parallel_loop3A_431 : f32 to vector<16xf32>
      %parallel_loop3A_433 = arith.mulf %parallel_loop3A_432, %parallel_loop3A_430 : vector<16xf32>
      %parallel_loop3A_434 = arith.mulf %parallel_loop3A_433, %parallel_loop3A_430 : vector<16xf32>
      %parallel_loop3A_435 = arith.subf %parallel_loop3A_416, %parallel_loop3A_430 : vector<16xf32>
      %parallel_loop3A_436 = arith.addf %parallel_loop3A_434, %parallel_loop3A_435 : vector<16xf32>
      tpu.vector_store_idx %arg10[%parallel_loop3A_427, %iota3A], %broadcast_in_dim3A_124 {add = true} : memref<10x16xf32, #tpu.memory_space<vmem>>[vector<16xi32>, vector<16xi32>], vector<16xf32>,
      tpu.vector_store_idx %arg11[%parallel_loop3A_427, %iota3A], %parallel_loop3A_436 {add = true} : memref<10x16xf32, #tpu.memory_space<vmem>>[vector<16xi32>, vector<16xi32>], vector<16xf32>,
    } {sc.loop_unroll_factor = 8 : i64, sc.parallel_access}
    %add3A_238 = arith.constant 73600 : i32
    %add3A_239 = arith.addi %add3A_4, %add3A_238 : i32
    %multiple_of3A_240 = tpu.assume_multiple %add3A_239, 128 : i32
    %dma_start3A_241 = arith.constant 0 : i32
    %dma_start3A_242 = tpu.memref_slice %arg2[%dma_start3A_241, %multiple_of3A_240] : memref<1x8000000xf32, #tpu.memory_space<hbm>> -> memref<1x14720xf32, #tpu.memory_space<hbm>>
    %dma_start3A_243 = tpu.memref_squeeze %dma_start3A_242 : memref<1x14720xf32, #tpu.memory_space<hbm>> -> memref<14720xf32, #tpu.memory_space<hbm>>
    %dma_start3A_244 = tpu.memref_slice %arg2[%dma_start3A_241, %multiple_of3A_240] : memref<1x8000000xf32, #tpu.memory_space<hbm>> -> memref<1x14720xf32, #tpu.memory_space<hbm>>
    %dma_start3A_245 = tpu.memref_squeeze %dma_start3A_244 : memref<1x14720xf32, #tpu.memory_space<hbm>> -> memref<14720xf32, #tpu.memory_space<hbm>>
    tpu.enqueue_dma source(%dma_start3A_245 : memref<14720xf32, #tpu.memory_space<hbm>>) target(%arg7 : memref<14720xf32, #tpu.memory_space<vmem>>) target_semaphore(%arg13 : memref<!tpu.dma_semaphore, #tpu.memory_space<semaphore_mem>>)
    %dma_start3A_246 = arith.constant 0 : i32
    %dma_start3A_247 = tpu.memref_slice %arg3[%dma_start3A_246, %multiple_of3A_240] : memref<1x8000000xf32, #tpu.memory_space<hbm>> -> memref<1x14720xf32, #tpu.memory_space<hbm>>
    %dma_start3A_248 = tpu.memref_squeeze %dma_start3A_247 : memref<1x14720xf32, #tpu.memory_space<hbm>> -> memref<14720xf32, #tpu.memory_space<hbm>>
    %dma_start3A_249 = tpu.memref_slice %arg3[%dma_start3A_246, %multiple_of3A_240] : memref<1x8000000xf32, #tpu.memory_space<hbm>> -> memref<1x14720xf32, #tpu.memory_space<hbm>>
    %dma_start3A_250 = tpu.memref_squeeze %dma_start3A_249 : memref<1x14720xf32, #tpu.memory_space<hbm>> -> memref<14720xf32, #tpu.memory_space<hbm>>
    tpu.enqueue_dma source(%dma_start3A_250 : memref<14720xf32, #tpu.memory_space<hbm>>) target(%arg9 : memref<14720xf32, #tpu.memory_space<vmem>>) target_semaphore(%arg15 : memref<!tpu.dma_semaphore, #tpu.memory_space<semaphore_mem>>)
    %dma_wait3A_251 = arith.constant 0 : i32
    %dma_wait3A_252 = tpu.memref_slice %arg2[%dma_wait3A_251, %add3A_4] : memref<1x8000000xf32, #tpu.memory_space<hbm>> -> memref<1x14720xf32, #tpu.memory_space<hbm>>
    %dma_wait3A_253 = tpu.memref_squeeze %dma_wait3A_252 : memref<1x14720xf32, #tpu.memory_space<hbm>> -> memref<14720xf32, #tpu.memory_space<hbm>>
    %dma_wait3A_254 = tpu.memref_slice %arg2[%dma_wait3A_251, %add3A_4] : memref<1x8000000xf32, #tpu.memory_space<hbm>> -> memref<1x14720xf32, #tpu.memory_space<hbm>>
    %dma_wait3A_255 = tpu.memref_squeeze %dma_wait3A_254 : memref<1x14720xf32, #tpu.memory_space<hbm>> -> memref<14720xf32, #tpu.memory_space<hbm>>
    tpu.wait_dma2 semaphore(%arg12 : memref<!tpu.dma_semaphore, #tpu.memory_space<semaphore_mem>>) src(%dma_wait3A_255 : memref<14720xf32, #tpu.memory_space<hbm>>) dst(%arg6 : memref<14720xf32, #tpu.memory_space<vmem>>)
    %dma_wait3A_256 = arith.constant 0 : i32
    %dma_wait3A_257 = tpu.memref_slice %arg3[%dma_wait3A_256, %add3A_4] : memref<1x8000000xf32, #tpu.memory_space<hbm>> -> memref<1x14720xf32, #tpu.memory_space<hbm>>
    %dma_wait3A_258 = tpu.memref_squeeze %dma_wait3A_257 : memref<1x14720xf32, #tpu.memory_space<hbm>> -> memref<14720xf32, #tpu.memory_space<hbm>>
    %dma_wait3A_259 = tpu.memref_slice %arg3[%dma_wait3A_256, %add3A_4] : memref<1x8000000xf32, #tpu.memory_space<hbm>> -> memref<1x14720xf32, #tpu.memory_space<hbm>>
    %dma_wait3A_260 = tpu.memref_squeeze %dma_wait3A_259 : memref<1x14720xf32, #tpu.memory_space<hbm>> -> memref<14720xf32, #tpu.memory_space<hbm>>
    tpu.wait_dma2 semaphore(%arg14 : memref<!tpu.dma_semaphore, #tpu.memory_space<semaphore_mem>>) src(%dma_wait3A_260 : memref<14720xf32, #tpu.memory_space<hbm>>) dst(%arg8 : memref<14720xf32, #tpu.memory_space<vmem>>)
    %parallel_loop3A_261 = arith.constant 0 : i32
    %parallel_loop3A_262 = arith.constant 14720 : i32
    %parallel_loop3A_263 = arith.constant 16 : i32
    scf.for %parallel_loop3A_409 = %parallel_loop3A_261 to %parallel_loop3A_262 step %parallel_loop3A_263  : i32 {
      %parallel_loop3A_410 = tpu.assume_multiple %parallel_loop3A_409, 16 : i32
      %parallel_loop3A_411 = arith.index_cast %parallel_loop3A_410 : i32 to index
      %parallel_loop3A_412 = tpu.vector_load %arg6[%parallel_loop3A_411] {strides = array<i32>} : memref<14720xf32, #tpu.memory_space<vmem>>, vector<16xf32>,
      %parallel_loop3A_413 = arith.index_cast %parallel_loop3A_410 : i32 to index
      %parallel_loop3A_414 = tpu.vector_load %arg8[%parallel_loop3A_413] {strides = array<i32>} : memref<14720xf32, #tpu.memory_space<vmem>>, vector<16xf32>,
      %parallel_loop3A_415 = arith.subf %parallel_loop3A_412, %parallel_loop3A_414 : vector<16xf32>
      %parallel_loop3A_416 = math.absf %parallel_loop3A_415 : vector<16xf32>
      %parallel_loop3A_417 = arith.constant 3.600000e+02 : f32
      %parallel_loop3A_418 = vector.broadcast %parallel_loop3A_417 : f32 to vector<16xf32>
      %parallel_loop3A_419 = arith.subf %parallel_loop3A_418, %parallel_loop3A_416 : vector<16xf32>
      %parallel_loop3A_420 = arith.minimumf %parallel_loop3A_416, %parallel_loop3A_419 : vector<16xf32>
      %parallel_loop3A_421 = arith.constant 0.055555556 : f32
      %parallel_loop3A_422 = vector.broadcast %parallel_loop3A_421 : f32 to vector<16xf32>
      %parallel_loop3A_423 = arith.mulf %parallel_loop3A_420, %parallel_loop3A_422 : vector<16xf32>
      %parallel_loop3A_424 = arith.fptosi %parallel_loop3A_423 : vector<16xf32> to vector<16xi32>
      %parallel_loop3A_425 = arith.constant 9 : i32
      %parallel_loop3A_426 = vector.broadcast %parallel_loop3A_425 : i32 to vector<16xi32>
      %parallel_loop3A_427 = arith.minsi %parallel_loop3A_424, %parallel_loop3A_426 : vector<16xi32>
      %parallel_loop3A_428 = arith.constant 1.000000e+00 : f32
      %parallel_loop3A_429 = vector.broadcast %parallel_loop3A_428 : f32 to vector<16xf32>
      %parallel_loop3A_430 = arith.minimumf %parallel_loop3A_416, %parallel_loop3A_429 : vector<16xf32>
      %parallel_loop3A_431 = arith.constant 5.000000e-01 : f32
      %parallel_loop3A_432 = vector.broadcast %parallel_loop3A_431 : f32 to vector<16xf32>
      %parallel_loop3A_433 = arith.mulf %parallel_loop3A_432, %parallel_loop3A_430 : vector<16xf32>
      %parallel_loop3A_434 = arith.mulf %parallel_loop3A_433, %parallel_loop3A_430 : vector<16xf32>
      %parallel_loop3A_435 = arith.subf %parallel_loop3A_416, %parallel_loop3A_430 : vector<16xf32>
      %parallel_loop3A_436 = arith.addf %parallel_loop3A_434, %parallel_loop3A_435 : vector<16xf32>
      tpu.vector_store_idx %arg10[%parallel_loop3A_427, %iota3A], %broadcast_in_dim3A_124 {add = true} : memref<10x16xf32, #tpu.memory_space<vmem>>[vector<16xi32>, vector<16xi32>], vector<16xf32>,
      tpu.vector_store_idx %arg11[%parallel_loop3A_427, %iota3A], %parallel_loop3A_436 {add = true} : memref<10x16xf32, #tpu.memory_space<vmem>>[vector<16xi32>, vector<16xi32>], vector<16xf32>,
    } {sc.loop_unroll_factor = 8 : i64, sc.parallel_access}
    %add3A_264 = arith.constant 88320 : i32
    %add3A_265 = arith.addi %add3A_4, %add3A_264 : i32
    %multiple_of3A_266 = tpu.assume_multiple %add3A_265, 128 : i32
    %dma_start3A_267 = arith.constant 0 : i32
    %dma_start3A_268 = tpu.memref_slice %arg2[%dma_start3A_267, %multiple_of3A_266] : memref<1x8000000xf32, #tpu.memory_space<hbm>> -> memref<1x14720xf32, #tpu.memory_space<hbm>>
    %dma_start3A_269 = tpu.memref_squeeze %dma_start3A_268 : memref<1x14720xf32, #tpu.memory_space<hbm>> -> memref<14720xf32, #tpu.memory_space<hbm>>
    %dma_start3A_270 = tpu.memref_slice %arg2[%dma_start3A_267, %multiple_of3A_266] : memref<1x8000000xf32, #tpu.memory_space<hbm>> -> memref<1x14720xf32, #tpu.memory_space<hbm>>
    %dma_start3A_271 = tpu.memref_squeeze %dma_start3A_270 : memref<1x14720xf32, #tpu.memory_space<hbm>> -> memref<14720xf32, #tpu.memory_space<hbm>>
    tpu.enqueue_dma source(%dma_start3A_271 : memref<14720xf32, #tpu.memory_space<hbm>>) target(%arg6 : memref<14720xf32, #tpu.memory_space<vmem>>) target_semaphore(%arg12 : memref<!tpu.dma_semaphore, #tpu.memory_space<semaphore_mem>>)
    %dma_start3A_272 = arith.constant 0 : i32
    %dma_start3A_273 = tpu.memref_slice %arg3[%dma_start3A_272, %multiple_of3A_266] : memref<1x8000000xf32, #tpu.memory_space<hbm>> -> memref<1x14720xf32, #tpu.memory_space<hbm>>
    %dma_start3A_274 = tpu.memref_squeeze %dma_start3A_273 : memref<1x14720xf32, #tpu.memory_space<hbm>> -> memref<14720xf32, #tpu.memory_space<hbm>>
    %dma_start3A_275 = tpu.memref_slice %arg3[%dma_start3A_272, %multiple_of3A_266] : memref<1x8000000xf32, #tpu.memory_space<hbm>> -> memref<1x14720xf32, #tpu.memory_space<hbm>>
    %dma_start3A_276 = tpu.memref_squeeze %dma_start3A_275 : memref<1x14720xf32, #tpu.memory_space<hbm>> -> memref<14720xf32, #tpu.memory_space<hbm>>
    tpu.enqueue_dma source(%dma_start3A_276 : memref<14720xf32, #tpu.memory_space<hbm>>) target(%arg8 : memref<14720xf32, #tpu.memory_space<vmem>>) target_semaphore(%arg14 : memref<!tpu.dma_semaphore, #tpu.memory_space<semaphore_mem>>)
    %dma_wait3A_277 = arith.constant 0 : i32
    %dma_wait3A_278 = tpu.memref_slice %arg2[%dma_wait3A_277, %add3A_4] : memref<1x8000000xf32, #tpu.memory_space<hbm>> -> memref<1x14720xf32, #tpu.memory_space<hbm>>
    %dma_wait3A_279 = tpu.memref_squeeze %dma_wait3A_278 : memref<1x14720xf32, #tpu.memory_space<hbm>> -> memref<14720xf32, #tpu.memory_space<hbm>>
    %dma_wait3A_280 = tpu.memref_slice %arg2[%dma_wait3A_277, %add3A_4] : memref<1x8000000xf32, #tpu.memory_space<hbm>> -> memref<1x14720xf32, #tpu.memory_space<hbm>>
    %dma_wait3A_281 = tpu.memref_squeeze %dma_wait3A_280 : memref<1x14720xf32, #tpu.memory_space<hbm>> -> memref<14720xf32, #tpu.memory_space<hbm>>
    tpu.wait_dma2 semaphore(%arg13 : memref<!tpu.dma_semaphore, #tpu.memory_space<semaphore_mem>>) src(%dma_wait3A_281 : memref<14720xf32, #tpu.memory_space<hbm>>) dst(%arg7 : memref<14720xf32, #tpu.memory_space<vmem>>)
    %dma_wait3A_282 = arith.constant 0 : i32
    %dma_wait3A_283 = tpu.memref_slice %arg3[%dma_wait3A_282, %add3A_4] : memref<1x8000000xf32, #tpu.memory_space<hbm>> -> memref<1x14720xf32, #tpu.memory_space<hbm>>
    %dma_wait3A_284 = tpu.memref_squeeze %dma_wait3A_283 : memref<1x14720xf32, #tpu.memory_space<hbm>> -> memref<14720xf32, #tpu.memory_space<hbm>>
    %dma_wait3A_285 = tpu.memref_slice %arg3[%dma_wait3A_282, %add3A_4] : memref<1x8000000xf32, #tpu.memory_space<hbm>> -> memref<1x14720xf32, #tpu.memory_space<hbm>>
    %dma_wait3A_286 = tpu.memref_squeeze %dma_wait3A_285 : memref<1x14720xf32, #tpu.memory_space<hbm>> -> memref<14720xf32, #tpu.memory_space<hbm>>
    tpu.wait_dma2 semaphore(%arg15 : memref<!tpu.dma_semaphore, #tpu.memory_space<semaphore_mem>>) src(%dma_wait3A_286 : memref<14720xf32, #tpu.memory_space<hbm>>) dst(%arg9 : memref<14720xf32, #tpu.memory_space<vmem>>)
    %parallel_loop3A_287 = arith.constant 0 : i32
    %parallel_loop3A_288 = arith.constant 14720 : i32
    %parallel_loop3A_289 = arith.constant 16 : i32
    scf.for %parallel_loop3A_409 = %parallel_loop3A_287 to %parallel_loop3A_288 step %parallel_loop3A_289  : i32 {
      %parallel_loop3A_410 = tpu.assume_multiple %parallel_loop3A_409, 16 : i32
      %parallel_loop3A_411 = arith.index_cast %parallel_loop3A_410 : i32 to index
      %parallel_loop3A_412 = tpu.vector_load %arg7[%parallel_loop3A_411] {strides = array<i32>} : memref<14720xf32, #tpu.memory_space<vmem>>, vector<16xf32>,
      %parallel_loop3A_413 = arith.index_cast %parallel_loop3A_410 : i32 to index
      %parallel_loop3A_414 = tpu.vector_load %arg9[%parallel_loop3A_413] {strides = array<i32>} : memref<14720xf32, #tpu.memory_space<vmem>>, vector<16xf32>,
      %parallel_loop3A_415 = arith.subf %parallel_loop3A_412, %parallel_loop3A_414 : vector<16xf32>
      %parallel_loop3A_416 = math.absf %parallel_loop3A_415 : vector<16xf32>
      %parallel_loop3A_417 = arith.constant 3.600000e+02 : f32
      %parallel_loop3A_418 = vector.broadcast %parallel_loop3A_417 : f32 to vector<16xf32>
      %parallel_loop3A_419 = arith.subf %parallel_loop3A_418, %parallel_loop3A_416 : vector<16xf32>
      %parallel_loop3A_420 = arith.minimumf %parallel_loop3A_416, %parallel_loop3A_419 : vector<16xf32>
      %parallel_loop3A_421 = arith.constant 0.055555556 : f32
      %parallel_loop3A_422 = vector.broadcast %parallel_loop3A_421 : f32 to vector<16xf32>
      %parallel_loop3A_423 = arith.mulf %parallel_loop3A_420, %parallel_loop3A_422 : vector<16xf32>
      %parallel_loop3A_424 = arith.fptosi %parallel_loop3A_423 : vector<16xf32> to vector<16xi32>
      %parallel_loop3A_425 = arith.constant 9 : i32
      %parallel_loop3A_426 = vector.broadcast %parallel_loop3A_425 : i32 to vector<16xi32>
      %parallel_loop3A_427 = arith.minsi %parallel_loop3A_424, %parallel_loop3A_426 : vector<16xi32>
      %parallel_loop3A_428 = arith.constant 1.000000e+00 : f32
      %parallel_loop3A_429 = vector.broadcast %parallel_loop3A_428 : f32 to vector<16xf32>
      %parallel_loop3A_430 = arith.minimumf %parallel_loop3A_416, %parallel_loop3A_429 : vector<16xf32>
      %parallel_loop3A_431 = arith.constant 5.000000e-01 : f32
      %parallel_loop3A_432 = vector.broadcast %parallel_loop3A_431 : f32 to vector<16xf32>
      %parallel_loop3A_433 = arith.mulf %parallel_loop3A_432, %parallel_loop3A_430 : vector<16xf32>
      %parallel_loop3A_434 = arith.mulf %parallel_loop3A_433, %parallel_loop3A_430 : vector<16xf32>
      %parallel_loop3A_435 = arith.subf %parallel_loop3A_416, %parallel_loop3A_430 : vector<16xf32>
      %parallel_loop3A_436 = arith.addf %parallel_loop3A_434, %parallel_loop3A_435 : vector<16xf32>
      tpu.vector_store_idx %arg10[%parallel_loop3A_427, %iota3A], %broadcast_in_dim3A_124 {add = true} : memref<10x16xf32, #tpu.memory_space<vmem>>[vector<16xi32>, vector<16xi32>], vector<16xf32>,
      tpu.vector_store_idx %arg11[%parallel_loop3A_427, %iota3A], %parallel_loop3A_436 {add = true} : memref<10x16xf32, #tpu.memory_space<vmem>>[vector<16xi32>, vector<16xi32>], vector<16xf32>,
    } {sc.loop_unroll_factor = 8 : i64, sc.parallel_access}
    %add3A_290 = arith.constant 103040 : i32
    %add3A_291 = arith.addi %add3A_4, %add3A_290 : i32
    %multiple_of3A_292 = tpu.assume_multiple %add3A_291, 128 : i32
    %dma_start3A_293 = arith.constant 0 : i32
    %dma_start3A_294 = tpu.memref_slice %arg2[%dma_start3A_293, %multiple_of3A_292] : memref<1x8000000xf32, #tpu.memory_space<hbm>> -> memref<1x14720xf32, #tpu.memory_space<hbm>>
    %dma_start3A_295 = tpu.memref_squeeze %dma_start3A_294 : memref<1x14720xf32, #tpu.memory_space<hbm>> -> memref<14720xf32, #tpu.memory_space<hbm>>
    %dma_start3A_296 = tpu.memref_slice %arg2[%dma_start3A_293, %multiple_of3A_292] : memref<1x8000000xf32, #tpu.memory_space<hbm>> -> memref<1x14720xf32, #tpu.memory_space<hbm>>
    %dma_start3A_297 = tpu.memref_squeeze %dma_start3A_296 : memref<1x14720xf32, #tpu.memory_space<hbm>> -> memref<14720xf32, #tpu.memory_space<hbm>>
    tpu.enqueue_dma source(%dma_start3A_297 : memref<14720xf32, #tpu.memory_space<hbm>>) target(%arg7 : memref<14720xf32, #tpu.memory_space<vmem>>) target_semaphore(%arg13 : memref<!tpu.dma_semaphore, #tpu.memory_space<semaphore_mem>>)
    %dma_start3A_298 = arith.constant 0 : i32
    %dma_start3A_299 = tpu.memref_slice %arg3[%dma_start3A_298, %multiple_of3A_292] : memref<1x8000000xf32, #tpu.memory_space<hbm>> -> memref<1x14720xf32, #tpu.memory_space<hbm>>
    %dma_start3A_300 = tpu.memref_squeeze %dma_start3A_299 : memref<1x14720xf32, #tpu.memory_space<hbm>> -> memref<14720xf32, #tpu.memory_space<hbm>>
    %dma_start3A_301 = tpu.memref_slice %arg3[%dma_start3A_298, %multiple_of3A_292] : memref<1x8000000xf32, #tpu.memory_space<hbm>> -> memref<1x14720xf32, #tpu.memory_space<hbm>>
    %dma_start3A_302 = tpu.memref_squeeze %dma_start3A_301 : memref<1x14720xf32, #tpu.memory_space<hbm>> -> memref<14720xf32, #tpu.memory_space<hbm>>
    tpu.enqueue_dma source(%dma_start3A_302 : memref<14720xf32, #tpu.memory_space<hbm>>) target(%arg9 : memref<14720xf32, #tpu.memory_space<vmem>>) target_semaphore(%arg15 : memref<!tpu.dma_semaphore, #tpu.memory_space<semaphore_mem>>)
    %dma_wait3A_303 = arith.constant 0 : i32
    %dma_wait3A_304 = tpu.memref_slice %arg2[%dma_wait3A_303, %add3A_4] : memref<1x8000000xf32, #tpu.memory_space<hbm>> -> memref<1x14720xf32, #tpu.memory_space<hbm>>
    %dma_wait3A_305 = tpu.memref_squeeze %dma_wait3A_304 : memref<1x14720xf32, #tpu.memory_space<hbm>> -> memref<14720xf32, #tpu.memory_space<hbm>>
    %dma_wait3A_306 = tpu.memref_slice %arg2[%dma_wait3A_303, %add3A_4] : memref<1x8000000xf32, #tpu.memory_space<hbm>> -> memref<1x14720xf32, #tpu.memory_space<hbm>>
    %dma_wait3A_307 = tpu.memref_squeeze %dma_wait3A_306 : memref<1x14720xf32, #tpu.memory_space<hbm>> -> memref<14720xf32, #tpu.memory_space<hbm>>
    tpu.wait_dma2 semaphore(%arg12 : memref<!tpu.dma_semaphore, #tpu.memory_space<semaphore_mem>>) src(%dma_wait3A_307 : memref<14720xf32, #tpu.memory_space<hbm>>) dst(%arg6 : memref<14720xf32, #tpu.memory_space<vmem>>)
    %dma_wait3A_308 = arith.constant 0 : i32
    %dma_wait3A_309 = tpu.memref_slice %arg3[%dma_wait3A_308, %add3A_4] : memref<1x8000000xf32, #tpu.memory_space<hbm>> -> memref<1x14720xf32, #tpu.memory_space<hbm>>
    %dma_wait3A_310 = tpu.memref_squeeze %dma_wait3A_309 : memref<1x14720xf32, #tpu.memory_space<hbm>> -> memref<14720xf32, #tpu.memory_space<hbm>>
    %dma_wait3A_311 = tpu.memref_slice %arg3[%dma_wait3A_308, %add3A_4] : memref<1x8000000xf32, #tpu.memory_space<hbm>> -> memref<1x14720xf32, #tpu.memory_space<hbm>>
    %dma_wait3A_312 = tpu.memref_squeeze %dma_wait3A_311 : memref<1x14720xf32, #tpu.memory_space<hbm>> -> memref<14720xf32, #tpu.memory_space<hbm>>
    tpu.wait_dma2 semaphore(%arg14 : memref<!tpu.dma_semaphore, #tpu.memory_space<semaphore_mem>>) src(%dma_wait3A_312 : memref<14720xf32, #tpu.memory_space<hbm>>) dst(%arg8 : memref<14720xf32, #tpu.memory_space<vmem>>)
    %parallel_loop3A_313 = arith.constant 0 : i32
    %parallel_loop3A_314 = arith.constant 14720 : i32
    %parallel_loop3A_315 = arith.constant 16 : i32
    scf.for %parallel_loop3A_409 = %parallel_loop3A_313 to %parallel_loop3A_314 step %parallel_loop3A_315  : i32 {
      %parallel_loop3A_410 = tpu.assume_multiple %parallel_loop3A_409, 16 : i32
      %parallel_loop3A_411 = arith.index_cast %parallel_loop3A_410 : i32 to index
      %parallel_loop3A_412 = tpu.vector_load %arg6[%parallel_loop3A_411] {strides = array<i32>} : memref<14720xf32, #tpu.memory_space<vmem>>, vector<16xf32>,
      %parallel_loop3A_413 = arith.index_cast %parallel_loop3A_410 : i32 to index
      %parallel_loop3A_414 = tpu.vector_load %arg8[%parallel_loop3A_413] {strides = array<i32>} : memref<14720xf32, #tpu.memory_space<vmem>>, vector<16xf32>,
      %parallel_loop3A_415 = arith.subf %parallel_loop3A_412, %parallel_loop3A_414 : vector<16xf32>
      %parallel_loop3A_416 = math.absf %parallel_loop3A_415 : vector<16xf32>
      %parallel_loop3A_417 = arith.constant 3.600000e+02 : f32
      %parallel_loop3A_418 = vector.broadcast %parallel_loop3A_417 : f32 to vector<16xf32>
      %parallel_loop3A_419 = arith.subf %parallel_loop3A_418, %parallel_loop3A_416 : vector<16xf32>
      %parallel_loop3A_420 = arith.minimumf %parallel_loop3A_416, %parallel_loop3A_419 : vector<16xf32>
      %parallel_loop3A_421 = arith.constant 0.055555556 : f32
      %parallel_loop3A_422 = vector.broadcast %parallel_loop3A_421 : f32 to vector<16xf32>
      %parallel_loop3A_423 = arith.mulf %parallel_loop3A_420, %parallel_loop3A_422 : vector<16xf32>
      %parallel_loop3A_424 = arith.fptosi %parallel_loop3A_423 : vector<16xf32> to vector<16xi32>
      %parallel_loop3A_425 = arith.constant 9 : i32
      %parallel_loop3A_426 = vector.broadcast %parallel_loop3A_425 : i32 to vector<16xi32>
      %parallel_loop3A_427 = arith.minsi %parallel_loop3A_424, %parallel_loop3A_426 : vector<16xi32>
      %parallel_loop3A_428 = arith.constant 1.000000e+00 : f32
      %parallel_loop3A_429 = vector.broadcast %parallel_loop3A_428 : f32 to vector<16xf32>
      %parallel_loop3A_430 = arith.minimumf %parallel_loop3A_416, %parallel_loop3A_429 : vector<16xf32>
      %parallel_loop3A_431 = arith.constant 5.000000e-01 : f32
      %parallel_loop3A_432 = vector.broadcast %parallel_loop3A_431 : f32 to vector<16xf32>
      %parallel_loop3A_433 = arith.mulf %parallel_loop3A_432, %parallel_loop3A_430 : vector<16xf32>
      %parallel_loop3A_434 = arith.mulf %parallel_loop3A_433, %parallel_loop3A_430 : vector<16xf32>
      %parallel_loop3A_435 = arith.subf %parallel_loop3A_416, %parallel_loop3A_430 : vector<16xf32>
      %parallel_loop3A_436 = arith.addf %parallel_loop3A_434, %parallel_loop3A_435 : vector<16xf32>
      tpu.vector_store_idx %arg10[%parallel_loop3A_427, %iota3A], %broadcast_in_dim3A_124 {add = true} : memref<10x16xf32, #tpu.memory_space<vmem>>[vector<16xi32>, vector<16xi32>], vector<16xf32>,
      tpu.vector_store_idx %arg11[%parallel_loop3A_427, %iota3A], %parallel_loop3A_436 {add = true} : memref<10x16xf32, #tpu.memory_space<vmem>>[vector<16xi32>, vector<16xi32>], vector<16xf32>,
    } {sc.loop_unroll_factor = 8 : i64, sc.parallel_access}
    %add3A_316 = arith.constant 117760 : i32
    %add3A_317 = arith.addi %add3A_4, %add3A_316 : i32
    %multiple_of3A_318 = tpu.assume_multiple %add3A_317, 128 : i32
    %dma_start3A_319 = arith.constant 0 : i32
    %dma_start3A_320 = tpu.memref_slice %arg2[%dma_start3A_319, %multiple_of3A_318] : memref<1x8000000xf32, #tpu.memory_space<hbm>> -> memref<1x14720xf32, #tpu.memory_space<hbm>>
    %dma_start3A_321 = tpu.memref_squeeze %dma_start3A_320 : memref<1x14720xf32, #tpu.memory_space<hbm>> -> memref<14720xf32, #tpu.memory_space<hbm>>
    %dma_start3A_322 = tpu.memref_slice %arg2[%dma_start3A_319, %multiple_of3A_318] : memref<1x8000000xf32, #tpu.memory_space<hbm>> -> memref<1x14720xf32, #tpu.memory_space<hbm>>
    %dma_start3A_323 = tpu.memref_squeeze %dma_start3A_322 : memref<1x14720xf32, #tpu.memory_space<hbm>> -> memref<14720xf32, #tpu.memory_space<hbm>>
    tpu.enqueue_dma source(%dma_start3A_323 : memref<14720xf32, #tpu.memory_space<hbm>>) target(%arg6 : memref<14720xf32, #tpu.memory_space<vmem>>) target_semaphore(%arg12 : memref<!tpu.dma_semaphore, #tpu.memory_space<semaphore_mem>>)
    %dma_start3A_324 = arith.constant 0 : i32
    %dma_start3A_325 = tpu.memref_slice %arg3[%dma_start3A_324, %multiple_of3A_318] : memref<1x8000000xf32, #tpu.memory_space<hbm>> -> memref<1x14720xf32, #tpu.memory_space<hbm>>
    %dma_start3A_326 = tpu.memref_squeeze %dma_start3A_325 : memref<1x14720xf32, #tpu.memory_space<hbm>> -> memref<14720xf32, #tpu.memory_space<hbm>>
    %dma_start3A_327 = tpu.memref_slice %arg3[%dma_start3A_324, %multiple_of3A_318] : memref<1x8000000xf32, #tpu.memory_space<hbm>> -> memref<1x14720xf32, #tpu.memory_space<hbm>>
    %dma_start3A_328 = tpu.memref_squeeze %dma_start3A_327 : memref<1x14720xf32, #tpu.memory_space<hbm>> -> memref<14720xf32, #tpu.memory_space<hbm>>
    tpu.enqueue_dma source(%dma_start3A_328 : memref<14720xf32, #tpu.memory_space<hbm>>) target(%arg8 : memref<14720xf32, #tpu.memory_space<vmem>>) target_semaphore(%arg14 : memref<!tpu.dma_semaphore, #tpu.memory_space<semaphore_mem>>)
    %dma_wait3A_329 = arith.constant 0 : i32
    %dma_wait3A_330 = tpu.memref_slice %arg2[%dma_wait3A_329, %add3A_4] : memref<1x8000000xf32, #tpu.memory_space<hbm>> -> memref<1x14720xf32, #tpu.memory_space<hbm>>
    %dma_wait3A_331 = tpu.memref_squeeze %dma_wait3A_330 : memref<1x14720xf32, #tpu.memory_space<hbm>> -> memref<14720xf32, #tpu.memory_space<hbm>>
    %dma_wait3A_332 = tpu.memref_slice %arg2[%dma_wait3A_329, %add3A_4] : memref<1x8000000xf32, #tpu.memory_space<hbm>> -> memref<1x14720xf32, #tpu.memory_space<hbm>>
    %dma_wait3A_333 = tpu.memref_squeeze %dma_wait3A_332 : memref<1x14720xf32, #tpu.memory_space<hbm>> -> memref<14720xf32, #tpu.memory_space<hbm>>
    tpu.wait_dma2 semaphore(%arg13 : memref<!tpu.dma_semaphore, #tpu.memory_space<semaphore_mem>>) src(%dma_wait3A_333 : memref<14720xf32, #tpu.memory_space<hbm>>) dst(%arg7 : memref<14720xf32, #tpu.memory_space<vmem>>)
    %dma_wait3A_334 = arith.constant 0 : i32
    %dma_wait3A_335 = tpu.memref_slice %arg3[%dma_wait3A_334, %add3A_4] : memref<1x8000000xf32, #tpu.memory_space<hbm>> -> memref<1x14720xf32, #tpu.memory_space<hbm>>
    %dma_wait3A_336 = tpu.memref_squeeze %dma_wait3A_335 : memref<1x14720xf32, #tpu.memory_space<hbm>> -> memref<14720xf32, #tpu.memory_space<hbm>>
    %dma_wait3A_337 = tpu.memref_slice %arg3[%dma_wait3A_334, %add3A_4] : memref<1x8000000xf32, #tpu.memory_space<hbm>> -> memref<1x14720xf32, #tpu.memory_space<hbm>>
    %dma_wait3A_338 = tpu.memref_squeeze %dma_wait3A_337 : memref<1x14720xf32, #tpu.memory_space<hbm>> -> memref<14720xf32, #tpu.memory_space<hbm>>
    tpu.wait_dma2 semaphore(%arg15 : memref<!tpu.dma_semaphore, #tpu.memory_space<semaphore_mem>>) src(%dma_wait3A_338 : memref<14720xf32, #tpu.memory_space<hbm>>) dst(%arg9 : memref<14720xf32, #tpu.memory_space<vmem>>)
    %parallel_loop3A_339 = arith.constant 0 : i32
    %parallel_loop3A_340 = arith.constant 14720 : i32
    %parallel_loop3A_341 = arith.constant 16 : i32
    scf.for %parallel_loop3A_409 = %parallel_loop3A_339 to %parallel_loop3A_340 step %parallel_loop3A_341  : i32 {
      %parallel_loop3A_410 = tpu.assume_multiple %parallel_loop3A_409, 16 : i32
      %parallel_loop3A_411 = arith.index_cast %parallel_loop3A_410 : i32 to index
      %parallel_loop3A_412 = tpu.vector_load %arg7[%parallel_loop3A_411] {strides = array<i32>} : memref<14720xf32, #tpu.memory_space<vmem>>, vector<16xf32>,
      %parallel_loop3A_413 = arith.index_cast %parallel_loop3A_410 : i32 to index
      %parallel_loop3A_414 = tpu.vector_load %arg9[%parallel_loop3A_413] {strides = array<i32>} : memref<14720xf32, #tpu.memory_space<vmem>>, vector<16xf32>,
      %parallel_loop3A_415 = arith.subf %parallel_loop3A_412, %parallel_loop3A_414 : vector<16xf32>
      %parallel_loop3A_416 = math.absf %parallel_loop3A_415 : vector<16xf32>
      %parallel_loop3A_417 = arith.constant 3.600000e+02 : f32
      %parallel_loop3A_418 = vector.broadcast %parallel_loop3A_417 : f32 to vector<16xf32>
      %parallel_loop3A_419 = arith.subf %parallel_loop3A_418, %parallel_loop3A_416 : vector<16xf32>
      %parallel_loop3A_420 = arith.minimumf %parallel_loop3A_416, %parallel_loop3A_419 : vector<16xf32>
      %parallel_loop3A_421 = arith.constant 0.055555556 : f32
      %parallel_loop3A_422 = vector.broadcast %parallel_loop3A_421 : f32 to vector<16xf32>
      %parallel_loop3A_423 = arith.mulf %parallel_loop3A_420, %parallel_loop3A_422 : vector<16xf32>
      %parallel_loop3A_424 = arith.fptosi %parallel_loop3A_423 : vector<16xf32> to vector<16xi32>
      %parallel_loop3A_425 = arith.constant 9 : i32
      %parallel_loop3A_426 = vector.broadcast %parallel_loop3A_425 : i32 to vector<16xi32>
      %parallel_loop3A_427 = arith.minsi %parallel_loop3A_424, %parallel_loop3A_426 : vector<16xi32>
      %parallel_loop3A_428 = arith.constant 1.000000e+00 : f32
      %parallel_loop3A_429 = vector.broadcast %parallel_loop3A_428 : f32 to vector<16xf32>
      %parallel_loop3A_430 = arith.minimumf %parallel_loop3A_416, %parallel_loop3A_429 : vector<16xf32>
      %parallel_loop3A_431 = arith.constant 5.000000e-01 : f32
      %parallel_loop3A_432 = vector.broadcast %parallel_loop3A_431 : f32 to vector<16xf32>
      %parallel_loop3A_433 = arith.mulf %parallel_loop3A_432, %parallel_loop3A_430 : vector<16xf32>
      %parallel_loop3A_434 = arith.mulf %parallel_loop3A_433, %parallel_loop3A_430 : vector<16xf32>
      %parallel_loop3A_435 = arith.subf %parallel_loop3A_416, %parallel_loop3A_430 : vector<16xf32>
      %parallel_loop3A_436 = arith.addf %parallel_loop3A_434, %parallel_loop3A_435 : vector<16xf32>
      tpu.vector_store_idx %arg10[%parallel_loop3A_427, %iota3A], %broadcast_in_dim3A_124 {add = true} : memref<10x16xf32, #tpu.memory_space<vmem>>[vector<16xi32>, vector<16xi32>], vector<16xf32>,
      tpu.vector_store_idx %arg11[%parallel_loop3A_427, %iota3A], %parallel_loop3A_436 {add = true} : memref<10x16xf32, #tpu.memory_space<vmem>>[vector<16xi32>, vector<16xi32>], vector<16xf32>,
    } {sc.loop_unroll_factor = 8 : i64, sc.parallel_access}
    %add3A_342 = arith.constant 132480 : i32
    %add3A_343 = arith.addi %add3A_4, %add3A_342 : i32
    %multiple_of3A_344 = tpu.assume_multiple %add3A_343, 128 : i32
    %dma_start3A_345 = arith.constant 0 : i32
    %dma_start3A_346 = tpu.memref_slice %arg2[%dma_start3A_345, %multiple_of3A_344] : memref<1x8000000xf32, #tpu.memory_space<hbm>> -> memref<1x14720xf32, #tpu.memory_space<hbm>>
    %dma_start3A_347 = tpu.memref_squeeze %dma_start3A_346 : memref<1x14720xf32, #tpu.memory_space<hbm>> -> memref<14720xf32, #tpu.memory_space<hbm>>
    %dma_start3A_348 = tpu.memref_slice %arg2[%dma_start3A_345, %multiple_of3A_344] : memref<1x8000000xf32, #tpu.memory_space<hbm>> -> memref<1x14720xf32, #tpu.memory_space<hbm>>
    %dma_start3A_349 = tpu.memref_squeeze %dma_start3A_348 : memref<1x14720xf32, #tpu.memory_space<hbm>> -> memref<14720xf32, #tpu.memory_space<hbm>>
    tpu.enqueue_dma source(%dma_start3A_349 : memref<14720xf32, #tpu.memory_space<hbm>>) target(%arg7 : memref<14720xf32, #tpu.memory_space<vmem>>) target_semaphore(%arg13 : memref<!tpu.dma_semaphore, #tpu.memory_space<semaphore_mem>>)
    %dma_start3A_350 = arith.constant 0 : i32
    %dma_start3A_351 = tpu.memref_slice %arg3[%dma_start3A_350, %multiple_of3A_344] : memref<1x8000000xf32, #tpu.memory_space<hbm>> -> memref<1x14720xf32, #tpu.memory_space<hbm>>
    %dma_start3A_352 = tpu.memref_squeeze %dma_start3A_351 : memref<1x14720xf32, #tpu.memory_space<hbm>> -> memref<14720xf32, #tpu.memory_space<hbm>>
    %dma_start3A_353 = tpu.memref_slice %arg3[%dma_start3A_350, %multiple_of3A_344] : memref<1x8000000xf32, #tpu.memory_space<hbm>> -> memref<1x14720xf32, #tpu.memory_space<hbm>>
    %dma_start3A_354 = tpu.memref_squeeze %dma_start3A_353 : memref<1x14720xf32, #tpu.memory_space<hbm>> -> memref<14720xf32, #tpu.memory_space<hbm>>
    tpu.enqueue_dma source(%dma_start3A_354 : memref<14720xf32, #tpu.memory_space<hbm>>) target(%arg9 : memref<14720xf32, #tpu.memory_space<vmem>>) target_semaphore(%arg15 : memref<!tpu.dma_semaphore, #tpu.memory_space<semaphore_mem>>)
    %dma_wait3A_355 = arith.constant 0 : i32
    %dma_wait3A_356 = tpu.memref_slice %arg2[%dma_wait3A_355, %add3A_4] : memref<1x8000000xf32, #tpu.memory_space<hbm>> -> memref<1x14720xf32, #tpu.memory_space<hbm>>
    %dma_wait3A_357 = tpu.memref_squeeze %dma_wait3A_356 : memref<1x14720xf32, #tpu.memory_space<hbm>> -> memref<14720xf32, #tpu.memory_space<hbm>>
    %dma_wait3A_358 = tpu.memref_slice %arg2[%dma_wait3A_355, %add3A_4] : memref<1x8000000xf32, #tpu.memory_space<hbm>> -> memref<1x14720xf32, #tpu.memory_space<hbm>>
    %dma_wait3A_359 = tpu.memref_squeeze %dma_wait3A_358 : memref<1x14720xf32, #tpu.memory_space<hbm>> -> memref<14720xf32, #tpu.memory_space<hbm>>
    tpu.wait_dma2 semaphore(%arg12 : memref<!tpu.dma_semaphore, #tpu.memory_space<semaphore_mem>>) src(%dma_wait3A_359 : memref<14720xf32, #tpu.memory_space<hbm>>) dst(%arg6 : memref<14720xf32, #tpu.memory_space<vmem>>)
    %dma_wait3A_360 = arith.constant 0 : i32
    %dma_wait3A_361 = tpu.memref_slice %arg3[%dma_wait3A_360, %add3A_4] : memref<1x8000000xf32, #tpu.memory_space<hbm>> -> memref<1x14720xf32, #tpu.memory_space<hbm>>
    %dma_wait3A_362 = tpu.memref_squeeze %dma_wait3A_361 : memref<1x14720xf32, #tpu.memory_space<hbm>> -> memref<14720xf32, #tpu.memory_space<hbm>>
    %dma_wait3A_363 = tpu.memref_slice %arg3[%dma_wait3A_360, %add3A_4] : memref<1x8000000xf32, #tpu.memory_space<hbm>> -> memref<1x14720xf32, #tpu.memory_space<hbm>>
    %dma_wait3A_364 = tpu.memref_squeeze %dma_wait3A_363 : memref<1x14720xf32, #tpu.memory_space<hbm>> -> memref<14720xf32, #tpu.memory_space<hbm>>
    tpu.wait_dma2 semaphore(%arg14 : memref<!tpu.dma_semaphore, #tpu.memory_space<semaphore_mem>>) src(%dma_wait3A_364 : memref<14720xf32, #tpu.memory_space<hbm>>) dst(%arg8 : memref<14720xf32, #tpu.memory_space<vmem>>)
    %parallel_loop3A_365 = arith.constant 0 : i32
    %parallel_loop3A_366 = arith.constant 14720 : i32
    %parallel_loop3A_367 = arith.constant 16 : i32
    scf.for %parallel_loop3A_409 = %parallel_loop3A_365 to %parallel_loop3A_366 step %parallel_loop3A_367  : i32 {
      %parallel_loop3A_410 = tpu.assume_multiple %parallel_loop3A_409, 16 : i32
      %parallel_loop3A_411 = arith.index_cast %parallel_loop3A_410 : i32 to index
      %parallel_loop3A_412 = tpu.vector_load %arg6[%parallel_loop3A_411] {strides = array<i32>} : memref<14720xf32, #tpu.memory_space<vmem>>, vector<16xf32>,
      %parallel_loop3A_413 = arith.index_cast %parallel_loop3A_410 : i32 to index
      %parallel_loop3A_414 = tpu.vector_load %arg8[%parallel_loop3A_413] {strides = array<i32>} : memref<14720xf32, #tpu.memory_space<vmem>>, vector<16xf32>,
      %parallel_loop3A_415 = arith.subf %parallel_loop3A_412, %parallel_loop3A_414 : vector<16xf32>
      %parallel_loop3A_416 = math.absf %parallel_loop3A_415 : vector<16xf32>
      %parallel_loop3A_417 = arith.constant 3.600000e+02 : f32
      %parallel_loop3A_418 = vector.broadcast %parallel_loop3A_417 : f32 to vector<16xf32>
      %parallel_loop3A_419 = arith.subf %parallel_loop3A_418, %parallel_loop3A_416 : vector<16xf32>
      %parallel_loop3A_420 = arith.minimumf %parallel_loop3A_416, %parallel_loop3A_419 : vector<16xf32>
      %parallel_loop3A_421 = arith.constant 0.055555556 : f32
      %parallel_loop3A_422 = vector.broadcast %parallel_loop3A_421 : f32 to vector<16xf32>
      %parallel_loop3A_423 = arith.mulf %parallel_loop3A_420, %parallel_loop3A_422 : vector<16xf32>
      %parallel_loop3A_424 = arith.fptosi %parallel_loop3A_423 : vector<16xf32> to vector<16xi32>
      %parallel_loop3A_425 = arith.constant 9 : i32
      %parallel_loop3A_426 = vector.broadcast %parallel_loop3A_425 : i32 to vector<16xi32>
      %parallel_loop3A_427 = arith.minsi %parallel_loop3A_424, %parallel_loop3A_426 : vector<16xi32>
      %parallel_loop3A_428 = arith.constant 1.000000e+00 : f32
      %parallel_loop3A_429 = vector.broadcast %parallel_loop3A_428 : f32 to vector<16xf32>
      %parallel_loop3A_430 = arith.minimumf %parallel_loop3A_416, %parallel_loop3A_429 : vector<16xf32>
      %parallel_loop3A_431 = arith.constant 5.000000e-01 : f32
      %parallel_loop3A_432 = vector.broadcast %parallel_loop3A_431 : f32 to vector<16xf32>
      %parallel_loop3A_433 = arith.mulf %parallel_loop3A_432, %parallel_loop3A_430 : vector<16xf32>
      %parallel_loop3A_434 = arith.mulf %parallel_loop3A_433, %parallel_loop3A_430 : vector<16xf32>
      %parallel_loop3A_435 = arith.subf %parallel_loop3A_416, %parallel_loop3A_430 : vector<16xf32>
      %parallel_loop3A_436 = arith.addf %parallel_loop3A_434, %parallel_loop3A_435 : vector<16xf32>
      tpu.vector_store_idx %arg10[%parallel_loop3A_427, %iota3A], %broadcast_in_dim3A_124 {add = true} : memref<10x16xf32, #tpu.memory_space<vmem>>[vector<16xi32>, vector<16xi32>], vector<16xf32>,
      tpu.vector_store_idx %arg11[%parallel_loop3A_427, %iota3A], %parallel_loop3A_436 {add = true} : memref<10x16xf32, #tpu.memory_space<vmem>>[vector<16xi32>, vector<16xi32>], vector<16xf32>,
    } {sc.loop_unroll_factor = 8 : i64, sc.parallel_access}
    %add3A_368 = arith.constant 147200 : i32
    %add3A_369 = arith.addi %add3A_4, %add3A_368 : i32
    %multiple_of3A_370 = tpu.assume_multiple %add3A_369, 128 : i32
    %dma_start3A_371 = arith.constant 0 : i32
    %dma_start3A_372 = tpu.memref_slice %arg2[%dma_start3A_371, %multiple_of3A_370] : memref<1x8000000xf32, #tpu.memory_space<hbm>> -> memref<1x14720xf32, #tpu.memory_space<hbm>>
    %dma_start3A_373 = tpu.memref_squeeze %dma_start3A_372 : memref<1x14720xf32, #tpu.memory_space<hbm>> -> memref<14720xf32, #tpu.memory_space<hbm>>
    %dma_start3A_374 = tpu.memref_slice %arg2[%dma_start3A_371, %multiple_of3A_370] : memref<1x8000000xf32, #tpu.memory_space<hbm>> -> memref<1x14720xf32, #tpu.memory_space<hbm>>
    %dma_start3A_375 = tpu.memref_squeeze %dma_start3A_374 : memref<1x14720xf32, #tpu.memory_space<hbm>> -> memref<14720xf32, #tpu.memory_space<hbm>>
    tpu.enqueue_dma source(%dma_start3A_375 : memref<14720xf32, #tpu.memory_space<hbm>>) target(%arg6 : memref<14720xf32, #tpu.memory_space<vmem>>) target_semaphore(%arg12 : memref<!tpu.dma_semaphore, #tpu.memory_space<semaphore_mem>>)
    %dma_start3A_376 = arith.constant 0 : i32
    %dma_start3A_377 = tpu.memref_slice %arg3[%dma_start3A_376, %multiple_of3A_370] : memref<1x8000000xf32, #tpu.memory_space<hbm>> -> memref<1x14720xf32, #tpu.memory_space<hbm>>
    %dma_start3A_378 = tpu.memref_squeeze %dma_start3A_377 : memref<1x14720xf32, #tpu.memory_space<hbm>> -> memref<14720xf32, #tpu.memory_space<hbm>>
    %dma_start3A_379 = tpu.memref_slice %arg3[%dma_start3A_376, %multiple_of3A_370] : memref<1x8000000xf32, #tpu.memory_space<hbm>> -> memref<1x14720xf32, #tpu.memory_space<hbm>>
    %dma_start3A_380 = tpu.memref_squeeze %dma_start3A_379 : memref<1x14720xf32, #tpu.memory_space<hbm>> -> memref<14720xf32, #tpu.memory_space<hbm>>
    tpu.enqueue_dma source(%dma_start3A_380 : memref<14720xf32, #tpu.memory_space<hbm>>) target(%arg8 : memref<14720xf32, #tpu.memory_space<vmem>>) target_semaphore(%arg14 : memref<!tpu.dma_semaphore, #tpu.memory_space<semaphore_mem>>)
    %dma_wait3A_381 = arith.constant 0 : i32
    %dma_wait3A_382 = tpu.memref_slice %arg2[%dma_wait3A_381, %add3A_4] : memref<1x8000000xf32, #tpu.memory_space<hbm>> -> memref<1x14720xf32, #tpu.memory_space<hbm>>
    %dma_wait3A_383 = tpu.memref_squeeze %dma_wait3A_382 : memref<1x14720xf32, #tpu.memory_space<hbm>> -> memref<14720xf32, #tpu.memory_space<hbm>>
    %dma_wait3A_384 = tpu.memref_slice %arg2[%dma_wait3A_381, %add3A_4] : memref<1x8000000xf32, #tpu.memory_space<hbm>> -> memref<1x14720xf32, #tpu.memory_space<hbm>>
    %dma_wait3A_385 = tpu.memref_squeeze %dma_wait3A_384 : memref<1x14720xf32, #tpu.memory_space<hbm>> -> memref<14720xf32, #tpu.memory_space<hbm>>
    tpu.wait_dma2 semaphore(%arg13 : memref<!tpu.dma_semaphore, #tpu.memory_space<semaphore_mem>>) src(%dma_wait3A_385 : memref<14720xf32, #tpu.memory_space<hbm>>) dst(%arg7 : memref<14720xf32, #tpu.memory_space<vmem>>)
    %dma_wait3A_386 = arith.constant 0 : i32
    %dma_wait3A_387 = tpu.memref_slice %arg3[%dma_wait3A_386, %add3A_4] : memref<1x8000000xf32, #tpu.memory_space<hbm>> -> memref<1x14720xf32, #tpu.memory_space<hbm>>
    %dma_wait3A_388 = tpu.memref_squeeze %dma_wait3A_387 : memref<1x14720xf32, #tpu.memory_space<hbm>> -> memref<14720xf32, #tpu.memory_space<hbm>>
    %dma_wait3A_389 = tpu.memref_slice %arg3[%dma_wait3A_386, %add3A_4] : memref<1x8000000xf32, #tpu.memory_space<hbm>> -> memref<1x14720xf32, #tpu.memory_space<hbm>>
    %dma_wait3A_390 = tpu.memref_squeeze %dma_wait3A_389 : memref<1x14720xf32, #tpu.memory_space<hbm>> -> memref<14720xf32, #tpu.memory_space<hbm>>
    tpu.wait_dma2 semaphore(%arg15 : memref<!tpu.dma_semaphore, #tpu.memory_space<semaphore_mem>>) src(%dma_wait3A_390 : memref<14720xf32, #tpu.memory_space<hbm>>) dst(%arg9 : memref<14720xf32, #tpu.memory_space<vmem>>)
    %parallel_loop3A_391 = arith.constant 0 : i32
    %parallel_loop3A_392 = arith.constant 14720 : i32
    %parallel_loop3A_393 = arith.constant 16 : i32
    scf.for %parallel_loop3A_409 = %parallel_loop3A_391 to %parallel_loop3A_392 step %parallel_loop3A_393  : i32 {
      %parallel_loop3A_410 = tpu.assume_multiple %parallel_loop3A_409, 16 : i32
      %parallel_loop3A_411 = arith.index_cast %parallel_loop3A_410 : i32 to index
      %parallel_loop3A_412 = tpu.vector_load %arg7[%parallel_loop3A_411] {strides = array<i32>} : memref<14720xf32, #tpu.memory_space<vmem>>, vector<16xf32>,
      %parallel_loop3A_413 = arith.index_cast %parallel_loop3A_410 : i32 to index
      %parallel_loop3A_414 = tpu.vector_load %arg9[%parallel_loop3A_413] {strides = array<i32>} : memref<14720xf32, #tpu.memory_space<vmem>>, vector<16xf32>,
      %parallel_loop3A_415 = arith.subf %parallel_loop3A_412, %parallel_loop3A_414 : vector<16xf32>
      %parallel_loop3A_416 = math.absf %parallel_loop3A_415 : vector<16xf32>
      %parallel_loop3A_417 = arith.constant 3.600000e+02 : f32
      %parallel_loop3A_418 = vector.broadcast %parallel_loop3A_417 : f32 to vector<16xf32>
      %parallel_loop3A_419 = arith.subf %parallel_loop3A_418, %parallel_loop3A_416 : vector<16xf32>
      %parallel_loop3A_420 = arith.minimumf %parallel_loop3A_416, %parallel_loop3A_419 : vector<16xf32>
      %parallel_loop3A_421 = arith.constant 0.055555556 : f32
      %parallel_loop3A_422 = vector.broadcast %parallel_loop3A_421 : f32 to vector<16xf32>
      %parallel_loop3A_423 = arith.mulf %parallel_loop3A_420, %parallel_loop3A_422 : vector<16xf32>
      %parallel_loop3A_424 = arith.fptosi %parallel_loop3A_423 : vector<16xf32> to vector<16xi32>
      %parallel_loop3A_425 = arith.constant 9 : i32
      %parallel_loop3A_426 = vector.broadcast %parallel_loop3A_425 : i32 to vector<16xi32>
      %parallel_loop3A_427 = arith.minsi %parallel_loop3A_424, %parallel_loop3A_426 : vector<16xi32>
      %parallel_loop3A_428 = arith.constant 1.000000e+00 : f32
      %parallel_loop3A_429 = vector.broadcast %parallel_loop3A_428 : f32 to vector<16xf32>
      %parallel_loop3A_430 = arith.minimumf %parallel_loop3A_416, %parallel_loop3A_429 : vector<16xf32>
      %parallel_loop3A_431 = arith.constant 5.000000e-01 : f32
      %parallel_loop3A_432 = vector.broadcast %parallel_loop3A_431 : f32 to vector<16xf32>
      %parallel_loop3A_433 = arith.mulf %parallel_loop3A_432, %parallel_loop3A_430 : vector<16xf32>
      %parallel_loop3A_434 = arith.mulf %parallel_loop3A_433, %parallel_loop3A_430 : vector<16xf32>
      %parallel_loop3A_435 = arith.subf %parallel_loop3A_416, %parallel_loop3A_430 : vector<16xf32>
      %parallel_loop3A_436 = arith.addf %parallel_loop3A_434, %parallel_loop3A_435 : vector<16xf32>
      tpu.vector_store_idx %arg10[%parallel_loop3A_427, %iota3A], %broadcast_in_dim3A_124 {add = true} : memref<10x16xf32, #tpu.memory_space<vmem>>[vector<16xi32>, vector<16xi32>], vector<16xf32>,
      tpu.vector_store_idx %arg11[%parallel_loop3A_427, %iota3A], %parallel_loop3A_436 {add = true} : memref<10x16xf32, #tpu.memory_space<vmem>>[vector<16xi32>, vector<16xi32>], vector<16xf32>,
    } {sc.loop_unroll_factor = 8 : i64, sc.parallel_access}
    %dma_wait3A_394 = arith.constant 0 : i32
    %dma_wait3A_395 = tpu.memref_slice %arg2[%dma_wait3A_394, %add3A_4] : memref<1x8000000xf32, #tpu.memory_space<hbm>> -> memref<1x14720xf32, #tpu.memory_space<hbm>>
    %dma_wait3A_396 = tpu.memref_squeeze %dma_wait3A_395 : memref<1x14720xf32, #tpu.memory_space<hbm>> -> memref<14720xf32, #tpu.memory_space<hbm>>
    %dma_wait3A_397 = tpu.memref_slice %arg2[%dma_wait3A_394, %add3A_4] : memref<1x8000000xf32, #tpu.memory_space<hbm>> -> memref<1x14720xf32, #tpu.memory_space<hbm>>
    %dma_wait3A_398 = tpu.memref_squeeze %dma_wait3A_397 : memref<1x14720xf32, #tpu.memory_space<hbm>> -> memref<14720xf32, #tpu.memory_space<hbm>>
    tpu.wait_dma2 semaphore(%arg12 : memref<!tpu.dma_semaphore, #tpu.memory_space<semaphore_mem>>) src(%dma_wait3A_398 : memref<14720xf32, #tpu.memory_space<hbm>>) dst(%arg6 : memref<14720xf32, #tpu.memory_space<vmem>>)
    %dma_wait3A_399 = arith.constant 0 : i32
    %dma_wait3A_400 = tpu.memref_slice %arg3[%dma_wait3A_399, %add3A_4] : memref<1x8000000xf32, #tpu.memory_space<hbm>> -> memref<1x14720xf32, #tpu.memory_space<hbm>>
    %dma_wait3A_401 = tpu.memref_squeeze %dma_wait3A_400 : memref<1x14720xf32, #tpu.memory_space<hbm>> -> memref<14720xf32, #tpu.memory_space<hbm>>
    %dma_wait3A_402 = tpu.memref_slice %arg3[%dma_wait3A_399, %add3A_4] : memref<1x8000000xf32, #tpu.memory_space<hbm>> -> memref<1x14720xf32, #tpu.memory_space<hbm>>
    %dma_wait3A_403 = tpu.memref_squeeze %dma_wait3A_402 : memref<1x14720xf32, #tpu.memory_space<hbm>> -> memref<14720xf32, #tpu.memory_space<hbm>>
    tpu.wait_dma2 semaphore(%arg14 : memref<!tpu.dma_semaphore, #tpu.memory_space<semaphore_mem>>) src(%dma_wait3A_403 : memref<14720xf32, #tpu.memory_space<hbm>>) dst(%arg8 : memref<14720xf32, #tpu.memory_space<vmem>>)
    %parallel_loop3A_404 = arith.constant 0 : i32
    %parallel_loop3A_405 = arith.constant 14720 : i32
    %parallel_loop3A_406 = arith.constant 16 : i32
    scf.for %parallel_loop3A_409 = %parallel_loop3A_404 to %parallel_loop3A_405 step %parallel_loop3A_406  : i32 {
      %parallel_loop3A_410 = tpu.assume_multiple %parallel_loop3A_409, 16 : i32
      %parallel_loop3A_411 = arith.index_cast %parallel_loop3A_410 : i32 to index
      %parallel_loop3A_412 = tpu.vector_load %arg6[%parallel_loop3A_411] {strides = array<i32>} : memref<14720xf32, #tpu.memory_space<vmem>>, vector<16xf32>,
      %parallel_loop3A_413 = arith.index_cast %parallel_loop3A_410 : i32 to index
      %parallel_loop3A_414 = tpu.vector_load %arg8[%parallel_loop3A_413] {strides = array<i32>} : memref<14720xf32, #tpu.memory_space<vmem>>, vector<16xf32>,
      %parallel_loop3A_415 = arith.subf %parallel_loop3A_412, %parallel_loop3A_414 : vector<16xf32>
      %parallel_loop3A_416 = math.absf %parallel_loop3A_415 : vector<16xf32>
      %parallel_loop3A_417 = arith.constant 3.600000e+02 : f32
      %parallel_loop3A_418 = vector.broadcast %parallel_loop3A_417 : f32 to vector<16xf32>
      %parallel_loop3A_419 = arith.subf %parallel_loop3A_418, %parallel_loop3A_416 : vector<16xf32>
      %parallel_loop3A_420 = arith.minimumf %parallel_loop3A_416, %parallel_loop3A_419 : vector<16xf32>
      %parallel_loop3A_421 = arith.constant 0.055555556 : f32
      %parallel_loop3A_422 = vector.broadcast %parallel_loop3A_421 : f32 to vector<16xf32>
      %parallel_loop3A_423 = arith.mulf %parallel_loop3A_420, %parallel_loop3A_422 : vector<16xf32>
      %parallel_loop3A_424 = arith.fptosi %parallel_loop3A_423 : vector<16xf32> to vector<16xi32>
      %parallel_loop3A_425 = arith.constant 9 : i32
      %parallel_loop3A_426 = vector.broadcast %parallel_loop3A_425 : i32 to vector<16xi32>
      %parallel_loop3A_427 = arith.minsi %parallel_loop3A_424, %parallel_loop3A_426 : vector<16xi32>
      %parallel_loop3A_428 = arith.constant 1.000000e+00 : f32
      %parallel_loop3A_429 = vector.broadcast %parallel_loop3A_428 : f32 to vector<16xf32>
      %parallel_loop3A_430 = arith.minimumf %parallel_loop3A_416, %parallel_loop3A_429 : vector<16xf32>
      %parallel_loop3A_431 = arith.constant 5.000000e-01 : f32
      %parallel_loop3A_432 = vector.broadcast %parallel_loop3A_431 : f32 to vector<16xf32>
      %parallel_loop3A_433 = arith.mulf %parallel_loop3A_432, %parallel_loop3A_430 : vector<16xf32>
      %parallel_loop3A_434 = arith.mulf %parallel_loop3A_433, %parallel_loop3A_430 : vector<16xf32>
      %parallel_loop3A_435 = arith.subf %parallel_loop3A_416, %parallel_loop3A_430 : vector<16xf32>
      %parallel_loop3A_436 = arith.addf %parallel_loop3A_434, %parallel_loop3A_435 : vector<16xf32>
      tpu.vector_store_idx %arg10[%parallel_loop3A_427, %iota3A], %broadcast_in_dim3A_124 {add = true} : memref<10x16xf32, #tpu.memory_space<vmem>>[vector<16xi32>, vector<16xi32>], vector<16xf32>,
      tpu.vector_store_idx %arg11[%parallel_loop3A_427, %iota3A], %parallel_loop3A_436 {add = true} : memref<10x16xf32, #tpu.memory_space<vmem>>[vector<16xi32>, vector<16xi32>], vector<16xf32>,
    } {sc.loop_unroll_factor = 8 : i64, sc.parallel_access}
    %eq3A = arith.constant 0 : i32
    %eq3A_407 = arith.cmpi eq, %add3A, %eq3A : i32
    %convert_element_type3A = arith.extui %eq3A_407 : i1 to i32
    %cond3A = arith.constant 0 : i32
    %cond3A_408 = arith.cmpi ne, %convert_element_type3A, %cond3A : i32
    scf.if %cond3A_408 {
      %dma_start3A_409 = arith.constant 0 : i32
      %dma_start3A_410 = arith.constant 0 : i32
      %dma_start3A_411 = tpu.memref_slice %arg6[%dma_start3A_410] : memref<14720xf32, #tpu.memory_space<vmem>> -> memref<512xf32, #tpu.memory_space<vmem>>
      %dma_start3A_412 = arith.constant 7999488 : i32
      %dma_start3A_413 = tpu.memref_slice %arg2[%dma_start3A_409, %dma_start3A_412] : memref<1x8000000xf32, #tpu.memory_space<hbm>> -> memref<1x512xf32, #tpu.memory_space<hbm>>
      %dma_start3A_414 = tpu.memref_squeeze %dma_start3A_413 : memref<1x512xf32, #tpu.memory_space<hbm>> -> memref<512xf32, #tpu.memory_space<hbm>>
      %dma_start3A_415 = arith.constant 0 : i32
      %dma_start3A_416 = tpu.memref_slice %arg6[%dma_start3A_415] : memref<14720xf32, #tpu.memory_space<vmem>> -> memref<512xf32, #tpu.memory_space<vmem>>
      %dma_start3A_417 = arith.constant 7999488 : i32
      %dma_start3A_418 = tpu.memref_slice %arg2[%dma_start3A_409, %dma_start3A_417] : memref<1x8000000xf32, #tpu.memory_space<hbm>> -> memref<1x512xf32, #tpu.memory_space<hbm>>
      %dma_start3A_419 = tpu.memref_squeeze %dma_start3A_418 : memref<1x512xf32, #tpu.memory_space<hbm>> -> memref<512xf32, #tpu.memory_space<hbm>>
      tpu.enqueue_dma source(%dma_start3A_419 : memref<512xf32, #tpu.memory_space<hbm>>) target(%dma_start3A_416 : memref<512xf32, #tpu.memory_space<vmem>>) target_semaphore(%arg12 : memref<!tpu.dma_semaphore, #tpu.memory_space<semaphore_mem>>)
      %dma_start3A_420 = arith.constant 0 : i32
      %dma_start3A_421 = arith.constant 0 : i32
      %dma_start3A_422 = tpu.memref_slice %arg8[%dma_start3A_421] : memref<14720xf32, #tpu.memory_space<vmem>> -> memref<512xf32, #tpu.memory_space<vmem>>
      %dma_start3A_423 = arith.constant 7999488 : i32
      %dma_start3A_424 = tpu.memref_slice %arg3[%dma_start3A_420, %dma_start3A_423] : memref<1x8000000xf32, #tpu.memory_space<hbm>> -> memref<1x512xf32, #tpu.memory_space<hbm>>
      %dma_start3A_425 = tpu.memref_squeeze %dma_start3A_424 : memref<1x512xf32, #tpu.memory_space<hbm>> -> memref<512xf32, #tpu.memory_space<hbm>>
      %dma_start3A_426 = arith.constant 0 : i32
      %dma_start3A_427 = tpu.memref_slice %arg8[%dma_start3A_426] : memref<14720xf32, #tpu.memory_space<vmem>> -> memref<512xf32, #tpu.memory_space<vmem>>
      %dma_start3A_428 = arith.constant 7999488 : i32
      %dma_start3A_429 = tpu.memref_slice %arg3[%dma_start3A_420, %dma_start3A_428] : memref<1x8000000xf32, #tpu.memory_space<hbm>> -> memref<1x512xf32, #tpu.memory_space<hbm>>
      %dma_start3A_430 = tpu.memref_squeeze %dma_start3A_429 : memref<1x512xf32, #tpu.memory_space<hbm>> -> memref<512xf32, #tpu.memory_space<hbm>>
      tpu.enqueue_dma source(%dma_start3A_430 : memref<512xf32, #tpu.memory_space<hbm>>) target(%dma_start3A_427 : memref<512xf32, #tpu.memory_space<vmem>>) target_semaphore(%arg14 : memref<!tpu.dma_semaphore, #tpu.memory_space<semaphore_mem>>)
      %dma_wait3A_431 = arith.constant 0 : i32
      %dma_wait3A_432 = arith.constant 0 : i32
      %dma_wait3A_433 = tpu.memref_slice %arg6[%dma_wait3A_432] : memref<14720xf32, #tpu.memory_space<vmem>> -> memref<512xf32, #tpu.memory_space<vmem>>
      %dma_wait3A_434 = arith.constant 7999488 : i32
      %dma_wait3A_435 = tpu.memref_slice %arg2[%dma_wait3A_431, %dma_wait3A_434] : memref<1x8000000xf32, #tpu.memory_space<hbm>> -> memref<1x512xf32, #tpu.memory_space<hbm>>
      %dma_wait3A_436 = tpu.memref_squeeze %dma_wait3A_435 : memref<1x512xf32, #tpu.memory_space<hbm>> -> memref<512xf32, #tpu.memory_space<hbm>>
      %dma_wait3A_437 = arith.constant 0 : i32
      %dma_wait3A_438 = tpu.memref_slice %arg6[%dma_wait3A_437] : memref<14720xf32, #tpu.memory_space<vmem>> -> memref<512xf32, #tpu.memory_space<vmem>>
      %dma_wait3A_439 = arith.constant 7999488 : i32
      %dma_wait3A_440 = tpu.memref_slice %arg2[%dma_wait3A_431, %dma_wait3A_439] : memref<1x8000000xf32, #tpu.memory_space<hbm>> -> memref<1x512xf32, #tpu.memory_space<hbm>>
      %dma_wait3A_441 = tpu.memref_squeeze %dma_wait3A_440 : memref<1x512xf32, #tpu.memory_space<hbm>> -> memref<512xf32, #tpu.memory_space<hbm>>
      tpu.wait_dma2 semaphore(%arg12 : memref<!tpu.dma_semaphore, #tpu.memory_space<semaphore_mem>>) src(%dma_wait3A_441 : memref<512xf32, #tpu.memory_space<hbm>>) dst(%dma_wait3A_438 : memref<512xf32, #tpu.memory_space<vmem>>)
      %dma_wait3A_442 = arith.constant 0 : i32
      %dma_wait3A_443 = arith.constant 0 : i32
      %dma_wait3A_444 = tpu.memref_slice %arg8[%dma_wait3A_443] : memref<14720xf32, #tpu.memory_space<vmem>> -> memref<512xf32, #tpu.memory_space<vmem>>
      %dma_wait3A_445 = arith.constant 7999488 : i32
      %dma_wait3A_446 = tpu.memref_slice %arg3[%dma_wait3A_442, %dma_wait3A_445] : memref<1x8000000xf32, #tpu.memory_space<hbm>> -> memref<1x512xf32, #tpu.memory_space<hbm>>
      %dma_wait3A_447 = tpu.memref_squeeze %dma_wait3A_446 : memref<1x512xf32, #tpu.memory_space<hbm>> -> memref<512xf32, #tpu.memory_space<hbm>>
      %dma_wait3A_448 = arith.constant 0 : i32
      %dma_wait3A_449 = tpu.memref_slice %arg8[%dma_wait3A_448] : memref<14720xf32, #tpu.memory_space<vmem>> -> memref<512xf32, #tpu.memory_space<vmem>>
      %dma_wait3A_450 = arith.constant 7999488 : i32
      %dma_wait3A_451 = tpu.memref_slice %arg3[%dma_wait3A_442, %dma_wait3A_450] : memref<1x8000000xf32, #tpu.memory_space<hbm>> -> memref<1x512xf32, #tpu.memory_space<hbm>>
      %dma_wait3A_452 = tpu.memref_squeeze %dma_wait3A_451 : memref<1x512xf32, #tpu.memory_space<hbm>> -> memref<512xf32, #tpu.memory_space<hbm>>
      tpu.wait_dma2 semaphore(%arg14 : memref<!tpu.dma_semaphore, #tpu.memory_space<semaphore_mem>>) src(%dma_wait3A_452 : memref<512xf32, #tpu.memory_space<hbm>>) dst(%dma_wait3A_449 : memref<512xf32, #tpu.memory_space<vmem>>)
      %parallel_loop3A_453 = arith.constant 0 : i32
      %parallel_loop3A_454 = arith.constant 512 : i32
      %parallel_loop3A_455 = arith.constant 16 : i32
      scf.for %parallel_loop3A_456 = %parallel_loop3A_453 to %parallel_loop3A_454 step %parallel_loop3A_455  : i32 {
        %parallel_loop3A_457 = tpu.assume_multiple %parallel_loop3A_456, 16 : i32
        %parallel_loop3A_458 = arith.index_cast %parallel_loop3A_457 : i32 to index
        %parallel_loop3A_459 = tpu.vector_load %arg6[%parallel_loop3A_458] {strides = array<i32>} : memref<14720xf32, #tpu.memory_space<vmem>>, vector<16xf32>,
        %parallel_loop3A_460 = arith.index_cast %parallel_loop3A_457 : i32 to index
        %parallel_loop3A_461 = tpu.vector_load %arg8[%parallel_loop3A_460] {strides = array<i32>} : memref<14720xf32, #tpu.memory_space<vmem>>, vector<16xf32>,
        %parallel_loop3A_462 = arith.subf %parallel_loop3A_459, %parallel_loop3A_461 : vector<16xf32>
        %parallel_loop3A_463 = math.absf %parallel_loop3A_462 : vector<16xf32>
        %parallel_loop3A_464 = arith.constant 3.600000e+02 : f32
        %parallel_loop3A_465 = vector.broadcast %parallel_loop3A_464 : f32 to vector<16xf32>
        %parallel_loop3A_466 = arith.subf %parallel_loop3A_465, %parallel_loop3A_463 : vector<16xf32>
        %parallel_loop3A_467 = arith.minimumf %parallel_loop3A_463, %parallel_loop3A_466 : vector<16xf32>
        %parallel_loop3A_468 = arith.constant 0.055555556 : f32
        %parallel_loop3A_469 = vector.broadcast %parallel_loop3A_468 : f32 to vector<16xf32>
        %parallel_loop3A_470 = arith.mulf %parallel_loop3A_467, %parallel_loop3A_469 : vector<16xf32>
        %parallel_loop3A_471 = arith.fptosi %parallel_loop3A_470 : vector<16xf32> to vector<16xi32>
        %parallel_loop3A_472 = arith.constant 9 : i32
        %parallel_loop3A_473 = vector.broadcast %parallel_loop3A_472 : i32 to vector<16xi32>
        %parallel_loop3A_474 = arith.minsi %parallel_loop3A_471, %parallel_loop3A_473 : vector<16xi32>
        %parallel_loop3A_475 = arith.constant 1.000000e+00 : f32
        %parallel_loop3A_476 = vector.broadcast %parallel_loop3A_475 : f32 to vector<16xf32>
        %parallel_loop3A_477 = arith.minimumf %parallel_loop3A_463, %parallel_loop3A_476 : vector<16xf32>
        %parallel_loop3A_478 = arith.constant 5.000000e-01 : f32
        %parallel_loop3A_479 = vector.broadcast %parallel_loop3A_478 : f32 to vector<16xf32>
        %parallel_loop3A_480 = arith.mulf %parallel_loop3A_479, %parallel_loop3A_477 : vector<16xf32>
        %parallel_loop3A_481 = arith.mulf %parallel_loop3A_480, %parallel_loop3A_477 : vector<16xf32>
        %parallel_loop3A_482 = arith.subf %parallel_loop3A_463, %parallel_loop3A_477 : vector<16xf32>
        %parallel_loop3A_483 = arith.addf %parallel_loop3A_481, %parallel_loop3A_482 : vector<16xf32>
        tpu.vector_store_idx %arg10[%parallel_loop3A_474, %iota3A], %broadcast_in_dim3A_124 {add = true} : memref<10x16xf32, #tpu.memory_space<vmem>>[vector<16xi32>, vector<16xi32>], vector<16xf32>,
        tpu.vector_store_idx %arg11[%parallel_loop3A_474, %iota3A], %parallel_loop3A_483 {add = true} : memref<10x16xf32, #tpu.memory_space<vmem>>[vector<16xi32>, vector<16xi32>], vector<16xf32>,
      } {sc.loop_unroll_factor = 8 : i64, sc.parallel_access}
    } else {
    }
    "tpu.region"() ({
      %run_scoped3A = tpu.sem_alloc : memref<!tpu.dma_semaphore, #tpu.memory_space<semaphore_mem>>
      %dma_start3A_409 = arith.constant 0 : i32
      %dma_start3A_410 = arith.constant 0 : i32
      %dma_start3A_411 = tpu.memref_slice %arg4[%add3A, %dma_start3A_409, %dma_start3A_410] : memref<32x10x16xf32, #tpu.memory_space<hbm>> -> memref<1x10x16xf32, #tpu.memory_space<hbm>>
      %dma_start3A_412 = tpu.memref_squeeze %dma_start3A_411 : memref<1x10x16xf32, #tpu.memory_space<hbm>> -> memref<10x16xf32, #tpu.memory_space<hbm>>
      %dma_start3A_413 = arith.constant 0 : i32
      %dma_start3A_414 = arith.constant 0 : i32
      %dma_start3A_415 = tpu.memref_slice %arg4[%add3A, %dma_start3A_413, %dma_start3A_414] : memref<32x10x16xf32, #tpu.memory_space<hbm>> -> memref<1x10x16xf32, #tpu.memory_space<hbm>>
      %dma_start3A_416 = tpu.memref_squeeze %dma_start3A_415 : memref<1x10x16xf32, #tpu.memory_space<hbm>> -> memref<10x16xf32, #tpu.memory_space<hbm>>
      tpu.enqueue_dma source(%arg10 : memref<10x16xf32, #tpu.memory_space<vmem>>) target(%dma_start3A_416 : memref<10x16xf32, #tpu.memory_space<hbm>>) target_semaphore(%run_scoped3A : memref<!tpu.dma_semaphore, #tpu.memory_space<semaphore_mem>>)
      %dma_wait3A_417 = arith.constant 0 : i32
      %dma_wait3A_418 = arith.constant 0 : i32
      %dma_wait3A_419 = tpu.memref_slice %arg4[%add3A, %dma_wait3A_417, %dma_wait3A_418] : memref<32x10x16xf32, #tpu.memory_space<hbm>> -> memref<1x10x16xf32, #tpu.memory_space<hbm>>
      %dma_wait3A_420 = tpu.memref_squeeze %dma_wait3A_419 : memref<1x10x16xf32, #tpu.memory_space<hbm>> -> memref<10x16xf32, #tpu.memory_space<hbm>>
      %dma_wait3A_421 = arith.constant 0 : i32
      %dma_wait3A_422 = arith.constant 0 : i32
      %dma_wait3A_423 = tpu.memref_slice %arg4[%add3A, %dma_wait3A_421, %dma_wait3A_422] : memref<32x10x16xf32, #tpu.memory_space<hbm>> -> memref<1x10x16xf32, #tpu.memory_space<hbm>>
      %dma_wait3A_424 = tpu.memref_squeeze %dma_wait3A_423 : memref<1x10x16xf32, #tpu.memory_space<hbm>> -> memref<10x16xf32, #tpu.memory_space<hbm>>
      tpu.wait_dma2 semaphore(%run_scoped3A : memref<!tpu.dma_semaphore, #tpu.memory_space<semaphore_mem>>) src(%arg10 : memref<10x16xf32, #tpu.memory_space<vmem>>) dst(%dma_wait3A_424 : memref<10x16xf32, #tpu.memory_space<hbm>>)
      tpu.yield
    }) : () -> ()
    "tpu.region"() ({
      %run_scoped3A = tpu.sem_alloc : memref<!tpu.dma_semaphore, #tpu.memory_space<semaphore_mem>>
      %dma_start3A_409 = arith.constant 0 : i32
      %dma_start3A_410 = arith.constant 0 : i32
      %dma_start3A_411 = tpu.memref_slice %arg5[%add3A, %dma_start3A_409, %dma_start3A_410] : memref<32x10x16xf32, #tpu.memory_space<hbm>> -> memref<1x10x16xf32, #tpu.memory_space<hbm>>
      %dma_start3A_412 = tpu.memref_squeeze %dma_start3A_411 : memref<1x10x16xf32, #tpu.memory_space<hbm>> -> memref<10x16xf32, #tpu.memory_space<hbm>>
      %dma_start3A_413 = arith.constant 0 : i32
      %dma_start3A_414 = arith.constant 0 : i32
      %dma_start3A_415 = tpu.memref_slice %arg5[%add3A, %dma_start3A_413, %dma_start3A_414] : memref<32x10x16xf32, #tpu.memory_space<hbm>> -> memref<1x10x16xf32, #tpu.memory_space<hbm>>
      %dma_start3A_416 = tpu.memref_squeeze %dma_start3A_415 : memref<1x10x16xf32, #tpu.memory_space<hbm>> -> memref<10x16xf32, #tpu.memory_space<hbm>>
      tpu.enqueue_dma source(%arg11 : memref<10x16xf32, #tpu.memory_space<vmem>>) target(%dma_start3A_416 : memref<10x16xf32, #tpu.memory_space<hbm>>) target_semaphore(%run_scoped3A : memref<!tpu.dma_semaphore, #tpu.memory_space<semaphore_mem>>)
      %dma_wait3A_417 = arith.constant 0 : i32
      %dma_wait3A_418 = arith.constant 0 : i32
      %dma_wait3A_419 = tpu.memref_slice %arg5[%add3A, %dma_wait3A_417, %dma_wait3A_418] : memref<32x10x16xf32, #tpu.memory_space<hbm>> -> memref<1x10x16xf32, #tpu.memory_space<hbm>>
      %dma_wait3A_420 = tpu.memref_squeeze %dma_wait3A_419 : memref<1x10x16xf32, #tpu.memory_space<hbm>> -> memref<10x16xf32, #tpu.memory_space<hbm>>
      %dma_wait3A_421 = arith.constant 0 : i32
      %dma_wait3A_422 = arith.constant 0 : i32
      %dma_wait3A_423 = tpu.memref_slice %arg5[%add3A, %dma_wait3A_421, %dma_wait3A_422] : memref<32x10x16xf32, #tpu.memory_space<hbm>> -> memref<1x10x16xf32, #tpu.memory_space<hbm>>
      %dma_wait3A_424 = tpu.memref_squeeze %dma_wait3A_423 : memref<1x10x16xf32, #tpu.memory_space<hbm>> -> memref<10x16xf32, #tpu.memory_space<hbm>>
      tpu.wait_dma2 semaphore(%run_scoped3A : memref<!tpu.dma_semaphore, #tpu.memory_space<semaphore_mem>>) src(%arg11 : memref<10x16xf32, #tpu.memory_space<vmem>>) dst(%dma_wait3A_424 : memref<10x16xf32, #tpu.memory_space<hbm>>)
      tpu.yield
    }) : () -> ()
    return
  }
}

module attributes {stable_mosaic.version = 14 : i64} {
  func.func @ck(%arg0: memref<32x10x16xf32, #tpu.memory_space<vmem>>, %arg1: memref<32x10x16xf32, #tpu.memory_space<vmem>>, %arg2: memref<20x128xf32, #tpu.memory_space<vmem>>, %arg3: memref<1x1xf32, #tpu.memory_space<vmem>>) attributes {dimension_semantics = [], scalar_prefetch = 0 : i64, scratch_operands = 0 : i64, tpu.core_type = #tpu.core_type<tc>} {
    %get3A = arith.constant 0 : index
    %get3A_0 = arith.constant 0 : index
    %get3A_1 = arith.constant 0 : index
    %get3A_2 = vector.load %arg0[%get3A, %get3A_0, %get3A_1] : memref<32x10x16xf32, #tpu.memory_space<vmem>>, vector<32x10x16xf32>
    %reduce_sum3A = arith.constant dense<0.000000e+00> : vector<10x16xf32>
    %reduce_sum3A_3 = vector.multi_reduction <add>, %get3A_2, %reduce_sum3A [0] : vector<32x10x16xf32> to vector<10x16xf32>
    %reduce_sum3A_4 = arith.constant dense<0.000000e+00> : vector<10xf32>
    %reduce_sum3A_5 = vector.multi_reduction <add>, %reduce_sum3A_3, %reduce_sum3A_4 [1] : vector<10x16xf32> to vector<10xf32>
    %broadcast_in_dim3A = vector.shape_cast %reduce_sum3A_5 : vector<10xf32> to vector<10x1xf32>
    %get3A_6 = arith.constant 0 : index
    %get3A_7 = arith.constant 0 : index
    %get3A_8 = arith.constant 0 : index
    %get3A_9 = vector.load %arg1[%get3A_6, %get3A_7, %get3A_8] : memref<32x10x16xf32, #tpu.memory_space<vmem>>, vector<32x10x16xf32>
    %reduce_sum3A_10 = arith.constant dense<0.000000e+00> : vector<10x16xf32>
    %reduce_sum3A_11 = vector.multi_reduction <add>, %get3A_9, %reduce_sum3A_10 [0] : vector<32x10x16xf32> to vector<10x16xf32>
    %reduce_sum3A_12 = arith.constant dense<0.000000e+00> : vector<10xf32>
    %reduce_sum3A_13 = vector.multi_reduction <add>, %reduce_sum3A_11, %reduce_sum3A_12 [1] : vector<10x16xf32> to vector<10xf32>
    %broadcast_in_dim3A_14 = vector.shape_cast %reduce_sum3A_13 : vector<10xf32> to vector<10x1xf32>
    %get3A_15 = arith.constant 0 : index
    %get3A_16 = arith.constant 0 : index
    %get3A_17 = vector.load %arg2[%get3A_15, %get3A_16] : memref<20x128xf32, #tpu.memory_space<vmem>>, vector<20x128xf32>
    %reduce_sum3A_18 = arith.constant dense<0.000000e+00> : vector<20xf32>
    %reduce_sum3A_19 = vector.multi_reduction <add>, %get3A_17, %reduce_sum3A_18 [1] : vector<20x128xf32> to vector<20xf32>
    %broadcast_in_dim3A_20 = vector.shape_cast %reduce_sum3A_19 : vector<20xf32> to vector<20x1xf32>
    %slice3A = vector.extract_strided_slice %broadcast_in_dim3A_20 {offsets = [0, 0], sizes = [10, 1], strides = [1, 1]} : vector<20x1xf32> to vector<10x1xf32>
    %slice3A_21 = vector.extract_strided_slice %broadcast_in_dim3A_20 {offsets = [10, 0], sizes = [10, 1], strides = [1, 1]} : vector<20x1xf32> to vector<10x1xf32>
    %broadcast_in_dim3A_22 = arith.constant 0.000000e+00 : f32
    %broadcast_in_dim3A_23 = vector.broadcast %broadcast_in_dim3A_22 : f32 to vector<1x1xf32>
    %broadcast_in_dim3A_24 = arith.constant 0x4A2C0000 : f32
    %broadcast_in_dim3A_25 = vector.broadcast %broadcast_in_dim3A_24 : f32 to vector<1x1xf32>
    %slice3A_26 = vector.extract_strided_slice %slice3A {offsets = [1, 0], sizes = [9, 1], strides = [1, 1]} : vector<10x1xf32> to vector<9x1xf32>
    %concatenate3A = tpu.concatenate %broadcast_in_dim3A_25, %slice3A_26 in 0 : vector<1x1xf32>, vector<9x1xf32> -> vector<10x1xf32>
    %slice3A_27 = vector.extract_strided_slice %slice3A {offsets = [1, 0], sizes = [9, 1], strides = [1, 1]} : vector<10x1xf32> to vector<9x1xf32>
    %concatenate3A_28 = tpu.concatenate %slice3A_27, %broadcast_in_dim3A_23 in 0 : vector<9x1xf32>, vector<1x1xf32> -> vector<10x1xf32>
    %sub3A = arith.subf %concatenate3A, %concatenate3A_28 : vector<10x1xf32>
    %slice3A_29 = vector.extract_strided_slice %slice3A_21 {offsets = [1, 0], sizes = [9, 1], strides = [1, 1]} : vector<10x1xf32> to vector<9x1xf32>
    %concatenate3A_30 = tpu.concatenate %slice3A_29, %broadcast_in_dim3A_23 in 0 : vector<9x1xf32>, vector<1x1xf32> -> vector<10x1xf32>
    %sub3A_31 = arith.subf %slice3A_21, %concatenate3A_30 : vector<10x1xf32>
    %add3A = arith.addf %broadcast_in_dim3A, %sub3A : vector<10x1xf32>
    %add3A_32 = arith.addf %broadcast_in_dim3A_14, %sub3A_31 : vector<10x1xf32>
    %gt3A = arith.constant 0.000000e+00 : f32
    %gt3A_33 = vector.broadcast %gt3A : f32 to vector<10x1xf32>
    %gt3A_34 = arith.cmpf ogt, %add3A, %gt3A_33 : vector<10x1xf32>
    %mul3A = arith.constant 1.000000e-01 : f32
    %mul3A_35 = vector.broadcast %mul3A : f32 to vector<10x1xf32>
    %mul3A_36 = arith.mulf %mul3A_35, %add3A : vector<10x1xf32>
    %jit3A = arith.constant 0.000000e+00 : f32
    %broadcast_in_dim3A_37 = vector.broadcast %jit3A : f32 to vector<10x1xf32>
    %select_n3A = arith.select %gt3A_34, %mul3A_36, %broadcast_in_dim3A_37 : vector<10x1xi1>, vector<10x1xf32>
    %gt3A_38 = arith.constant 0.000000e+00 : f32
    %gt3A_39 = vector.broadcast %gt3A_38 : f32 to vector<10x1xf32>
    %gt3A_40 = arith.cmpf ogt, %add3A, %gt3A_39 : vector<10x1xf32>
    %convert_element_type3A = arith.extui %gt3A_40 : vector<10x1xi1> to vector<10x1xi32>
    %convert_element_type3A_41 = arith.sitofp %convert_element_type3A : vector<10x1xi32> to vector<10x1xf32>
    %reduce_sum3A_42 = vector.shape_cast %convert_element_type3A_41 : vector<10x1xf32> to vector<1x10x1xf32>
    %reduce_sum3A_43 = arith.constant dense<0.000000e+00> : vector<1xf32>
    %reduce_sum3A_44 = vector.multi_reduction <add>, %reduce_sum3A_42, %reduce_sum3A_43 [1, 2] : vector<1x10x1xf32> to vector<1xf32>
    %reduce_sum3A_45 = vector.shape_cast %reduce_sum3A_44 : vector<1xf32> to vector<1x1x1xf32>
    %reduce_sum3A_46 = vector.extract %reduce_sum3A_45[0, 0, 0] : f32 from vector<1x1x1xf32>
    %max3A = arith.constant 1.000000e+00 : f32
    %max3A_47 = arith.maximumf %reduce_sum3A_46, %max3A : f32
    %gt3A_48 = arith.constant 0.000000e+00 : f32
    %gt3A_49 = vector.broadcast %gt3A_48 : f32 to vector<10x1xf32>
    %gt3A_50 = arith.cmpf ogt, %select_n3A, %gt3A_49 : vector<10x1xf32>
    %max3A_51 = arith.constant 9.99999996E-13 : f32
    %max3A_52 = vector.broadcast %max3A_51 : f32 to vector<10x1xf32>
    %max3A_53 = arith.maximumf %select_n3A, %max3A_52 : vector<10x1xf32>
    %mul3A_54 = vector.broadcast %max3A_47 : f32 to vector<10x1xf32>
    %mul3A_55 = arith.mulf %mul3A_54, %max3A_53 : vector<10x1xf32>
    %div3A = arith.constant 8.000000e+06 : f32
    %div3A_56 = vector.broadcast %div3A : f32 to vector<10x1xf32>
    %div3A_57 = arith.divf %div3A_56, %mul3A_55 : vector<10x1xf32>
    %jit3A_58 = arith.constant 0.000000e+00 : f32
    %broadcast_in_dim3A_59 = vector.broadcast %jit3A_58 : f32 to vector<10x1xf32>
    %select_n3A_60 = arith.select %gt3A_50, %div3A_57, %broadcast_in_dim3A_59 : vector<10x1xi1>, vector<10x1xf32>
    %gt3A_61 = arith.constant 0.000000e+00 : f32
    %gt3A_62 = vector.broadcast %gt3A_61 : f32 to vector<10x1xf32>
    %gt3A_63 = arith.cmpf ogt, %select_n3A_60, %gt3A_62 : vector<10x1xf32>
    %max3A_64 = arith.constant 1.000000e-30 : f32
    %max3A_65 = vector.broadcast %max3A_64 : f32 to vector<10x1xf32>
    %max3A_66 = arith.maximumf %select_n3A_60, %max3A_65 : vector<10x1xf32>
    %log3A = math.log %max3A_66 : vector<10x1xf32>
    %mul3A_67 = arith.constant 7.500000e-01 : f32
    %mul3A_68 = vector.broadcast %mul3A_67 : f32 to vector<10x1xf32>
    %mul3A_69 = arith.mulf %mul3A_68, %log3A : vector<10x1xf32>
    %exp3A = math.exp %mul3A_69 : vector<10x1xf32>
    %jit3A_70 = arith.constant 0.000000e+00 : f32
    %broadcast_in_dim3A_71 = vector.broadcast %jit3A_70 : f32 to vector<10x1xf32>
    %select_n3A_72 = arith.select %gt3A_63, %exp3A, %broadcast_in_dim3A_71 : vector<10x1xi1>, vector<10x1xf32>
    %gt3A_73 = arith.constant 0.000000e+00 : f32
    %gt3A_74 = vector.broadcast %gt3A_73 : f32 to vector<10x1xf32>
    %gt3A_75 = arith.cmpf ogt, %add3A, %gt3A_74 : vector<10x1xf32>
    %mul3A_76 = arith.mulf %select_n3A_72, %add3A_32 : vector<10x1xf32>
    %jit3A_77 = arith.constant 0.000000e+00 : f32
    %broadcast_in_dim3A_78 = vector.broadcast %jit3A_77 : f32 to vector<10x1xf32>
    %select_n3A_79 = arith.select %gt3A_75, %mul3A_76, %broadcast_in_dim3A_78 : vector<10x1xi1>, vector<10x1xf32>
    %reduce_sum3A_80 = vector.shape_cast %select_n3A_79 : vector<10x1xf32> to vector<1x10x1xf32>
    %reduce_sum3A_81 = arith.constant dense<0.000000e+00> : vector<1xf32>
    %reduce_sum3A_82 = vector.multi_reduction <add>, %reduce_sum3A_80, %reduce_sum3A_81 [1, 2] : vector<1x10x1xf32> to vector<1xf32>
    %reduce_sum3A_83 = vector.shape_cast %reduce_sum3A_82 : vector<1xf32> to vector<1x1x1xf32>
    %reduce_sum3A_84 = vector.extract %reduce_sum3A_83[0, 0, 0] : f32 from vector<1x1x1xf32>
    %gt3A_85 = arith.constant 0.000000e+00 : f32
    %gt3A_86 = arith.cmpf ogt, %reduce_sum3A_46, %gt3A_85 : f32
    %reduce_sum3A_87 = vector.shape_cast %add3A_32 : vector<10x1xf32> to vector<1x10x1xf32>
    %reduce_sum3A_88 = arith.constant dense<0.000000e+00> : vector<1xf32>
    %reduce_sum3A_89 = vector.multi_reduction <add>, %reduce_sum3A_87, %reduce_sum3A_88 [1, 2] : vector<1x10x1xf32> to vector<1xf32>
    %reduce_sum3A_90 = vector.shape_cast %reduce_sum3A_89 : vector<1xf32> to vector<1x1x1xf32>
    %reduce_sum3A_91 = vector.extract %reduce_sum3A_90[0, 0, 0] : f32 from vector<1x1x1xf32>
    %select_n3A_92 = arith.select %gt3A_86, %reduce_sum3A_84, %reduce_sum3A_91 : f32
    %div3A_93 = arith.constant 8.000000e+06 : f32
    %div3A_94 = arith.divf %select_n3A_92, %div3A_93 : f32
    %reshape3A = vector.broadcast %div3A_94 : f32 to vector<1x1xf32>
    %swap3A = arith.constant 0 : index
    %swap3A_95 = arith.constant 0 : index
    %swap3A_96 = vector.load %arg3[%swap3A, %swap3A_95] : memref<1x1xf32, #tpu.memory_space<vmem>>, vector<1x1xf32>
    tpu.vector_store %arg3[%swap3A, %swap3A_95], %reshape3A {strides = array<i32>} : memref<1x1xf32, #tpu.memory_space<vmem>>, vector<1x1xf32>,
    return
  }
}

module attributes {stable_mosaic.version = 14 : i64} {
  func.func @body(%arg0: i32, %arg1: memref<1x65536xf32, #tpu.memory_space<vmem>>, %arg2: memref<1x65536xf32, #tpu.memory_space<vmem>>, %arg3: memref<20x128xf32, #tpu.memory_space<vmem>>) attributes {dimension_semantics = [#tpu.dimension_semantics<arbitrary>], iteration_bounds = array<i64: 43>, scalar_prefetch = 0 : i64, scratch_operands = 0 : i64, tpu.core_type = #tpu.core_type<tc>, window_params = [{transform_indices = @transform_0, window_bounds = array<i64: 1, 65536>}, {transform_indices = @transform_1, window_bounds = array<i64: 1, 65536>}, {pipeline_mode = #tpu.pipeline_mode<synchronous>, transform_indices = @transform_2, window_bounds = array<i64: 20, 128>}]} {
    %get3A = arith.constant 0 : index
    %get3A_0 = arith.constant 0 : index
    %get3A_1 = vector.load %arg1[%get3A, %get3A_0] : memref<1x65536xf32, #tpu.memory_space<vmem>>, vector<1x65536xf32>
    %reshape3A = vector.shape_cast %get3A_1 : vector<1x65536xf32> to vector<512x128xf32>
    %get3A_2 = arith.constant 0 : index
    %get3A_3 = arith.constant 0 : index
    %get3A_4 = vector.load %arg2[%get3A_2, %get3A_3] : memref<1x65536xf32, #tpu.memory_space<vmem>>, vector<1x65536xf32>
    %reshape3A_5 = vector.shape_cast %get3A_4 : vector<1x65536xf32> to vector<512x128xf32>
    %sub3A = arith.subf %reshape3A, %reshape3A_5 : vector<512x128xf32>
    %abs3A = math.absf %sub3A : vector<512x128xf32>
    %sub3A_6 = arith.constant 3.600000e+02 : f32
    %sub3A_7 = vector.broadcast %sub3A_6 : f32 to vector<512x128xf32>
    %sub3A_8 = arith.subf %sub3A_7, %abs3A : vector<512x128xf32>
    %min3A = arith.minimumf %abs3A, %sub3A_8 : vector<512x128xf32>
    %mul3A = arith.constant 0.055555556 : f32
    %mul3A_9 = vector.broadcast %mul3A : f32 to vector<512x128xf32>
    %mul3A_10 = arith.mulf %min3A, %mul3A_9 : vector<512x128xf32>
    %min3A_11 = arith.constant 1.000000e+00 : f32
    %min3A_12 = vector.broadcast %min3A_11 : f32 to vector<512x128xf32>
    %min3A_13 = arith.minimumf %abs3A, %min3A_12 : vector<512x128xf32>
    %mul3A_14 = arith.constant 5.000000e-01 : f32
    %mul3A_15 = vector.broadcast %mul3A_14 : f32 to vector<512x128xf32>
    %mul3A_16 = arith.mulf %mul3A_15, %min3A_13 : vector<512x128xf32>
    %mul3A_17 = arith.mulf %mul3A_16, %min3A_13 : vector<512x128xf32>
    %sub3A_18 = arith.subf %abs3A, %min3A_13 : vector<512x128xf32>
    %add3A = arith.addf %mul3A_17, %sub3A_18 : vector<512x128xf32>
    %broadcast_in_dim3A = arith.constant 0.000000e+00 : f32
    %broadcast_in_dim3A_19 = vector.broadcast %broadcast_in_dim3A : f32 to vector<1x128xf32>
    %reduce_sum3A = arith.constant dense<0.000000e+00> : vector<128xf32>
    %reduce_sum3A_20 = vector.multi_reduction <add>, %add3A, %reduce_sum3A [0] : vector<512x128xf32> to vector<128xf32>
    %broadcast_in_dim3A_21 = vector.shape_cast %reduce_sum3A_20 : vector<128xf32> to vector<1x128xf32>
    %ge3A = arith.constant 1.000000e+00 : f32
    %ge3A_22 = vector.broadcast %ge3A : f32 to vector<512x128xf32>
    %ge3A_23 = arith.cmpf oge, %mul3A_10, %ge3A_22 : vector<512x128xf32>
    %convert_element_type3A = arith.extui %ge3A_23 : vector<512x128xi1> to vector<512x128xi32>
    %convert_element_type3A_24 = arith.sitofp %convert_element_type3A : vector<512x128xi32> to vector<512x128xf32>
    %reduce_sum3A_25 = arith.constant dense<0.000000e+00> : vector<128xf32>
    %reduce_sum3A_26 = vector.multi_reduction <add>, %convert_element_type3A_24, %reduce_sum3A_25 [0] : vector<512x128xf32> to vector<128xf32>
    %broadcast_in_dim3A_27 = vector.shape_cast %reduce_sum3A_26 : vector<128xf32> to vector<1x128xf32>
    %mul3A_28 = arith.mulf %convert_element_type3A_24, %add3A : vector<512x128xf32>
    %reduce_sum3A_29 = arith.constant dense<0.000000e+00> : vector<128xf32>
    %reduce_sum3A_30 = vector.multi_reduction <add>, %mul3A_28, %reduce_sum3A_29 [0] : vector<512x128xf32> to vector<128xf32>
    %broadcast_in_dim3A_31 = vector.shape_cast %reduce_sum3A_30 : vector<128xf32> to vector<1x128xf32>
    %ge3A_32 = arith.constant 2.000000e+00 : f32
    %ge3A_33 = vector.broadcast %ge3A_32 : f32 to vector<512x128xf32>
    %ge3A_34 = arith.cmpf oge, %mul3A_10, %ge3A_33 : vector<512x128xf32>
    %convert_element_type3A_35 = arith.extui %ge3A_34 : vector<512x128xi1> to vector<512x128xi32>
    %convert_element_type3A_36 = arith.sitofp %convert_element_type3A_35 : vector<512x128xi32> to vector<512x128xf32>
    %reduce_sum3A_37 = arith.constant dense<0.000000e+00> : vector<128xf32>
    %reduce_sum3A_38 = vector.multi_reduction <add>, %convert_element_type3A_36, %reduce_sum3A_37 [0] : vector<512x128xf32> to vector<128xf32>
    %broadcast_in_dim3A_39 = vector.shape_cast %reduce_sum3A_38 : vector<128xf32> to vector<1x128xf32>
    %mul3A_40 = arith.mulf %convert_element_type3A_36, %add3A : vector<512x128xf32>
    %reduce_sum3A_41 = arith.constant dense<0.000000e+00> : vector<128xf32>
    %reduce_sum3A_42 = vector.multi_reduction <add>, %mul3A_40, %reduce_sum3A_41 [0] : vector<512x128xf32> to vector<128xf32>
    %broadcast_in_dim3A_43 = vector.shape_cast %reduce_sum3A_42 : vector<128xf32> to vector<1x128xf32>
    %ge3A_44 = arith.constant 3.000000e+00 : f32
    %ge3A_45 = vector.broadcast %ge3A_44 : f32 to vector<512x128xf32>
    %ge3A_46 = arith.cmpf oge, %mul3A_10, %ge3A_45 : vector<512x128xf32>
    %convert_element_type3A_47 = arith.extui %ge3A_46 : vector<512x128xi1> to vector<512x128xi32>
    %convert_element_type3A_48 = arith.sitofp %convert_element_type3A_47 : vector<512x128xi32> to vector<512x128xf32>
    %reduce_sum3A_49 = arith.constant dense<0.000000e+00> : vector<128xf32>
    %reduce_sum3A_50 = vector.multi_reduction <add>, %convert_element_type3A_48, %reduce_sum3A_49 [0] : vector<512x128xf32> to vector<128xf32>
    %broadcast_in_dim3A_51 = vector.shape_cast %reduce_sum3A_50 : vector<128xf32> to vector<1x128xf32>
    %mul3A_52 = arith.mulf %convert_element_type3A_48, %add3A : vector<512x128xf32>
    %reduce_sum3A_53 = arith.constant dense<0.000000e+00> : vector<128xf32>
    %reduce_sum3A_54 = vector.multi_reduction <add>, %mul3A_52, %reduce_sum3A_53 [0] : vector<512x128xf32> to vector<128xf32>
    %broadcast_in_dim3A_55 = vector.shape_cast %reduce_sum3A_54 : vector<128xf32> to vector<1x128xf32>
    %ge3A_56 = arith.constant 4.000000e+00 : f32
    %ge3A_57 = vector.broadcast %ge3A_56 : f32 to vector<512x128xf32>
    %ge3A_58 = arith.cmpf oge, %mul3A_10, %ge3A_57 : vector<512x128xf32>
    %convert_element_type3A_59 = arith.extui %ge3A_58 : vector<512x128xi1> to vector<512x128xi32>
    %convert_element_type3A_60 = arith.sitofp %convert_element_type3A_59 : vector<512x128xi32> to vector<512x128xf32>
    %reduce_sum3A_61 = arith.constant dense<0.000000e+00> : vector<128xf32>
    %reduce_sum3A_62 = vector.multi_reduction <add>, %convert_element_type3A_60, %reduce_sum3A_61 [0] : vector<512x128xf32> to vector<128xf32>
    %broadcast_in_dim3A_63 = vector.shape_cast %reduce_sum3A_62 : vector<128xf32> to vector<1x128xf32>
    %mul3A_64 = arith.mulf %convert_element_type3A_60, %add3A : vector<512x128xf32>
    %reduce_sum3A_65 = arith.constant dense<0.000000e+00> : vector<128xf32>
    %reduce_sum3A_66 = vector.multi_reduction <add>, %mul3A_64, %reduce_sum3A_65 [0] : vector<512x128xf32> to vector<128xf32>
    %broadcast_in_dim3A_67 = vector.shape_cast %reduce_sum3A_66 : vector<128xf32> to vector<1x128xf32>
    %ge3A_68 = arith.constant 5.000000e+00 : f32
    %ge3A_69 = vector.broadcast %ge3A_68 : f32 to vector<512x128xf32>
    %ge3A_70 = arith.cmpf oge, %mul3A_10, %ge3A_69 : vector<512x128xf32>
    %convert_element_type3A_71 = arith.extui %ge3A_70 : vector<512x128xi1> to vector<512x128xi32>
    %convert_element_type3A_72 = arith.sitofp %convert_element_type3A_71 : vector<512x128xi32> to vector<512x128xf32>
    %reduce_sum3A_73 = arith.constant dense<0.000000e+00> : vector<128xf32>
    %reduce_sum3A_74 = vector.multi_reduction <add>, %convert_element_type3A_72, %reduce_sum3A_73 [0] : vector<512x128xf32> to vector<128xf32>
    %broadcast_in_dim3A_75 = vector.shape_cast %reduce_sum3A_74 : vector<128xf32> to vector<1x128xf32>
    %mul3A_76 = arith.mulf %convert_element_type3A_72, %add3A : vector<512x128xf32>
    %reduce_sum3A_77 = arith.constant dense<0.000000e+00> : vector<128xf32>
    %reduce_sum3A_78 = vector.multi_reduction <add>, %mul3A_76, %reduce_sum3A_77 [0] : vector<512x128xf32> to vector<128xf32>
    %broadcast_in_dim3A_79 = vector.shape_cast %reduce_sum3A_78 : vector<128xf32> to vector<1x128xf32>
    %ge3A_80 = arith.constant 6.000000e+00 : f32
    %ge3A_81 = vector.broadcast %ge3A_80 : f32 to vector<512x128xf32>
    %ge3A_82 = arith.cmpf oge, %mul3A_10, %ge3A_81 : vector<512x128xf32>
    %convert_element_type3A_83 = arith.extui %ge3A_82 : vector<512x128xi1> to vector<512x128xi32>
    %convert_element_type3A_84 = arith.sitofp %convert_element_type3A_83 : vector<512x128xi32> to vector<512x128xf32>
    %reduce_sum3A_85 = arith.constant dense<0.000000e+00> : vector<128xf32>
    %reduce_sum3A_86 = vector.multi_reduction <add>, %convert_element_type3A_84, %reduce_sum3A_85 [0] : vector<512x128xf32> to vector<128xf32>
    %broadcast_in_dim3A_87 = vector.shape_cast %reduce_sum3A_86 : vector<128xf32> to vector<1x128xf32>
    %mul3A_88 = arith.mulf %convert_element_type3A_84, %add3A : vector<512x128xf32>
    %reduce_sum3A_89 = arith.constant dense<0.000000e+00> : vector<128xf32>
    %reduce_sum3A_90 = vector.multi_reduction <add>, %mul3A_88, %reduce_sum3A_89 [0] : vector<512x128xf32> to vector<128xf32>
    %broadcast_in_dim3A_91 = vector.shape_cast %reduce_sum3A_90 : vector<128xf32> to vector<1x128xf32>
    %ge3A_92 = arith.constant 7.000000e+00 : f32
    %ge3A_93 = vector.broadcast %ge3A_92 : f32 to vector<512x128xf32>
    %ge3A_94 = arith.cmpf oge, %mul3A_10, %ge3A_93 : vector<512x128xf32>
    %convert_element_type3A_95 = arith.extui %ge3A_94 : vector<512x128xi1> to vector<512x128xi32>
    %convert_element_type3A_96 = arith.sitofp %convert_element_type3A_95 : vector<512x128xi32> to vector<512x128xf32>
    %reduce_sum3A_97 = arith.constant dense<0.000000e+00> : vector<128xf32>
    %reduce_sum3A_98 = vector.multi_reduction <add>, %convert_element_type3A_96, %reduce_sum3A_97 [0] : vector<512x128xf32> to vector<128xf32>
    %broadcast_in_dim3A_99 = vector.shape_cast %reduce_sum3A_98 : vector<128xf32> to vector<1x128xf32>
    %mul3A_100 = arith.mulf %convert_element_type3A_96, %add3A : vector<512x128xf32>
    %reduce_sum3A_101 = arith.constant dense<0.000000e+00> : vector<128xf32>
    %reduce_sum3A_102 = vector.multi_reduction <add>, %mul3A_100, %reduce_sum3A_101 [0] : vector<512x128xf32> to vector<128xf32>
    %broadcast_in_dim3A_103 = vector.shape_cast %reduce_sum3A_102 : vector<128xf32> to vector<1x128xf32>
    %ge3A_104 = arith.constant 8.000000e+00 : f32
    %ge3A_105 = vector.broadcast %ge3A_104 : f32 to vector<512x128xf32>
    %ge3A_106 = arith.cmpf oge, %mul3A_10, %ge3A_105 : vector<512x128xf32>
    %convert_element_type3A_107 = arith.extui %ge3A_106 : vector<512x128xi1> to vector<512x128xi32>
    %convert_element_type3A_108 = arith.sitofp %convert_element_type3A_107 : vector<512x128xi32> to vector<512x128xf32>
    %reduce_sum3A_109 = arith.constant dense<0.000000e+00> : vector<128xf32>
    %reduce_sum3A_110 = vector.multi_reduction <add>, %convert_element_type3A_108, %reduce_sum3A_109 [0] : vector<512x128xf32> to vector<128xf32>
    %broadcast_in_dim3A_111 = vector.shape_cast %reduce_sum3A_110 : vector<128xf32> to vector<1x128xf32>
    %mul3A_112 = arith.mulf %convert_element_type3A_108, %add3A : vector<512x128xf32>
    %reduce_sum3A_113 = arith.constant dense<0.000000e+00> : vector<128xf32>
    %reduce_sum3A_114 = vector.multi_reduction <add>, %mul3A_112, %reduce_sum3A_113 [0] : vector<512x128xf32> to vector<128xf32>
    %broadcast_in_dim3A_115 = vector.shape_cast %reduce_sum3A_114 : vector<128xf32> to vector<1x128xf32>
    %ge3A_116 = arith.constant 9.000000e+00 : f32
    %ge3A_117 = vector.broadcast %ge3A_116 : f32 to vector<512x128xf32>
    %ge3A_118 = arith.cmpf oge, %mul3A_10, %ge3A_117 : vector<512x128xf32>
    %convert_element_type3A_119 = arith.extui %ge3A_118 : vector<512x128xi1> to vector<512x128xi32>
    %convert_element_type3A_120 = arith.sitofp %convert_element_type3A_119 : vector<512x128xi32> to vector<512x128xf32>
    %reduce_sum3A_121 = arith.constant dense<0.000000e+00> : vector<128xf32>
    %reduce_sum3A_122 = vector.multi_reduction <add>, %convert_element_type3A_120, %reduce_sum3A_121 [0] : vector<512x128xf32> to vector<128xf32>
    %broadcast_in_dim3A_123 = vector.shape_cast %reduce_sum3A_122 : vector<128xf32> to vector<1x128xf32>
    %mul3A_124 = arith.mulf %convert_element_type3A_120, %add3A : vector<512x128xf32>
    %reduce_sum3A_125 = arith.constant dense<0.000000e+00> : vector<128xf32>
    %reduce_sum3A_126 = vector.multi_reduction <add>, %mul3A_124, %reduce_sum3A_125 [0] : vector<512x128xf32> to vector<128xf32>
    %broadcast_in_dim3A_127 = vector.shape_cast %reduce_sum3A_126 : vector<128xf32> to vector<1x128xf32>
    %concatenate3A = tpu.concatenate %broadcast_in_dim3A_19, %broadcast_in_dim3A_27, %broadcast_in_dim3A_39, %broadcast_in_dim3A_51, %broadcast_in_dim3A_63, %broadcast_in_dim3A_75, %broadcast_in_dim3A_87, %broadcast_in_dim3A_99, %broadcast_in_dim3A_111, %broadcast_in_dim3A_123, %broadcast_in_dim3A_21, %broadcast_in_dim3A_31, %broadcast_in_dim3A_43, %broadcast_in_dim3A_55, %broadcast_in_dim3A_67, %broadcast_in_dim3A_79, %broadcast_in_dim3A_91, %broadcast_in_dim3A_103, %broadcast_in_dim3A_115, %broadcast_in_dim3A_127 in 0 : vector<1x128xf32>, vector<1x128xf32>, vector<1x128xf32>, vector<1x128xf32>, vector<1x128xf32>, vector<1x128xf32>, vector<1x128xf32>, vector<1x128xf32>, vector<1x128xf32>, vector<1x128xf32>, vector<1x128xf32>, vector<1x128xf32>, vector<1x128xf32>, vector<1x128xf32>, vector<1x128xf32>, vector<1x128xf32>, vector<1x128xf32>, vector<1x128xf32>, vector<1x128xf32>, vector<1x128xf32> -> vector<20x128xf32>
    %eq3A = arith.constant 0 : i32
    %eq3A_128 = arith.cmpi eq, %arg0, %eq3A : i32
    %convert_element_type3A_129 = arith.extui %eq3A_128 : i1 to i32
    %cond3A = arith.constant 0 : i32
    %cond3A_130 = arith.cmpi ne, %convert_element_type3A_129, %cond3A : i32
    scf.if %cond3A_130 {
      %broadcast_in_dim3A_137 = arith.constant 0.000000e+00 : f32
      %broadcast_in_dim3A_138 = vector.broadcast %broadcast_in_dim3A_137 : f32 to vector<20x128xf32>
      %swap3A_139 = arith.constant 0 : index
      %swap3A_140 = arith.constant 0 : index
      %swap3A_141 = vector.load %arg3[%swap3A_139, %swap3A_140] : memref<20x128xf32, #tpu.memory_space<vmem>>, vector<20x128xf32>
      tpu.vector_store %arg3[%swap3A_139, %swap3A_140], %broadcast_in_dim3A_138 {strides = array<i32>} : memref<20x128xf32, #tpu.memory_space<vmem>>, vector<20x128xf32>,
    } else {
    }
    %get3A_131 = arith.constant 0 : index
    %get3A_132 = arith.constant 0 : index
    %get3A_133 = vector.load %arg3[%get3A_131, %get3A_132] : memref<20x128xf32, #tpu.memory_space<vmem>>, vector<20x128xf32>
    %add3A_134 = arith.addf %get3A_133, %concatenate3A : vector<20x128xf32>
    %swap3A = arith.constant 0 : index
    %swap3A_135 = arith.constant 0 : index
    %swap3A_136 = vector.load %arg3[%swap3A, %swap3A_135] : memref<20x128xf32, #tpu.memory_space<vmem>>, vector<20x128xf32>
    tpu.vector_store %arg3[%swap3A, %swap3A_135], %add3A_134 {strides = array<i32>} : memref<20x128xf32, #tpu.memory_space<vmem>>, vector<20x128xf32>,
    return
  }
  func.func @transform_0(%arg0: i32) -> (i32, i32) {
    %c0_i32 = arith.constant 0 : i32
    %c0_i32_0 = arith.constant 0 : i32
    return %c0_i32, %arg0 : i32, i32
  }
  func.func @transform_1(%arg0: i32) -> (i32, i32) {
    %c0_i32 = arith.constant 0 : i32
    %c0_i32_0 = arith.constant 0 : i32
    return %c0_i32, %arg0 : i32, i32
  }
  func.func @transform_2(%arg0: i32) -> (i32, i32) {
    %c0_i32 = arith.constant 0 : i32
    %c0_i32_0 = arith.constant 0 : i32
    %c0_i32_1 = arith.constant 0 : i32
    return %c0_i32, %c0_i32_0 : i32, i32
  }
}

</mosaic_0001>

<sc_bundles>
// kernel: ghmr_sc_pass.3.cloned.1.call-start
scs
__scs_entry_jumppad:
0x0: {  	(pc) =	sbr.rel $0x88, $3  }
0x1: {  	(tag) =	ssettag $0x0;
	lr =	simm.s32 $0x1  }
0x2: {  	[smem:$0x3F9F] =	sst lr;
	_ =	strace $0xD0000000  }
0x3: {  	_ = 	snop  }
0x4: {  	_ = 	snop  }
0x5: {  	_ = 	snop  }
0x6: {  	_ = 	snop  }
0x7: {  	_ = 	snop  }
__scs_overlays_trampoline_lowered:
0x8: {  	[smem:$0x3FAE] =	sst s0  }
0x9: {  	[smem:$0x3FAF] =	sst s1  }
0xa: {  	[smem:$0x3FB0] =	sst s2  }
0xb: {  	[smem:$0x3FB1] =	sst s3  }
0xc: {  	[smem:$0x3FB2] =	sst s4  }
0xd: {  	[smem:$0x3FB3] =	sst s5  }
0xe: {  	[smem:$0x3FB4] =	sst s6  }
0xf: {  	[smem:$0x3FB5] =	sst s7  }
0x10: {  	[smem:$0x3FB6] =	sst s8  }
0x11: {  	[smem:$0x3FB7] =	sst s9;
	s0 =	simm.s32 @!p0 $0x0  }
0x12: {  	s1 =	sld [smem:$0x3F9D];
	s0 =	simm.s32 @p0 $0x1  }
0x13: {  	[smem:$0x3FB8] =	sst s0;
	s0 =	simm.s32 @!p1 $0x0  }
0x14: {  	s2 =	sld [smem:$0x3F9C];
	s0 =	simm.s32 @p1 $0x1  }
0x15: {  	[smem:$0x3FB9] =	sst s0;
	s0 =	simm.s32 @!p2 $0x0  }
0x16: {  	s3 =	sld [smem:$0x3FDB];
	s0 =	simm.s32 @p2 $0x1  }
0x17: {  	s4 =	simm.s32 $0x1BF5;
	[smem:$0x3FBB] =	sst s0  }
0x18: {  	s0 =	sld [smem:$0x3F9E];
	_ =	swait.ge [sflag:s4], $0x0  }
0x19: {  	s7 =	sld [smem:$0x3F9F]  }
0x1a: {  	s8 =	sadd.s32 $0xFFFFE003, lr  }
0x1b: {  	s9 =	sadd.s32 $0xFFFFFEF7, lr;
	s5 =	simm.s32 $0xFFFFFFFF;
	p2 =	slt.u32 s8, $0xFFFFF086  }
0x1c: {  	p1 =	slt.u32 s9, $0xF7A;
	s5 =	simm.s32 @!p2 $0x0  }
0x1d: {  	s5 =	simm.s32 @p1 $0x1;
	p0 =	seq.s32 s7, s2  }
0x1e: {  	s7 =	smul.u32 @!p0 $0xF7A, s2;
	p2 =	seq.s32 @!p0 s5, $0x0  }
0x1f: {  	s9 =	smul.u32 $0xF7A, s1;
	s8 =	simm.s32 @!p0 $0x1BF5;
	p2 =	por !p2, p0  }
0x20: {  	[sflag:s8] =	ssyncset.s32 @!p0 $0xFFFFF086;
	s6 =	sadd.s32 @!p0 s3, s7;
	s7 =	simm.s32 @!p0 $0x108  }
0x21: {  	s3 =	sadd.s32 s3, s9;
	s6 =	sadd.s32 @!p0 $0x88, s6;
	s7 =	simm.s32 @p2 $0x1082  }
0x22: {  	[simem:s7], [sflag:s8] =	dma.local @!p0 [hbm:s6], $0xF7A  }
0x23: {  	s9 =	sor.u32 $0xD0000000, s2;
	s6 =	simm.s32 $0x108;
	_ =	swait.ge @!p0 [sflag:s8], $0x0  }
0x24: {  	s3 =	sadd.s32 $0x88, s3;
	s6 =	simm.s32 @!p1 $0x1082;
	[sflag:s4] =	ssyncset.s32 $0xFFFFF086  }
0x25: {  	[simem:s6], [sflag:s4] =	dma.local [hbm:s3], $0xF7A  }
0x26: {  	[smem:$0x3F9F] =	sst s1;
	(tag) =	ssettag s2;
	_ =	strace s9  }
0x27: {  	s1 =	sld [smem:$0x3FAF]  }
0x28: {  	s2 =	sld [smem:$0x3FB0]  }
0x29: {  	s4 =	sld [smem:$0x3FB2]  }
0x2a: {  	p0 =	seq.s32 s5, $0x0;
	s5 =	sld [smem:$0x3FB3]  }
0x2b: {  	s6 =	sld [smem:$0x3FB4]  }
0x2c: {  	s7 =	sld [smem:$0x3FB5]  }
0x2d: {  	s3 =	simm.s32 $0x108;
	s8 =	sld [smem:$0x3FB6]  }
0x2e: {  	s3 =	simm.s32 @!p0 $0x1082;
	s9 =	sld [smem:$0x3FB7]  }
0x2f: {  	lr =	sadd.s32 s0, s3;
	s0 =	sld [smem:$0x3FAE]  }
0x30: {  	s3 =	sld [smem:$0x3FB1]  }
0x31: {  	[smem:$0x3FBA] =	sst s10  }
0x32: {  	s10 =	sld [smem:$0x3FB8];
	_ =	sdelay $0x3  }
0x33: {  	p0 =	seq.s32 s10, $0x1;
	s10 =	sld [smem:$0x3FBA];
	_ =	sdelay $0x3  }
0x34: {  	[smem:$0x3FBA] =	sst s10  }
0x35: {  	s10 =	sld [smem:$0x3FB9];
	_ =	sdelay $0x3  }
0x36: {  	p1 =	seq.s32 s10, $0x1;
	s10 =	sld [smem:$0x3FBA];
	_ =	sdelay $0x3  }
0x37: {  	[smem:$0x3FBA] =	sst s10  }
0x38: {  	s10 =	sld [smem:$0x3FBB]  }
0x39: {  	_ = 	snop;
	(pc) =	sbr.ind lr, $3  }
0x3a: {  	_ = 	snop  }
0x3b: {  	_ = 	snop  }
0x3c: {  	p2 =	seq.s32 s10, $0x1;
	s10 =	sld [smem:$0x3FBA]  }
0x3d: {  	_ =	shalt  }
0x3e: {  	_ =	shalt  }
0x3f: {  	_ =	shalt  }
0x40: {  	_ =	shalt  }
0x41: {  	_ =	shalt  }
0x42: {  	_ =	shalt  }
0x43: {  	_ =	shalt  }
0x44: {  	_ =	shalt  }
0x45: {  	_ =	shalt  }
0x46: {  	_ =	shalt  }
0x47: {  	_ =	shalt  }
0x48: {  	_ =	shalt  }
0x49: {  	_ =	shalt  }
0x4a: {  	_ =	shalt  }
0x4b: {  	_ =	shalt  }
0x4c: {  	_ =	shalt  }
0x4d: {  	_ =	shalt  }
0x4e: {  	_ =	shalt  }
0x4f: {  	_ =	shalt  }
0x50: {  	_ =	shalt  }
0x51: {  	_ =	shalt  }
0x52: {  	_ =	shalt  }
0x53: {  	_ =	shalt  }
0x54: {  	_ =	shalt  }
0x55: {  	_ =	shalt  }
0x56: {  	_ =	shalt  }
0x57: {  	_ =	shalt  }
0x58: {  	_ =	shalt  }
0x59: {  	_ =	shalt  }
0x5a: {  	_ =	shalt  }
0x5b: {  	_ =	shalt  }
0x5c: {  	_ =	shalt  }
0x5d: {  	_ =	shalt  }
0x5e: {  	_ =	shalt  }
0x5f: {  	_ =	shalt  }
0x60: {  	_ =	shalt  }
0x61: {  	_ =	shalt  }
0x62: {  	_ =	shalt  }
0x63: {  	_ =	shalt  }
0x64: {  	_ =	shalt  }
0x65: {  	_ =	shalt  }
0x66: {  	_ =	shalt  }
0x67: {  	_ =	shalt  }
0x68: {  	_ =	shalt  }
0x69: {  	_ =	shalt  }
0x6a: {  	_ =	shalt  }
0x6b: {  	_ =	shalt  }
0x6c: {  	_ =	shalt  }
0x6d: {  	_ =	shalt  }
0x6e: {  	_ =	shalt  }
0x6f: {  	_ =	shalt  }
0x70: {  	_ =	shalt  }
0x71: {  	_ =	shalt  }
0x72: {  	_ =	shalt  }
0x73: {  	_ =	shalt  }
0x74: {  	_ =	shalt  }
0x75: {  	_ =	shalt  }
0x76: {  	_ =	shalt  }
0x77: {  	_ =	shalt  }
0x78: {  	_ =	shalt  }
0x79: {  	_ =	shalt  }
0x7a: {  	_ =	shalt  }
0x7b: {  	_ =	shalt  }
0x7c: {  	_ =	shalt  }
0x7d: {  	_ =	shalt  }
0x7e: {  	_ =	shalt  }
0x7f: {  	_ =	shalt  }
0x80: {  	_ =	shalt  }
0x81: {  	_ =	shalt  }
0x82: {  	_ =	shalt  }
0x83: {  	_ =	shalt  }
0x84: {  	_ =	shalt  }
0x85: {  	_ =	shalt  }
0x86: {  	_ =	shalt  }
0x87: {  	_ =	shalt  }
.Lfunc_end0:
.L_simem_size_0:
called_computation_lowered:
.L_overlay_start_0:
0x88: {  	s2 =	sld [smem:$0x3FD9]  }
0x89: {  	s3 =	sld [smem:$0x3FFE];
	_ =	sdelay $0x1  }
0x8a: {  	s1 =	srdreg.scid  }
0x8b: {  	s0 =	sand.u32 $0x1, s1  }
0x8c: {  	s17 =	sshll.u32 s0, $0xA;
	s2 =	sadd.s32 s3, s2  }
0x8d: {  	s2 =	sadd.s32 s2, s17  }
0x8e: {  	[smem:$0x3FC6] =	sst s2  }
0x8f: {  	_ = 	snop  }
0x90: {  	s2 =	sld [smem:$0x3FC9]  }
0x91: {  	s18 =	sld [smem:$0x3FC8];
	(tm) =	ssettm $0x1  }
0x92: {  	s4 =	sld [smem:$0x3FFB];
	_ =	sdelay $0x3  }
0x93: {  	_ =	strace s4  }
0x94: {  	s4 =	sld [smem:$0x3FFC];
	_ =	sdelay $0x3  }
0x95: {  	_ =	strace s4  }
0x96: {  	s4 =	sld [smem:$0x3FFD];
	_ =	sdelay $0x3  }
0x97: {  	_ =	strace s4  }
0x98: {  	_ =	strace $0x8FFFFFFF  }
0x99: {  	s19 =	sld [smem:$0x3FDB];
	_ =	sdelay $0x1  }
0x9a: {  	s5 =	simm.s32 $_scs_section_size  }
0x9b: {  	s6 =	simm.s32 $_size__tile_overlayer_lowered;
	s7 =	simm.s32 $_tile_overlayer_lowered  }
0x9c: {  	s22 =	simm.s32 $0x1BFF;
	s21 =	sshll.u32 s7, $0x1;
	s4 =	sadd.s32 s5, s19  }
0x9d: {  	s8 =	simm.s32 $0x0;
	s20 =	sshll.u32 s6, $0x1;
	s6 =	sadd.s32 s21, s4  }
0x9e: {  	[timem:s8], [sflag:s22] =	dma.local [hbm:s6], s20  }
0x9f: {  	_ =	swait.ge [sflag:s22], s20  }
0xa0: {  	s5 =	ssub.s32 $0x0, s20;
	[sflag:s22] =	ssyncset.done $0x0  }
0xa1: {  	[sflag:s22] =	ssyncadd.s32 s5;
	_ =	sdelay $0x1  }
0xa2: {  	s23 =	simm.s32 $0x1B8B  }
0xa3: {  	_ =	swait.ge [sflag:s23], $0x1  }
0xa4: {  	[sflag:s23] =	ssyncset.done $0x0  }
0xa5: {  	s25 =	simm.s32 $0x1B8E;
	s24 =	sld [smem:$0x3FFE];
	[sflag:s23] =	ssyncadd.s32 $0xFFFFFFFF  }
0xa6: {  	s26 =	simm.s32 $execute0_lowered;
	[smem:$0x3FD2] =	sst s25  }
0xa7: {  	s6 =	sshll.u32 s26, $0x1;
	_ =	strace $0x80000046;
	[dreg:$0x1] =	wrdreg $0xFFFFFFFF  }
0xa8: {  	s28 =	simm.s32 $_size_execute0_lowered;
	s4 =	sadd.s32 s4, s6;
	[dreg:$0x0] =	wrdreg $0x0  }
0xa9: {  	s6 =	sshll.u32 s28, $0x1;
	[dreg:$0x2] =	wrdreg s4  }
0xaa: {  	[dreg:$0x3] =	wrdreg s6  }
0xab: {  	[dreg:$0x4] =	wrdreg $0xC0  }
0xac: {  	_ =	task [dreg:s8], $0x5FFFF  }
0xad: {  	[dreg:$0x1] =	wrdreg $0xFFFFFFFF  }
0xae: {  	[dreg:$0x0] =	wrdreg $0x60  }
0xaf: {  	[dreg:$0x2] =	wrdreg s2  }
0xb0: {  	[dreg:$0x3] =	wrdreg s18  }
0xb1: {  	[dreg:$0x4] =	wrdreg s24  }
0xb2: {  	[dreg:$0x5] =	wrdreg $0x9  }
0xb3: {  	_ =	task.clear_ibuf [dreg:s8], $0x6FFFF;
	_ =	strace $0x90000046  }
0xb4: {  	s29 =	simm.s32 $0x9;
	_ =	strace $0x80000048  }
0xb5: {  	_ =	swait.ge [sflag:s29], $0x1  }
0xb6: {  	[sflag:s29] =	ssyncadd.s32 $0xFFFFFFFF  }
0xb7: {  	_ =	strace $0x90000048  }
0xb8: {  	_ =	sfence  }
0xb9: {  	s30 =	sld [smem:$0x0];
	_ =	sdelay $0x2  }
0xba: {  	s31 =	sshll.u32 s1, $0xD;
	s1 =	sshrl.u32 s1, $0x2  }
0xbb: {  	s3 =	sand.u32 $0x4000, s31;
	s1 =	sadd.s32 s1, s30  }
0xbc: {  	s0 =	sor.u32 s3, s0;
	s1 =	sshll.u32 s1, $0x11  }
0xbd: {  	s0 =	sor.u32 s1, s0  }
0xbe: {  	s0 =	sadd.s32 $0x8F2B, s0  }
0xbf: {  	[sflag:s0] =	ssyncadd.remote.s32 $0x1  }
0xc0: {  	_ =	sfence.sel $0xFFFF  }
0xc1: {  	[dreg:$0x0] =	wrdreg $0xFFFFFFFF;
	(pc) =	sbr.abs _section_cstart, $3  }
0xc2: {  	[dreg:$0x1] =	wrdreg $0xFFFFFFFF  }
0xc3: {  	_ =	task.clear_ibuf [dreg:s8], $0x2FFFF;
	_ =	strace $0x9FFFFFFF  }
0xc4: {  	(tm) =	ssettm $0x7FFFFFFF  }
0xc5: {  	_ =	shalt  }
tec
execute0_lowered:
.L_overlay_start_1:
0x0: {  	(tag) =	ssettag $0x1  }
0x1: {  	s0 =	rddreg [dreg:$0x0]  }
0x2: {  	s1 =	rddreg [dreg:$0x1];
	s2 =	srdreg.scid  }
0x3: {  	s5 =	stileid.u32;
	s3 =	rddreg [dreg:$0x2]  }
0x4: {  	s31 =	simm.s32 $0x7300;
	s4 =	sand.u32 $0x1, s2;
	s5 =	sshll.u32 s5, $0x1  }
0x5: {  	s2 =	simm.s32 $0x0;
	s26 =	sadd.s32 $0xF4200, s1;
	s5 =	sor.u32 s4, s5  }
0x6: {  	[smem:$0x7FF] =	sst s2;
	s4 =	ssub.s32 $0x2, s4;
	s6 =	smul.u32 $0x27880, s5  }
0x7: {  	_ =	strace $0x80000047;
	s7 =	sshll.u32 s5, $0x8;
	s9 =	sshrl.u32 s4, $0x1  }
0x8: {  	p0 =	sne.s32 s5, $0x0;
	[dreg:$0xe] =	wrdreg s26;
	s26 =	simm.s32 $0x3  }
0x9: {  	s5 =	simm.s32 $0x2;
	s3 =	sadd.s32 s7, s3;
	s4 =	ssub.s32 s4, s9  }
0xa: {  	s6 =	sshrl.u32 s6, $0x3;
	s28 =	sadd.s32 $0xC00, s3;
	s29 =	sadd.s32 $0x2C00, s3  }
0xb: {  	s30 =	smax.u32 s4, $0x1;
	s3 =	simm.s32 $0xE600;
	s4 =	simm.s32 $0xEE00  }
0xc: {  	s10 =	sadd.s32 $0x56000, s6;
	s8 =	sadd.s32 $0x56730, s6;
	s13 =	sadd.s32 $0x56E60, s6  }
0xd: {  	s14 =	sadd.s32 $0x57590, s6;
	s18 =	sadd.s32 $0x57CC0, s6;
	s19 =	sadd.s32 $0x583F0, s6  }
0xe: {  	s21 =	sadd.s32 $0x58B20, s6;
	s22 =	sadd.s32 $0x59250, s6;
	s9 =	sadd.s32 s0, s10  }
0xf: {  	s23 =	sadd.s32 $0x59980, s6;
	s7 =	sadd.s32 s1, s10;
	[dreg:$0x4] =	wrdreg s9  }
0x10: {  	s24 =	sadd.s32 $0x5A0B0, s6;
	s11 =	sadd.s32 s0, s8;
	[dreg:$0x5] =	wrdreg s7  }
0x11: {  	s25 =	sadd.s32 $0x5A7E0, s6;
	s12 =	sadd.s32 s1, s8;
	[dreg:$0x6] =	wrdreg s11  }
0x12: {  	s6 =	simm.s32 $0x4;
	s15 =	sadd.s32 s0, s13;
	[dreg:$0x7] =	wrdreg s12  }
0x13: {  	s16 =	sadd.s32 s0, s14;
	s17 =	sadd.s32 s1, s14;
	[dreg:$0x8] =	wrdreg s15  }
0x14: {  	s20 =	sadd.s32 s0, s18;
	s14 =	sadd.s32 s1, s19;
	[dreg:$0xa] =	wrdreg s16  }
0x15: {  	s8 =	simm.s32 $0x0;
	s7 =	sadd.s32 s1, s13;
	[dreg:$0xb] =	wrdreg s17  }
0x16: {  	[dreg:$0xc] =	wrdreg s20;
	s12 =	sadd.s32 s1, s18;
	s13 =	sadd.s32 s0, s19  }
0x17: {  	s15 =	sadd.s32 s0, s21;
	s16 =	sadd.s32 s1, s21;
	s17 =	sadd.s32 s0, s22  }
.Ltmp0:
0x18: {  	s18 =	sadd.s32 s1, s22;
	s19 =	sadd.s32 s0, s23;
	(pc) =	sbr.rel .LBB2_1-.Ltmp0, $4  }
0x19: {  	s20 =	sadd.s32 s1, s23;
	s21 =	sadd.s32 s0, s24;
	s22 =	sadd.s32 s1, s24  }
0x1a: {  	s23 =	sadd.s32 s0, s25;
	s24 =	sadd.s32 s1, s25;
	s0 =	sadd.s32 $0xF4200, s0  }
0x1b: {  	s1 =	simm.s32 $0x3980;
	s25 =	simm.s32 $0x1;
	[dreg:$0x9] =	wrdreg s7  }
0x1c: {  	v0 =	vimm.f32 $0.0e+00;
	v1 =	vimm.f32 $1.000000000e+00;
	v2 =	vlaneseq.u32;
	[dreg:$0xd] =	wrdreg s0;
	s0 =	simm.s32 $0xAC80;
	s7 =	simm.s32 $0x5  }
.LBB2_26:
0x1d: {  	v24 =	vshll.u32 v24, $0x7  }
0x1e: {  	v15 =	vnsel vm0, $0x9, v15;
	v24 =	vor.u32 v2, v24  }
0x1f: {  	v13 =	vnsel vm4, $0x9, v13;
	v12 =	vnsel vm2, $0x9, v12;
	v15 =	vshll.u32 v15, $0x7  }
0x20: {  	v6 =	vadd.f32 v23, v6;
	v13 =	vshll.u32 v13, $0x7;
	v15 =	vor.u32 v2, v15  }
0x21: {  	v8 =	vnsel vm5, $0x9, v8;
	v12 =	vshll.u32 v12, $0x7;
	v13 =	vor.u32 v2, v13  }
0x22: {  	v7 =	vnsel vm1, $0x9, v7;
	v8 =	vshll.u32 v8, $0x7;
	v12 =	vor.u32 v2, v12  }
0x23: {  	v7 =	vshll.u32 v7, $0x7;
	v8 =	vor.u32 v2, v8;
	[tilespmem:v24+s3+$0x0] =	vst.idx.add.f32.msk $0xffff, v1  }
0x24: {  	v7 =	vor.u32 v2, v7;
	[tilespmem:v24+s4+$0x0] =	vst.idx.add.f32.msk $0xffff, v6  }
0x25: {  	[tilespmem:v15+s3+$0x0] =	vst.idx.add.f32.msk $0xffff, v1  }
0x26: {  	[tilespmem:v13+s3+$0x0] =	vst.idx.add.f32.msk $0xffff, v1  }
0x27: {  	[tilespmem:v12+s3+$0x0] =	vst.idx.add.f32.msk $0xffff, v1  }
0x28: {  	v10 =	vnsel vm3, $0x9, v10;
	v18 =	vadd.f32 v18, v20;
	[tilespmem:v8+s3+$0x0] =	vst.idx.add.f32.msk $0xffff, v1  }
0x29: {  	v61 =	vadd.f32 v17, v21;
	v14 =	vadd.f32 v14, v19;
	v60 =	vshll.u32 v10, $0x7;
	[tilespmem:v7+s3+$0x0] =	vst.idx.add.f32.msk $0xffff, v1  }
0x2a: {  	v3 =	vsub.f32 v3, v5;
	v6 =	vor.u32 v2, v60;
	[tilespmem:v15+s4+$0x0] =	vst.idx.add.f32.msk $0xffff, v18  }
0x2b: {  	v63 =	vadd.f32 v9, v16;
	[tilespmem:v13+s4+$0x0] =	vst.idx.add.f32.msk $0xffff, v61  }
0x2c: {  	v3 =	vadd.f32 v4, v3;
	[tilespmem:v12+s4+$0x0] =	vst.idx.add.f32.msk $0xffff, v14  }
0x2d: {  	[tilespmem:v8+s4+$0x0] =	vst.idx.add.f32.msk $0xffff, v63  }
0x2e: {  	v62 =	vadd.f32 v11, v22;
	[tilespmem:v7+s4+$0x0] =	vst.idx.add.f32.msk $0xffff, v3  }
0x2f: {  	[tilespmem:v6+s3+$0x0] =	vst.idx.add.f32.msk $0xffff, v1  }
0x30: {  	[tilespmem:v6+s4+$0x0] =	vst.idx.add.f32.msk $0xffff, v62  }
.LBB2_27:
0x31: {  	[hbm4b:s28+s2] =	stream.linear.scatter [tilespmem:s3], [sflag:$0x5], $0x500, $0x38;
	[tilespmem:$0xF600] =	vst v63  }
0x32: {  	s8 =	sadd.s32 $0x1, s8;
	_ =	swait.ge [sflag:s7], $0x500  }
0x33: {  	p1 =	sne.s32 s8, s30;
	[sflag:s7] =	ssyncset.done $0x0  }
.Ltmp1:
0x34: {  	[sflag:s7] =	ssyncadd.s32 $0xFFFFFB00;
	(pc) =	sbr.rel @!p1 .LBB2_28-.Ltmp1, $4  }
0x35: {  	[hbm4b:s29+s2] =	stream.linear.scatter [tilespmem:s4], [sflag:$0x5], $0x500, $0x38;
	[tilespmem:$0xF600] =	vst v63  }
0x36: {  	_ =	swait.ge [sflag:s7], $0x500  }
0x37: {  	[sflag:s7] =	ssyncset.done $0x0  }
0x38: {  	[sflag:s7] =	ssyncadd.s32 $0xFFFFFB00  }
.LBB2_1:
0x39: {  	[tilespmem:$0xE600] =	vst v0  }
0x3a: {  	[tilespmem:$0xEE00] =	vst v0  }
0x3b: {  	[tilespmem:$0xE680] =	vst v0  }
0x3c: {  	[tilespmem:$0xEE80] =	vst v0  }
0x3d: {  	[tilespmem:$0xE700] =	vst v0  }
0x3e: {  	[tilespmem:$0xEF00] =	vst v0  }
0x3f: {  	[tilespmem:$0xE780] =	vst v0  }
0x40: {  	[tilespmem:$0xEF80] =	vst v0  }
0x41: {  	[tilespmem:$0xE800] =	vst v0  }
0x42: {  	[tilespmem:$0xF000] =	vst v0  }
0x43: {  	[tilespmem:$0xE880] =	vst v0  }
0x44: {  	[tilespmem:$0xF080] =	vst v0  }
0x45: {  	[tilespmem:$0xE900] =	vst v0  }
0x46: {  	[tilespmem:$0xF100] =	vst v0  }
0x47: {  	[tilespmem:$0xE980] =	vst v0  }
0x48: {  	[tilespmem:$0xF180] =	vst v0  }
0x49: {  	[tilespmem:$0xEA00] =	vst v0  }
0x4a: {  	[tilespmem:$0xF200] =	vst v0  }
0x4b: {  	[tilespmem:$0xEA80] =	vst v0  }
0x4c: {  	[tilespmem:$0xF280] =	vst v0;
	s9 =	rddreg [dreg:$0x4]  }
0x4d: {  	[tilespmem:s2], [sflag:$0x1] =	stream.linear.gather [hbm4b:s9+s2], $0x3980, $0x38;
	[tilespmem:$0xF600] =	vst v63  }
0x4e: {  	s11 =	rddreg [dreg:$0x5]  }
0x4f: {  	[tilespmem:s31], [sflag:$0x3] =	stream.linear.gather [hbm4b:s11+s2], $0x3980, $0x38;
	[tilespmem:$0xF600] =	vst v63  }
0x50: {  	s10 =	rddreg [dreg:$0x6]  }
0x51: {  	[tilespmem:s1], [sflag:$0x2] =	stream.linear.gather [hbm4b:s10+s2], $0x3980, $0x38;
	[tilespmem:$0xF600] =	vst v63  }
0x52: {  	s11 =	rddreg [dreg:$0x7]  }
0x53: {  	[tilespmem:s0], [sflag:$0x4] =	stream.linear.gather [hbm4b:s11+s2], $0x3980, $0x38;
	[tilespmem:$0xF600] =	vst v63  }
0x54: {  	_ =	swait.ge [sflag:s25], $0x3980  }
0x55: {  	[sflag:s25] =	ssyncset.done $0x0  }
0x56: {  	[sflag:s25] =	ssyncadd.s32 $0xFFFFC680  }
0x57: {  	_ =	swait.ge [sflag:s26], $0x3980  }
0x58: {  	[sflag:s26] =	ssyncset.done $0x0  }
0x59: {  	s10 =	simm.s32 $0x40;
	[sflag:s26] =	ssyncadd.s32 $0xFFFFC680  }
0x5a: {  	s9 =	simm.s32 $0x7340;
	v3 =	vld [tilespmem:s10+$0x30]  }
0x5b: {  	v4 =	vld [tilespmem:s9+$0x30]  }
0x5c: {  	v5 =	vld [tilespmem:s9+$0xFFFFFFC0]  }
0x5d: {  	v6 =	vld [tilespmem:s10+$0xFFFFFFD0]  }
0x5e: {  	v7 =	vld [tilespmem:s9+$0xFFFFFFD0]  }
0x5f: {  	v8 =	vld [tilespmem:s10+$0xFFFFFFE0]  }
0x60: {  	v9 =	vld [tilespmem:s9+$0xFFFFFFE0]  }
0x61: {  	v18 =	vld [tilespmem:s10+$0xFFFFFFC0]  }
0x62: {  	v10 =	vld [tilespmem:s9+$0xFFFFFFF0];
	v3 =	vsub.f32 v3, v4  }
0x63: {  	v4 =	vld [tilespmem:s10+$0xFFFFFFF0]  }
0x64: {  	v11 =	vand.u32 $0x7FFFFFFF, v3;
	v3 =	vsub.f32 v6, v7  }
0x65: {  	v12 =	vld [tilespmem:s9+$0x0];
	v7 =	vsub.f32 $3.600000000e+02, v11  }
0x66: {  	v5 =	vsub.f32 v18, v5;
	v6 =	vld [tilespmem:s10+$0x0];
	v14 =	vand.u32 $0x7FFFFFFF, v3;
	v3 =	vsub.f32 v8, v9  }
0x67: {  	v13 =	vld [tilespmem:s9+$0x10];
	v7 =	vmin.f32 v11, v7;
	v9 =	vsub.f32 $3.600000000e+02, v14;
	v16 =	vmin.f32 v14, $1.000000000e+00  }
0x68: {  	v8 =	vld [tilespmem:s10+$0x10];
	v7 =	vmul.f32 $5.555555600e-02, v7;
	v19 =	vand.u32 $0x7FFFFFFF, v3;
	v3 =	vsub.f32 v4, v10  }
0x69: {  	v15 =	vld [tilespmem:s9+$0x20];
	v17 =	vmul.f32 $5.000000000e-01, v16;
	v9 =	vmin.f32 v14, v9;
	v10 =	vsub.f32 $3.600000000e+02, v19  }
0x6a: {  	v4 =	vld [tilespmem:s10+$0x20];
	v21 =	vmin.f32 v19, $1.000000000e+00;
	v7 =	vtrunc.f32 v7;
	v22 =	vand.u32 $0x7FFFFFFF, v3  }
0x6b: {  	v3 =	vsub.f32 v6, v12;
	v12 =	vmin.f32 v11, $1.000000000e+00;
	v6 =	vcvt.f32.s32 v7  }
0x6c: {  	v7 =	vmul.f32 $5.555555600e-02, v9;
	v9 =	vmin.f32 v19, v10;
	v10 =	vsub.f32 $3.600000000e+02, v22  }
0x6d: {  	v28 =	vmin.f32 v22, $1.000000000e+00;
	v25 =	vand.u32 $0x7FFFFFFF, v3;
	v3 =	vsub.f32 v8, v13  }
0x6e: {  	v13 =	vmul.f32 $5.000000000e-01, v12;
	v9 =	vmul.f32 $5.555555600e-02, v9;
	vm0 =	vlt.s32 v6, $0x9  }
0x6f: {  	v8 =	vmin.f32 v22, v10;
	v10 =	vsub.f32 $3.600000000e+02, v25;
	v4 =	vsub.f32 v4, v15  }
0x70: {  	v7 =	vtrunc.f32 v7;
	v29 =	vmin.f32 v25, $1.000000000e+00;
	v6 =	vnsel vm0, $0x9, v6  }
0x71: {  	v26 =	vand.u32 $0x7FFFFFFF, v3;
	v8 =	vmul.f32 $5.555555600e-02, v8;
	v9 =	vtrunc.f32 v9  }
0x72: {  	v15 =	vcvt.f32.s32 v7;
	v6 =	vshll.u32 v6, $0x7;
	v3 =	vand.u32 $0x7FFFFFFF, v4  }
0x73: {  	v4 =	vand.u32 $0x7FFFFFFF, v5;
	v5 =	vmul.f32 v13, v12;
	v24 =	vor.u32 v2, v6  }
0x74: {  	v6 =	vmin.f32 v25, v10;
	v10 =	vsub.f32 v11, v12;
	v11 =	vsub.f32 $3.600000000e+02, v4  }
0x75: {  	v32 =	vmul.f32 $5.000000000e-01, v29;
	v12 =	vsub.f32 $3.600000000e+02, v26;
	v13 =	vsub.f32 $3.600000000e+02, v3  }
0x76: {  	v8 =	vtrunc.f32 v8;
	v6 =	vmul.f32 $5.555555600e-02, v6;
	v27 =	vadd.f32 v5, v10  }
0x77: {  	v5 =	vmin.f32 v4, v11;
	v11 =	vmin.f32 v3, v13;
	v13 =	vcvt.f32.s32 v9  }
0x78: {  	v10 =	vmin.f32 v26, v12;
	v12 =	vcvt.f32.s32 v8;
	v9 =	vmul.f32 $5.000000000e-01, v21  }
0x79: {  	v31 =	vmin.f32 v26, $1.000000000e+00;
	v5 =	vmul.f32 $5.555555600e-02, v5;
	v10 =	vmul.f32 $5.555555600e-02, v10  }
0x7a: {  	v18 =	vmin.f32 v4, $1.000000000e+00;
	v11 =	vmul.f32 $5.555555600e-02, v11;
	v20 =	vtrunc.f32 v6  }
0x7b: {  	v6 =	vsub.f32 v4, v18;
	v4 =	vmul.f32 $5.000000000e-01, v18;
	v5 =	vtrunc.f32 v5  }
0x7c: {  	vm0 =	vlt.s32 v15, $0x9;
	v23 =	vtrunc.f32 v10;
	v11 =	vtrunc.f32 v11  }
0x7d: {  	vm4 =	vlt.s32 v13, $0x9;
	v10 =	vcvt.f32.s32 v20;
	v30 =	vcvt.f32.s32 v5  }
0x7e: {  	vm2 =	vlt.s32 v12, $0x9;
	v8 =	vcvt.f32.s32 v23;
	v7 =	vcvt.f32.s32 v11  }
0x7f: {  	v20 =	vsub.f32 v14, v16;
	v11 =	vmul.f32 $5.000000000e-01, v28;
	v23 =	vmul.f32 v4, v18  }
0x80: {  	v5 =	vmin.f32 v3, $1.000000000e+00;
	v4 =	vmul.f32 $5.000000000e-01, v31;
	v18 =	vmul.f32 v17, v16  }
0x81: {  	v17 =	vmul.f32 v9, v21;
	v21 =	vsub.f32 v19, v21;
	v19 =	vsub.f32 v22, v28  }
0x82: {  	v22 =	vsub.f32 v25, v29;
	vm3 =	vlt.s32 v10, $0x9;
	v16 =	vmul.f32 $5.000000000e-01, v5  }
0x83: {  	vm6 =	vlt.s32 v30, $0x9;
	vm5 =	vlt.s32 v8, $0x9;
	v14 =	vmul.f32 v11, v28  }
0x84: {  	[tilespmem:v24+s3+$0x0] =	vst.idx.add.f32.msk $0xffff, v1;
	vm1 =	vlt.s32 v7, $0x9;
	v11 =	vmul.f32 v32, v29;
	v9 =	vmul.f32 v4, v31  }
0x85: {  	s11 =	simm.s32 $0xC0;
	s10 =	simm.s32 $0x0;
	[tilespmem:v24+s4+$0x0] =	vst.idx.add.f32.msk $0xffff, v27;
	v4 =	vmul.f32 v16, v5;
	v24 =	vnsel vm6, $0x9, v30;
	v16 =	vsub.f32 v26, v31  }
.LBB2_2:
0x86: {  	v25 =	vld [tilespmem:s11+$0x30];
	v15 =	vnsel vm0, $0x9, v15;
	v13 =	vnsel vm4, $0x9, v13;
	v3 =	vsub.f32 v3, v5;
	s9 =	sadd.s32 $0x80, s9  }
0x87: {  	v12 =	vnsel vm2, $0x9, v12;
	v10 =	vnsel vm3, $0x9, v10;
	v8 =	vnsel vm5, $0x9, v8;
	v5 =	vld [tilespmem:s9+$0x30]  }
0x88: {  	s10 =	sadd.s32 $0x80, s10;
	v24 =	vshll.u32 v24, $0x7;
	v7 =	vnsel vm1, $0x9, v7;
	v15 =	vshll.u32 v15, $0x7;
	v26 =	vld [tilespmem:s9+$0xFFFFFFC0]  }
0x89: {  	p1 =	slt.u32 s10, $0x3900;
	v13 =	vshll.u32 v13, $0x7;
	v12 =	vshll.u32 v12, $0x7;
	v10 =	vshll.u32 v10, $0x7;
	v27 =	vld [tilespmem:s11+$0xFFFFFFD0]  }
0x8a: {  	v6 =	vadd.f32 v23, v6;
	v8 =	vshll.u32 v8, $0x7;
	v7 =	vshll.u32 v7, $0x7;
	v28 =	vld [tilespmem:s9+$0xFFFFFFD0]  }
0x8b: {  	v18 =	vadd.f32 v18, v20;
	v17 =	vadd.f32 v17, v21;
	v24 =	vor.u32 v2, v24;
	v23 =	vld [tilespmem:s11+$0xFFFFFFE0]  }
0x8c: {  	v14 =	vadd.f32 v14, v19;
	v15 =	vor.u32 v2, v15;
	v20 =	vld [tilespmem:s9+$0xFFFFFFE0];
	v5 =	vsub.f32 v25, v5  }
0x8d: {  	v11 =	vadd.f32 v11, v22;
	v9 =	vadd.f32 v9, v16;
	v13 =	vor.u32 v2, v13;
	v19 =	vld [tilespmem:s11+$0xFFFFFFF0]  }
0x8e: {  	v12 =	vor.u32 v2, v12;
	v21 =	vadd.f32 v4, v3;
	v16 =	vld [tilespmem:s9+$0xFFFFFFF0];
	v5 =	vand.u32 $0x7FFFFFFF, v5  }
0x8f: {  	v10 =	vor.u32 v2, v10;
	v3 =	vsub.f32 v27, v28;
	v22 =	vld [tilespmem:s11+$0x0];
	v25 =	vsub.f32 $3.600000000e+02, v5  }
0x90: {  	v8 =	vor.u32 v2, v8;
	v7 =	vor.u32 v2, v7;
	v27 =	vld [tilespmem:s9+$0x0]  }
0x91: {  	v4 =	vand.u32 $0x7FFFFFFF, v3;
	v3 =	vsub.f32 v23, v20;
	v20 =	vld [tilespmem:s11+$0x10];
	v23 =	vmin.f32 v5, v25  }
0x92: {  	v25 =	vsub.f32 $3.600000000e+02, v4;
	v28 =	vmin.f32 v4, $1.000000000e+00;
	v29 =	vld [tilespmem:s9+$0x10];
	v23 =	vmul.f32 $5.555555600e-02, v23  }
0x93: {  	v30 =	vmul.f32 $5.000000000e-01, v28;
	v31 =	vand.u32 $0x7FFFFFFF, v3;
	v3 =	vsub.f32 v19, v16;
	v16 =	vld [tilespmem:s11+$0x20]  }
0x94: {  	v19 =	vmin.f32 v4, v25;
	v25 =	vsub.f32 $3.600000000e+02, v31;
	v32 =	vld [tilespmem:s9+$0x20];
	v23 =	vtrunc.f32 v23  }
0x95: {  	v33 =	vld [tilespmem:s11+$0xFFFFFFC0];
	v34 =	vand.u32 $0x7FFFFFFF, v3;
	v3 =	vsub.f32 v22, v27;
	v22 =	vcvt.f32.s32 v23  }
0x96: {  	v19 =	vmul.f32 $5.555555600e-02, v19;
	v23 =	vmin.f32 v31, v25;
	v25 =	vsub.f32 $3.600000000e+02, v34;
	[tilespmem:v24+s3+$0x0] =	vst.idx.add.f32.msk $0xffff, v1  }
0x97: {  	v27 =	vand.u32 $0x7FFFFFFF, v3;
	v3 =	vsub.f32 v20, v29;
	vm0 =	vlt.s32 v22, $0x9;
	[tilespmem:v24+s4+$0x0] =	vst.idx.add.f32.msk $0xffff, v6  }
0x98: {  	v6 =	vmin.f32 v34, v25;
	v20 =	vsub.f32 $3.600000000e+02, v27;
	v22 =	vnsel vm0, $0x9, v22;
	[tilespmem:v15+s3+$0x0] =	vst.idx.add.f32.msk $0xffff, v1  }
0x99: {  	v24 =	vmin.f32 v5, $1.000000000e+00;
	v16 =	vsub.f32 v16, v32;
	v22 =	vshll.u32 v22, $0x7;
	[tilespmem:v15+s4+$0x0] =	vst.idx.add.f32.msk $0xffff, v18  }
0x9a: {  	v18 =	vmul.f32 $5.000000000e-01, v24;
	v15 =	vsub.f32 v33, v26;
	v22 =	vor.u32 v2, v22;
	[tilespmem:v13+s3+$0x0] =	vst.idx.add.f32.msk $0xffff, v1  }
0x9b: {  	v25 =	vand.u32 $0x7FFFFFFF, v3;
	v20 =	vmin.f32 v27, v20;
	v3 =	vand.u32 $0x7FFFFFFF, v16;
	[tilespmem:v13+s4+$0x0] =	vst.idx.add.f32.msk $0xffff, v17  }
0x9c: {  	v5 =	vsub.f32 v5, v24;
	v13 =	vand.u32 $0x7FFFFFFF, v15;
	v15 =	vmul.f32 v18, v24;
	[tilespmem:v12+s3+$0x0] =	vst.idx.add.f32.msk $0xffff, v1  }
0x9d: {  	v17 =	vmul.f32 $5.555555600e-02, v23;
	v18 =	vsub.f32 $3.600000000e+02, v25;
	v16 =	vsub.f32 $3.600000000e+02, v13;
	[tilespmem:v12+s4+$0x0] =	vst.idx.add.f32.msk $0xffff, v14  }
0x9e: {  	v6 =	vmul.f32 $5.555555600e-02, v6;
	v12 =	vsub.f32 $3.600000000e+02, v3;
	v5 =	vadd.f32 v15, v5;
	[tilespmem:v10+s3+$0x0] =	vst.idx.add.f32.msk $0xffff, v1  }
0x9f: {  	v15 =	vmul.f32 $5.555555600e-02, v20;
	v14 =	vmin.f32 v13, v16;
	v16 =	vmin.f32 v25, v18;
	[tilespmem:v22+s3+$0x0] =	vst.idx.add.f32.msk $0xffff, v1  }
0xa0: {  	v12 =	vmin.f32 v3, v12;
	v14 =	vmul.f32 $5.555555600e-02, v14;
	v16 =	vmul.f32 $5.555555600e-02, v16;
	[tilespmem:v22+s4+$0x0] =	vst.idx.add.f32.msk $0xffff, v5  }
0xa1: {  	v19 =	vtrunc.f32 v19;
	v18 =	vmin.f32 v13, $1.000000000e+00;
	v5 =	vmul.f32 $5.555555600e-02, v12;
	[tilespmem:v10+s4+$0x0] =	vst.idx.add.f32.msk $0xffff, v11  }
0xa2: {  	v11 =	vtrunc.f32 v17;
	v10 =	vtrunc.f32 v14;
	v14 =	vmin.f32 v31, $1.000000000e+00;
	[tilespmem:v8+s3+$0x0] =	vst.idx.add.f32.msk $0xffff, v1  }
0xa3: {  	v12 =	vtrunc.f32 v6;
	v22 =	vmin.f32 v34, $1.000000000e+00;
	v17 =	vtrunc.f32 v15;
	[tilespmem:v8+s4+$0x0] =	vst.idx.add.f32.msk $0xffff, v9  }
0xa4: {  	v26 =	vmin.f32 v27, $1.000000000e+00;
	v8 =	vtrunc.f32 v16;
	v9 =	vtrunc.f32 v5;
	[tilespmem:v7+s3+$0x0] =	vst.idx.add.f32.msk $0xffff, v1  }
0xa5: {  	v29 =	vmin.f32 v25, $1.000000000e+00;
	v16 =	vcvt.f32.s32 v10;
	v5 =	vmin.f32 v3, $1.000000000e+00;
	[tilespmem:v7+s4+$0x0] =	vst.idx.add.f32.msk $0xffff, v21  }
0xa6: {  	v6 =	vsub.f32 v13, v18;
	v15 =	vcvt.f32.s32 v19;
	v13 =	vcvt.f32.s32 v11  }
0xa7: {  	v12 =	vcvt.f32.s32 v12;
	v10 =	vcvt.f32.s32 v17;
	vm6 =	vlt.s32 v16, $0x9  }
0xa8: {  	vm0 =	vlt.s32 v15, $0x9;
	v8 =	vcvt.f32.s32 v8;
	v7 =	vcvt.f32.s32 v9  }
0xa9: {  	v11 =	vmul.f32 $5.000000000e-01, v14;
	vm4 =	vlt.s32 v13, $0x9;
	v9 =	vmul.f32 $5.000000000e-01, v18  }
0xaa: {  	v24 =	vmul.f32 $5.000000000e-01, v26;
	v19 =	vmul.f32 $5.000000000e-01, v22;
	vm2 =	vlt.s32 v12, $0x9  }
0xab: {  	v32 =	vmul.f32 $5.000000000e-01, v29;
	v33 =	vmul.f32 $5.000000000e-01, v5;
	vm3 =	vlt.s32 v10, $0x9  }
.Ltmp2:
0xac: {  	vm5 =	vlt.s32 v8, $0x9;
	v23 =	vmul.f32 v9, v18;
	vm1 =	vlt.s32 v7, $0x9;
	(pc) =	sbr.rel @p1 .LBB2_2-.Ltmp2, $4  }
0xad: {  	v20 =	vsub.f32 v4, v28;
	v17 =	vmul.f32 v11, v14;
	v18 =	vmul.f32 v30, v28  }
0xae: {  	v21 =	vsub.f32 v31, v14;
	v14 =	vmul.f32 v19, v22;
	v11 =	vmul.f32 v24, v26  }
0xaf: {  	v19 =	vsub.f32 v34, v22;
	v4 =	vmul.f32 v33, v5;
	v9 =	vmul.f32 v32, v29  }
0xb0: {  	s11 =	sadd.s32 $0x80, s11;
	v22 =	vsub.f32 v27, v26;
	v24 =	vnsel vm6, $0x9, v16;
	v16 =	vsub.f32 v25, v29  }
0xb1: {  	v24 =	vshll.u32 v24, $0x7  }
0xb2: {  	v15 =	vnsel vm0, $0x9, v15;
	v24 =	vor.u32 v2, v24  }
0xb3: {  	v13 =	vnsel vm4, $0x9, v13;
	v12 =	vnsel vm2, $0x9, v12;
	v15 =	vshll.u32 v15, $0x7  }
0xb4: {  	v6 =	vadd.f32 v23, v6;
	v13 =	vshll.u32 v13, $0x7;
	v15 =	vor.u32 v2, v15  }
0xb5: {  	v8 =	vnsel vm5, $0x9, v8;
	v12 =	vshll.u32 v12, $0x7;
	v13 =	vor.u32 v2, v13  }
0xb6: {  	v7 =	vnsel vm1, $0x9, v7;
	v8 =	vshll.u32 v8, $0x7;
	v12 =	vor.u32 v2, v12  }
0xb7: {  	v7 =	vshll.u32 v7, $0x7;
	v8 =	vor.u32 v2, v8;
	[tilespmem:v24+s3+$0x0] =	vst.idx.add.f32.msk $0xffff, v1  }
0xb8: {  	v7 =	vor.u32 v2, v7;
	[tilespmem:v24+s4+$0x0] =	vst.idx.add.f32.msk $0xffff, v6  }
0xb9: {  	[tilespmem:v15+s3+$0x0] =	vst.idx.add.f32.msk $0xffff, v1  }
0xba: {  	[tilespmem:v13+s3+$0x0] =	vst.idx.add.f32.msk $0xffff, v1  }
0xbb: {  	[tilespmem:v12+s3+$0x0] =	vst.idx.add.f32.msk $0xffff, v1  }
0xbc: {  	v10 =	vnsel vm3, $0x9, v10;
	v18 =	vadd.f32 v18, v20;
	[tilespmem:v8+s3+$0x0] =	vst.idx.add.f32.msk $0xffff, v1  }
0xbd: {  	v14 =	vadd.f32 v14, v19;
	v3 =	vsub.f32 v3, v5;
	v6 =	vshll.u32 v10, $0x7;
	[tilespmem:v7+s3+$0x0] =	vst.idx.add.f32.msk $0xffff, v1  }
0xbe: {  	v5 =	vadd.f32 v9, v16;
	v6 =	vor.u32 v2, v6;
	[tilespmem:v15+s4+$0x0] =	vst.idx.add.f32.msk $0xffff, v18  }
0xbf: {  	v3 =	vadd.f32 v4, v3;
	[tilespmem:v12+s4+$0x0] =	vst.idx.add.f32.msk $0xffff, v14  }
0xc0: {  	v10 =	vadd.f32 v17, v21;
	[tilespmem:v8+s4+$0x0] =	vst.idx.add.f32.msk $0xffff, v5  }
0xc1: {  	[tilespmem:v7+s4+$0x0] =	vst.idx.add.f32.msk $0xffff, v3  }
0xc2: {  	[tilespmem:v13+s4+$0x0] =	vst.idx.add.f32.msk $0xffff, v10;
	v10 =	vadd.f32 v11, v22  }
0xc3: {  	[tilespmem:v6+s3+$0x0] =	vst.idx.add.f32.msk $0xffff, v1  }
0xc4: {  	[tilespmem:v6+s4+$0x0] =	vst.idx.add.f32.msk $0xffff, v10  }
0xc5: {  	s9 =	rddreg [dreg:$0x8]  }
0xc6: {  	[tilespmem:s2], [sflag:$0x1] =	stream.linear.gather [hbm4b:s9+s2], $0x3980, $0x38;
	[tilespmem:$0xF600] =	vst v63  }
0xc7: {  	s11 =	rddreg [dreg:$0x9]  }
0xc8: {  	[tilespmem:s31], [sflag:$0x3] =	stream.linear.gather [hbm4b:s11+s2], $0x3980, $0x38;
	[tilespmem:$0xF600] =	vst v63  }
0xc9: {  	_ =	swait.ge [sflag:s5], $0x3980  }
0xca: {  	[sflag:s5] =	ssyncset.done $0x0  }
0xcb: {  	[sflag:s5] =	ssyncadd.s32 $0xFFFFC680  }
0xcc: {  	_ =	swait.ge [sflag:s6], $0x3980  }
0xcd: {  	[sflag:s6] =	ssyncset.done $0x0  }
0xce: {  	s10 =	simm.s32 $0x39C0;
	[sflag:s6] =	ssyncadd.s32 $0xFFFFC680  }
0xcf: {  	s9 =	simm.s32 $0xACC0;
	v3 =	vld [tilespmem:s10+$0x30]  }
0xd0: {  	v4 =	vld [tilespmem:s9+$0x30]  }
0xd1: {  	v5 =	vld [tilespmem:s9+$0xFFFFFFC0]  }
0xd2: {  	v6 =	vld [tilespmem:s10+$0xFFFFFFD0]  }
0xd3: {  	v7 =	vld [tilespmem:s9+$0xFFFFFFD0]  }
0xd4: {  	v8 =	vld [tilespmem:s10+$0xFFFFFFE0]  }
0xd5: {  	v9 =	vld [tilespmem:s9+$0xFFFFFFE0]  }
0xd6: {  	v18 =	vld [tilespmem:s10+$0xFFFFFFC0]  }
0xd7: {  	v10 =	vld [tilespmem:s9+$0xFFFFFFF0];
	v3 =	vsub.f32 v3, v4  }
0xd8: {  	v4 =	vld [tilespmem:s10+$0xFFFFFFF0]  }
0xd9: {  	v11 =	vand.u32 $0x7FFFFFFF, v3;
	v3 =	vsub.f32 v6, v7  }
0xda: {  	v12 =	vld [tilespmem:s9+$0x0];
	v7 =	vsub.f32 $3.600000000e+02, v11  }
0xdb: {  	v5 =	vsub.f32 v18, v5;
	v6 =	vld [tilespmem:s10+$0x0];
	v14 =	vand.u32 $0x7FFFFFFF, v3;
	v3 =	vsub.f32 v8, v9  }
0xdc: {  	v13 =	vld [tilespmem:s9+$0x10];
	v7 =	vmin.f32 v11, v7;
	v9 =	vsub.f32 $3.600000000e+02, v14;
	v16 =	vmin.f32 v14, $1.000000000e+00  }
0xdd: {  	v8 =	vld [tilespmem:s10+$0x10];
	v7 =	vmul.f32 $5.555555600e-02, v7;
	v19 =	vand.u32 $0x7FFFFFFF, v3;
	v3 =	vsub.f32 v4, v10  }
0xde: {  	v15 =	vld [tilespmem:s9+$0x20];
	v17 =	vmul.f32 $5.000000000e-01, v16;
	v9 =	vmin.f32 v14, v9;
	v10 =	vsub.f32 $3.600000000e+02, v19  }
0xdf: {  	v4 =	vld [tilespmem:s10+$0x20];
	v21 =	vmin.f32 v19, $1.000000000e+00;
	v7 =	vtrunc.f32 v7;
	v22 =	vand.u32 $0x7FFFFFFF, v3  }
0xe0: {  	v3 =	vsub.f32 v6, v12;
	v12 =	vmin.f32 v11, $1.000000000e+00;
	v6 =	vcvt.f32.s32 v7  }
0xe1: {  	v7 =	vmul.f32 $5.555555600e-02, v9;
	v9 =	vmin.f32 v19, v10;
	v10 =	vsub.f32 $3.600000000e+02, v22  }
0xe2: {  	v28 =	vmin.f32 v22, $1.000000000e+00;
	v25 =	vand.u32 $0x7FFFFFFF, v3;
	v3 =	vsub.f32 v8, v13  }
0xe3: {  	v13 =	vmul.f32 $5.000000000e-01, v12;
	v9 =	vmul.f32 $5.555555600e-02, v9;
	vm0 =	vlt.s32 v6, $0x9  }
0xe4: {  	v8 =	vmin.f32 v22, v10;
	v10 =	vsub.f32 $3.600000000e+02, v25;
	v4 =	vsub.f32 v4, v15  }
0xe5: {  	v7 =	vtrunc.f32 v7;
	v29 =	vmin.f32 v25, $1.000000000e+00;
	v6 =	vnsel vm0, $0x9, v6  }
0xe6: {  	v26 =	vand.u32 $0x7FFFFFFF, v3;
	v8 =	vmul.f32 $5.555555600e-02, v8;
	v9 =	vtrunc.f32 v9  }
0xe7: {  	v15 =	vcvt.f32.s32 v7;
	v6 =	vshll.u32 v6, $0x7;
	v3 =	vand.u32 $0x7FFFFFFF, v4  }
0xe8: {  	v4 =	vand.u32 $0x7FFFFFFF, v5;
	v5 =	vmul.f32 v13, v12;
	v24 =	vor.u32 v2, v6  }
0xe9: {  	v6 =	vmin.f32 v25, v10;
	v10 =	vsub.f32 v11, v12;
	v11 =	vsub.f32 $3.600000000e+02, v4  }
0xea: {  	v32 =	vmul.f32 $5.000000000e-01, v29;
	v12 =	vsub.f32 $3.600000000e+02, v26;
	v13 =	vsub.f32 $3.600000000e+02, v3  }
0xeb: {  	v8 =	vtrunc.f32 v8;
	v6 =	vmul.f32 $5.555555600e-02, v6;
	v27 =	vadd.f32 v5, v10  }
0xec: {  	v5 =	vmin.f32 v4, v11;
	v11 =	vmin.f32 v3, v13;
	v13 =	vcvt.f32.s32 v9  }
0xed: {  	v10 =	vmin.f32 v26, v12;
	v12 =	vcvt.f32.s32 v8;
	v9 =	vmul.f32 $5.000000000e-01, v21  }
0xee: {  	v31 =	vmin.f32 v26, $1.000000000e+00;
	v5 =	vmul.f32 $5.555555600e-02, v5;
	v10 =	vmul.f32 $5.555555600e-02, v10  }
0xef: {  	v18 =	vmin.f32 v4, $1.000000000e+00;
	v11 =	vmul.f32 $5.555555600e-02, v11;
	v20 =	vtrunc.f32 v6  }
0xf0: {  	v6 =	vsub.f32 v4, v18;
	v4 =	vmul.f32 $5.000000000e-01, v18;
	v5 =	vtrunc.f32 v5  }
0xf1: {  	vm0 =	vlt.s32 v15, $0x9;
	v23 =	vtrunc.f32 v10;
	v11 =	vtrunc.f32 v11  }
0xf2: {  	vm4 =	vlt.s32 v13, $0x9;
	v10 =	vcvt.f32.s32 v20;
	v30 =	vcvt.f32.s32 v5  }
0xf3: {  	vm2 =	vlt.s32 v12, $0x9;
	v8 =	vcvt.f32.s32 v23;
	v7 =	vcvt.f32.s32 v11  }
0xf4: {  	v20 =	vsub.f32 v14, v16;
	v11 =	vmul.f32 $5.000000000e-01, v28;
	v23 =	vmul.f32 v4, v18  }
0xf5: {  	v5 =	vmin.f32 v3, $1.000000000e+00;
	v4 =	vmul.f32 $5.000000000e-01, v31;
	v18 =	vmul.f32 v17, v16  }
0xf6: {  	v17 =	vmul.f32 v9, v21;
	v21 =	vsub.f32 v19, v21;
	v19 =	vsub.f32 v22, v28  }
0xf7: {  	v22 =	vsub.f32 v25, v29;
	vm3 =	vlt.s32 v10, $0x9;
	v16 =	vmul.f32 $5.000000000e-01, v5  }
0xf8: {  	vm6 =	vlt.s32 v30, $0x9;
	vm5 =	vlt.s32 v8, $0x9;
	v14 =	vmul.f32 v11, v28  }
0xf9: {  	[tilespmem:v24+s3+$0x0] =	vst.idx.add.f32.msk $0xffff, v1;
	vm1 =	vlt.s32 v7, $0x9;
	v11 =	vmul.f32 v32, v29;
	v9 =	vmul.f32 v4, v31  }
0xfa: {  	s11 =	simm.s32 $0x3A40;
	s10 =	simm.s32 $0x0;
	[tilespmem:v24+s4+$0x0] =	vst.idx.add.f32.msk $0xffff, v27;
	v4 =	vmul.f32 v16, v5;
	v24 =	vnsel vm6, $0x9, v30;
	v16 =	vsub.f32 v26, v31  }
.LBB2_4:
0xfb: {  	v25 =	vld [tilespmem:s11+$0x30];
	v15 =	vnsel vm0, $0x9, v15;
	v13 =	vnsel vm4, $0x9, v13;
	v3 =	vsub.f32 v3, v5;
	s9 =	sadd.s32 $0x80, s9  }
0xfc: {  	v12 =	vnsel vm2, $0x9, v12;
	v10 =	vnsel vm3, $0x9, v10;
	v8 =	vnsel vm5, $0x9, v8;
	v5 =	vld [tilespmem:s9+$0x30]  }
0xfd: {  	s10 =	sadd.s32 $0x80, s10;
	v24 =	vshll.u32 v24, $0x7;
	v7 =	vnsel vm1, $0x9, v7;
	v15 =	vshll.u32 v15, $0x7;
	v26 =	vld [tilespmem:s9+$0xFFFFFFC0]  }
0xfe: {  	p1 =	slt.u32 s10, $0x3900;
	v13 =	vshll.u32 v13, $0x7;
	v12 =	vshll.u32 v12, $0x7;
	v10 =	vshll.u32 v10, $0x7;
	v27 =	vld [tilespmem:s11+$0xFFFFFFD0]  }
0xff: {  	v6 =	vadd.f32 v23, v6;
	v8 =	vshll.u32 v8, $0x7;
	v7 =	vshll.u32 v7, $0x7;
	v28 =	vld [tilespmem:s9+$0xFFFFFFD0]  }
0x100: {  	v18 =	vadd.f32 v18, v20;
	v17 =	vadd.f32 v17, v21;
	v24 =	vor.u32 v2, v24;
	v23 =	vld [tilespmem:s11+$0xFFFFFFE0]  }
0x101: {  	v14 =	vadd.f32 v14, v19;
	v15 =	vor.u32 v2, v15;
	v20 =	vld [tilespmem:s9+$0xFFFFFFE0];
	v5 =	vsub.f32 v25, v5  }
0x102: {  	v11 =	vadd.f32 v11, v22;
	v9 =	vadd.f32 v9, v16;
	v13 =	vor.u32 v2, v13;
	v19 =	vld [tilespmem:s11+$0xFFFFFFF0]  }
0x103: {  	v12 =	vor.u32 v2, v12;
	v21 =	vadd.f32 v4, v3;
	v16 =	vld [tilespmem:s9+$0xFFFFFFF0];
	v5 =	vand.u32 $0x7FFFFFFF, v5  }
0x104: {  	v10 =	vor.u32 v2, v10;
	v3 =	vsub.f32 v27, v28;
	v22 =	vld [tilespmem:s11+$0x0];
	v25 =	vsub.f32 $3.600000000e+02, v5  }
0x105: {  	v8 =	vor.u32 v2, v8;
	v7 =	vor.u32 v2, v7;
	v27 =	vld [tilespmem:s9+$0x0]  }
0x106: {  	v4 =	vand.u32 $0x7FFFFFFF, v3;
	v3 =	vsub.f32 v23, v20;
	v20 =	vld [tilespmem:s11+$0x10];
	v23 =	vmin.f32 v5, v25  }
0x107: {  	v25 =	vsub.f32 $3.600000000e+02, v4;
	v28 =	vmin.f32 v4, $1.000000000e+00;
	v29 =	vld [tilespmem:s9+$0x10];
	v23 =	vmul.f32 $5.555555600e-02, v23  }
0x108: {  	v30 =	vmul.f32 $5.000000000e-01, v28;
	v31 =	vand.u32 $0x7FFFFFFF, v3;
	v3 =	vsub.f32 v19, v16;
	v16 =	vld [tilespmem:s11+$0x20]  }
0x109: {  	v19 =	vmin.f32 v4, v25;
	v25 =	vsub.f32 $3.600000000e+02, v31;
	v32 =	vld [tilespmem:s9+$0x20];
	v23 =	vtrunc.f32 v23  }
0x10a: {  	v33 =	vld [tilespmem:s11+$0xFFFFFFC0];
	v34 =	vand.u32 $0x7FFFFFFF, v3;
	v3 =	vsub.f32 v22, v27;
	v22 =	vcvt.f32.s32 v23  }
0x10b: {  	v19 =	vmul.f32 $5.555555600e-02, v19;
	v23 =	vmin.f32 v31, v25;
	v25 =	vsub.f32 $3.600000000e+02, v34;
	[tilespmem:v24+s3+$0x0] =	vst.idx.add.f32.msk $0xffff, v1  }
0x10c: {  	v27 =	vand.u32 $0x7FFFFFFF, v3;
	v3 =	vsub.f32 v20, v29;
	vm0 =	vlt.s32 v22, $0x9;
	[tilespmem:v24+s4+$0x0] =	vst.idx.add.f32.msk $0xffff, v6  }
0x10d: {  	v6 =	vmin.f32 v34, v25;
	v20 =	vsub.f32 $3.600000000e+02, v27;
	v22 =	vnsel vm0, $0x9, v22;
	[tilespmem:v15+s3+$0x0] =	vst.idx.add.f32.msk $0xffff, v1  }
0x10e: {  	v24 =	vmin.f32 v5, $1.000000000e+00;
	v16 =	vsub.f32 v16, v32;
	v22 =	vshll.u32 v22, $0x7;
	[tilespmem:v15+s4+$0x0] =	vst.idx.add.f32.msk $0xffff, v18  }
0x10f: {  	v18 =	vmul.f32 $5.000000000e-01, v24;
	v15 =	vsub.f32 v33, v26;
	v22 =	vor.u32 v2, v22;
	[tilespmem:v13+s3+$0x0] =	vst.idx.add.f32.msk $0xffff, v1  }
0x110: {  	v25 =	vand.u32 $0x7FFFFFFF, v3;
	v20 =	vmin.f32 v27, v20;
	v3 =	vand.u32 $0x7FFFFFFF, v16;
	[tilespmem:v13+s4+$0x0] =	vst.idx.add.f32.msk $0xffff, v17  }
0x111: {  	v5 =	vsub.f32 v5, v24;
	v13 =	vand.u32 $0x7FFFFFFF, v15;
	v15 =	vmul.f32 v18, v24;
	[tilespmem:v12+s3+$0x0] =	vst.idx.add.f32.msk $0xffff, v1  }
0x112: {  	v17 =	vmul.f32 $5.555555600e-02, v23;
	v18 =	vsub.f32 $3.600000000e+02, v25;
	v16 =	vsub.f32 $3.600000000e+02, v13;
	[tilespmem:v12+s4+$0x0] =	vst.idx.add.f32.msk $0xffff, v14  }
0x113: {  	v6 =	vmul.f32 $5.555555600e-02, v6;
	v12 =	vsub.f32 $3.600000000e+02, v3;
	v5 =	vadd.f32 v15, v5;
	[tilespmem:v10+s3+$0x0] =	vst.idx.add.f32.msk $0xffff, v1  }
0x114: {  	v15 =	vmul.f32 $5.555555600e-02, v20;
	v14 =	vmin.f32 v13, v16;
	v16 =	vmin.f32 v25, v18;
	[tilespmem:v22+s3+$0x0] =	vst.idx.add.f32.msk $0xffff, v1  }
0x115: {  	v12 =	vmin.f32 v3, v12;
	v14 =	vmul.f32 $5.555555600e-02, v14;
	v16 =	vmul.f32 $5.555555600e-02, v16;
	[tilespmem:v22+s4+$0x0] =	vst.idx.add.f32.msk $0xffff, v5  }
0x116: {  	v19 =	vtrunc.f32 v19;
	v18 =	vmin.f32 v13, $1.000000000e+00;
	v5 =	vmul.f32 $5.555555600e-02, v12;
	[tilespmem:v10+s4+$0x0] =	vst.idx.add.f32.msk $0xffff, v11  }
0x117: {  	v11 =	vtrunc.f32 v17;
	v10 =	vtrunc.f32 v14;
	v14 =	vmin.f32 v31, $1.000000000e+00;
	[tilespmem:v8+s3+$0x0] =	vst.idx.add.f32.msk $0xffff, v1  }
0x118: {  	v12 =	vtrunc.f32 v6;
	v22 =	vmin.f32 v34, $1.000000000e+00;
	v17 =	vtrunc.f32 v15;
	[tilespmem:v8+s4+$0x0] =	vst.idx.add.f32.msk $0xffff, v9  }
0x119: {  	v26 =	vmin.f32 v27, $1.000000000e+00;
	v8 =	vtrunc.f32 v16;
	v9 =	vtrunc.f32 v5;
	[tilespmem:v7+s3+$0x0] =	vst.idx.add.f32.msk $0xffff, v1  }
0x11a: {  	v29 =	vmin.f32 v25, $1.000000000e+00;
	v16 =	vcvt.f32.s32 v10;
	v5 =	vmin.f32 v3, $1.000000000e+00;
	[tilespmem:v7+s4+$0x0] =	vst.idx.add.f32.msk $0xffff, v21  }
0x11b: {  	v6 =	vsub.f32 v13, v18;
	v15 =	vcvt.f32.s32 v19;
	v13 =	vcvt.f32.s32 v11  }
0x11c: {  	v12 =	vcvt.f32.s32 v12;
	v10 =	vcvt.f32.s32 v17;
	vm6 =	vlt.s32 v16, $0x9  }
0x11d: {  	vm0 =	vlt.s32 v15, $0x9;
	v8 =	vcvt.f32.s32 v8;
	v7 =	vcvt.f32.s32 v9  }
0x11e: {  	v11 =	vmul.f32 $5.000000000e-01, v14;
	vm4 =	vlt.s32 v13, $0x9;
	v9 =	vmul.f32 $5.000000000e-01, v18  }
0x11f: {  	v24 =	vmul.f32 $5.000000000e-01, v26;
	v19 =	vmul.f32 $5.000000000e-01, v22;
	vm2 =	vlt.s32 v12, $0x9  }
0x120: {  	v32 =	vmul.f32 $5.000000000e-01, v29;
	v33 =	vmul.f32 $5.000000000e-01, v5;
	vm3 =	vlt.s32 v10, $0x9  }
.Ltmp3:
0x121: {  	vm5 =	vlt.s32 v8, $0x9;
	v23 =	vmul.f32 v9, v18;
	vm1 =	vlt.s32 v7, $0x9;
	(pc) =	sbr.rel @p1 .LBB2_4-.Ltmp3, $4  }
0x122: {  	v20 =	vsub.f32 v4, v28;
	v17 =	vmul.f32 v11, v14;
	v18 =	vmul.f32 v30, v28  }
0x123: {  	v21 =	vsub.f32 v31, v14;
	v14 =	vmul.f32 v19, v22;
	v11 =	vmul.f32 v24, v26  }
0x124: {  	v19 =	vsub.f32 v34, v22;
	v4 =	vmul.f32 v33, v5;
	v9 =	vmul.f32 v32, v29  }
0x125: {  	s11 =	sadd.s32 $0x80, s11;
	v22 =	vsub.f32 v27, v26;
	v24 =	vnsel vm6, $0x9, v16;
	v16 =	vsub.f32 v25, v29  }
0x126: {  	v24 =	vshll.u32 v24, $0x7  }
0x127: {  	v15 =	vnsel vm0, $0x9, v15;
	v24 =	vor.u32 v2, v24  }
0x128: {  	v13 =	vnsel vm4, $0x9, v13;
	v12 =	vnsel vm2, $0x9, v12;
	v15 =	vshll.u32 v15, $0x7  }
0x129: {  	v6 =	vadd.f32 v23, v6;
	v13 =	vshll.u32 v13, $0x7;
	v15 =	vor.u32 v2, v15  }
0x12a: {  	v8 =	vnsel vm5, $0x9, v8;
	v12 =	vshll.u32 v12, $0x7;
	v13 =	vor.u32 v2, v13  }
0x12b: {  	v7 =	vnsel vm1, $0x9, v7;
	v8 =	vshll.u32 v8, $0x7;
	v12 =	vor.u32 v2, v12  }
0x12c: {  	v7 =	vshll.u32 v7, $0x7;
	v8 =	vor.u32 v2, v8;
	[tilespmem:v24+s3+$0x0] =	vst.idx.add.f32.msk $0xffff, v1  }
0x12d: {  	v7 =	vor.u32 v2, v7;
	[tilespmem:v24+s4+$0x0] =	vst.idx.add.f32.msk $0xffff, v6  }
0x12e: {  	[tilespmem:v15+s3+$0x0] =	vst.idx.add.f32.msk $0xffff, v1  }
0x12f: {  	[tilespmem:v13+s3+$0x0] =	vst.idx.add.f32.msk $0xffff, v1  }
0x130: {  	[tilespmem:v12+s3+$0x0] =	vst.idx.add.f32.msk $0xffff, v1  }
0x131: {  	v10 =	vnsel vm3, $0x9, v10;
	v18 =	vadd.f32 v18, v20;
	[tilespmem:v8+s3+$0x0] =	vst.idx.add.f32.msk $0xffff, v1  }
0x132: {  	v14 =	vadd.f32 v14, v19;
	v3 =	vsub.f32 v3, v5;
	v6 =	vshll.u32 v10, $0x7;
	[tilespmem:v7+s3+$0x0] =	vst.idx.add.f32.msk $0xffff, v1  }
0x133: {  	v5 =	vadd.f32 v9, v16;
	v6 =	vor.u32 v2, v6;
	[tilespmem:v15+s4+$0x0] =	vst.idx.add.f32.msk $0xffff, v18  }
0x134: {  	v3 =	vadd.f32 v4, v3;
	[tilespmem:v12+s4+$0x0] =	vst.idx.add.f32.msk $0xffff, v14  }
0x135: {  	v10 =	vadd.f32 v17, v21;
	[tilespmem:v8+s4+$0x0] =	vst.idx.add.f32.msk $0xffff, v5  }
0x136: {  	[tilespmem:v7+s4+$0x0] =	vst.idx.add.f32.msk $0xffff, v3  }
0x137: {  	[tilespmem:v13+s4+$0x0] =	vst.idx.add.f32.msk $0xffff, v10;
	v10 =	vadd.f32 v11, v22  }
0x138: {  	[tilespmem:v6+s3+$0x0] =	vst.idx.add.f32.msk $0xffff, v1  }
0x139: {  	[tilespmem:v6+s4+$0x0] =	vst.idx.add.f32.msk $0xffff, v10  }
0x13a: {  	s9 =	rddreg [dreg:$0xa]  }
0x13b: {  	[tilespmem:s1], [sflag:$0x2] =	stream.linear.gather [hbm4b:s9+s2], $0x3980, $0x38;
	[tilespmem:$0xF600] =	vst v63  }
0x13c: {  	s11 =	rddreg [dreg:$0xb]  }
0x13d: {  	[tilespmem:s0], [sflag:$0x4] =	stream.linear.gather [hbm4b:s11+s2], $0x3980, $0x38;
	[tilespmem:$0xF600] =	vst v63  }
0x13e: {  	_ =	swait.ge [sflag:s25], $0x3980  }
0x13f: {  	[sflag:s25] =	ssyncset.done $0x0  }
0x140: {  	[sflag:s25] =	ssyncadd.s32 $0xFFFFC680  }
0x141: {  	_ =	swait.ge [sflag:s26], $0x3980  }
0x142: {  	[sflag:s26] =	ssyncset.done $0x0  }
0x143: {  	s10 =	simm.s32 $0x40;
	[sflag:s26] =	ssyncadd.s32 $0xFFFFC680  }
0x144: {  	s9 =	simm.s32 $0x7340;
	v3 =	vld [tilespmem:s10+$0x30]  }
0x145: {  	v4 =	vld [tilespmem:s9+$0x30]  }
0x146: {  	v5 =	vld [tilespmem:s9+$0xFFFFFFC0]  }
0x147: {  	v6 =	vld [tilespmem:s10+$0xFFFFFFD0]  }
0x148: {  	v7 =	vld [tilespmem:s9+$0xFFFFFFD0]  }
0x149: {  	v8 =	vld [tilespmem:s10+$0xFFFFFFE0]  }
0x14a: {  	v9 =	vld [tilespmem:s9+$0xFFFFFFE0]  }
0x14b: {  	v18 =	vld [tilespmem:s10+$0xFFFFFFC0]  }
0x14c: {  	v10 =	vld [tilespmem:s9+$0xFFFFFFF0];
	v3 =	vsub.f32 v3, v4  }
0x14d: {  	v4 =	vld [tilespmem:s10+$0xFFFFFFF0]  }
0x14e: {  	v11 =	vand.u32 $0x7FFFFFFF, v3;
	v3 =	vsub.f32 v6, v7  }
0x14f: {  	v12 =	vld [tilespmem:s9+$0x0];
	v7 =	vsub.f32 $3.600000000e+02, v11  }
0x150: {  	v5 =	vsub.f32 v18, v5;
	v6 =	vld [tilespmem:s10+$0x0];
	v14 =	vand.u32 $0x7FFFFFFF, v3;
	v3 =	vsub.f32 v8, v9  }
0x151: {  	v13 =	vld [tilespmem:s9+$0x10];
	v7 =	vmin.f32 v11, v7;
	v9 =	vsub.f32 $3.600000000e+02, v14;
	v16 =	vmin.f32 v14, $1.000000000e+00  }
0x152: {  	v8 =	vld [tilespmem:s10+$0x10];
	v7 =	vmul.f32 $5.555555600e-02, v7;
	v19 =	vand.u32 $0x7FFFFFFF, v3;
	v3 =	vsub.f32 v4, v10  }
0x153: {  	v15 =	vld [tilespmem:s9+$0x20];
	v17 =	vmul.f32 $5.000000000e-01, v16;
	v9 =	vmin.f32 v14, v9;
	v10 =	vsub.f32 $3.600000000e+02, v19  }
0x154: {  	v4 =	vld [tilespmem:s10+$0x20];
	v21 =	vmin.f32 v19, $1.000000000e+00;
	v7 =	vtrunc.f32 v7;
	v22 =	vand.u32 $0x7FFFFFFF, v3  }
0x155: {  	v3 =	vsub.f32 v6, v12;
	v12 =	vmin.f32 v11, $1.000000000e+00;
	v6 =	vcvt.f32.s32 v7  }
0x156: {  	v7 =	vmul.f32 $5.555555600e-02, v9;
	v9 =	vmin.f32 v19, v10;
	v10 =	vsub.f32 $3.600000000e+02, v22  }
0x157: {  	v28 =	vmin.f32 v22, $1.000000000e+00;
	v25 =	vand.u32 $0x7FFFFFFF, v3;
	v3 =	vsub.f32 v8, v13  }
0x158: {  	v13 =	vmul.f32 $5.000000000e-01, v12;
	v9 =	vmul.f32 $5.555555600e-02, v9;
	vm0 =	vlt.s32 v6, $0x9  }
0x159: {  	v8 =	vmin.f32 v22, v10;
	v10 =	vsub.f32 $3.600000000e+02, v25;
	v4 =	vsub.f32 v4, v15  }
0x15a: {  	v7 =	vtrunc.f32 v7;
	v29 =	vmin.f32 v25, $1.000000000e+00;
	v6 =	vnsel vm0, $0x9, v6  }
0x15b: {  	v26 =	vand.u32 $0x7FFFFFFF, v3;
	v8 =	vmul.f32 $5.555555600e-02, v8;
	v9 =	vtrunc.f32 v9  }
0x15c: {  	v15 =	vcvt.f32.s32 v7;
	v6 =	vshll.u32 v6, $0x7;
	v3 =	vand.u32 $0x7FFFFFFF, v4  }
0x15d: {  	v4 =	vand.u32 $0x7FFFFFFF, v5;
	v5 =	vmul.f32 v13, v12;
	v24 =	vor.u32 v2, v6  }
0x15e: {  	v6 =	vmin.f32 v25, v10;
	v10 =	vsub.f32 v11, v12;
	v11 =	vsub.f32 $3.600000000e+02, v4  }
0x15f: {  	v32 =	vmul.f32 $5.000000000e-01, v29;
	v12 =	vsub.f32 $3.600000000e+02, v26;
	v13 =	vsub.f32 $3.600000000e+02, v3  }
0x160: {  	v8 =	vtrunc.f32 v8;
	v6 =	vmul.f32 $5.555555600e-02, v6;
	v27 =	vadd.f32 v5, v10  }
0x161: {  	v5 =	vmin.f32 v4, v11;
	v11 =	vmin.f32 v3, v13;
	v13 =	vcvt.f32.s32 v9  }
0x162: {  	v10 =	vmin.f32 v26, v12;
	v12 =	vcvt.f32.s32 v8;
	v9 =	vmul.f32 $5.000000000e-01, v21  }
0x163: {  	v31 =	vmin.f32 v26, $1.000000000e+00;
	v5 =	vmul.f32 $5.555555600e-02, v5;
	v10 =	vmul.f32 $5.555555600e-02, v10  }
0x164: {  	v18 =	vmin.f32 v4, $1.000000000e+00;
	v11 =	vmul.f32 $5.555555600e-02, v11;
	v20 =	vtrunc.f32 v6  }
0x165: {  	v6 =	vsub.f32 v4, v18;
	v4 =	vmul.f32 $5.000000000e-01, v18;
	v5 =	vtrunc.f32 v5  }
0x166: {  	vm0 =	vlt.s32 v15, $0x9;
	v23 =	vtrunc.f32 v10;
	v11 =	vtrunc.f32 v11  }
0x167: {  	vm4 =	vlt.s32 v13, $0x9;
	v10 =	vcvt.f32.s32 v20;
	v30 =	vcvt.f32.s32 v5  }
0x168: {  	vm2 =	vlt.s32 v12, $0x9;
	v8 =	vcvt.f32.s32 v23;
	v7 =	vcvt.f32.s32 v11  }
0x169: {  	v20 =	vsub.f32 v14, v16;
	v11 =	vmul.f32 $5.000000000e-01, v28;
	v23 =	vmul.f32 v4, v18  }
0x16a: {  	v5 =	vmin.f32 v3, $1.000000000e+00;
	v4 =	vmul.f32 $5.000000000e-01, v31;
	v18 =	vmul.f32 v17, v16  }
0x16b: {  	v17 =	vmul.f32 v9, v21;
	v21 =	vsub.f32 v19, v21;
	v19 =	vsub.f32 v22, v28  }
0x16c: {  	v22 =	vsub.f32 v25, v29;
	vm3 =	vlt.s32 v10, $0x9;
	v16 =	vmul.f32 $5.000000000e-01, v5  }
0x16d: {  	vm6 =	vlt.s32 v30, $0x9;
	vm5 =	vlt.s32 v8, $0x9;
	v14 =	vmul.f32 v11, v28  }
0x16e: {  	[tilespmem:v24+s3+$0x0] =	vst.idx.add.f32.msk $0xffff, v1;
	vm1 =	vlt.s32 v7, $0x9;
	v11 =	vmul.f32 v32, v29;
	v9 =	vmul.f32 v4, v31  }
0x16f: {  	s11 =	simm.s32 $0xC0;
	s10 =	simm.s32 $0x0;
	[tilespmem:v24+s4+$0x0] =	vst.idx.add.f32.msk $0xffff, v27;
	v4 =	vmul.f32 v16, v5;
	v24 =	vnsel vm6, $0x9, v30;
	v16 =	vsub.f32 v26, v31  }
.LBB2_6:
0x170: {  	v25 =	vld [tilespmem:s11+$0x30];
	v15 =	vnsel vm0, $0x9, v15;
	v13 =	vnsel vm4, $0x9, v13;
	v3 =	vsub.f32 v3, v5;
	s9 =	sadd.s32 $0x80, s9  }
0x171: {  	v12 =	vnsel vm2, $0x9, v12;
	v10 =	vnsel vm3, $0x9, v10;
	v8 =	vnsel vm5, $0x9, v8;
	v5 =	vld [tilespmem:s9+$0x30]  }
0x172: {  	s10 =	sadd.s32 $0x80, s10;
	v24 =	vshll.u32 v24, $0x7;
	v7 =	vnsel vm1, $0x9, v7;
	v15 =	vshll.u32 v15, $0x7;
	v26 =	vld [tilespmem:s9+$0xFFFFFFC0]  }
0x173: {  	p1 =	slt.u32 s10, $0x3900;
	v13 =	vshll.u32 v13, $0x7;
	v12 =	vshll.u32 v12, $0x7;
	v10 =	vshll.u32 v10, $0x7;
	v27 =	vld [tilespmem:s11+$0xFFFFFFD0]  }
0x174: {  	v6 =	vadd.f32 v23, v6;
	v8 =	vshll.u32 v8, $0x7;
	v7 =	vshll.u32 v7, $0x7;
	v28 =	vld [tilespmem:s9+$0xFFFFFFD0]  }
0x175: {  	v18 =	vadd.f32 v18, v20;
	v17 =	vadd.f32 v17, v21;
	v24 =	vor.u32 v2, v24;
	v23 =	vld [tilespmem:s11+$0xFFFFFFE0]  }
0x176: {  	v14 =	vadd.f32 v14, v19;
	v15 =	vor.u32 v2, v15;
	v20 =	vld [tilespmem:s9+$0xFFFFFFE0];
	v5 =	vsub.f32 v25, v5  }
0x177: {  	v11 =	vadd.f32 v11, v22;
	v9 =	vadd.f32 v9, v16;
	v13 =	vor.u32 v2, v13;
	v19 =	vld [tilespmem:s11+$0xFFFFFFF0]  }
0x178: {  	v12 =	vor.u32 v2, v12;
	v21 =	vadd.f32 v4, v3;
	v16 =	vld [tilespmem:s9+$0xFFFFFFF0];
	v5 =	vand.u32 $0x7FFFFFFF, v5  }
0x179: {  	v10 =	vor.u32 v2, v10;
	v3 =	vsub.f32 v27, v28;
	v22 =	vld [tilespmem:s11+$0x0];
	v25 =	vsub.f32 $3.600000000e+02, v5  }
0x17a: {  	v8 =	vor.u32 v2, v8;
	v7 =	vor.u32 v2, v7;
	v27 =	vld [tilespmem:s9+$0x0]  }
0x17b: {  	v4 =	vand.u32 $0x7FFFFFFF, v3;
	v3 =	vsub.f32 v23, v20;
	v20 =	vld [tilespmem:s11+$0x10];
	v23 =	vmin.f32 v5, v25  }
0x17c: {  	v25 =	vsub.f32 $3.600000000e+02, v4;
	v28 =	vmin.f32 v4, $1.000000000e+00;
	v29 =	vld [tilespmem:s9+$0x10];
	v23 =	vmul.f32 $5.555555600e-02, v23  }
0x17d: {  	v30 =	vmul.f32 $5.000000000e-01, v28;
	v31 =	vand.u32 $0x7FFFFFFF, v3;
	v3 =	vsub.f32 v19, v16;
	v16 =	vld [tilespmem:s11+$0x20]  }
0x17e: {  	v19 =	vmin.f32 v4, v25;
	v25 =	vsub.f32 $3.600000000e+02, v31;
	v32 =	vld [tilespmem:s9+$0x20];
	v23 =	vtrunc.f32 v23  }
0x17f: {  	v33 =	vld [tilespmem:s11+$0xFFFFFFC0];
	v34 =	vand.u32 $0x7FFFFFFF, v3;
	v3 =	vsub.f32 v22, v27;
	v22 =	vcvt.f32.s32 v23  }
0x180: {  	v19 =	vmul.f32 $5.555555600e-02, v19;
	v23 =	vmin.f32 v31, v25;
	v25 =	vsub.f32 $3.600000000e+02, v34;
	[tilespmem:v24+s3+$0x0] =	vst.idx.add.f32.msk $0xffff, v1  }
0x181: {  	v27 =	vand.u32 $0x7FFFFFFF, v3;
	v3 =	vsub.f32 v20, v29;
	vm0 =	vlt.s32 v22, $0x9;
	[tilespmem:v24+s4+$0x0] =	vst.idx.add.f32.msk $0xffff, v6  }
0x182: {  	v6 =	vmin.f32 v34, v25;
	v20 =	vsub.f32 $3.600000000e+02, v27;
	v22 =	vnsel vm0, $0x9, v22;
	[tilespmem:v15+s3+$0x0] =	vst.idx.add.f32.msk $0xffff, v1  }
0x183: {  	v24 =	vmin.f32 v5, $1.000000000e+00;
	v16 =	vsub.f32 v16, v32;
	v22 =	vshll.u32 v22, $0x7;
	[tilespmem:v15+s4+$0x0] =	vst.idx.add.f32.msk $0xffff, v18  }
0x184: {  	v18 =	vmul.f32 $5.000000000e-01, v24;
	v15 =	vsub.f32 v33, v26;
	v22 =	vor.u32 v2, v22;
	[tilespmem:v13+s3+$0x0] =	vst.idx.add.f32.msk $0xffff, v1  }
0x185: {  	v25 =	vand.u32 $0x7FFFFFFF, v3;
	v20 =	vmin.f32 v27, v20;
	v3 =	vand.u32 $0x7FFFFFFF, v16;
	[tilespmem:v13+s4+$0x0] =	vst.idx.add.f32.msk $0xffff, v17  }
0x186: {  	v5 =	vsub.f32 v5, v24;
	v13 =	vand.u32 $0x7FFFFFFF, v15;
	v15 =	vmul.f32 v18, v24;
	[tilespmem:v12+s3+$0x0] =	vst.idx.add.f32.msk $0xffff, v1  }
0x187: {  	v17 =	vmul.f32 $5.555555600e-02, v23;
	v18 =	vsub.f32 $3.600000000e+02, v25;
	v16 =	vsub.f32 $3.600000000e+02, v13;
	[tilespmem:v12+s4+$0x0] =	vst.idx.add.f32.msk $0xffff, v14  }
0x188: {  	v6 =	vmul.f32 $5.555555600e-02, v6;
	v12 =	vsub.f32 $3.600000000e+02, v3;
	v5 =	vadd.f32 v15, v5;
	[tilespmem:v10+s3+$0x0] =	vst.idx.add.f32.msk $0xffff, v1  }
0x189: {  	v15 =	vmul.f32 $5.555555600e-02, v20;
	v14 =	vmin.f32 v13, v16;
	v16 =	vmin.f32 v25, v18;
	[tilespmem:v22+s3+$0x0] =	vst.idx.add.f32.msk $0xffff, v1  }
0x18a: {  	v12 =	vmin.f32 v3, v12;
	v14 =	vmul.f32 $5.555555600e-02, v14;
	v16 =	vmul.f32 $5.555555600e-02, v16;
	[tilespmem:v22+s4+$0x0] =	vst.idx.add.f32.msk $0xffff, v5  }
0x18b: {  	v19 =	vtrunc.f32 v19;
	v18 =	vmin.f32 v13, $1.000000000e+00;
	v5 =	vmul.f32 $5.555555600e-02, v12;
	[tilespmem:v10+s4+$0x0] =	vst.idx.add.f32.msk $0xffff, v11  }
0x18c: {  	v11 =	vtrunc.f32 v17;
	v10 =	vtrunc.f32 v14;
	v14 =	vmin.f32 v31, $1.000000000e+00;
	[tilespmem:v8+s3+$0x0] =	vst.idx.add.f32.msk $0xffff, v1  }
0x18d: {  	v12 =	vtrunc.f32 v6;
	v22 =	vmin.f32 v34, $1.000000000e+00;
	v17 =	vtrunc.f32 v15;
	[tilespmem:v8+s4+$0x0] =	vst.idx.add.f32.msk $0xffff, v9  }
0x18e: {  	v26 =	vmin.f32 v27, $1.000000000e+00;
	v8 =	vtrunc.f32 v16;
	v9 =	vtrunc.f32 v5;
	[tilespmem:v7+s3+$0x0] =	vst.idx.add.f32.msk $0xffff, v1  }
0x18f: {  	v29 =	vmin.f32 v25, $1.000000000e+00;
	v16 =	vcvt.f32.s32 v10;
	v5 =	vmin.f32 v3, $1.000000000e+00;
	[tilespmem:v7+s4+$0x0] =	vst.idx.add.f32.msk $0xffff, v21  }
0x190: {  	v6 =	vsub.f32 v13, v18;
	v15 =	vcvt.f32.s32 v19;
	v13 =	vcvt.f32.s32 v11  }
0x191: {  	v12 =	vcvt.f32.s32 v12;
	v10 =	vcvt.f32.s32 v17;
	vm6 =	vlt.s32 v16, $0x9  }
0x192: {  	vm0 =	vlt.s32 v15, $0x9;
	v8 =	vcvt.f32.s32 v8;
	v7 =	vcvt.f32.s32 v9  }
0x193: {  	v11 =	vmul.f32 $5.000000000e-01, v14;
	vm4 =	vlt.s32 v13, $0x9;
	v9 =	vmul.f32 $5.000000000e-01, v18  }
0x194: {  	v24 =	vmul.f32 $5.000000000e-01, v26;
	v19 =	vmul.f32 $5.000000000e-01, v22;
	vm2 =	vlt.s32 v12, $0x9  }
0x195: {  	v32 =	vmul.f32 $5.000000000e-01, v29;
	v33 =	vmul.f32 $5.000000000e-01, v5;
	vm3 =	vlt.s32 v10, $0x9  }
.Ltmp4:
0x196: {  	vm5 =	vlt.s32 v8, $0x9;
	v23 =	vmul.f32 v9, v18;
	vm1 =	vlt.s32 v7, $0x9;
	(pc) =	sbr.rel @p1 .LBB2_6-.Ltmp4, $4  }
0x197: {  	v20 =	vsub.f32 v4, v28;
	v17 =	vmul.f32 v11, v14;
	v18 =	vmul.f32 v30, v28  }
0x198: {  	v21 =	vsub.f32 v31, v14;
	v14 =	vmul.f32 v19, v22;
	v11 =	vmul.f32 v24, v26  }
0x199: {  	v19 =	vsub.f32 v34, v22;
	v4 =	vmul.f32 v33, v5;
	v9 =	vmul.f32 v32, v29  }
0x19a: {  	s11 =	sadd.s32 $0x80, s11;
	v22 =	vsub.f32 v27, v26;
	v24 =	vnsel vm6, $0x9, v16;
	v16 =	vsub.f32 v25, v29  }
0x19b: {  	v24 =	vshll.u32 v24, $0x7  }
0x19c: {  	v15 =	vnsel vm0, $0x9, v15;
	v24 =	vor.u32 v2, v24  }
0x19d: {  	v13 =	vnsel vm4, $0x9, v13;
	v12 =	vnsel vm2, $0x9, v12;
	v15 =	vshll.u32 v15, $0x7  }
0x19e: {  	v6 =	vadd.f32 v23, v6;
	v13 =	vshll.u32 v13, $0x7;
	v15 =	vor.u32 v2, v15  }
0x19f: {  	v8 =	vnsel vm5, $0x9, v8;
	v12 =	vshll.u32 v12, $0x7;
	v13 =	vor.u32 v2, v13  }
0x1a0: {  	v7 =	vnsel vm1, $0x9, v7;
	v8 =	vshll.u32 v8, $0x7;
	v12 =	vor.u32 v2, v12  }
0x1a1: {  	v7 =	vshll.u32 v7, $0x7;
	v8 =	vor.u32 v2, v8;
	[tilespmem:v24+s3+$0x0] =	vst.idx.add.f32.msk $0xffff, v1  }
0x1a2: {  	v7 =	vor.u32 v2, v7;
	[tilespmem:v24+s4+$0x0] =	vst.idx.add.f32.msk $0xffff, v6  }
0x1a3: {  	[tilespmem:v15+s3+$0x0] =	vst.idx.add.f32.msk $0xffff, v1  }
0x1a4: {  	[tilespmem:v13+s3+$0x0] =	vst.idx.add.f32.msk $0xffff, v1  }
0x1a5: {  	[tilespmem:v12+s3+$0x0] =	vst.idx.add.f32.msk $0xffff, v1  }
0x1a6: {  	v10 =	vnsel vm3, $0x9, v10;
	v18 =	vadd.f32 v18, v20;
	[tilespmem:v8+s3+$0x0] =	vst.idx.add.f32.msk $0xffff, v1  }
0x1a7: {  	v14 =	vadd.f32 v14, v19;
	v3 =	vsub.f32 v3, v5;
	v6 =	vshll.u32 v10, $0x7;
	[tilespmem:v7+s3+$0x0] =	vst.idx.add.f32.msk $0xffff, v1  }
0x1a8: {  	v5 =	vadd.f32 v9, v16;
	v6 =	vor.u32 v2, v6;
	[tilespmem:v15+s4+$0x0] =	vst.idx.add.f32.msk $0xffff, v18  }
0x1a9: {  	v3 =	vadd.f32 v4, v3;
	[tilespmem:v12+s4+$0x0] =	vst.idx.add.f32.msk $0xffff, v14  }
0x1aa: {  	v10 =	vadd.f32 v17, v21;
	[tilespmem:v8+s4+$0x0] =	vst.idx.add.f32.msk $0xffff, v5  }
0x1ab: {  	[tilespmem:v7+s4+$0x0] =	vst.idx.add.f32.msk $0xffff, v3  }
0x1ac: {  	[tilespmem:v13+s4+$0x0] =	vst.idx.add.f32.msk $0xffff, v10;
	v10 =	vadd.f32 v11, v22  }
0x1ad: {  	[tilespmem:v6+s3+$0x0] =	vst.idx.add.f32.msk $0xffff, v1  }
0x1ae: {  	[tilespmem:v6+s4+$0x0] =	vst.idx.add.f32.msk $0xffff, v10  }
0x1af: {  	s9 =	rddreg [dreg:$0xc]  }
0x1b0: {  	[tilespmem:s2], [sflag:$0x1] =	stream.linear.gather [hbm4b:s9+s2], $0x3980, $0x38;
	[tilespmem:$0xF600] =	vst v63  }
0x1b1: {  	_ = 	snop  }
0x1b2: {  	[tilespmem:s31], [sflag:$0x3] =	stream.linear.gather [hbm4b:s12+s2], $0x3980, $0x38;
	[tilespmem:$0xF600] =	vst v63  }
0x1b3: {  	_ =	swait.ge [sflag:s5], $0x3980  }
0x1b4: {  	[sflag:s5] =	ssyncset.done $0x0  }
0x1b5: {  	[sflag:s5] =	ssyncadd.s32 $0xFFFFC680  }
0x1b6: {  	_ =	swait.ge [sflag:s6], $0x3980  }
0x1b7: {  	[sflag:s6] =	ssyncset.done $0x0  }
0x1b8: {  	s10 =	simm.s32 $0x39C0;
	[sflag:s6] =	ssyncadd.s32 $0xFFFFC680  }
0x1b9: {  	s9 =	simm.s32 $0xACC0;
	v3 =	vld [tilespmem:s10+$0x30]  }
0x1ba: {  	v4 =	vld [tilespmem:s9+$0x30]  }
0x1bb: {  	v5 =	vld [tilespmem:s9+$0xFFFFFFC0]  }
0x1bc: {  	v6 =	vld [tilespmem:s10+$0xFFFFFFD0]  }
0x1bd: {  	v7 =	vld [tilespmem:s9+$0xFFFFFFD0]  }
0x1be: {  	v8 =	vld [tilespmem:s10+$0xFFFFFFE0]  }
0x1bf: {  	v9 =	vld [tilespmem:s9+$0xFFFFFFE0]  }
0x1c0: {  	v18 =	vld [tilespmem:s10+$0xFFFFFFC0]  }
0x1c1: {  	v10 =	vld [tilespmem:s9+$0xFFFFFFF0];
	v3 =	vsub.f32 v3, v4  }
0x1c2: {  	v4 =	vld [tilespmem:s10+$0xFFFFFFF0]  }
0x1c3: {  	v11 =	vand.u32 $0x7FFFFFFF, v3;
	v3 =	vsub.f32 v6, v7  }
0x1c4: {  	v12 =	vld [tilespmem:s9+$0x0];
	v7 =	vsub.f32 $3.600000000e+02, v11  }
0x1c5: {  	v5 =	vsub.f32 v18, v5;
	v6 =	vld [tilespmem:s10+$0x0];
	v14 =	vand.u32 $0x7FFFFFFF, v3;
	v3 =	vsub.f32 v8, v9  }
0x1c6: {  	v13 =	vld [tilespmem:s9+$0x10];
	v7 =	vmin.f32 v11, v7;
	v9 =	vsub.f32 $3.600000000e+02, v14;
	v16 =	vmin.f32 v14, $1.000000000e+00  }
0x1c7: {  	v8 =	vld [tilespmem:s10+$0x10];
	v7 =	vmul.f32 $5.555555600e-02, v7;
	v19 =	vand.u32 $0x7FFFFFFF, v3;
	v3 =	vsub.f32 v4, v10  }
0x1c8: {  	v15 =	vld [tilespmem:s9+$0x20];
	v17 =	vmul.f32 $5.000000000e-01, v16;
	v9 =	vmin.f32 v14, v9;
	v10 =	vsub.f32 $3.600000000e+02, v19  }
0x1c9: {  	v4 =	vld [tilespmem:s10+$0x20];
	v21 =	vmin.f32 v19, $1.000000000e+00;
	v7 =	vtrunc.f32 v7;
	v22 =	vand.u32 $0x7FFFFFFF, v3  }
0x1ca: {  	v3 =	vsub.f32 v6, v12;
	v12 =	vmin.f32 v11, $1.000000000e+00;
	v6 =	vcvt.f32.s32 v7  }
0x1cb: {  	v7 =	vmul.f32 $5.555555600e-02, v9;
	v9 =	vmin.f32 v19, v10;
	v10 =	vsub.f32 $3.600000000e+02, v22  }
0x1cc: {  	v28 =	vmin.f32 v22, $1.000000000e+00;
	v25 =	vand.u32 $0x7FFFFFFF, v3;
	v3 =	vsub.f32 v8, v13  }
0x1cd: {  	v13 =	vmul.f32 $5.000000000e-01, v12;
	v9 =	vmul.f32 $5.555555600e-02, v9;
	vm0 =	vlt.s32 v6, $0x9  }
0x1ce: {  	v8 =	vmin.f32 v22, v10;
	v10 =	vsub.f32 $3.600000000e+02, v25;
	v4 =	vsub.f32 v4, v15  }
0x1cf: {  	v7 =	vtrunc.f32 v7;
	v29 =	vmin.f32 v25, $1.000000000e+00;
	v6 =	vnsel vm0, $0x9, v6  }
0x1d0: {  	v26 =	vand.u32 $0x7FFFFFFF, v3;
	v8 =	vmul.f32 $5.555555600e-02, v8;
	v9 =	vtrunc.f32 v9  }
0x1d1: {  	v15 =	vcvt.f32.s32 v7;
	v6 =	vshll.u32 v6, $0x7;
	v3 =	vand.u32 $0x7FFFFFFF, v4  }
0x1d2: {  	v4 =	vand.u32 $0x7FFFFFFF, v5;
	v5 =	vmul.f32 v13, v12;
	v24 =	vor.u32 v2, v6  }
0x1d3: {  	v6 =	vmin.f32 v25, v10;
	v10 =	vsub.f32 v11, v12;
	v11 =	vsub.f32 $3.600000000e+02, v4  }
0x1d4: {  	v32 =	vmul.f32 $5.000000000e-01, v29;
	v12 =	vsub.f32 $3.600000000e+02, v26;
	v13 =	vsub.f32 $3.600000000e+02, v3  }
0x1d5: {  	v8 =	vtrunc.f32 v8;
	v6 =	vmul.f32 $5.555555600e-02, v6;
	v27 =	vadd.f32 v5, v10  }
0x1d6: {  	v5 =	vmin.f32 v4, v11;
	v11 =	vmin.f32 v3, v13;
	v13 =	vcvt.f32.s32 v9  }
0x1d7: {  	v10 =	vmin.f32 v26, v12;
	v12 =	vcvt.f32.s32 v8;
	v9 =	vmul.f32 $5.000000000e-01, v21  }
0x1d8: {  	v31 =	vmin.f32 v26, $1.000000000e+00;
	v5 =	vmul.f32 $5.555555600e-02, v5;
	v10 =	vmul.f32 $5.555555600e-02, v10  }
0x1d9: {  	v18 =	vmin.f32 v4, $1.000000000e+00;
	v11 =	vmul.f32 $5.555555600e-02, v11;
	v20 =	vtrunc.f32 v6  }
0x1da: {  	v6 =	vsub.f32 v4, v18;
	v4 =	vmul.f32 $5.000000000e-01, v18;
	v5 =	vtrunc.f32 v5  }
0x1db: {  	vm0 =	vlt.s32 v15, $0x9;
	v23 =	vtrunc.f32 v10;
	v11 =	vtrunc.f32 v11  }
0x1dc: {  	vm4 =	vlt.s32 v13, $0x9;
	v10 =	vcvt.f32.s32 v20;
	v30 =	vcvt.f32.s32 v5  }
0x1dd: {  	vm2 =	vlt.s32 v12, $0x9;
	v8 =	vcvt.f32.s32 v23;
	v7 =	vcvt.f32.s32 v11  }
0x1de: {  	v20 =	vsub.f32 v14, v16;
	v11 =	vmul.f32 $5.000000000e-01, v28;
	v23 =	vmul.f32 v4, v18  }
0x1df: {  	v5 =	vmin.f32 v3, $1.000000000e+00;
	v4 =	vmul.f32 $5.000000000e-01, v31;
	v18 =	vmul.f32 v17, v16  }
0x1e0: {  	v17 =	vmul.f32 v9, v21;
	v21 =	vsub.f32 v19, v21;
	v19 =	vsub.f32 v22, v28  }
0x1e1: {  	v22 =	vsub.f32 v25, v29;
	vm3 =	vlt.s32 v10, $0x9;
	v16 =	vmul.f32 $5.000000000e-01, v5  }
0x1e2: {  	vm6 =	vlt.s32 v30, $0x9;
	vm5 =	vlt.s32 v8, $0x9;
	v14 =	vmul.f32 v11, v28  }
0x1e3: {  	[tilespmem:v24+s3+$0x0] =	vst.idx.add.f32.msk $0xffff, v1;
	vm1 =	vlt.s32 v7, $0x9;
	v11 =	vmul.f32 v32, v29;
	v9 =	vmul.f32 v4, v31  }
0x1e4: {  	s11 =	simm.s32 $0x3A40;
	s10 =	simm.s32 $0x0;
	[tilespmem:v24+s4+$0x0] =	vst.idx.add.f32.msk $0xffff, v27;
	v4 =	vmul.f32 v16, v5;
	v24 =	vnsel vm6, $0x9, v30;
	v16 =	vsub.f32 v26, v31  }
.LBB2_8:
0x1e5: {  	v25 =	vld [tilespmem:s11+$0x30];
	v15 =	vnsel vm0, $0x9, v15;
	v13 =	vnsel vm4, $0x9, v13;
	v3 =	vsub.f32 v3, v5;
	s9 =	sadd.s32 $0x80, s9  }
0x1e6: {  	v12 =	vnsel vm2, $0x9, v12;
	v10 =	vnsel vm3, $0x9, v10;
	v8 =	vnsel vm5, $0x9, v8;
	v5 =	vld [tilespmem:s9+$0x30]  }
0x1e7: {  	s10 =	sadd.s32 $0x80, s10;
	v24 =	vshll.u32 v24, $0x7;
	v7 =	vnsel vm1, $0x9, v7;
	v15 =	vshll.u32 v15, $0x7;
	v26 =	vld [tilespmem:s9+$0xFFFFFFC0]  }
0x1e8: {  	p1 =	slt.u32 s10, $0x3900;
	v13 =	vshll.u32 v13, $0x7;
	v12 =	vshll.u32 v12, $0x7;
	v10 =	vshll.u32 v10, $0x7;
	v27 =	vld [tilespmem:s11+$0xFFFFFFD0]  }
0x1e9: {  	v6 =	vadd.f32 v23, v6;
	v8 =	vshll.u32 v8, $0x7;
	v7 =	vshll.u32 v7, $0x7;
	v28 =	vld [tilespmem:s9+$0xFFFFFFD0]  }
0x1ea: {  	v18 =	vadd.f32 v18, v20;
	v17 =	vadd.f32 v17, v21;
	v24 =	vor.u32 v2, v24;
	v23 =	vld [tilespmem:s11+$0xFFFFFFE0]  }
0x1eb: {  	v14 =	vadd.f32 v14, v19;
	v15 =	vor.u32 v2, v15;
	v20 =	vld [tilespmem:s9+$0xFFFFFFE0];
	v5 =	vsub.f32 v25, v5  }
0x1ec: {  	v11 =	vadd.f32 v11, v22;
	v9 =	vadd.f32 v9, v16;
	v13 =	vor.u32 v2, v13;
	v19 =	vld [tilespmem:s11+$0xFFFFFFF0]  }
0x1ed: {  	v12 =	vor.u32 v2, v12;
	v21 =	vadd.f32 v4, v3;
	v16 =	vld [tilespmem:s9+$0xFFFFFFF0];
	v5 =	vand.u32 $0x7FFFFFFF, v5  }
0x1ee: {  	v10 =	vor.u32 v2, v10;
	v3 =	vsub.f32 v27, v28;
	v22 =	vld [tilespmem:s11+$0x0];
	v25 =	vsub.f32 $3.600000000e+02, v5  }
0x1ef: {  	v8 =	vor.u32 v2, v8;
	v7 =	vor.u32 v2, v7;
	v27 =	vld [tilespmem:s9+$0x0]  }
0x1f0: {  	v4 =	vand.u32 $0x7FFFFFFF, v3;
	v3 =	vsub.f32 v23, v20;
	v20 =	vld [tilespmem:s11+$0x10];
	v23 =	vmin.f32 v5, v25  }
0x1f1: {  	v25 =	vsub.f32 $3.600000000e+02, v4;
	v28 =	vmin.f32 v4, $1.000000000e+00;
	v29 =	vld [tilespmem:s9+$0x10];
	v23 =	vmul.f32 $5.555555600e-02, v23  }
0x1f2: {  	v30 =	vmul.f32 $5.000000000e-01, v28;
	v31 =	vand.u32 $0x7FFFFFFF, v3;
	v3 =	vsub.f32 v19, v16;
	v16 =	vld [tilespmem:s11+$0x20]  }
0x1f3: {  	v19 =	vmin.f32 v4, v25;
	v25 =	vsub.f32 $3.600000000e+02, v31;
	v32 =	vld [tilespmem:s9+$0x20];
	v23 =	vtrunc.f32 v23  }
0x1f4: {  	v33 =	vld [tilespmem:s11+$0xFFFFFFC0];
	v34 =	vand.u32 $0x7FFFFFFF, v3;
	v3 =	vsub.f32 v22, v27;
	v22 =	vcvt.f32.s32 v23  }
0x1f5: {  	v19 =	vmul.f32 $5.555555600e-02, v19;
	v23 =	vmin.f32 v31, v25;
	v25 =	vsub.f32 $3.600000000e+02, v34;
	[tilespmem:v24+s3+$0x0] =	vst.idx.add.f32.msk $0xffff, v1  }
0x1f6: {  	v27 =	vand.u32 $0x7FFFFFFF, v3;
	v3 =	vsub.f32 v20, v29;
	vm0 =	vlt.s32 v22, $0x9;
	[tilespmem:v24+s4+$0x0] =	vst.idx.add.f32.msk $0xffff, v6  }
0x1f7: {  	v6 =	vmin.f32 v34, v25;
	v20 =	vsub.f32 $3.600000000e+02, v27;
	v22 =	vnsel vm0, $0x9, v22;
	[tilespmem:v15+s3+$0x0] =	vst.idx.add.f32.msk $0xffff, v1  }
0x1f8: {  	v24 =	vmin.f32 v5, $1.000000000e+00;
	v16 =	vsub.f32 v16, v32;
	v22 =	vshll.u32 v22, $0x7;
	[tilespmem:v15+s4+$0x0] =	vst.idx.add.f32.msk $0xffff, v18  }
0x1f9: {  	v18 =	vmul.f32 $5.000000000e-01, v24;
	v15 =	vsub.f32 v33, v26;
	v22 =	vor.u32 v2, v22;
	[tilespmem:v13+s3+$0x0] =	vst.idx.add.f32.msk $0xffff, v1  }
0x1fa: {  	v25 =	vand.u32 $0x7FFFFFFF, v3;
	v20 =	vmin.f32 v27, v20;
	v3 =	vand.u32 $0x7FFFFFFF, v16;
	[tilespmem:v13+s4+$0x0] =	vst.idx.add.f32.msk $0xffff, v17  }
0x1fb: {  	v5 =	vsub.f32 v5, v24;
	v13 =	vand.u32 $0x7FFFFFFF, v15;
	v15 =	vmul.f32 v18, v24;
	[tilespmem:v12+s3+$0x0] =	vst.idx.add.f32.msk $0xffff, v1  }
0x1fc: {  	v17 =	vmul.f32 $5.555555600e-02, v23;
	v18 =	vsub.f32 $3.600000000e+02, v25;
	v16 =	vsub.f32 $3.600000000e+02, v13;
	[tilespmem:v12+s4+$0x0] =	vst.idx.add.f32.msk $0xffff, v14  }
0x1fd: {  	v6 =	vmul.f32 $5.555555600e-02, v6;
	v12 =	vsub.f32 $3.600000000e+02, v3;
	v5 =	vadd.f32 v15, v5;
	[tilespmem:v10+s3+$0x0] =	vst.idx.add.f32.msk $0xffff, v1  }
0x1fe: {  	v15 =	vmul.f32 $5.555555600e-02, v20;
	v14 =	vmin.f32 v13, v16;
	v16 =	vmin.f32 v25, v18;
	[tilespmem:v22+s3+$0x0] =	vst.idx.add.f32.msk $0xffff, v1  }
0x1ff: {  	v12 =	vmin.f32 v3, v12;
	v14 =	vmul.f32 $5.555555600e-02, v14;
	v16 =	vmul.f32 $5.555555600e-02, v16;
	[tilespmem:v22+s4+$0x0] =	vst.idx.add.f32.msk $0xffff, v5  }
0x200: {  	v19 =	vtrunc.f32 v19;
	v18 =	vmin.f32 v13, $1.000000000e+00;
	v5 =	vmul.f32 $5.555555600e-02, v12;
	[tilespmem:v10+s4+$0x0] =	vst.idx.add.f32.msk $0xffff, v11  }
0x201: {  	v11 =	vtrunc.f32 v17;
	v10 =	vtrunc.f32 v14;
	v14 =	vmin.f32 v31, $1.000000000e+00;
	[tilespmem:v8+s3+$0x0] =	vst.idx.add.f32.msk $0xffff, v1  }
0x202: {  	v12 =	vtrunc.f32 v6;
	v22 =	vmin.f32 v34, $1.000000000e+00;
	v17 =	vtrunc.f32 v15;
	[tilespmem:v8+s4+$0x0] =	vst.idx.add.f32.msk $0xffff, v9  }
0x203: {  	v26 =	vmin.f32 v27, $1.000000000e+00;
	v8 =	vtrunc.f32 v16;
	v9 =	vtrunc.f32 v5;
	[tilespmem:v7+s3+$0x0] =	vst.idx.add.f32.msk $0xffff, v1  }
0x204: {  	v29 =	vmin.f32 v25, $1.000000000e+00;
	v16 =	vcvt.f32.s32 v10;
	v5 =	vmin.f32 v3, $1.000000000e+00;
	[tilespmem:v7+s4+$0x0] =	vst.idx.add.f32.msk $0xffff, v21  }
0x205: {  	v6 =	vsub.f32 v13, v18;
	v15 =	vcvt.f32.s32 v19;
	v13 =	vcvt.f32.s32 v11  }
0x206: {  	v12 =	vcvt.f32.s32 v12;
	v10 =	vcvt.f32.s32 v17;
	vm6 =	vlt.s32 v16, $0x9  }
0x207: {  	vm0 =	vlt.s32 v15, $0x9;
	v8 =	vcvt.f32.s32 v8;
	v7 =	vcvt.f32.s32 v9  }
0x208: {  	v11 =	vmul.f32 $5.000000000e-01, v14;
	vm4 =	vlt.s32 v13, $0x9;
	v9 =	vmul.f32 $5.000000000e-01, v18  }
0x209: {  	v24 =	vmul.f32 $5.000000000e-01, v26;
	v19 =	vmul.f32 $5.000000000e-01, v22;
	vm2 =	vlt.s32 v12, $0x9  }
0x20a: {  	v32 =	vmul.f32 $5.000000000e-01, v29;
	v33 =	vmul.f32 $5.000000000e-01, v5;
	vm3 =	vlt.s32 v10, $0x9  }
.Ltmp5:
0x20b: {  	vm5 =	vlt.s32 v8, $0x9;
	v23 =	vmul.f32 v9, v18;
	vm1 =	vlt.s32 v7, $0x9;
	(pc) =	sbr.rel @p1 .LBB2_8-.Ltmp5, $4  }
0x20c: {  	v20 =	vsub.f32 v4, v28;
	v17 =	vmul.f32 v11, v14;
	v18 =	vmul.f32 v30, v28  }
0x20d: {  	v21 =	vsub.f32 v31, v14;
	v14 =	vmul.f32 v19, v22;
	v11 =	vmul.f32 v24, v26  }
0x20e: {  	v19 =	vsub.f32 v34, v22;
	v4 =	vmul.f32 v33, v5;
	v9 =	vmul.f32 v32, v29  }
0x20f: {  	s11 =	sadd.s32 $0x80, s11;
	v22 =	vsub.f32 v27, v26;
	v24 =	vnsel vm6, $0x9, v16;
	v16 =	vsub.f32 v25, v29  }
0x210: {  	v24 =	vshll.u32 v24, $0x7  }
0x211: {  	v15 =	vnsel vm0, $0x9, v15;
	v24 =	vor.u32 v2, v24  }
0x212: {  	v13 =	vnsel vm4, $0x9, v13;
	v12 =	vnsel vm2, $0x9, v12;
	v15 =	vshll.u32 v15, $0x7  }
0x213: {  	v6 =	vadd.f32 v23, v6;
	v13 =	vshll.u32 v13, $0x7;
	v15 =	vor.u32 v2, v15  }
0x214: {  	v8 =	vnsel vm5, $0x9, v8;
	v12 =	vshll.u32 v12, $0x7;
	v13 =	vor.u32 v2, v13  }
0x215: {  	v7 =	vnsel vm1, $0x9, v7;
	v8 =	vshll.u32 v8, $0x7;
	v12 =	vor.u32 v2, v12  }
0x216: {  	v7 =	vshll.u32 v7, $0x7;
	v8 =	vor.u32 v2, v8;
	[tilespmem:v24+s3+$0x0] =	vst.idx.add.f32.msk $0xffff, v1  }
0x217: {  	v7 =	vor.u32 v2, v7;
	[tilespmem:v24+s4+$0x0] =	vst.idx.add.f32.msk $0xffff, v6  }
0x218: {  	[tilespmem:v15+s3+$0x0] =	vst.idx.add.f32.msk $0xffff, v1  }
0x219: {  	[tilespmem:v13+s3+$0x0] =	vst.idx.add.f32.msk $0xffff, v1  }
0x21a: {  	[tilespmem:v12+s3+$0x0] =	vst.idx.add.f32.msk $0xffff, v1  }
0x21b: {  	v10 =	vnsel vm3, $0x9, v10;
	v18 =	vadd.f32 v18, v20;
	[tilespmem:v8+s3+$0x0] =	vst.idx.add.f32.msk $0xffff, v1  }
0x21c: {  	v14 =	vadd.f32 v14, v19;
	v3 =	vsub.f32 v3, v5;
	v6 =	vshll.u32 v10, $0x7;
	[tilespmem:v7+s3+$0x0] =	vst.idx.add.f32.msk $0xffff, v1  }
0x21d: {  	v5 =	vadd.f32 v9, v16;
	v6 =	vor.u32 v2, v6;
	[tilespmem:v15+s4+$0x0] =	vst.idx.add.f32.msk $0xffff, v18  }
0x21e: {  	v3 =	vadd.f32 v4, v3;
	[tilespmem:v12+s4+$0x0] =	vst.idx.add.f32.msk $0xffff, v14  }
0x21f: {  	v10 =	vadd.f32 v17, v21;
	[tilespmem:v8+s4+$0x0] =	vst.idx.add.f32.msk $0xffff, v5  }
0x220: {  	[tilespmem:v7+s4+$0x0] =	vst.idx.add.f32.msk $0xffff, v3  }
0x221: {  	[tilespmem:v13+s4+$0x0] =	vst.idx.add.f32.msk $0xffff, v10;
	v10 =	vadd.f32 v11, v22  }
0x222: {  	[tilespmem:v6+s3+$0x0] =	vst.idx.add.f32.msk $0xffff, v1  }
0x223: {  	[tilespmem:v6+s4+$0x0] =	vst.idx.add.f32.msk $0xffff, v10  }
0x224: {  	[tilespmem:s1], [sflag:$0x2] =	stream.linear.gather [hbm4b:s13+s2], $0x3980, $0x38;
	[tilespmem:$0xF600] =	vst v63  }
0x225: {  	_ = 	snop  }
0x226: {  	[tilespmem:s0], [sflag:$0x4] =	stream.linear.gather [hbm4b:s14+s2], $0x3980, $0x38;
	[tilespmem:$0xF600] =	vst v63  }
0x227: {  	_ =	swait.ge [sflag:s25], $0x3980  }
0x228: {  	[sflag:s25] =	ssyncset.done $0x0  }
0x229: {  	[sflag:s25] =	ssyncadd.s32 $0xFFFFC680  }
0x22a: {  	_ =	swait.ge [sflag:s26], $0x3980  }
0x22b: {  	[sflag:s26] =	ssyncset.done $0x0  }
0x22c: {  	s10 =	simm.s32 $0x40;
	[sflag:s26] =	ssyncadd.s32 $0xFFFFC680  }
0x22d: {  	s9 =	simm.s32 $0x7340;
	v3 =	vld [tilespmem:s10+$0x30]  }
0x22e: {  	v4 =	vld [tilespmem:s9+$0x30]  }
0x22f: {  	v5 =	vld [tilespmem:s9+$0xFFFFFFC0]  }
0x230: {  	v6 =	vld [tilespmem:s10+$0xFFFFFFD0]  }
0x231: {  	v7 =	vld [tilespmem:s9+$0xFFFFFFD0]  }
0x232: {  	v8 =	vld [tilespmem:s10+$0xFFFFFFE0]  }
0x233: {  	v9 =	vld [tilespmem:s9+$0xFFFFFFE0]  }
0x234: {  	v18 =	vld [tilespmem:s10+$0xFFFFFFC0]  }
0x235: {  	v10 =	vld [tilespmem:s9+$0xFFFFFFF0];
	v3 =	vsub.f32 v3, v4  }
0x236: {  	v4 =	vld [tilespmem:s10+$0xFFFFFFF0]  }
0x237: {  	v11 =	vand.u32 $0x7FFFFFFF, v3;
	v3 =	vsub.f32 v6, v7  }
0x238: {  	v12 =	vld [tilespmem:s9+$0x0];
	v7 =	vsub.f32 $3.600000000e+02, v11  }
0x239: {  	v5 =	vsub.f32 v18, v5;
	v6 =	vld [tilespmem:s10+$0x0];
	v14 =	vand.u32 $0x7FFFFFFF, v3;
	v3 =	vsub.f32 v8, v9  }
0x23a: {  	v13 =	vld [tilespmem:s9+$0x10];
	v7 =	vmin.f32 v11, v7;
	v9 =	vsub.f32 $3.600000000e+02, v14;
	v16 =	vmin.f32 v14, $1.000000000e+00  }
0x23b: {  	v8 =	vld [tilespmem:s10+$0x10];
	v7 =	vmul.f32 $5.555555600e-02, v7;
	v19 =	vand.u32 $0x7FFFFFFF, v3;
	v3 =	vsub.f32 v4, v10  }
0x23c: {  	v15 =	vld [tilespmem:s9+$0x20];
	v17 =	vmul.f32 $5.000000000e-01, v16;
	v9 =	vmin.f32 v14, v9;
	v10 =	vsub.f32 $3.600000000e+02, v19  }
0x23d: {  	v4 =	vld [tilespmem:s10+$0x20];
	v21 =	vmin.f32 v19, $1.000000000e+00;
	v7 =	vtrunc.f32 v7;
	v22 =	vand.u32 $0x7FFFFFFF, v3  }
0x23e: {  	v3 =	vsub.f32 v6, v12;
	v12 =	vmin.f32 v11, $1.000000000e+00;
	v6 =	vcvt.f32.s32 v7  }
0x23f: {  	v7 =	vmul.f32 $5.555555600e-02, v9;
	v9 =	vmin.f32 v19, v10;
	v10 =	vsub.f32 $3.600000000e+02, v22  }
0x240: {  	v28 =	vmin.f32 v22, $1.000000000e+00;
	v25 =	vand.u32 $0x7FFFFFFF, v3;
	v3 =	vsub.f32 v8, v13  }
0x241: {  	v13 =	vmul.f32 $5.000000000e-01, v12;
	v9 =	vmul.f32 $5.555555600e-02, v9;
	vm0 =	vlt.s32 v6, $0x9  }
0x242: {  	v8 =	vmin.f32 v22, v10;
	v10 =	vsub.f32 $3.600000000e+02, v25;
	v4 =	vsub.f32 v4, v15  }
0x243: {  	v7 =	vtrunc.f32 v7;
	v29 =	vmin.f32 v25, $1.000000000e+00;
	v6 =	vnsel vm0, $0x9, v6  }
0x244: {  	v26 =	vand.u32 $0x7FFFFFFF, v3;
	v8 =	vmul.f32 $5.555555600e-02, v8;
	v9 =	vtrunc.f32 v9  }
0x245: {  	v15 =	vcvt.f32.s32 v7;
	v6 =	vshll.u32 v6, $0x7;
	v3 =	vand.u32 $0x7FFFFFFF, v4  }
0x246: {  	v4 =	vand.u32 $0x7FFFFFFF, v5;
	v5 =	vmul.f32 v13, v12;
	v24 =	vor.u32 v2, v6  }
0x247: {  	v6 =	vmin.f32 v25, v10;
	v10 =	vsub.f32 v11, v12;
	v11 =	vsub.f32 $3.600000000e+02, v4  }
0x248: {  	v32 =	vmul.f32 $5.000000000e-01, v29;
	v12 =	vsub.f32 $3.600000000e+02, v26;
	v13 =	vsub.f32 $3.600000000e+02, v3  }
0x249: {  	v8 =	vtrunc.f32 v8;
	v6 =	vmul.f32 $5.555555600e-02, v6;
	v27 =	vadd.f32 v5, v10  }
0x24a: {  	v5 =	vmin.f32 v4, v11;
	v11 =	vmin.f32 v3, v13;
	v13 =	vcvt.f32.s32 v9  }
0x24b: {  	v10 =	vmin.f32 v26, v12;
	v12 =	vcvt.f32.s32 v8;
	v9 =	vmul.f32 $5.000000000e-01, v21  }
0x24c: {  	v31 =	vmin.f32 v26, $1.000000000e+00;
	v5 =	vmul.f32 $5.555555600e-02, v5;
	v10 =	vmul.f32 $5.555555600e-02, v10  }
0x24d: {  	v18 =	vmin.f32 v4, $1.000000000e+00;
	v11 =	vmul.f32 $5.555555600e-02, v11;
	v20 =	vtrunc.f32 v6  }
0x24e: {  	v6 =	vsub.f32 v4, v18;
	v4 =	vmul.f32 $5.000000000e-01, v18;
	v5 =	vtrunc.f32 v5  }
0x24f: {  	vm0 =	vlt.s32 v15, $0x9;
	v23 =	vtrunc.f32 v10;
	v11 =	vtrunc.f32 v11  }
0x250: {  	vm4 =	vlt.s32 v13, $0x9;
	v10 =	vcvt.f32.s32 v20;
	v30 =	vcvt.f32.s32 v5  }
0x251: {  	vm2 =	vlt.s32 v12, $0x9;
	v8 =	vcvt.f32.s32 v23;
	v7 =	vcvt.f32.s32 v11  }
0x252: {  	v20 =	vsub.f32 v14, v16;
	v11 =	vmul.f32 $5.000000000e-01, v28;
	v23 =	vmul.f32 v4, v18  }
0x253: {  	v5 =	vmin.f32 v3, $1.000000000e+00;
	v4 =	vmul.f32 $5.000000000e-01, v31;
	v18 =	vmul.f32 v17, v16  }
0x254: {  	v17 =	vmul.f32 v9, v21;
	v21 =	vsub.f32 v19, v21;
	v19 =	vsub.f32 v22, v28  }
0x255: {  	v22 =	vsub.f32 v25, v29;
	vm3 =	vlt.s32 v10, $0x9;
	v16 =	vmul.f32 $5.000000000e-01, v5  }
0x256: {  	vm6 =	vlt.s32 v30, $0x9;
	vm5 =	vlt.s32 v8, $0x9;
	v14 =	vmul.f32 v11, v28  }
0x257: {  	[tilespmem:v24+s3+$0x0] =	vst.idx.add.f32.msk $0xffff, v1;
	vm1 =	vlt.s32 v7, $0x9;
	v11 =	vmul.f32 v32, v29;
	v9 =	vmul.f32 v4, v31  }
0x258: {  	s11 =	simm.s32 $0xC0;
	s10 =	simm.s32 $0x0;
	[tilespmem:v24+s4+$0x0] =	vst.idx.add.f32.msk $0xffff, v27;
	v4 =	vmul.f32 v16, v5;
	v24 =	vnsel vm6, $0x9, v30;
	v16 =	vsub.f32 v26, v31  }
.LBB2_10:
0x259: {  	v25 =	vld [tilespmem:s11+$0x30];
	v15 =	vnsel vm0, $0x9, v15;
	v13 =	vnsel vm4, $0x9, v13;
	v3 =	vsub.f32 v3, v5;
	s9 =	sadd.s32 $0x80, s9  }
0x25a: {  	v12 =	vnsel vm2, $0x9, v12;
	v10 =	vnsel vm3, $0x9, v10;
	v8 =	vnsel vm5, $0x9, v8;
	v5 =	vld [tilespmem:s9+$0x30]  }
0x25b: {  	s10 =	sadd.s32 $0x80, s10;
	v24 =	vshll.u32 v24, $0x7;
	v7 =	vnsel vm1, $0x9, v7;
	v15 =	vshll.u32 v15, $0x7;
	v26 =	vld [tilespmem:s9+$0xFFFFFFC0]  }
0x25c: {  	p1 =	slt.u32 s10, $0x3900;
	v13 =	vshll.u32 v13, $0x7;
	v12 =	vshll.u32 v12, $0x7;
	v10 =	vshll.u32 v10, $0x7;
	v27 =	vld [tilespmem:s11+$0xFFFFFFD0]  }
0x25d: {  	v6 =	vadd.f32 v23, v6;
	v8 =	vshll.u32 v8, $0x7;
	v7 =	vshll.u32 v7, $0x7;
	v28 =	vld [tilespmem:s9+$0xFFFFFFD0]  }
0x25e: {  	v18 =	vadd.f32 v18, v20;
	v17 =	vadd.f32 v17, v21;
	v24 =	vor.u32 v2, v24;
	v23 =	vld [tilespmem:s11+$0xFFFFFFE0]  }
0x25f: {  	v14 =	vadd.f32 v14, v19;
	v15 =	vor.u32 v2, v15;
	v20 =	vld [tilespmem:s9+$0xFFFFFFE0];
	v5 =	vsub.f32 v25, v5  }
0x260: {  	v11 =	vadd.f32 v11, v22;
	v9 =	vadd.f32 v9, v16;
	v13 =	vor.u32 v2, v13;
	v19 =	vld [tilespmem:s11+$0xFFFFFFF0]  }
0x261: {  	v12 =	vor.u32 v2, v12;
	v21 =	vadd.f32 v4, v3;
	v16 =	vld [tilespmem:s9+$0xFFFFFFF0];
	v5 =	vand.u32 $0x7FFFFFFF, v5  }
0x262: {  	v10 =	vor.u32 v2, v10;
	v3 =	vsub.f32 v27, v28;
	v22 =	vld [tilespmem:s11+$0x0];
	v25 =	vsub.f32 $3.600000000e+02, v5  }
0x263: {  	v8 =	vor.u32 v2, v8;
	v7 =	vor.u32 v2, v7;
	v27 =	vld [tilespmem:s9+$0x0]  }
0x264: {  	v4 =	vand.u32 $0x7FFFFFFF, v3;
	v3 =	vsub.f32 v23, v20;
	v20 =	vld [tilespmem:s11+$0x10];
	v23 =	vmin.f32 v5, v25  }
0x265: {  	v25 =	vsub.f32 $3.600000000e+02, v4;
	v28 =	vmin.f32 v4, $1.000000000e+00;
	v29 =	vld [tilespmem:s9+$0x10];
	v23 =	vmul.f32 $5.555555600e-02, v23  }
0x266: {  	v30 =	vmul.f32 $5.000000000e-01, v28;
	v31 =	vand.u32 $0x7FFFFFFF, v3;
	v3 =	vsub.f32 v19, v16;
	v16 =	vld [tilespmem:s11+$0x20]  }
0x267: {  	v19 =	vmin.f32 v4, v25;
	v25 =	vsub.f32 $3.600000000e+02, v31;
	v32 =	vld [tilespmem:s9+$0x20];
	v23 =	vtrunc.f32 v23  }
0x268: {  	v33 =	vld [tilespmem:s11+$0xFFFFFFC0];
	v34 =	vand.u32 $0x7FFFFFFF, v3;
	v3 =	vsub.f32 v22, v27;
	v22 =	vcvt.f32.s32 v23  }
0x269: {  	v19 =	vmul.f32 $5.555555600e-02, v19;
	v23 =	vmin.f32 v31, v25;
	v25 =	vsub.f32 $3.600000000e+02, v34;
	[tilespmem:v24+s3+$0x0] =	vst.idx.add.f32.msk $0xffff, v1  }
0x26a: {  	v27 =	vand.u32 $0x7FFFFFFF, v3;
	v3 =	vsub.f32 v20, v29;
	vm0 =	vlt.s32 v22, $0x9;
	[tilespmem:v24+s4+$0x0] =	vst.idx.add.f32.msk $0xffff, v6  }
0x26b: {  	v6 =	vmin.f32 v34, v25;
	v20 =	vsub.f32 $3.600000000e+02, v27;
	v22 =	vnsel vm0, $0x9, v22;
	[tilespmem:v15+s3+$0x0] =	vst.idx.add.f32.msk $0xffff, v1  }
0x26c: {  	v24 =	vmin.f32 v5, $1.000000000e+00;
	v16 =	vsub.f32 v16, v32;
	v22 =	vshll.u32 v22, $0x7;
	[tilespmem:v15+s4+$0x0] =	vst.idx.add.f32.msk $0xffff, v18  }
0x26d: {  	v18 =	vmul.f32 $5.000000000e-01, v24;
	v15 =	vsub.f32 v33, v26;
	v22 =	vor.u32 v2, v22;
	[tilespmem:v13+s3+$0x0] =	vst.idx.add.f32.msk $0xffff, v1  }
0x26e: {  	v25 =	vand.u32 $0x7FFFFFFF, v3;
	v20 =	vmin.f32 v27, v20;
	v3 =	vand.u32 $0x7FFFFFFF, v16;
	[tilespmem:v13+s4+$0x0] =	vst.idx.add.f32.msk $0xffff, v17  }
0x26f: {  	v5 =	vsub.f32 v5, v24;
	v13 =	vand.u32 $0x7FFFFFFF, v15;
	v15 =	vmul.f32 v18, v24;
	[tilespmem:v12+s3+$0x0] =	vst.idx.add.f32.msk $0xffff, v1  }
0x270: {  	v17 =	vmul.f32 $5.555555600e-02, v23;
	v18 =	vsub.f32 $3.600000000e+02, v25;
	v16 =	vsub.f32 $3.600000000e+02, v13;
	[tilespmem:v12+s4+$0x0] =	vst.idx.add.f32.msk $0xffff, v14  }
0x271: {  	v6 =	vmul.f32 $5.555555600e-02, v6;
	v12 =	vsub.f32 $3.600000000e+02, v3;
	v5 =	vadd.f32 v15, v5;
	[tilespmem:v10+s3+$0x0] =	vst.idx.add.f32.msk $0xffff, v1  }
0x272: {  	v15 =	vmul.f32 $5.555555600e-02, v20;
	v14 =	vmin.f32 v13, v16;
	v16 =	vmin.f32 v25, v18;
	[tilespmem:v22+s3+$0x0] =	vst.idx.add.f32.msk $0xffff, v1  }
0x273: {  	v12 =	vmin.f32 v3, v12;
	v14 =	vmul.f32 $5.555555600e-02, v14;
	v16 =	vmul.f32 $5.555555600e-02, v16;
	[tilespmem:v22+s4+$0x0] =	vst.idx.add.f32.msk $0xffff, v5  }
0x274: {  	v19 =	vtrunc.f32 v19;
	v18 =	vmin.f32 v13, $1.000000000e+00;
	v5 =	vmul.f32 $5.555555600e-02, v12;
	[tilespmem:v10+s4+$0x0] =	vst.idx.add.f32.msk $0xffff, v11  }
0x275: {  	v11 =	vtrunc.f32 v17;
	v10 =	vtrunc.f32 v14;
	v14 =	vmin.f32 v31, $1.000000000e+00;
	[tilespmem:v8+s3+$0x0] =	vst.idx.add.f32.msk $0xffff, v1  }
0x276: {  	v12 =	vtrunc.f32 v6;
	v22 =	vmin.f32 v34, $1.000000000e+00;
	v17 =	vtrunc.f32 v15;
	[tilespmem:v8+s4+$0x0] =	vst.idx.add.f32.msk $0xffff, v9  }
0x277: {  	v26 =	vmin.f32 v27, $1.000000000e+00;
	v8 =	vtrunc.f32 v16;
	v9 =	vtrunc.f32 v5;
	[tilespmem:v7+s3+$0x0] =	vst.idx.add.f32.msk $0xffff, v1  }
0x278: {  	v29 =	vmin.f32 v25, $1.000000000e+00;
	v16 =	vcvt.f32.s32 v10;
	v5 =	vmin.f32 v3, $1.000000000e+00;
	[tilespmem:v7+s4+$0x0] =	vst.idx.add.f32.msk $0xffff, v21  }
0x279: {  	v6 =	vsub.f32 v13, v18;
	v15 =	vcvt.f32.s32 v19;
	v13 =	vcvt.f32.s32 v11  }
0x27a: {  	v12 =	vcvt.f32.s32 v12;
	v10 =	vcvt.f32.s32 v17;
	vm6 =	vlt.s32 v16, $0x9  }
0x27b: {  	vm0 =	vlt.s32 v15, $0x9;
	v8 =	vcvt.f32.s32 v8;
	v7 =	vcvt.f32.s32 v9  }
0x27c: {  	v11 =	vmul.f32 $5.000000000e-01, v14;
	vm4 =	vlt.s32 v13, $0x9;
	v9 =	vmul.f32 $5.000000000e-01, v18  }
0x27d: {  	v24 =	vmul.f32 $5.000000000e-01, v26;
	v19 =	vmul.f32 $5.000000000e-01, v22;
	vm2 =	vlt.s32 v12, $0x9  }
0x27e: {  	v32 =	vmul.f32 $5.000000000e-01, v29;
	v33 =	vmul.f32 $5.000000000e-01, v5;
	vm3 =	vlt.s32 v10, $0x9  }
.Ltmp6:
0x27f: {  	vm5 =	vlt.s32 v8, $0x9;
	v23 =	vmul.f32 v9, v18;
	vm1 =	vlt.s32 v7, $0x9;
	(pc) =	sbr.rel @p1 .LBB2_10-.Ltmp6, $4  }
0x280: {  	v20 =	vsub.f32 v4, v28;
	v17 =	vmul.f32 v11, v14;
	v18 =	vmul.f32 v30, v28  }
0x281: {  	v21 =	vsub.f32 v31, v14;
	v14 =	vmul.f32 v19, v22;
	v11 =	vmul.f32 v24, v26  }
0x282: {  	v19 =	vsub.f32 v34, v22;
	v4 =	vmul.f32 v33, v5;
	v9 =	vmul.f32 v32, v29  }
0x283: {  	s11 =	sadd.s32 $0x80, s11;
	v22 =	vsub.f32 v27, v26;
	v24 =	vnsel vm6, $0x9, v16;
	v16 =	vsub.f32 v25, v29  }
0x284: {  	v24 =	vshll.u32 v24, $0x7  }
0x285: {  	v15 =	vnsel vm0, $0x9, v15;
	v24 =	vor.u32 v2, v24  }
0x286: {  	v13 =	vnsel vm4, $0x9, v13;
	v12 =	vnsel vm2, $0x9, v12;
	v15 =	vshll.u32 v15, $0x7  }
0x287: {  	v6 =	vadd.f32 v23, v6;
	v13 =	vshll.u32 v13, $0x7;
	v15 =	vor.u32 v2, v15  }
0x288: {  	v8 =	vnsel vm5, $0x9, v8;
	v12 =	vshll.u32 v12, $0x7;
	v13 =	vor.u32 v2, v13  }
0x289: {  	v7 =	vnsel vm1, $0x9, v7;
	v8 =	vshll.u32 v8, $0x7;
	v12 =	vor.u32 v2, v12  }
0x28a: {  	v7 =	vshll.u32 v7, $0x7;
	v8 =	vor.u32 v2, v8;
	[tilespmem:v24+s3+$0x0] =	vst.idx.add.f32.msk $0xffff, v1  }
0x28b: {  	v7 =	vor.u32 v2, v7;
	[tilespmem:v24+s4+$0x0] =	vst.idx.add.f32.msk $0xffff, v6  }
0x28c: {  	[tilespmem:v15+s3+$0x0] =	vst.idx.add.f32.msk $0xffff, v1  }
0x28d: {  	[tilespmem:v13+s3+$0x0] =	vst.idx.add.f32.msk $0xffff, v1  }
0x28e: {  	[tilespmem:v12+s3+$0x0] =	vst.idx.add.f32.msk $0xffff, v1  }
0x28f: {  	v10 =	vnsel vm3, $0x9, v10;
	v18 =	vadd.f32 v18, v20;
	[tilespmem:v8+s3+$0x0] =	vst.idx.add.f32.msk $0xffff, v1  }
0x290: {  	v14 =	vadd.f32 v14, v19;
	v3 =	vsub.f32 v3, v5;
	v6 =	vshll.u32 v10, $0x7;
	[tilespmem:v7+s3+$0x0] =	vst.idx.add.f32.msk $0xffff, v1  }
0x291: {  	v5 =	vadd.f32 v9, v16;
	v6 =	vor.u32 v2, v6;
	[tilespmem:v15+s4+$0x0] =	vst.idx.add.f32.msk $0xffff, v18  }
0x292: {  	v3 =	vadd.f32 v4, v3;
	[tilespmem:v12+s4+$0x0] =	vst.idx.add.f32.msk $0xffff, v14  }
0x293: {  	v10 =	vadd.f32 v17, v21;
	[tilespmem:v8+s4+$0x0] =	vst.idx.add.f32.msk $0xffff, v5  }
0x294: {  	[tilespmem:v7+s4+$0x0] =	vst.idx.add.f32.msk $0xffff, v3  }
0x295: {  	[tilespmem:v13+s4+$0x0] =	vst.idx.add.f32.msk $0xffff, v10;
	v10 =	vadd.f32 v11, v22  }
0x296: {  	[tilespmem:v6+s3+$0x0] =	vst.idx.add.f32.msk $0xffff, v1  }
0x297: {  	[tilespmem:v6+s4+$0x0] =	vst.idx.add.f32.msk $0xffff, v10  }
0x298: {  	[tilespmem:s2], [sflag:$0x1] =	stream.linear.gather [hbm4b:s15+s2], $0x3980, $0x38;
	[tilespmem:$0xF600] =	vst v63  }
0x299: {  	_ = 	snop  }
0x29a: {  	[tilespmem:s31], [sflag:$0x3] =	stream.linear.gather [hbm4b:s16+s2], $0x3980, $0x38;
	[tilespmem:$0xF600] =	vst v63  }
0x29b: {  	_ =	swait.ge [sflag:s5], $0x3980  }
0x29c: {  	[sflag:s5] =	ssyncset.done $0x0  }
0x29d: {  	[sflag:s5] =	ssyncadd.s32 $0xFFFFC680  }
0x29e: {  	_ =	swait.ge [sflag:s6], $0x3980  }
0x29f: {  	[sflag:s6] =	ssyncset.done $0x0  }
0x2a0: {  	s10 =	simm.s32 $0x39C0;
	[sflag:s6] =	ssyncadd.s32 $0xFFFFC680  }
0x2a1: {  	s9 =	simm.s32 $0xACC0;
	v3 =	vld [tilespmem:s10+$0x30]  }
0x2a2: {  	v4 =	vld [tilespmem:s9+$0x30]  }
0x2a3: {  	v5 =	vld [tilespmem:s9+$0xFFFFFFC0]  }
0x2a4: {  	v6 =	vld [tilespmem:s10+$0xFFFFFFD0]  }
0x2a5: {  	v7 =	vld [tilespmem:s9+$0xFFFFFFD0]  }
0x2a6: {  	v8 =	vld [tilespmem:s10+$0xFFFFFFE0]  }
0x2a7: {  	v9 =	vld [tilespmem:s9+$0xFFFFFFE0]  }
0x2a8: {  	v18 =	vld [tilespmem:s10+$0xFFFFFFC0]  }
0x2a9: {  	v10 =	vld [tilespmem:s9+$0xFFFFFFF0];
	v3 =	vsub.f32 v3, v4  }
0x2aa: {  	v4 =	vld [tilespmem:s10+$0xFFFFFFF0]  }
0x2ab: {  	v11 =	vand.u32 $0x7FFFFFFF, v3;
	v3 =	vsub.f32 v6, v7  }
0x2ac: {  	v12 =	vld [tilespmem:s9+$0x0];
	v7 =	vsub.f32 $3.600000000e+02, v11  }
0x2ad: {  	v5 =	vsub.f32 v18, v5;
	v6 =	vld [tilespmem:s10+$0x0];
	v14 =	vand.u32 $0x7FFFFFFF, v3;
	v3 =	vsub.f32 v8, v9  }
0x2ae: {  	v13 =	vld [tilespmem:s9+$0x10];
	v7 =	vmin.f32 v11, v7;
	v9 =	vsub.f32 $3.600000000e+02, v14;
	v16 =	vmin.f32 v14, $1.000000000e+00  }
0x2af: {  	v8 =	vld [tilespmem:s10+$0x10];
	v7 =	vmul.f32 $5.555555600e-02, v7;
	v19 =	vand.u32 $0x7FFFFFFF, v3;
	v3 =	vsub.f32 v4, v10  }
0x2b0: {  	v15 =	vld [tilespmem:s9+$0x20];
	v17 =	vmul.f32 $5.000000000e-01, v16;
	v9 =	vmin.f32 v14, v9;
	v10 =	vsub.f32 $3.600000000e+02, v19  }
0x2b1: {  	v4 =	vld [tilespmem:s10+$0x20];
	v21 =	vmin.f32 v19, $1.000000000e+00;
	v7 =	vtrunc.f32 v7;
	v22 =	vand.u32 $0x7FFFFFFF, v3  }
0x2b2: {  	v3 =	vsub.f32 v6, v12;
	v12 =	vmin.f32 v11, $1.000000000e+00;
	v6 =	vcvt.f32.s32 v7  }
0x2b3: {  	v7 =	vmul.f32 $5.555555600e-02, v9;
	v9 =	vmin.f32 v19, v10;
	v10 =	vsub.f32 $3.600000000e+02, v22  }
0x2b4: {  	v28 =	vmin.f32 v22, $1.000000000e+00;
	v25 =	vand.u32 $0x7FFFFFFF, v3;
	v3 =	vsub.f32 v8, v13  }
0x2b5: {  	v13 =	vmul.f32 $5.000000000e-01, v12;
	v9 =	vmul.f32 $5.555555600e-02, v9;
	vm0 =	vlt.s32 v6, $0x9  }
0x2b6: {  	v8 =	vmin.f32 v22, v10;
	v10 =	vsub.f32 $3.600000000e+02, v25;
	v4 =	vsub.f32 v4, v15  }
0x2b7: {  	v7 =	vtrunc.f32 v7;
	v29 =	vmin.f32 v25, $1.000000000e+00;
	v6 =	vnsel vm0, $0x9, v6  }
0x2b8: {  	v26 =	vand.u32 $0x7FFFFFFF, v3;
	v8 =	vmul.f32 $5.555555600e-02, v8;
	v9 =	vtrunc.f32 v9  }
0x2b9: {  	v15 =	vcvt.f32.s32 v7;
	v6 =	vshll.u32 v6, $0x7;
	v3 =	vand.u32 $0x7FFFFFFF, v4  }
0x2ba: {  	v4 =	vand.u32 $0x7FFFFFFF, v5;
	v5 =	vmul.f32 v13, v12;
	v24 =	vor.u32 v2, v6  }
0x2bb: {  	v6 =	vmin.f32 v25, v10;
	v10 =	vsub.f32 v11, v12;
	v11 =	vsub.f32 $3.600000000e+02, v4  }
0x2bc: {  	v32 =	vmul.f32 $5.000000000e-01, v29;
	v12 =	vsub.f32 $3.600000000e+02, v26;
	v13 =	vsub.f32 $3.600000000e+02, v3  }
0x2bd: {  	v8 =	vtrunc.f32 v8;
	v6 =	vmul.f32 $5.555555600e-02, v6;
	v27 =	vadd.f32 v5, v10  }
0x2be: {  	v5 =	vmin.f32 v4, v11;
	v11 =	vmin.f32 v3, v13;
	v13 =	vcvt.f32.s32 v9  }
0x2bf: {  	v10 =	vmin.f32 v26, v12;
	v12 =	vcvt.f32.s32 v8;
	v9 =	vmul.f32 $5.000000000e-01, v21  }
0x2c0: {  	v31 =	vmin.f32 v26, $1.000000000e+00;
	v5 =	vmul.f32 $5.555555600e-02, v5;
	v10 =	vmul.f32 $5.555555600e-02, v10  }
0x2c1: {  	v18 =	vmin.f32 v4, $1.000000000e+00;
	v11 =	vmul.f32 $5.555555600e-02, v11;
	v20 =	vtrunc.f32 v6  }
0x2c2: {  	v6 =	vsub.f32 v4, v18;
	v4 =	vmul.f32 $5.000000000e-01, v18;
	v5 =	vtrunc.f32 v5  }
0x2c3: {  	vm0 =	vlt.s32 v15, $0x9;
	v23 =	vtrunc.f32 v10;
	v11 =	vtrunc.f32 v11  }
0x2c4: {  	vm4 =	vlt.s32 v13, $0x9;
	v10 =	vcvt.f32.s32 v20;
	v30 =	vcvt.f32.s32 v5  }
0x2c5: {  	vm2 =	vlt.s32 v12, $0x9;
	v8 =	vcvt.f32.s32 v23;
	v7 =	vcvt.f32.s32 v11  }
0x2c6: {  	v20 =	vsub.f32 v14, v16;
	v11 =	vmul.f32 $5.000000000e-01, v28;
	v23 =	vmul.f32 v4, v18  }
0x2c7: {  	v5 =	vmin.f32 v3, $1.000000000e+00;
	v4 =	vmul.f32 $5.000000000e-01, v31;
	v18 =	vmul.f32 v17, v16  }
0x2c8: {  	v17 =	vmul.f32 v9, v21;
	v21 =	vsub.f32 v19, v21;
	v19 =	vsub.f32 v22, v28  }
0x2c9: {  	v22 =	vsub.f32 v25, v29;
	vm3 =	vlt.s32 v10, $0x9;
	v16 =	vmul.f32 $5.000000000e-01, v5  }
0x2ca: {  	vm6 =	vlt.s32 v30, $0x9;
	vm5 =	vlt.s32 v8, $0x9;
	v14 =	vmul.f32 v11, v28  }
0x2cb: {  	[tilespmem:v24+s3+$0x0] =	vst.idx.add.f32.msk $0xffff, v1;
	vm1 =	vlt.s32 v7, $0x9;
	v11 =	vmul.f32 v32, v29;
	v9 =	vmul.f32 v4, v31  }
0x2cc: {  	s11 =	simm.s32 $0x3A40;
	s10 =	simm.s32 $0x0;
	[tilespmem:v24+s4+$0x0] =	vst.idx.add.f32.msk $0xffff, v27;
	v4 =	vmul.f32 v16, v5;
	v24 =	vnsel vm6, $0x9, v30;
	v16 =	vsub.f32 v26, v31  }
.LBB2_12:
0x2cd: {  	v25 =	vld [tilespmem:s11+$0x30];
	v15 =	vnsel vm0, $0x9, v15;
	v13 =	vnsel vm4, $0x9, v13;
	v3 =	vsub.f32 v3, v5;
	s9 =	sadd.s32 $0x80, s9  }
0x2ce: {  	v12 =	vnsel vm2, $0x9, v12;
	v10 =	vnsel vm3, $0x9, v10;
	v8 =	vnsel vm5, $0x9, v8;
	v5 =	vld [tilespmem:s9+$0x30]  }
0x2cf: {  	s10 =	sadd.s32 $0x80, s10;
	v24 =	vshll.u32 v24, $0x7;
	v7 =	vnsel vm1, $0x9, v7;
	v15 =	vshll.u32 v15, $0x7;
	v26 =	vld [tilespmem:s9+$0xFFFFFFC0]  }
0x2d0: {  	p1 =	slt.u32 s10, $0x3900;
	v13 =	vshll.u32 v13, $0x7;
	v12 =	vshll.u32 v12, $0x7;
	v10 =	vshll.u32 v10, $0x7;
	v27 =	vld [tilespmem:s11+$0xFFFFFFD0]  }
0x2d1: {  	v6 =	vadd.f32 v23, v6;
	v8 =	vshll.u32 v8, $0x7;
	v7 =	vshll.u32 v7, $0x7;
	v28 =	vld [tilespmem:s9+$0xFFFFFFD0]  }
0x2d2: {  	v18 =	vadd.f32 v18, v20;
	v17 =	vadd.f32 v17, v21;
	v24 =	vor.u32 v2, v24;
	v23 =	vld [tilespmem:s11+$0xFFFFFFE0]  }
0x2d3: {  	v14 =	vadd.f32 v14, v19;
	v15 =	vor.u32 v2, v15;
	v20 =	vld [tilespmem:s9+$0xFFFFFFE0];
	v5 =	vsub.f32 v25, v5  }
0x2d4: {  	v11 =	vadd.f32 v11, v22;
	v9 =	vadd.f32 v9, v16;
	v13 =	vor.u32 v2, v13;
	v19 =	vld [tilespmem:s11+$0xFFFFFFF0]  }
0x2d5: {  	v12 =	vor.u32 v2, v12;
	v21 =	vadd.f32 v4, v3;
	v16 =	vld [tilespmem:s9+$0xFFFFFFF0];
	v5 =	vand.u32 $0x7FFFFFFF, v5  }
0x2d6: {  	v10 =	vor.u32 v2, v10;
	v3 =	vsub.f32 v27, v28;
	v22 =	vld [tilespmem:s11+$0x0];
	v25 =	vsub.f32 $3.600000000e+02, v5  }
0x2d7: {  	v8 =	vor.u32 v2, v8;
	v7 =	vor.u32 v2, v7;
	v27 =	vld [tilespmem:s9+$0x0]  }
0x2d8: {  	v4 =	vand.u32 $0x7FFFFFFF, v3;
	v3 =	vsub.f32 v23, v20;
	v20 =	vld [tilespmem:s11+$0x10];
	v23 =	vmin.f32 v5, v25  }
0x2d9: {  	v25 =	vsub.f32 $3.600000000e+02, v4;
	v28 =	vmin.f32 v4, $1.000000000e+00;
	v29 =	vld [tilespmem:s9+$0x10];
	v23 =	vmul.f32 $5.555555600e-02, v23  }
0x2da: {  	v30 =	vmul.f32 $5.000000000e-01, v28;
	v31 =	vand.u32 $0x7FFFFFFF, v3;
	v3 =	vsub.f32 v19, v16;
	v16 =	vld [tilespmem:s11+$0x20]  }
0x2db: {  	v19 =	vmin.f32 v4, v25;
	v25 =	vsub.f32 $3.600000000e+02, v31;
	v32 =	vld [tilespmem:s9+$0x20];
	v23 =	vtrunc.f32 v23  }
0x2dc: {  	v33 =	vld [tilespmem:s11+$0xFFFFFFC0];
	v34 =	vand.u32 $0x7FFFFFFF, v3;
	v3 =	vsub.f32 v22, v27;
	v22 =	vcvt.f32.s32 v23  }
0x2dd: {  	v19 =	vmul.f32 $5.555555600e-02, v19;
	v23 =	vmin.f32 v31, v25;
	v25 =	vsub.f32 $3.600000000e+02, v34;
	[tilespmem:v24+s3+$0x0] =	vst.idx.add.f32.msk $0xffff, v1  }
0x2de: {  	v27 =	vand.u32 $0x7FFFFFFF, v3;
	v3 =	vsub.f32 v20, v29;
	vm0 =	vlt.s32 v22, $0x9;
	[tilespmem:v24+s4+$0x0] =	vst.idx.add.f32.msk $0xffff, v6  }
0x2df: {  	v6 =	vmin.f32 v34, v25;
	v20 =	vsub.f32 $3.600000000e+02, v27;
	v22 =	vnsel vm0, $0x9, v22;
	[tilespmem:v15+s3+$0x0] =	vst.idx.add.f32.msk $0xffff, v1  }
0x2e0: {  	v24 =	vmin.f32 v5, $1.000000000e+00;
	v16 =	vsub.f32 v16, v32;
	v22 =	vshll.u32 v22, $0x7;
	[tilespmem:v15+s4+$0x0] =	vst.idx.add.f32.msk $0xffff, v18  }
0x2e1: {  	v18 =	vmul.f32 $5.000000000e-01, v24;
	v15 =	vsub.f32 v33, v26;
	v22 =	vor.u32 v2, v22;
	[tilespmem:v13+s3+$0x0] =	vst.idx.add.f32.msk $0xffff, v1  }
0x2e2: {  	v25 =	vand.u32 $0x7FFFFFFF, v3;
	v20 =	vmin.f32 v27, v20;
	v3 =	vand.u32 $0x7FFFFFFF, v16;
	[tilespmem:v13+s4+$0x0] =	vst.idx.add.f32.msk $0xffff, v17  }
0x2e3: {  	v5 =	vsub.f32 v5, v24;
	v13 =	vand.u32 $0x7FFFFFFF, v15;
	v15 =	vmul.f32 v18, v24;
	[tilespmem:v12+s3+$0x0] =	vst.idx.add.f32.msk $0xffff, v1  }
0x2e4: {  	v17 =	vmul.f32 $5.555555600e-02, v23;
	v18 =	vsub.f32 $3.600000000e+02, v25;
	v16 =	vsub.f32 $3.600000000e+02, v13;
	[tilespmem:v12+s4+$0x0] =	vst.idx.add.f32.msk $0xffff, v14  }
0x2e5: {  	v6 =	vmul.f32 $5.555555600e-02, v6;
	v12 =	vsub.f32 $3.600000000e+02, v3;
	v5 =	vadd.f32 v15, v5;
	[tilespmem:v10+s3+$0x0] =	vst.idx.add.f32.msk $0xffff, v1  }
0x2e6: {  	v15 =	vmul.f32 $5.555555600e-02, v20;
	v14 =	vmin.f32 v13, v16;
	v16 =	vmin.f32 v25, v18;
	[tilespmem:v22+s3+$0x0] =	vst.idx.add.f32.msk $0xffff, v1  }
0x2e7: {  	v12 =	vmin.f32 v3, v12;
	v14 =	vmul.f32 $5.555555600e-02, v14;
	v16 =	vmul.f32 $5.555555600e-02, v16;
	[tilespmem:v22+s4+$0x0] =	vst.idx.add.f32.msk $0xffff, v5  }
0x2e8: {  	v19 =	vtrunc.f32 v19;
	v18 =	vmin.f32 v13, $1.000000000e+00;
	v5 =	vmul.f32 $5.555555600e-02, v12;
	[tilespmem:v10+s4+$0x0] =	vst.idx.add.f32.msk $0xffff, v11  }
0x2e9: {  	v11 =	vtrunc.f32 v17;
	v10 =	vtrunc.f32 v14;
	v14 =	vmin.f32 v31, $1.000000000e+00;
	[tilespmem:v8+s3+$0x0] =	vst.idx.add.f32.msk $0xffff, v1  }
0x2ea: {  	v12 =	vtrunc.f32 v6;
	v22 =	vmin.f32 v34, $1.000000000e+00;
	v17 =	vtrunc.f32 v15;
	[tilespmem:v8+s4+$0x0] =	vst.idx.add.f32.msk $0xffff, v9  }
0x2eb: {  	v26 =	vmin.f32 v27, $1.000000000e+00;
	v8 =	vtrunc.f32 v16;
	v9 =	vtrunc.f32 v5;
	[tilespmem:v7+s3+$0x0] =	vst.idx.add.f32.msk $0xffff, v1  }
0x2ec: {  	v29 =	vmin.f32 v25, $1.000000000e+00;
	v16 =	vcvt.f32.s32 v10;
	v5 =	vmin.f32 v3, $1.000000000e+00;
	[tilespmem:v7+s4+$0x0] =	vst.idx.add.f32.msk $0xffff, v21  }
0x2ed: {  	v6 =	vsub.f32 v13, v18;
	v15 =	vcvt.f32.s32 v19;
	v13 =	vcvt.f32.s32 v11  }
0x2ee: {  	v12 =	vcvt.f32.s32 v12;
	v10 =	vcvt.f32.s32 v17;
	vm6 =	vlt.s32 v16, $0x9  }
0x2ef: {  	vm0 =	vlt.s32 v15, $0x9;
	v8 =	vcvt.f32.s32 v8;
	v7 =	vcvt.f32.s32 v9  }
0x2f0: {  	v11 =	vmul.f32 $5.000000000e-01, v14;
	vm4 =	vlt.s32 v13, $0x9;
	v9 =	vmul.f32 $5.000000000e-01, v18  }
0x2f1: {  	v24 =	vmul.f32 $5.000000000e-01, v26;
	v19 =	vmul.f32 $5.000000000e-01, v22;
	vm2 =	vlt.s32 v12, $0x9  }
0x2f2: {  	v32 =	vmul.f32 $5.000000000e-01, v29;
	v33 =	vmul.f32 $5.000000000e-01, v5;
	vm3 =	vlt.s32 v10, $0x9  }
.Ltmp7:
0x2f3: {  	vm5 =	vlt.s32 v8, $0x9;
	v23 =	vmul.f32 v9, v18;
	vm1 =	vlt.s32 v7, $0x9;
	(pc) =	sbr.rel @p1 .LBB2_12-.Ltmp7, $4  }
0x2f4: {  	v20 =	vsub.f32 v4, v28;
	v17 =	vmul.f32 v11, v14;
	v18 =	vmul.f32 v30, v28  }
0x2f5: {  	v21 =	vsub.f32 v31, v14;
	v14 =	vmul.f32 v19, v22;
	v11 =	vmul.f32 v24, v26  }
0x2f6: {  	v19 =	vsub.f32 v34, v22;
	v4 =	vmul.f32 v33, v5;
	v9 =	vmul.f32 v32, v29  }
0x2f7: {  	s11 =	sadd.s32 $0x80, s11;
	v22 =	vsub.f32 v27, v26;
	v24 =	vnsel vm6, $0x9, v16;
	v16 =	vsub.f32 v25, v29  }
0x2f8: {  	v24 =	vshll.u32 v24, $0x7  }
0x2f9: {  	v15 =	vnsel vm0, $0x9, v15;
	v24 =	vor.u32 v2, v24  }
0x2fa: {  	v13 =	vnsel vm4, $0x9, v13;
	v12 =	vnsel vm2, $0x9, v12;
	v15 =	vshll.u32 v15, $0x7  }
0x2fb: {  	v6 =	vadd.f32 v23, v6;
	v13 =	vshll.u32 v13, $0x7;
	v15 =	vor.u32 v2, v15  }
0x2fc: {  	v8 =	vnsel vm5, $0x9, v8;
	v12 =	vshll.u32 v12, $0x7;
	v13 =	vor.u32 v2, v13  }
0x2fd: {  	v7 =	vnsel vm1, $0x9, v7;
	v8 =	vshll.u32 v8, $0x7;
	v12 =	vor.u32 v2, v12  }
0x2fe: {  	v7 =	vshll.u32 v7, $0x7;
	v8 =	vor.u32 v2, v8;
	[tilespmem:v24+s3+$0x0] =	vst.idx.add.f32.msk $0xffff, v1  }
0x2ff: {  	v7 =	vor.u32 v2, v7;
	[tilespmem:v24+s4+$0x0] =	vst.idx.add.f32.msk $0xffff, v6  }
0x300: {  	[tilespmem:v15+s3+$0x0] =	vst.idx.add.f32.msk $0xffff, v1  }
0x301: {  	[tilespmem:v13+s3+$0x0] =	vst.idx.add.f32.msk $0xffff, v1  }
0x302: {  	[tilespmem:v12+s3+$0x0] =	vst.idx.add.f32.msk $0xffff, v1  }
0x303: {  	v10 =	vnsel vm3, $0x9, v10;
	v18 =	vadd.f32 v18, v20;
	[tilespmem:v8+s3+$0x0] =	vst.idx.add.f32.msk $0xffff, v1  }
0x304: {  	v14 =	vadd.f32 v14, v19;
	v3 =	vsub.f32 v3, v5;
	v6 =	vshll.u32 v10, $0x7;
	[tilespmem:v7+s3+$0x0] =	vst.idx.add.f32.msk $0xffff, v1  }
0x305: {  	v5 =	vadd.f32 v9, v16;
	v6 =	vor.u32 v2, v6;
	[tilespmem:v15+s4+$0x0] =	vst.idx.add.f32.msk $0xffff, v18  }
0x306: {  	v3 =	vadd.f32 v4, v3;
	[tilespmem:v12+s4+$0x0] =	vst.idx.add.f32.msk $0xffff, v14  }
0x307: {  	v10 =	vadd.f32 v17, v21;
	[tilespmem:v8+s4+$0x0] =	vst.idx.add.f32.msk $0xffff, v5  }
0x308: {  	[tilespmem:v7+s4+$0x0] =	vst.idx.add.f32.msk $0xffff, v3  }
0x309: {  	[tilespmem:v13+s4+$0x0] =	vst.idx.add.f32.msk $0xffff, v10;
	v10 =	vadd.f32 v11, v22  }
0x30a: {  	[tilespmem:v6+s3+$0x0] =	vst.idx.add.f32.msk $0xffff, v1  }
0x30b: {  	[tilespmem:v6+s4+$0x0] =	vst.idx.add.f32.msk $0xffff, v10  }
0x30c: {  	[tilespmem:s1], [sflag:$0x2] =	stream.linear.gather [hbm4b:s17+s2], $0x3980, $0x38;
	[tilespmem:$0xF600] =	vst v63  }
0x30d: {  	_ = 	snop  }
0x30e: {  	[tilespmem:s0], [sflag:$0x4] =	stream.linear.gather [hbm4b:s18+s2], $0x3980, $0x38;
	[tilespmem:$0xF600] =	vst v63  }
0x30f: {  	_ =	swait.ge [sflag:s25], $0x3980  }
0x310: {  	[sflag:s25] =	ssyncset.done $0x0  }
0x311: {  	[sflag:s25] =	ssyncadd.s32 $0xFFFFC680  }
0x312: {  	_ =	swait.ge [sflag:s26], $0x3980  }
0x313: {  	[sflag:s26] =	ssyncset.done $0x0  }
0x314: {  	s10 =	simm.s32 $0x40;
	[sflag:s26] =	ssyncadd.s32 $0xFFFFC680  }
0x315: {  	s9 =	simm.s32 $0x7340;
	v3 =	vld [tilespmem:s10+$0x30]  }
0x316: {  	v4 =	vld [tilespmem:s9+$0x30]  }
0x317: {  	v5 =	vld [tilespmem:s9+$0xFFFFFFC0]  }
0x318: {  	v6 =	vld [tilespmem:s10+$0xFFFFFFD0]  }
0x319: {  	v7 =	vld [tilespmem:s9+$0xFFFFFFD0]  }
0x31a: {  	v8 =	vld [tilespmem:s10+$0xFFFFFFE0]  }
0x31b: {  	v9 =	vld [tilespmem:s9+$0xFFFFFFE0]  }
0x31c: {  	v18 =	vld [tilespmem:s10+$0xFFFFFFC0]  }
0x31d: {  	v10 =	vld [tilespmem:s9+$0xFFFFFFF0];
	v3 =	vsub.f32 v3, v4  }
0x31e: {  	v4 =	vld [tilespmem:s10+$0xFFFFFFF0]  }
0x31f: {  	v11 =	vand.u32 $0x7FFFFFFF, v3;
	v3 =	vsub.f32 v6, v7  }
0x320: {  	v12 =	vld [tilespmem:s9+$0x0];
	v7 =	vsub.f32 $3.600000000e+02, v11  }
0x321: {  	v5 =	vsub.f32 v18, v5;
	v6 =	vld [tilespmem:s10+$0x0];
	v14 =	vand.u32 $0x7FFFFFFF, v3;
	v3 =	vsub.f32 v8, v9  }
0x322: {  	v13 =	vld [tilespmem:s9+$0x10];
	v7 =	vmin.f32 v11, v7;
	v9 =	vsub.f32 $3.600000000e+02, v14;
	v16 =	vmin.f32 v14, $1.000000000e+00  }
0x323: {  	v8 =	vld [tilespmem:s10+$0x10];
	v7 =	vmul.f32 $5.555555600e-02, v7;
	v19 =	vand.u32 $0x7FFFFFFF, v3;
	v3 =	vsub.f32 v4, v10  }
0x324: {  	v15 =	vld [tilespmem:s9+$0x20];
	v17 =	vmul.f32 $5.000000000e-01, v16;
	v9 =	vmin.f32 v14, v9;
	v10 =	vsub.f32 $3.600000000e+02, v19  }
0x325: {  	v4 =	vld [tilespmem:s10+$0x20];
	v21 =	vmin.f32 v19, $1.000000000e+00;
	v7 =	vtrunc.f32 v7;
	v22 =	vand.u32 $0x7FFFFFFF, v3  }
0x326: {  	v3 =	vsub.f32 v6, v12;
	v12 =	vmin.f32 v11, $1.000000000e+00;
	v6 =	vcvt.f32.s32 v7  }
0x327: {  	v7 =	vmul.f32 $5.555555600e-02, v9;
	v9 =	vmin.f32 v19, v10;
	v10 =	vsub.f32 $3.600000000e+02, v22  }
0x328: {  	v28 =	vmin.f32 v22, $1.000000000e+00;
	v25 =	vand.u32 $0x7FFFFFFF, v3;
	v3 =	vsub.f32 v8, v13  }
0x329: {  	v13 =	vmul.f32 $5.000000000e-01, v12;
	v9 =	vmul.f32 $5.555555600e-02, v9;
	vm0 =	vlt.s32 v6, $0x9  }
0x32a: {  	v8 =	vmin.f32 v22, v10;
	v10 =	vsub.f32 $3.600000000e+02, v25;
	v4 =	vsub.f32 v4, v15  }
0x32b: {  	v7 =	vtrunc.f32 v7;
	v29 =	vmin.f32 v25, $1.000000000e+00;
	v6 =	vnsel vm0, $0x9, v6  }
0x32c: {  	v26 =	vand.u32 $0x7FFFFFFF, v3;
	v8 =	vmul.f32 $5.555555600e-02, v8;
	v9 =	vtrunc.f32 v9  }
0x32d: {  	v15 =	vcvt.f32.s32 v7;
	v6 =	vshll.u32 v6, $0x7;
	v3 =	vand.u32 $0x7FFFFFFF, v4  }
0x32e: {  	v4 =	vand.u32 $0x7FFFFFFF, v5;
	v5 =	vmul.f32 v13, v12;
	v24 =	vor.u32 v2, v6  }
0x32f: {  	v6 =	vmin.f32 v25, v10;
	v10 =	vsub.f32 v11, v12;
	v11 =	vsub.f32 $3.600000000e+02, v4  }
0x330: {  	v32 =	vmul.f32 $5.000000000e-01, v29;
	v12 =	vsub.f32 $3.600000000e+02, v26;
	v13 =	vsub.f32 $3.600000000e+02, v3  }
0x331: {  	v8 =	vtrunc.f32 v8;
	v6 =	vmul.f32 $5.555555600e-02, v6;
	v27 =	vadd.f32 v5, v10  }
0x332: {  	v5 =	vmin.f32 v4, v11;
	v11 =	vmin.f32 v3, v13;
	v13 =	vcvt.f32.s32 v9  }
0x333: {  	v10 =	vmin.f32 v26, v12;
	v12 =	vcvt.f32.s32 v8;
	v9 =	vmul.f32 $5.000000000e-01, v21  }
0x334: {  	v31 =	vmin.f32 v26, $1.000000000e+00;
	v5 =	vmul.f32 $5.555555600e-02, v5;
	v10 =	vmul.f32 $5.555555600e-02, v10  }
0x335: {  	v18 =	vmin.f32 v4, $1.000000000e+00;
	v11 =	vmul.f32 $5.555555600e-02, v11;
	v20 =	vtrunc.f32 v6  }
0x336: {  	v6 =	vsub.f32 v4, v18;
	v4 =	vmul.f32 $5.000000000e-01, v18;
	v5 =	vtrunc.f32 v5  }
0x337: {  	vm0 =	vlt.s32 v15, $0x9;
	v23 =	vtrunc.f32 v10;
	v11 =	vtrunc.f32 v11  }
0x338: {  	vm4 =	vlt.s32 v13, $0x9;
	v10 =	vcvt.f32.s32 v20;
	v30 =	vcvt.f32.s32 v5  }
0x339: {  	vm2 =	vlt.s32 v12, $0x9;
	v8 =	vcvt.f32.s32 v23;
	v7 =	vcvt.f32.s32 v11  }
0x33a: {  	v20 =	vsub.f32 v14, v16;
	v11 =	vmul.f32 $5.000000000e-01, v28;
	v23 =	vmul.f32 v4, v18  }
0x33b: {  	v5 =	vmin.f32 v3, $1.000000000e+00;
	v4 =	vmul.f32 $5.000000000e-01, v31;
	v18 =	vmul.f32 v17, v16  }
0x33c: {  	v17 =	vmul.f32 v9, v21;
	v21 =	vsub.f32 v19, v21;
	v19 =	vsub.f32 v22, v28  }
0x33d: {  	v22 =	vsub.f32 v25, v29;
	vm3 =	vlt.s32 v10, $0x9;
	v16 =	vmul.f32 $5.000000000e-01, v5  }
0x33e: {  	vm6 =	vlt.s32 v30, $0x9;
	vm5 =	vlt.s32 v8, $0x9;
	v14 =	vmul.f32 v11, v28  }
0x33f: {  	[tilespmem:v24+s3+$0x0] =	vst.idx.add.f32.msk $0xffff, v1;
	vm1 =	vlt.s32 v7, $0x9;
	v11 =	vmul.f32 v32, v29;
	v9 =	vmul.f32 v4, v31  }
0x340: {  	s11 =	simm.s32 $0xC0;
	s10 =	simm.s32 $0x0;
	[tilespmem:v24+s4+$0x0] =	vst.idx.add.f32.msk $0xffff, v27;
	v4 =	vmul.f32 v16, v5;
	v24 =	vnsel vm6, $0x9, v30;
	v16 =	vsub.f32 v26, v31  }
.LBB2_14:
0x341: {  	v25 =	vld [tilespmem:s11+$0x30];
	v15 =	vnsel vm0, $0x9, v15;
	v13 =	vnsel vm4, $0x9, v13;
	v3 =	vsub.f32 v3, v5;
	s9 =	sadd.s32 $0x80, s9  }
0x342: {  	v12 =	vnsel vm2, $0x9, v12;
	v10 =	vnsel vm3, $0x9, v10;
	v8 =	vnsel vm5, $0x9, v8;
	v5 =	vld [tilespmem:s9+$0x30]  }
0x343: {  	s10 =	sadd.s32 $0x80, s10;
	v24 =	vshll.u32 v24, $0x7;
	v7 =	vnsel vm1, $0x9, v7;
	v15 =	vshll.u32 v15, $0x7;
	v26 =	vld [tilespmem:s9+$0xFFFFFFC0]  }
0x344: {  	p1 =	slt.u32 s10, $0x3900;
	v13 =	vshll.u32 v13, $0x7;
	v12 =	vshll.u32 v12, $0x7;
	v10 =	vshll.u32 v10, $0x7;
	v27 =	vld [tilespmem:s11+$0xFFFFFFD0]  }
0x345: {  	v6 =	vadd.f32 v23, v6;
	v8 =	vshll.u32 v8, $0x7;
	v7 =	vshll.u32 v7, $0x7;
	v28 =	vld [tilespmem:s9+$0xFFFFFFD0]  }
0x346: {  	v18 =	vadd.f32 v18, v20;
	v17 =	vadd.f32 v17, v21;
	v24 =	vor.u32 v2, v24;
	v23 =	vld [tilespmem:s11+$0xFFFFFFE0]  }
0x347: {  	v14 =	vadd.f32 v14, v19;
	v15 =	vor.u32 v2, v15;
	v20 =	vld [tilespmem:s9+$0xFFFFFFE0];
	v5 =	vsub.f32 v25, v5  }
0x348: {  	v11 =	vadd.f32 v11, v22;
	v9 =	vadd.f32 v9, v16;
	v13 =	vor.u32 v2, v13;
	v19 =	vld [tilespmem:s11+$0xFFFFFFF0]  }
0x349: {  	v12 =	vor.u32 v2, v12;
	v21 =	vadd.f32 v4, v3;
	v16 =	vld [tilespmem:s9+$0xFFFFFFF0];
	v5 =	vand.u32 $0x7FFFFFFF, v5  }
0x34a: {  	v10 =	vor.u32 v2, v10;
	v3 =	vsub.f32 v27, v28;
	v22 =	vld [tilespmem:s11+$0x0];
	v25 =	vsub.f32 $3.600000000e+02, v5  }
0x34b: {  	v8 =	vor.u32 v2, v8;
	v7 =	vor.u32 v2, v7;
	v27 =	vld [tilespmem:s9+$0x0]  }
0x34c: {  	v4 =	vand.u32 $0x7FFFFFFF, v3;
	v3 =	vsub.f32 v23, v20;
	v20 =	vld [tilespmem:s11+$0x10];
	v23 =	vmin.f32 v5, v25  }
0x34d: {  	v25 =	vsub.f32 $3.600000000e+02, v4;
	v28 =	vmin.f32 v4, $1.000000000e+00;
	v29 =	vld [tilespmem:s9+$0x10];
	v23 =	vmul.f32 $5.555555600e-02, v23  }
0x34e: {  	v30 =	vmul.f32 $5.000000000e-01, v28;
	v31 =	vand.u32 $0x7FFFFFFF, v3;
	v3 =	vsub.f32 v19, v16;
	v16 =	vld [tilespmem:s11+$0x20]  }
0x34f: {  	v19 =	vmin.f32 v4, v25;
	v25 =	vsub.f32 $3.600000000e+02, v31;
	v32 =	vld [tilespmem:s9+$0x20];
	v23 =	vtrunc.f32 v23  }
0x350: {  	v33 =	vld [tilespmem:s11+$0xFFFFFFC0];
	v34 =	vand.u32 $0x7FFFFFFF, v3;
	v3 =	vsub.f32 v22, v27;
	v22 =	vcvt.f32.s32 v23  }
0x351: {  	v19 =	vmul.f32 $5.555555600e-02, v19;
	v23 =	vmin.f32 v31, v25;
	v25 =	vsub.f32 $3.600000000e+02, v34;
	[tilespmem:v24+s3+$0x0] =	vst.idx.add.f32.msk $0xffff, v1  }
0x352: {  	v27 =	vand.u32 $0x7FFFFFFF, v3;
	v3 =	vsub.f32 v20, v29;
	vm0 =	vlt.s32 v22, $0x9;
	[tilespmem:v24+s4+$0x0] =	vst.idx.add.f32.msk $0xffff, v6  }
0x353: {  	v6 =	vmin.f32 v34, v25;
	v20 =	vsub.f32 $3.600000000e+02, v27;
	v22 =	vnsel vm0, $0x9, v22;
	[tilespmem:v15+s3+$0x0] =	vst.idx.add.f32.msk $0xffff, v1  }
0x354: {  	v24 =	vmin.f32 v5, $1.000000000e+00;
	v16 =	vsub.f32 v16, v32;
	v22 =	vshll.u32 v22, $0x7;
	[tilespmem:v15+s4+$0x0] =	vst.idx.add.f32.msk $0xffff, v18  }
0x355: {  	v18 =	vmul.f32 $5.000000000e-01, v24;
	v15 =	vsub.f32 v33, v26;
	v22 =	vor.u32 v2, v22;
	[tilespmem:v13+s3+$0x0] =	vst.idx.add.f32.msk $0xffff, v1  }
0x356: {  	v25 =	vand.u32 $0x7FFFFFFF, v3;
	v20 =	vmin.f32 v27, v20;
	v3 =	vand.u32 $0x7FFFFFFF, v16;
	[tilespmem:v13+s4+$0x0] =	vst.idx.add.f32.msk $0xffff, v17  }
0x357: {  	v5 =	vsub.f32 v5, v24;
	v13 =	vand.u32 $0x7FFFFFFF, v15;
	v15 =	vmul.f32 v18, v24;
	[tilespmem:v12+s3+$0x0] =	vst.idx.add.f32.msk $0xffff, v1  }
0x358: {  	v17 =	vmul.f32 $5.555555600e-02, v23;
	v18 =	vsub.f32 $3.600000000e+02, v25;
	v16 =	vsub.f32 $3.600000000e+02, v13;
	[tilespmem:v12+s4+$0x0] =	vst.idx.add.f32.msk $0xffff, v14  }
0x359: {  	v6 =	vmul.f32 $5.555555600e-02, v6;
	v12 =	vsub.f32 $3.600000000e+02, v3;
	v5 =	vadd.f32 v15, v5;
	[tilespmem:v10+s3+$0x0] =	vst.idx.add.f32.msk $0xffff, v1  }
0x35a: {  	v15 =	vmul.f32 $5.555555600e-02, v20;
	v14 =	vmin.f32 v13, v16;
	v16 =	vmin.f32 v25, v18;
	[tilespmem:v22+s3+$0x0] =	vst.idx.add.f32.msk $0xffff, v1  }
0x35b: {  	v12 =	vmin.f32 v3, v12;
	v14 =	vmul.f32 $5.555555600e-02, v14;
	v16 =	vmul.f32 $5.555555600e-02, v16;
	[tilespmem:v22+s4+$0x0] =	vst.idx.add.f32.msk $0xffff, v5  }
0x35c: {  	v19 =	vtrunc.f32 v19;
	v18 =	vmin.f32 v13, $1.000000000e+00;
	v5 =	vmul.f32 $5.555555600e-02, v12;
	[tilespmem:v10+s4+$0x0] =	vst.idx.add.f32.msk $0xffff, v11  }
0x35d: {  	v11 =	vtrunc.f32 v17;
	v10 =	vtrunc.f32 v14;
	v14 =	vmin.f32 v31, $1.000000000e+00;
	[tilespmem:v8+s3+$0x0] =	vst.idx.add.f32.msk $0xffff, v1  }
0x35e: {  	v12 =	vtrunc.f32 v6;
	v22 =	vmin.f32 v34, $1.000000000e+00;
	v17 =	vtrunc.f32 v15;
	[tilespmem:v8+s4+$0x0] =	vst.idx.add.f32.msk $0xffff, v9  }
0x35f: {  	v26 =	vmin.f32 v27, $1.000000000e+00;
	v8 =	vtrunc.f32 v16;
	v9 =	vtrunc.f32 v5;
	[tilespmem:v7+s3+$0x0] =	vst.idx.add.f32.msk $0xffff, v1  }
0x360: {  	v29 =	vmin.f32 v25, $1.000000000e+00;
	v16 =	vcvt.f32.s32 v10;
	v5 =	vmin.f32 v3, $1.000000000e+00;
	[tilespmem:v7+s4+$0x0] =	vst.idx.add.f32.msk $0xffff, v21  }
0x361: {  	v6 =	vsub.f32 v13, v18;
	v15 =	vcvt.f32.s32 v19;
	v13 =	vcvt.f32.s32 v11  }
0x362: {  	v12 =	vcvt.f32.s32 v12;
	v10 =	vcvt.f32.s32 v17;
	vm6 =	vlt.s32 v16, $0x9  }
0x363: {  	vm0 =	vlt.s32 v15, $0x9;
	v8 =	vcvt.f32.s32 v8;
	v7 =	vcvt.f32.s32 v9  }
0x364: {  	v11 =	vmul.f32 $5.000000000e-01, v14;
	vm4 =	vlt.s32 v13, $0x9;
	v9 =	vmul.f32 $5.000000000e-01, v18  }
0x365: {  	v24 =	vmul.f32 $5.000000000e-01, v26;
	v19 =	vmul.f32 $5.000000000e-01, v22;
	vm2 =	vlt.s32 v12, $0x9  }
0x366: {  	v32 =	vmul.f32 $5.000000000e-01, v29;
	v33 =	vmul.f32 $5.000000000e-01, v5;
	vm3 =	vlt.s32 v10, $0x9  }
.Ltmp8:
0x367: {  	vm5 =	vlt.s32 v8, $0x9;
	v23 =	vmul.f32 v9, v18;
	vm1 =	vlt.s32 v7, $0x9;
	(pc) =	sbr.rel @p1 .LBB2_14-.Ltmp8, $4  }
0x368: {  	v20 =	vsub.f32 v4, v28;
	v17 =	vmul.f32 v11, v14;
	v18 =	vmul.f32 v30, v28  }
0x369: {  	v21 =	vsub.f32 v31, v14;
	v14 =	vmul.f32 v19, v22;
	v11 =	vmul.f32 v24, v26  }
0x36a: {  	v19 =	vsub.f32 v34, v22;
	v4 =	vmul.f32 v33, v5;
	v9 =	vmul.f32 v32, v29  }
0x36b: {  	s11 =	sadd.s32 $0x80, s11;
	v22 =	vsub.f32 v27, v26;
	v24 =	vnsel vm6, $0x9, v16;
	v16 =	vsub.f32 v25, v29  }
0x36c: {  	v24 =	vshll.u32 v24, $0x7  }
0x36d: {  	v15 =	vnsel vm0, $0x9, v15;
	v24 =	vor.u32 v2, v24  }
0x36e: {  	v13 =	vnsel vm4, $0x9, v13;
	v12 =	vnsel vm2, $0x9, v12;
	v15 =	vshll.u32 v15, $0x7  }
0x36f: {  	v6 =	vadd.f32 v23, v6;
	v13 =	vshll.u32 v13, $0x7;
	v15 =	vor.u32 v2, v15  }
0x370: {  	v8 =	vnsel vm5, $0x9, v8;
	v12 =	vshll.u32 v12, $0x7;
	v13 =	vor.u32 v2, v13  }
0x371: {  	v7 =	vnsel vm1, $0x9, v7;
	v8 =	vshll.u32 v8, $0x7;
	v12 =	vor.u32 v2, v12  }
0x372: {  	v7 =	vshll.u32 v7, $0x7;
	v8 =	vor.u32 v2, v8;
	[tilespmem:v24+s3+$0x0] =	vst.idx.add.f32.msk $0xffff, v1  }
0x373: {  	v7 =	vor.u32 v2, v7;
	[tilespmem:v24+s4+$0x0] =	vst.idx.add.f32.msk $0xffff, v6  }
0x374: {  	[tilespmem:v15+s3+$0x0] =	vst.idx.add.f32.msk $0xffff, v1  }
0x375: {  	[tilespmem:v13+s3+$0x0] =	vst.idx.add.f32.msk $0xffff, v1  }
0x376: {  	[tilespmem:v12+s3+$0x0] =	vst.idx.add.f32.msk $0xffff, v1  }
0x377: {  	v10 =	vnsel vm3, $0x9, v10;
	v18 =	vadd.f32 v18, v20;
	[tilespmem:v8+s3+$0x0] =	vst.idx.add.f32.msk $0xffff, v1  }
0x378: {  	v14 =	vadd.f32 v14, v19;
	v3 =	vsub.f32 v3, v5;
	v6 =	vshll.u32 v10, $0x7;
	[tilespmem:v7+s3+$0x0] =	vst.idx.add.f32.msk $0xffff, v1  }
0x379: {  	v5 =	vadd.f32 v9, v16;
	v6 =	vor.u32 v2, v6;
	[tilespmem:v15+s4+$0x0] =	vst.idx.add.f32.msk $0xffff, v18  }
0x37a: {  	v3 =	vadd.f32 v4, v3;
	[tilespmem:v12+s4+$0x0] =	vst.idx.add.f32.msk $0xffff, v14  }
0x37b: {  	v10 =	vadd.f32 v17, v21;
	[tilespmem:v8+s4+$0x0] =	vst.idx.add.f32.msk $0xffff, v5  }
0x37c: {  	[tilespmem:v7+s4+$0x0] =	vst.idx.add.f32.msk $0xffff, v3  }
0x37d: {  	[tilespmem:v13+s4+$0x0] =	vst.idx.add.f32.msk $0xffff, v10;
	v10 =	vadd.f32 v11, v22  }
0x37e: {  	[tilespmem:v6+s3+$0x0] =	vst.idx.add.f32.msk $0xffff, v1  }
0x37f: {  	[tilespmem:v6+s4+$0x0] =	vst.idx.add.f32.msk $0xffff, v10  }
0x380: {  	[tilespmem:s2], [sflag:$0x1] =	stream.linear.gather [hbm4b:s19+s2], $0x3980, $0x38;
	[tilespmem:$0xF600] =	vst v63  }
0x381: {  	_ = 	snop  }
0x382: {  	[tilespmem:s31], [sflag:$0x3] =	stream.linear.gather [hbm4b:s20+s2], $0x3980, $0x38;
	[tilespmem:$0xF600] =	vst v63  }
0x383: {  	_ =	swait.ge [sflag:s5], $0x3980  }
0x384: {  	[sflag:s5] =	ssyncset.done $0x0  }
0x385: {  	[sflag:s5] =	ssyncadd.s32 $0xFFFFC680  }
0x386: {  	_ =	swait.ge [sflag:s6], $0x3980  }
0x387: {  	[sflag:s6] =	ssyncset.done $0x0  }
0x388: {  	s10 =	simm.s32 $0x39C0;
	[sflag:s6] =	ssyncadd.s32 $0xFFFFC680  }
0x389: {  	s9 =	simm.s32 $0xACC0;
	v3 =	vld [tilespmem:s10+$0x30]  }
0x38a: {  	v4 =	vld [tilespmem:s9+$0x30]  }
0x38b: {  	v5 =	vld [tilespmem:s9+$0xFFFFFFC0]  }
0x38c: {  	v6 =	vld [tilespmem:s10+$0xFFFFFFD0]  }
0x38d: {  	v7 =	vld [tilespmem:s9+$0xFFFFFFD0]  }
0x38e: {  	v8 =	vld [tilespmem:s10+$0xFFFFFFE0]  }
0x38f: {  	v9 =	vld [tilespmem:s9+$0xFFFFFFE0]  }
0x390: {  	v18 =	vld [tilespmem:s10+$0xFFFFFFC0]  }
0x391: {  	v10 =	vld [tilespmem:s9+$0xFFFFFFF0];
	v3 =	vsub.f32 v3, v4  }
0x392: {  	v4 =	vld [tilespmem:s10+$0xFFFFFFF0]  }
0x393: {  	v11 =	vand.u32 $0x7FFFFFFF, v3;
	v3 =	vsub.f32 v6, v7  }
0x394: {  	v12 =	vld [tilespmem:s9+$0x0];
	v7 =	vsub.f32 $3.600000000e+02, v11  }
0x395: {  	v5 =	vsub.f32 v18, v5;
	v6 =	vld [tilespmem:s10+$0x0];
	v14 =	vand.u32 $0x7FFFFFFF, v3;
	v3 =	vsub.f32 v8, v9  }
0x396: {  	v13 =	vld [tilespmem:s9+$0x10];
	v7 =	vmin.f32 v11, v7;
	v9 =	vsub.f32 $3.600000000e+02, v14;
	v16 =	vmin.f32 v14, $1.000000000e+00  }
0x397: {  	v8 =	vld [tilespmem:s10+$0x10];
	v7 =	vmul.f32 $5.555555600e-02, v7;
	v19 =	vand.u32 $0x7FFFFFFF, v3;
	v3 =	vsub.f32 v4, v10  }
0x398: {  	v15 =	vld [tilespmem:s9+$0x20];
	v17 =	vmul.f32 $5.000000000e-01, v16;
	v9 =	vmin.f32 v14, v9;
	v10 =	vsub.f32 $3.600000000e+02, v19  }
0x399: {  	v4 =	vld [tilespmem:s10+$0x20];
	v21 =	vmin.f32 v19, $1.000000000e+00;
	v7 =	vtrunc.f32 v7;
	v22 =	vand.u32 $0x7FFFFFFF, v3  }
0x39a: {  	v3 =	vsub.f32 v6, v12;
	v12 =	vmin.f32 v11, $1.000000000e+00;
	v6 =	vcvt.f32.s32 v7  }
0x39b: {  	v7 =	vmul.f32 $5.555555600e-02, v9;
	v9 =	vmin.f32 v19, v10;
	v10 =	vsub.f32 $3.600000000e+02, v22  }
0x39c: {  	v28 =	vmin.f32 v22, $1.000000000e+00;
	v25 =	vand.u32 $0x7FFFFFFF, v3;
	v3 =	vsub.f32 v8, v13  }
0x39d: {  	v13 =	vmul.f32 $5.000000000e-01, v12;
	v9 =	vmul.f32 $5.555555600e-02, v9;
	vm0 =	vlt.s32 v6, $0x9  }
0x39e: {  	v8 =	vmin.f32 v22, v10;
	v10 =	vsub.f32 $3.600000000e+02, v25;
	v4 =	vsub.f32 v4, v15  }
0x39f: {  	v7 =	vtrunc.f32 v7;
	v29 =	vmin.f32 v25, $1.000000000e+00;
	v6 =	vnsel vm0, $0x9, v6  }
0x3a0: {  	v26 =	vand.u32 $0x7FFFFFFF, v3;
	v8 =	vmul.f32 $5.555555600e-02, v8;
	v9 =	vtrunc.f32 v9  }
0x3a1: {  	v15 =	vcvt.f32.s32 v7;
	v6 =	vshll.u32 v6, $0x7;
	v3 =	vand.u32 $0x7FFFFFFF, v4  }
0x3a2: {  	v4 =	vand.u32 $0x7FFFFFFF, v5;
	v5 =	vmul.f32 v13, v12;
	v24 =	vor.u32 v2, v6  }
0x3a3: {  	v6 =	vmin.f32 v25, v10;
	v10 =	vsub.f32 v11, v12;
	v11 =	vsub.f32 $3.600000000e+02, v4  }
0x3a4: {  	v32 =	vmul.f32 $5.000000000e-01, v29;
	v12 =	vsub.f32 $3.600000000e+02, v26;
	v13 =	vsub.f32 $3.600000000e+02, v3  }
0x3a5: {  	v8 =	vtrunc.f32 v8;
	v6 =	vmul.f32 $5.555555600e-02, v6;
	v27 =	vadd.f32 v5, v10  }
0x3a6: {  	v5 =	vmin.f32 v4, v11;
	v11 =	vmin.f32 v3, v13;
	v13 =	vcvt.f32.s32 v9  }
0x3a7: {  	v10 =	vmin.f32 v26, v12;
	v12 =	vcvt.f32.s32 v8;
	v9 =	vmul.f32 $5.000000000e-01, v21  }
0x3a8: {  	v31 =	vmin.f32 v26, $1.000000000e+00;
	v5 =	vmul.f32 $5.555555600e-02, v5;
	v10 =	vmul.f32 $5.555555600e-02, v10  }
0x3a9: {  	v18 =	vmin.f32 v4, $1.000000000e+00;
	v11 =	vmul.f32 $5.555555600e-02, v11;
	v20 =	vtrunc.f32 v6  }
0x3aa: {  	v6 =	vsub.f32 v4, v18;
	v4 =	vmul.f32 $5.000000000e-01, v18;
	v5 =	vtrunc.f32 v5  }
0x3ab: {  	vm0 =	vlt.s32 v15, $0x9;
	v23 =	vtrunc.f32 v10;
	v11 =	vtrunc.f32 v11  }
0x3ac: {  	vm4 =	vlt.s32 v13, $0x9;
	v10 =	vcvt.f32.s32 v20;
	v30 =	vcvt.f32.s32 v5  }
0x3ad: {  	vm2 =	vlt.s32 v12, $0x9;
	v8 =	vcvt.f32.s32 v23;
	v7 =	vcvt.f32.s32 v11  }
0x3ae: {  	v20 =	vsub.f32 v14, v16;
	v11 =	vmul.f32 $5.000000000e-01, v28;
	v23 =	vmul.f32 v4, v18  }
0x3af: {  	v5 =	vmin.f32 v3, $1.000000000e+00;
	v4 =	vmul.f32 $5.000000000e-01, v31;
	v18 =	vmul.f32 v17, v16  }
0x3b0: {  	v17 =	vmul.f32 v9, v21;
	v21 =	vsub.f32 v19, v21;
	v19 =	vsub.f32 v22, v28  }
0x3b1: {  	v22 =	vsub.f32 v25, v29;
	vm3 =	vlt.s32 v10, $0x9;
	v16 =	vmul.f32 $5.000000000e-01, v5  }
0x3b2: {  	vm6 =	vlt.s32 v30, $0x9;
	vm5 =	vlt.s32 v8, $0x9;
	v14 =	vmul.f32 v11, v28  }
0x3b3: {  	[tilespmem:v24+s3+$0x0] =	vst.idx.add.f32.msk $0xffff, v1;
	vm1 =	vlt.s32 v7, $0x9;
	v11 =	vmul.f32 v32, v29;
	v9 =	vmul.f32 v4, v31  }
0x3b4: {  	s11 =	simm.s32 $0x3A40;
	s10 =	simm.s32 $0x0;
	[tilespmem:v24+s4+$0x0] =	vst.idx.add.f32.msk $0xffff, v27;
	v4 =	vmul.f32 v16, v5;
	v24 =	vnsel vm6, $0x9, v30;
	v16 =	vsub.f32 v26, v31  }
.LBB2_16:
0x3b5: {  	v25 =	vld [tilespmem:s11+$0x30];
	v15 =	vnsel vm0, $0x9, v15;
	v13 =	vnsel vm4, $0x9, v13;
	v3 =	vsub.f32 v3, v5;
	s9 =	sadd.s32 $0x80, s9  }
0x3b6: {  	v12 =	vnsel vm2, $0x9, v12;
	v10 =	vnsel vm3, $0x9, v10;
	v8 =	vnsel vm5, $0x9, v8;
	v5 =	vld [tilespmem:s9+$0x30]  }
0x3b7: {  	s10 =	sadd.s32 $0x80, s10;
	v24 =	vshll.u32 v24, $0x7;
	v7 =	vnsel vm1, $0x9, v7;
	v15 =	vshll.u32 v15, $0x7;
	v26 =	vld [tilespmem:s9+$0xFFFFFFC0]  }
0x3b8: {  	p1 =	slt.u32 s10, $0x3900;
	v13 =	vshll.u32 v13, $0x7;
	v12 =	vshll.u32 v12, $0x7;
	v10 =	vshll.u32 v10, $0x7;
	v27 =	vld [tilespmem:s11+$0xFFFFFFD0]  }
0x3b9: {  	v6 =	vadd.f32 v23, v6;
	v8 =	vshll.u32 v8, $0x7;
	v7 =	vshll.u32 v7, $0x7;
	v28 =	vld [tilespmem:s9+$0xFFFFFFD0]  }
0x3ba: {  	v18 =	vadd.f32 v18, v20;
	v17 =	vadd.f32 v17, v21;
	v24 =	vor.u32 v2, v24;
	v23 =	vld [tilespmem:s11+$0xFFFFFFE0]  }
0x3bb: {  	v14 =	vadd.f32 v14, v19;
	v15 =	vor.u32 v2, v15;
	v20 =	vld [tilespmem:s9+$0xFFFFFFE0];
	v5 =	vsub.f32 v25, v5  }
0x3bc: {  	v11 =	vadd.f32 v11, v22;
	v9 =	vadd.f32 v9, v16;
	v13 =	vor.u32 v2, v13;
	v19 =	vld [tilespmem:s11+$0xFFFFFFF0]  }
0x3bd: {  	v12 =	vor.u32 v2, v12;
	v21 =	vadd.f32 v4, v3;
	v16 =	vld [tilespmem:s9+$0xFFFFFFF0];
	v5 =	vand.u32 $0x7FFFFFFF, v5  }
0x3be: {  	v10 =	vor.u32 v2, v10;
	v3 =	vsub.f32 v27, v28;
	v22 =	vld [tilespmem:s11+$0x0];
	v25 =	vsub.f32 $3.600000000e+02, v5  }
0x3bf: {  	v8 =	vor.u32 v2, v8;
	v7 =	vor.u32 v2, v7;
	v27 =	vld [tilespmem:s9+$0x0]  }
0x3c0: {  	v4 =	vand.u32 $0x7FFFFFFF, v3;
	v3 =	vsub.f32 v23, v20;
	v20 =	vld [tilespmem:s11+$0x10];
	v23 =	vmin.f32 v5, v25  }
0x3c1: {  	v25 =	vsub.f32 $3.600000000e+02, v4;
	v28 =	vmin.f32 v4, $1.000000000e+00;
	v29 =	vld [tilespmem:s9+$0x10];
	v23 =	vmul.f32 $5.555555600e-02, v23  }
0x3c2: {  	v30 =	vmul.f32 $5.000000000e-01, v28;
	v31 =	vand.u32 $0x7FFFFFFF, v3;
	v3 =	vsub.f32 v19, v16;
	v16 =	vld [tilespmem:s11+$0x20]  }
0x3c3: {  	v19 =	vmin.f32 v4, v25;
	v25 =	vsub.f32 $3.600000000e+02, v31;
	v32 =	vld [tilespmem:s9+$0x20];
	v23 =	vtrunc.f32 v23  }
0x3c4: {  	v33 =	vld [tilespmem:s11+$0xFFFFFFC0];
	v34 =	vand.u32 $0x7FFFFFFF, v3;
	v3 =	vsub.f32 v22, v27;
	v22 =	vcvt.f32.s32 v23  }
0x3c5: {  	v19 =	vmul.f32 $5.555555600e-02, v19;
	v23 =	vmin.f32 v31, v25;
	v25 =	vsub.f32 $3.600000000e+02, v34;
	[tilespmem:v24+s3+$0x0] =	vst.idx.add.f32.msk $0xffff, v1  }
0x3c6: {  	v27 =	vand.u32 $0x7FFFFFFF, v3;
	v3 =	vsub.f32 v20, v29;
	vm0 =	vlt.s32 v22, $0x9;
	[tilespmem:v24+s4+$0x0] =	vst.idx.add.f32.msk $0xffff, v6  }
0x3c7: {  	v6 =	vmin.f32 v34, v25;
	v20 =	vsub.f32 $3.600000000e+02, v27;
	v22 =	vnsel vm0, $0x9, v22;
	[tilespmem:v15+s3+$0x0] =	vst.idx.add.f32.msk $0xffff, v1  }
0x3c8: {  	v24 =	vmin.f32 v5, $1.000000000e+00;
	v16 =	vsub.f32 v16, v32;
	v22 =	vshll.u32 v22, $0x7;
	[tilespmem:v15+s4+$0x0] =	vst.idx.add.f32.msk $0xffff, v18  }
0x3c9: {  	v18 =	vmul.f32 $5.000000000e-01, v24;
	v15 =	vsub.f32 v33, v26;
	v22 =	vor.u32 v2, v22;
	[tilespmem:v13+s3+$0x0] =	vst.idx.add.f32.msk $0xffff, v1  }
0x3ca: {  	v25 =	vand.u32 $0x7FFFFFFF, v3;
	v20 =	vmin.f32 v27, v20;
	v3 =	vand.u32 $0x7FFFFFFF, v16;
	[tilespmem:v13+s4+$0x0] =	vst.idx.add.f32.msk $0xffff, v17  }
0x3cb: {  	v5 =	vsub.f32 v5, v24;
	v13 =	vand.u32 $0x7FFFFFFF, v15;
	v15 =	vmul.f32 v18, v24;
	[tilespmem:v12+s3+$0x0] =	vst.idx.add.f32.msk $0xffff, v1  }
0x3cc: {  	v17 =	vmul.f32 $5.555555600e-02, v23;
	v18 =	vsub.f32 $3.600000000e+02, v25;
	v16 =	vsub.f32 $3.600000000e+02, v13;
	[tilespmem:v12+s4+$0x0] =	vst.idx.add.f32.msk $0xffff, v14  }
0x3cd: {  	v6 =	vmul.f32 $5.555555600e-02, v6;
	v12 =	vsub.f32 $3.600000000e+02, v3;
	v5 =	vadd.f32 v15, v5;
	[tilespmem:v10+s3+$0x0] =	vst.idx.add.f32.msk $0xffff, v1  }
0x3ce: {  	v15 =	vmul.f32 $5.555555600e-02, v20;
	v14 =	vmin.f32 v13, v16;
	v16 =	vmin.f32 v25, v18;
	[tilespmem:v22+s3+$0x0] =	vst.idx.add.f32.msk $0xffff, v1  }
0x3cf: {  	v12 =	vmin.f32 v3, v12;
	v14 =	vmul.f32 $5.555555600e-02, v14;
	v16 =	vmul.f32 $5.555555600e-02, v16;
	[tilespmem:v22+s4+$0x0] =	vst.idx.add.f32.msk $0xffff, v5  }
0x3d0: {  	v19 =	vtrunc.f32 v19;
	v18 =	vmin.f32 v13, $1.000000000e+00;
	v5 =	vmul.f32 $5.555555600e-02, v12;
	[tilespmem:v10+s4+$0x0] =	vst.idx.add.f32.msk $0xffff, v11  }
0x3d1: {  	v11 =	vtrunc.f32 v17;
	v10 =	vtrunc.f32 v14;
	v14 =	vmin.f32 v31, $1.000000000e+00;
	[tilespmem:v8+s3+$0x0] =	vst.idx.add.f32.msk $0xffff, v1  }
0x3d2: {  	v12 =	vtrunc.f32 v6;
	v22 =	vmin.f32 v34, $1.000000000e+00;
	v17 =	vtrunc.f32 v15;
	[tilespmem:v8+s4+$0x0] =	vst.idx.add.f32.msk $0xffff, v9  }
0x3d3: {  	v26 =	vmin.f32 v27, $1.000000000e+00;
	v8 =	vtrunc.f32 v16;
	v9 =	vtrunc.f32 v5;
	[tilespmem:v7+s3+$0x0] =	vst.idx.add.f32.msk $0xffff, v1  }
0x3d4: {  	v29 =	vmin.f32 v25, $1.000000000e+00;
	v16 =	vcvt.f32.s32 v10;
	v5 =	vmin.f32 v3, $1.000000000e+00;
	[tilespmem:v7+s4+$0x0] =	vst.idx.add.f32.msk $0xffff, v21  }
0x3d5: {  	v6 =	vsub.f32 v13, v18;
	v15 =	vcvt.f32.s32 v19;
	v13 =	vcvt.f32.s32 v11  }
0x3d6: {  	v12 =	vcvt.f32.s32 v12;
	v10 =	vcvt.f32.s32 v17;
	vm6 =	vlt.s32 v16, $0x9  }
0x3d7: {  	vm0 =	vlt.s32 v15, $0x9;
	v8 =	vcvt.f32.s32 v8;
	v7 =	vcvt.f32.s32 v9  }
0x3d8: {  	v11 =	vmul.f32 $5.000000000e-01, v14;
	vm4 =	vlt.s32 v13, $0x9;
	v9 =	vmul.f32 $5.000000000e-01, v18  }
0x3d9: {  	v24 =	vmul.f32 $5.000000000e-01, v26;
	v19 =	vmul.f32 $5.000000000e-01, v22;
	vm2 =	vlt.s32 v12, $0x9  }
0x3da: {  	v32 =	vmul.f32 $5.000000000e-01, v29;
	v33 =	vmul.f32 $5.000000000e-01, v5;
	vm3 =	vlt.s32 v10, $0x9  }
.Ltmp9:
0x3db: {  	vm5 =	vlt.s32 v8, $0x9;
	v23 =	vmul.f32 v9, v18;
	vm1 =	vlt.s32 v7, $0x9;
	(pc) =	sbr.rel @p1 .LBB2_16-.Ltmp9, $4  }
0x3dc: {  	v20 =	vsub.f32 v4, v28;
	v17 =	vmul.f32 v11, v14;
	v18 =	vmul.f32 v30, v28  }
0x3dd: {  	v21 =	vsub.f32 v31, v14;
	v14 =	vmul.f32 v19, v22;
	v11 =	vmul.f32 v24, v26  }
0x3de: {  	v19 =	vsub.f32 v34, v22;
	v4 =	vmul.f32 v33, v5;
	v9 =	vmul.f32 v32, v29  }
0x3df: {  	s11 =	sadd.s32 $0x80, s11;
	v22 =	vsub.f32 v27, v26;
	v24 =	vnsel vm6, $0x9, v16;
	v16 =	vsub.f32 v25, v29  }
0x3e0: {  	v24 =	vshll.u32 v24, $0x7  }
0x3e1: {  	v15 =	vnsel vm0, $0x9, v15;
	v24 =	vor.u32 v2, v24  }
0x3e2: {  	v13 =	vnsel vm4, $0x9, v13;
	v12 =	vnsel vm2, $0x9, v12;
	v15 =	vshll.u32 v15, $0x7  }
0x3e3: {  	v6 =	vadd.f32 v23, v6;
	v13 =	vshll.u32 v13, $0x7;
	v15 =	vor.u32 v2, v15  }
0x3e4: {  	v8 =	vnsel vm5, $0x9, v8;
	v12 =	vshll.u32 v12, $0x7;
	v13 =	vor.u32 v2, v13  }
0x3e5: {  	v7 =	vnsel vm1, $0x9, v7;
	v8 =	vshll.u32 v8, $0x7;
	v12 =	vor.u32 v2, v12  }
0x3e6: {  	v7 =	vshll.u32 v7, $0x7;
	v8 =	vor.u32 v2, v8;
	[tilespmem:v24+s3+$0x0] =	vst.idx.add.f32.msk $0xffff, v1  }
0x3e7: {  	v7 =	vor.u32 v2, v7;
	[tilespmem:v24+s4+$0x0] =	vst.idx.add.f32.msk $0xffff, v6  }
0x3e8: {  	[tilespmem:v15+s3+$0x0] =	vst.idx.add.f32.msk $0xffff, v1  }
0x3e9: {  	[tilespmem:v13+s3+$0x0] =	vst.idx.add.f32.msk $0xffff, v1  }
0x3ea: {  	[tilespmem:v12+s3+$0x0] =	vst.idx.add.f32.msk $0xffff, v1  }
0x3eb: {  	v10 =	vnsel vm3, $0x9, v10;
	v18 =	vadd.f32 v18, v20;
	[tilespmem:v8+s3+$0x0] =	vst.idx.add.f32.msk $0xffff, v1  }
0x3ec: {  	v14 =	vadd.f32 v14, v19;
	v3 =	vsub.f32 v3, v5;
	v6 =	vshll.u32 v10, $0x7;
	[tilespmem:v7+s3+$0x0] =	vst.idx.add.f32.msk $0xffff, v1  }
0x3ed: {  	v5 =	vadd.f32 v9, v16;
	v6 =	vor.u32 v2, v6;
	[tilespmem:v15+s4+$0x0] =	vst.idx.add.f32.msk $0xffff, v18  }
0x3ee: {  	v3 =	vadd.f32 v4, v3;
	[tilespmem:v12+s4+$0x0] =	vst.idx.add.f32.msk $0xffff, v14  }
0x3ef: {  	v10 =	vadd.f32 v17, v21;
	[tilespmem:v8+s4+$0x0] =	vst.idx.add.f32.msk $0xffff, v5  }
0x3f0: {  	[tilespmem:v7+s4+$0x0] =	vst.idx.add.f32.msk $0xffff, v3  }
0x3f1: {  	[tilespmem:v13+s4+$0x0] =	vst.idx.add.f32.msk $0xffff, v10;
	v10 =	vadd.f32 v11, v22  }
0x3f2: {  	[tilespmem:v6+s3+$0x0] =	vst.idx.add.f32.msk $0xffff, v1  }
0x3f3: {  	[tilespmem:v6+s4+$0x0] =	vst.idx.add.f32.msk $0xffff, v10  }
0x3f4: {  	[tilespmem:s1], [sflag:$0x2] =	stream.linear.gather [hbm4b:s21+s2], $0x3980, $0x38;
	[tilespmem:$0xF600] =	vst v63  }
0x3f5: {  	_ = 	snop  }
0x3f6: {  	[tilespmem:s0], [sflag:$0x4] =	stream.linear.gather [hbm4b:s22+s2], $0x3980, $0x38;
	[tilespmem:$0xF600] =	vst v63  }
0x3f7: {  	_ =	swait.ge [sflag:s25], $0x3980  }
0x3f8: {  	[sflag:s25] =	ssyncset.done $0x0  }
0x3f9: {  	[sflag:s25] =	ssyncadd.s32 $0xFFFFC680  }
0x3fa: {  	_ =	swait.ge [sflag:s26], $0x3980  }
0x3fb: {  	[sflag:s26] =	ssyncset.done $0x0  }
0x3fc: {  	s10 =	simm.s32 $0x40;
	[sflag:s26] =	ssyncadd.s32 $0xFFFFC680  }
0x3fd: {  	s9 =	simm.s32 $0x7340;
	v3 =	vld [tilespmem:s10+$0x30]  }
0x3fe: {  	v4 =	vld [tilespmem:s9+$0x30]  }
0x3ff: {  	v5 =	vld [tilespmem:s9+$0xFFFFFFC0]  }
0x400: {  	v6 =	vld [tilespmem:s10+$0xFFFFFFD0]  }
0x401: {  	v7 =	vld [tilespmem:s9+$0xFFFFFFD0]  }
0x402: {  	v8 =	vld [tilespmem:s10+$0xFFFFFFE0]  }
0x403: {  	v9 =	vld [tilespmem:s9+$0xFFFFFFE0]  }
0x404: {  	v18 =	vld [tilespmem:s10+$0xFFFFFFC0]  }
0x405: {  	v10 =	vld [tilespmem:s9+$0xFFFFFFF0];
	v3 =	vsub.f32 v3, v4  }
0x406: {  	v4 =	vld [tilespmem:s10+$0xFFFFFFF0]  }
0x407: {  	v11 =	vand.u32 $0x7FFFFFFF, v3;
	v3 =	vsub.f32 v6, v7  }
0x408: {  	v12 =	vld [tilespmem:s9+$0x0];
	v7 =	vsub.f32 $3.600000000e+02, v11  }
0x409: {  	v5 =	vsub.f32 v18, v5;
	v6 =	vld [tilespmem:s10+$0x0];
	v14 =	vand.u32 $0x7FFFFFFF, v3;
	v3 =	vsub.f32 v8, v9  }
0x40a: {  	v13 =	vld [tilespmem:s9+$0x10];
	v7 =	vmin.f32 v11, v7;
	v9 =	vsub.f32 $3.600000000e+02, v14;
	v16 =	vmin.f32 v14, $1.000000000e+00  }
0x40b: {  	v8 =	vld [tilespmem:s10+$0x10];
	v7 =	vmul.f32 $5.555555600e-02, v7;
	v19 =	vand.u32 $0x7FFFFFFF, v3;
	v3 =	vsub.f32 v4, v10  }
0x40c: {  	v15 =	vld [tilespmem:s9+$0x20];
	v17 =	vmul.f32 $5.000000000e-01, v16;
	v9 =	vmin.f32 v14, v9;
	v10 =	vsub.f32 $3.600000000e+02, v19  }
0x40d: {  	v4 =	vld [tilespmem:s10+$0x20];
	v21 =	vmin.f32 v19, $1.000000000e+00;
	v7 =	vtrunc.f32 v7;
	v22 =	vand.u32 $0x7FFFFFFF, v3  }
0x40e: {  	v3 =	vsub.f32 v6, v12;
	v12 =	vmin.f32 v11, $1.000000000e+00;
	v6 =	vcvt.f32.s32 v7  }
0x40f: {  	v7 =	vmul.f32 $5.555555600e-02, v9;
	v9 =	vmin.f32 v19, v10;
	v10 =	vsub.f32 $3.600000000e+02, v22  }
0x410: {  	v28 =	vmin.f32 v22, $1.000000000e+00;
	v25 =	vand.u32 $0x7FFFFFFF, v3;
	v3 =	vsub.f32 v8, v13  }
0x411: {  	v13 =	vmul.f32 $5.000000000e-01, v12;
	v9 =	vmul.f32 $5.555555600e-02, v9;
	vm0 =	vlt.s32 v6, $0x9  }
0x412: {  	v8 =	vmin.f32 v22, v10;
	v10 =	vsub.f32 $3.600000000e+02, v25;
	v4 =	vsub.f32 v4, v15  }
0x413: {  	v7 =	vtrunc.f32 v7;
	v29 =	vmin.f32 v25, $1.000000000e+00;
	v6 =	vnsel vm0, $0x9, v6  }
0x414: {  	v26 =	vand.u32 $0x7FFFFFFF, v3;
	v8 =	vmul.f32 $5.555555600e-02, v8;
	v9 =	vtrunc.f32 v9  }
0x415: {  	v15 =	vcvt.f32.s32 v7;
	v6 =	vshll.u32 v6, $0x7;
	v3 =	vand.u32 $0x7FFFFFFF, v4  }
0x416: {  	v4 =	vand.u32 $0x7FFFFFFF, v5;
	v5 =	vmul.f32 v13, v12;
	v24 =	vor.u32 v2, v6  }
0x417: {  	v6 =	vmin.f32 v25, v10;
	v10 =	vsub.f32 v11, v12;
	v11 =	vsub.f32 $3.600000000e+02, v4  }
0x418: {  	v32 =	vmul.f32 $5.000000000e-01, v29;
	v12 =	vsub.f32 $3.600000000e+02, v26;
	v13 =	vsub.f32 $3.600000000e+02, v3  }
0x419: {  	v8 =	vtrunc.f32 v8;
	v6 =	vmul.f32 $5.555555600e-02, v6;
	v27 =	vadd.f32 v5, v10  }
0x41a: {  	v5 =	vmin.f32 v4, v11;
	v11 =	vmin.f32 v3, v13;
	v13 =	vcvt.f32.s32 v9  }
0x41b: {  	v10 =	vmin.f32 v26, v12;
	v12 =	vcvt.f32.s32 v8;
	v9 =	vmul.f32 $5.000000000e-01, v21  }
0x41c: {  	v31 =	vmin.f32 v26, $1.000000000e+00;
	v5 =	vmul.f32 $5.555555600e-02, v5;
	v10 =	vmul.f32 $5.555555600e-02, v10  }
0x41d: {  	v18 =	vmin.f32 v4, $1.000000000e+00;
	v11 =	vmul.f32 $5.555555600e-02, v11;
	v20 =	vtrunc.f32 v6  }
0x41e: {  	v6 =	vsub.f32 v4, v18;
	v4 =	vmul.f32 $5.000000000e-01, v18;
	v5 =	vtrunc.f32 v5  }
0x41f: {  	vm0 =	vlt.s32 v15, $0x9;
	v23 =	vtrunc.f32 v10;
	v11 =	vtrunc.f32 v11  }
0x420: {  	vm4 =	vlt.s32 v13, $0x9;
	v10 =	vcvt.f32.s32 v20;
	v30 =	vcvt.f32.s32 v5  }
0x421: {  	vm2 =	vlt.s32 v12, $0x9;
	v8 =	vcvt.f32.s32 v23;
	v7 =	vcvt.f32.s32 v11  }
0x422: {  	v20 =	vsub.f32 v14, v16;
	v11 =	vmul.f32 $5.000000000e-01, v28;
	v23 =	vmul.f32 v4, v18  }
0x423: {  	v5 =	vmin.f32 v3, $1.000000000e+00;
	v4 =	vmul.f32 $5.000000000e-01, v31;
	v18 =	vmul.f32 v17, v16  }
0x424: {  	v17 =	vmul.f32 v9, v21;
	v21 =	vsub.f32 v19, v21;
	v19 =	vsub.f32 v22, v28  }
0x425: {  	v22 =	vsub.f32 v25, v29;
	vm3 =	vlt.s32 v10, $0x9;
	v16 =	vmul.f32 $5.000000000e-01, v5  }
0x426: {  	vm6 =	vlt.s32 v30, $0x9;
	vm5 =	vlt.s32 v8, $0x9;
	v14 =	vmul.f32 v11, v28  }
0x427: {  	[tilespmem:v24+s3+$0x0] =	vst.idx.add.f32.msk $0xffff, v1;
	vm1 =	vlt.s32 v7, $0x9;
	v11 =	vmul.f32 v32, v29;
	v9 =	vmul.f32 v4, v31  }
0x428: {  	s11 =	simm.s32 $0xC0;
	s10 =	simm.s32 $0x0;
	[tilespmem:v24+s4+$0x0] =	vst.idx.add.f32.msk $0xffff, v27;
	v4 =	vmul.f32 v16, v5;
	v24 =	vnsel vm6, $0x9, v30;
	v16 =	vsub.f32 v26, v31  }
.LBB2_18:
0x429: {  	v25 =	vld [tilespmem:s11+$0x30];
	v15 =	vnsel vm0, $0x9, v15;
	v13 =	vnsel vm4, $0x9, v13;
	v3 =	vsub.f32 v3, v5;
	s9 =	sadd.s32 $0x80, s9  }
0x42a: {  	v12 =	vnsel vm2, $0x9, v12;
	v10 =	vnsel vm3, $0x9, v10;
	v8 =	vnsel vm5, $0x9, v8;
	v5 =	vld [tilespmem:s9+$0x30]  }
0x42b: {  	s10 =	sadd.s32 $0x80, s10;
	v24 =	vshll.u32 v24, $0x7;
	v7 =	vnsel vm1, $0x9, v7;
	v15 =	vshll.u32 v15, $0x7;
	v26 =	vld [tilespmem:s9+$0xFFFFFFC0]  }
0x42c: {  	p1 =	slt.u32 s10, $0x3900;
	v13 =	vshll.u32 v13, $0x7;
	v12 =	vshll.u32 v12, $0x7;
	v10 =	vshll.u32 v10, $0x7;
	v27 =	vld [tilespmem:s11+$0xFFFFFFD0]  }
0x42d: {  	v6 =	vadd.f32 v23, v6;
	v8 =	vshll.u32 v8, $0x7;
	v7 =	vshll.u32 v7, $0x7;
	v28 =	vld [tilespmem:s9+$0xFFFFFFD0]  }
0x42e: {  	v18 =	vadd.f32 v18, v20;
	v17 =	vadd.f32 v17, v21;
	v24 =	vor.u32 v2, v24;
	v23 =	vld [tilespmem:s11+$0xFFFFFFE0]  }
0x42f: {  	v14 =	vadd.f32 v14, v19;
	v15 =	vor.u32 v2, v15;
	v20 =	vld [tilespmem:s9+$0xFFFFFFE0];
	v5 =	vsub.f32 v25, v5  }
0x430: {  	v11 =	vadd.f32 v11, v22;
	v9 =	vadd.f32 v9, v16;
	v13 =	vor.u32 v2, v13;
	v19 =	vld [tilespmem:s11+$0xFFFFFFF0]  }
0x431: {  	v12 =	vor.u32 v2, v12;
	v21 =	vadd.f32 v4, v3;
	v16 =	vld [tilespmem:s9+$0xFFFFFFF0];
	v5 =	vand.u32 $0x7FFFFFFF, v5  }
0x432: {  	v10 =	vor.u32 v2, v10;
	v3 =	vsub.f32 v27, v28;
	v22 =	vld [tilespmem:s11+$0x0];
	v25 =	vsub.f32 $3.600000000e+02, v5  }
0x433: {  	v8 =	vor.u32 v2, v8;
	v7 =	vor.u32 v2, v7;
	v27 =	vld [tilespmem:s9+$0x0]  }
0x434: {  	v4 =	vand.u32 $0x7FFFFFFF, v3;
	v3 =	vsub.f32 v23, v20;
	v20 =	vld [tilespmem:s11+$0x10];
	v23 =	vmin.f32 v5, v25  }
0x435: {  	v25 =	vsub.f32 $3.600000000e+02, v4;
	v28 =	vmin.f32 v4, $1.000000000e+00;
	v29 =	vld [tilespmem:s9+$0x10];
	v23 =	vmul.f32 $5.555555600e-02, v23  }
0x436: {  	v30 =	vmul.f32 $5.000000000e-01, v28;
	v31 =	vand.u32 $0x7FFFFFFF, v3;
	v3 =	vsub.f32 v19, v16;
	v16 =	vld [tilespmem:s11+$0x20]  }
0x437: {  	v19 =	vmin.f32 v4, v25;
	v25 =	vsub.f32 $3.600000000e+02, v31;
	v32 =	vld [tilespmem:s9+$0x20];
	v23 =	vtrunc.f32 v23  }
0x438: {  	v33 =	vld [tilespmem:s11+$0xFFFFFFC0];
	v34 =	vand.u32 $0x7FFFFFFF, v3;
	v3 =	vsub.f32 v22, v27;
	v22 =	vcvt.f32.s32 v23  }
0x439: {  	v19 =	vmul.f32 $5.555555600e-02, v19;
	v23 =	vmin.f32 v31, v25;
	v25 =	vsub.f32 $3.600000000e+02, v34;
	[tilespmem:v24+s3+$0x0] =	vst.idx.add.f32.msk $0xffff, v1  }
0x43a: {  	v27 =	vand.u32 $0x7FFFFFFF, v3;
	v3 =	vsub.f32 v20, v29;
	vm0 =	vlt.s32 v22, $0x9;
	[tilespmem:v24+s4+$0x0] =	vst.idx.add.f32.msk $0xffff, v6  }
0x43b: {  	v6 =	vmin.f32 v34, v25;
	v20 =	vsub.f32 $3.600000000e+02, v27;
	v22 =	vnsel vm0, $0x9, v22;
	[tilespmem:v15+s3+$0x0] =	vst.idx.add.f32.msk $0xffff, v1  }
0x43c: {  	v24 =	vmin.f32 v5, $1.000000000e+00;
	v16 =	vsub.f32 v16, v32;
	v22 =	vshll.u32 v22, $0x7;
	[tilespmem:v15+s4+$0x0] =	vst.idx.add.f32.msk $0xffff, v18  }
0x43d: {  	v18 =	vmul.f32 $5.000000000e-01, v24;
	v15 =	vsub.f32 v33, v26;
	v22 =	vor.u32 v2, v22;
	[tilespmem:v13+s3+$0x0] =	vst.idx.add.f32.msk $0xffff, v1  }
0x43e: {  	v25 =	vand.u32 $0x7FFFFFFF, v3;
	v20 =	vmin.f32 v27, v20;
	v3 =	vand.u32 $0x7FFFFFFF, v16;
	[tilespmem:v13+s4+$0x0] =	vst.idx.add.f32.msk $0xffff, v17  }
0x43f: {  	v5 =	vsub.f32 v5, v24;
	v13 =	vand.u32 $0x7FFFFFFF, v15;
	v15 =	vmul.f32 v18, v24;
	[tilespmem:v12+s3+$0x0] =	vst.idx.add.f32.msk $0xffff, v1  }
0x440: {  	v17 =	vmul.f32 $5.555555600e-02, v23;
	v18 =	vsub.f32 $3.600000000e+02, v25;
	v16 =	vsub.f32 $3.600000000e+02, v13;
	[tilespmem:v12+s4+$0x0] =	vst.idx.add.f32.msk $0xffff, v14  }
0x441: {  	v6 =	vmul.f32 $5.555555600e-02, v6;
	v12 =	vsub.f32 $3.600000000e+02, v3;
	v5 =	vadd.f32 v15, v5;
	[tilespmem:v10+s3+$0x0] =	vst.idx.add.f32.msk $0xffff, v1  }
0x442: {  	v15 =	vmul.f32 $5.555555600e-02, v20;
	v14 =	vmin.f32 v13, v16;
	v16 =	vmin.f32 v25, v18;
	[tilespmem:v22+s3+$0x0] =	vst.idx.add.f32.msk $0xffff, v1  }
0x443: {  	v12 =	vmin.f32 v3, v12;
	v14 =	vmul.f32 $5.555555600e-02, v14;
	v16 =	vmul.f32 $5.555555600e-02, v16;
	[tilespmem:v22+s4+$0x0] =	vst.idx.add.f32.msk $0xffff, v5  }
0x444: {  	v19 =	vtrunc.f32 v19;
	v18 =	vmin.f32 v13, $1.000000000e+00;
	v5 =	vmul.f32 $5.555555600e-02, v12;
	[tilespmem:v10+s4+$0x0] =	vst.idx.add.f32.msk $0xffff, v11  }
0x445: {  	v11 =	vtrunc.f32 v17;
	v10 =	vtrunc.f32 v14;
	v14 =	vmin.f32 v31, $1.000000000e+00;
	[tilespmem:v8+s3+$0x0] =	vst.idx.add.f32.msk $0xffff, v1  }
0x446: {  	v12 =	vtrunc.f32 v6;
	v22 =	vmin.f32 v34, $1.000000000e+00;
	v17 =	vtrunc.f32 v15;
	[tilespmem:v8+s4+$0x0] =	vst.idx.add.f32.msk $0xffff, v9  }
0x447: {  	v26 =	vmin.f32 v27, $1.000000000e+00;
	v8 =	vtrunc.f32 v16;
	v9 =	vtrunc.f32 v5;
	[tilespmem:v7+s3+$0x0] =	vst.idx.add.f32.msk $0xffff, v1  }
0x448: {  	v29 =	vmin.f32 v25, $1.000000000e+00;
	v16 =	vcvt.f32.s32 v10;
	v5 =	vmin.f32 v3, $1.000000000e+00;
	[tilespmem:v7+s4+$0x0] =	vst.idx.add.f32.msk $0xffff, v21  }
0x449: {  	v6 =	vsub.f32 v13, v18;
	v15 =	vcvt.f32.s32 v19;
	v13 =	vcvt.f32.s32 v11  }
0x44a: {  	v12 =	vcvt.f32.s32 v12;
	v10 =	vcvt.f32.s32 v17;
	vm6 =	vlt.s32 v16, $0x9  }
0x44b: {  	vm0 =	vlt.s32 v15, $0x9;
	v8 =	vcvt.f32.s32 v8;
	v7 =	vcvt.f32.s32 v9  }
0x44c: {  	v11 =	vmul.f32 $5.000000000e-01, v14;
	vm4 =	vlt.s32 v13, $0x9;
	v9 =	vmul.f32 $5.000000000e-01, v18  }
0x44d: {  	v24 =	vmul.f32 $5.000000000e-01, v26;
	v19 =	vmul.f32 $5.000000000e-01, v22;
	vm2 =	vlt.s32 v12, $0x9  }
0x44e: {  	v32 =	vmul.f32 $5.000000000e-01, v29;
	v33 =	vmul.f32 $5.000000000e-01, v5;
	vm3 =	vlt.s32 v10, $0x9  }
.Ltmp10:
0x44f: {  	vm5 =	vlt.s32 v8, $0x9;
	v23 =	vmul.f32 v9, v18;
	vm1 =	vlt.s32 v7, $0x9;
	(pc) =	sbr.rel @p1 .LBB2_18-.Ltmp10, $4  }
0x450: {  	v20 =	vsub.f32 v4, v28;
	v17 =	vmul.f32 v11, v14;
	v18 =	vmul.f32 v30, v28  }
0x451: {  	v21 =	vsub.f32 v31, v14;
	v14 =	vmul.f32 v19, v22;
	v11 =	vmul.f32 v24, v26  }
0x452: {  	v19 =	vsub.f32 v34, v22;
	v4 =	vmul.f32 v33, v5;
	v9 =	vmul.f32 v32, v29  }
0x453: {  	s11 =	sadd.s32 $0x80, s11;
	v22 =	vsub.f32 v27, v26;
	v24 =	vnsel vm6, $0x9, v16;
	v16 =	vsub.f32 v25, v29  }
0x454: {  	v24 =	vshll.u32 v24, $0x7  }
0x455: {  	v15 =	vnsel vm0, $0x9, v15;
	v24 =	vor.u32 v2, v24  }
0x456: {  	v13 =	vnsel vm4, $0x9, v13;
	v12 =	vnsel vm2, $0x9, v12;
	v15 =	vshll.u32 v15, $0x7  }
0x457: {  	v6 =	vadd.f32 v23, v6;
	v13 =	vshll.u32 v13, $0x7;
	v15 =	vor.u32 v2, v15  }
0x458: {  	v8 =	vnsel vm5, $0x9, v8;
	v12 =	vshll.u32 v12, $0x7;
	v13 =	vor.u32 v2, v13  }
0x459: {  	v7 =	vnsel vm1, $0x9, v7;
	v8 =	vshll.u32 v8, $0x7;
	v12 =	vor.u32 v2, v12  }
0x45a: {  	v7 =	vshll.u32 v7, $0x7;
	v8 =	vor.u32 v2, v8;
	[tilespmem:v24+s3+$0x0] =	vst.idx.add.f32.msk $0xffff, v1  }
0x45b: {  	v7 =	vor.u32 v2, v7;
	[tilespmem:v24+s4+$0x0] =	vst.idx.add.f32.msk $0xffff, v6  }
0x45c: {  	[tilespmem:v15+s3+$0x0] =	vst.idx.add.f32.msk $0xffff, v1  }
0x45d: {  	[tilespmem:v13+s3+$0x0] =	vst.idx.add.f32.msk $0xffff, v1  }
0x45e: {  	[tilespmem:v12+s3+$0x0] =	vst.idx.add.f32.msk $0xffff, v1  }
0x45f: {  	v10 =	vnsel vm3, $0x9, v10;
	v18 =	vadd.f32 v18, v20;
	[tilespmem:v8+s3+$0x0] =	vst.idx.add.f32.msk $0xffff, v1  }
0x460: {  	v14 =	vadd.f32 v14, v19;
	v3 =	vsub.f32 v3, v5;
	v6 =	vshll.u32 v10, $0x7;
	[tilespmem:v7+s3+$0x0] =	vst.idx.add.f32.msk $0xffff, v1  }
0x461: {  	v5 =	vadd.f32 v9, v16;
	v6 =	vor.u32 v2, v6;
	[tilespmem:v15+s4+$0x0] =	vst.idx.add.f32.msk $0xffff, v18  }
0x462: {  	v3 =	vadd.f32 v4, v3;
	[tilespmem:v12+s4+$0x0] =	vst.idx.add.f32.msk $0xffff, v14  }
0x463: {  	v10 =	vadd.f32 v17, v21;
	[tilespmem:v8+s4+$0x0] =	vst.idx.add.f32.msk $0xffff, v5  }
0x464: {  	[tilespmem:v7+s4+$0x0] =	vst.idx.add.f32.msk $0xffff, v3  }
0x465: {  	[tilespmem:v13+s4+$0x0] =	vst.idx.add.f32.msk $0xffff, v10;
	v10 =	vadd.f32 v11, v22  }
0x466: {  	[tilespmem:v6+s3+$0x0] =	vst.idx.add.f32.msk $0xffff, v1  }
0x467: {  	[tilespmem:v6+s4+$0x0] =	vst.idx.add.f32.msk $0xffff, v10  }
0x468: {  	[tilespmem:s2], [sflag:$0x1] =	stream.linear.gather [hbm4b:s23+s2], $0x3980, $0x38;
	[tilespmem:$0xF600] =	vst v63  }
0x469: {  	_ = 	snop  }
0x46a: {  	[tilespmem:s31], [sflag:$0x3] =	stream.linear.gather [hbm4b:s24+s2], $0x3980, $0x38;
	[tilespmem:$0xF600] =	vst v63  }
0x46b: {  	_ =	swait.ge [sflag:s5], $0x3980  }
0x46c: {  	[sflag:s5] =	ssyncset.done $0x0  }
0x46d: {  	[sflag:s5] =	ssyncadd.s32 $0xFFFFC680  }
0x46e: {  	_ =	swait.ge [sflag:s6], $0x3980  }
0x46f: {  	[sflag:s6] =	ssyncset.done $0x0  }
0x470: {  	s10 =	simm.s32 $0x39C0;
	[sflag:s6] =	ssyncadd.s32 $0xFFFFC680  }
0x471: {  	s9 =	simm.s32 $0xACC0;
	v3 =	vld [tilespmem:s10+$0x30]  }
0x472: {  	v4 =	vld [tilespmem:s9+$0x30]  }
0x473: {  	v5 =	vld [tilespmem:s9+$0xFFFFFFC0]  }
0x474: {  	v6 =	vld [tilespmem:s10+$0xFFFFFFD0]  }
0x475: {  	v7 =	vld [tilespmem:s9+$0xFFFFFFD0]  }
0x476: {  	v8 =	vld [tilespmem:s10+$0xFFFFFFE0]  }
0x477: {  	v9 =	vld [tilespmem:s9+$0xFFFFFFE0]  }
0x478: {  	v18 =	vld [tilespmem:s10+$0xFFFFFFC0]  }
0x479: {  	v10 =	vld [tilespmem:s9+$0xFFFFFFF0];
	v3 =	vsub.f32 v3, v4  }
0x47a: {  	v4 =	vld [tilespmem:s10+$0xFFFFFFF0]  }
0x47b: {  	v11 =	vand.u32 $0x7FFFFFFF, v3;
	v3 =	vsub.f32 v6, v7  }
0x47c: {  	v12 =	vld [tilespmem:s9+$0x0];
	v7 =	vsub.f32 $3.600000000e+02, v11  }
0x47d: {  	v5 =	vsub.f32 v18, v5;
	v6 =	vld [tilespmem:s10+$0x0];
	v14 =	vand.u32 $0x7FFFFFFF, v3;
	v3 =	vsub.f32 v8, v9  }
0x47e: {  	v13 =	vld [tilespmem:s9+$0x10];
	v7 =	vmin.f32 v11, v7;
	v9 =	vsub.f32 $3.600000000e+02, v14;
	v16 =	vmin.f32 v14, $1.000000000e+00  }
0x47f: {  	v8 =	vld [tilespmem:s10+$0x10];
	v7 =	vmul.f32 $5.555555600e-02, v7;
	v19 =	vand.u32 $0x7FFFFFFF, v3;
	v3 =	vsub.f32 v4, v10  }
0x480: {  	v15 =	vld [tilespmem:s9+$0x20];
	v17 =	vmul.f32 $5.000000000e-01, v16;
	v9 =	vmin.f32 v14, v9;
	v10 =	vsub.f32 $3.600000000e+02, v19  }
0x481: {  	v4 =	vld [tilespmem:s10+$0x20];
	v21 =	vmin.f32 v19, $1.000000000e+00;
	v7 =	vtrunc.f32 v7;
	v22 =	vand.u32 $0x7FFFFFFF, v3  }
0x482: {  	v3 =	vsub.f32 v6, v12;
	v12 =	vmin.f32 v11, $1.000000000e+00;
	v6 =	vcvt.f32.s32 v7  }
0x483: {  	v7 =	vmul.f32 $5.555555600e-02, v9;
	v9 =	vmin.f32 v19, v10;
	v10 =	vsub.f32 $3.600000000e+02, v22  }
0x484: {  	v28 =	vmin.f32 v22, $1.000000000e+00;
	v25 =	vand.u32 $0x7FFFFFFF, v3;
	v3 =	vsub.f32 v8, v13  }
0x485: {  	v13 =	vmul.f32 $5.000000000e-01, v12;
	v9 =	vmul.f32 $5.555555600e-02, v9;
	vm0 =	vlt.s32 v6, $0x9  }
0x486: {  	v8 =	vmin.f32 v22, v10;
	v10 =	vsub.f32 $3.600000000e+02, v25;
	v4 =	vsub.f32 v4, v15  }
0x487: {  	v7 =	vtrunc.f32 v7;
	v29 =	vmin.f32 v25, $1.000000000e+00;
	v6 =	vnsel vm0, $0x9, v6  }
0x488: {  	v26 =	vand.u32 $0x7FFFFFFF, v3;
	v8 =	vmul.f32 $5.555555600e-02, v8;
	v9 =	vtrunc.f32 v9  }
0x489: {  	v15 =	vcvt.f32.s32 v7;
	v6 =	vshll.u32 v6, $0x7;
	v3 =	vand.u32 $0x7FFFFFFF, v4  }
0x48a: {  	v4 =	vand.u32 $0x7FFFFFFF, v5;
	v5 =	vmul.f32 v13, v12;
	v24 =	vor.u32 v2, v6  }
0x48b: {  	v6 =	vmin.f32 v25, v10;
	v10 =	vsub.f32 v11, v12;
	v11 =	vsub.f32 $3.600000000e+02, v4  }
0x48c: {  	v32 =	vmul.f32 $5.000000000e-01, v29;
	v12 =	vsub.f32 $3.600000000e+02, v26;
	v13 =	vsub.f32 $3.600000000e+02, v3  }
0x48d: {  	v8 =	vtrunc.f32 v8;
	v6 =	vmul.f32 $5.555555600e-02, v6;
	v27 =	vadd.f32 v5, v10  }
0x48e: {  	v5 =	vmin.f32 v4, v11;
	v11 =	vmin.f32 v3, v13;
	v13 =	vcvt.f32.s32 v9  }
0x48f: {  	v10 =	vmin.f32 v26, v12;
	v12 =	vcvt.f32.s32 v8;
	v9 =	vmul.f32 $5.000000000e-01, v21  }
0x490: {  	v31 =	vmin.f32 v26, $1.000000000e+00;
	v5 =	vmul.f32 $5.555555600e-02, v5;
	v10 =	vmul.f32 $5.555555600e-02, v10  }
0x491: {  	v18 =	vmin.f32 v4, $1.000000000e+00;
	v11 =	vmul.f32 $5.555555600e-02, v11;
	v20 =	vtrunc.f32 v6  }
0x492: {  	v6 =	vsub.f32 v4, v18;
	v4 =	vmul.f32 $5.000000000e-01, v18;
	v5 =	vtrunc.f32 v5  }
0x493: {  	vm0 =	vlt.s32 v15, $0x9;
	v23 =	vtrunc.f32 v10;
	v11 =	vtrunc.f32 v11  }
0x494: {  	vm4 =	vlt.s32 v13, $0x9;
	v10 =	vcvt.f32.s32 v20;
	v30 =	vcvt.f32.s32 v5  }
0x495: {  	vm2 =	vlt.s32 v12, $0x9;
	v8 =	vcvt.f32.s32 v23;
	v7 =	vcvt.f32.s32 v11  }
0x496: {  	v20 =	vsub.f32 v14, v16;
	v11 =	vmul.f32 $5.000000000e-01, v28;
	v23 =	vmul.f32 v4, v18  }
0x497: {  	v5 =	vmin.f32 v3, $1.000000000e+00;
	v4 =	vmul.f32 $5.000000000e-01, v31;
	v18 =	vmul.f32 v17, v16  }
0x498: {  	v17 =	vmul.f32 v9, v21;
	v21 =	vsub.f32 v19, v21;
	v19 =	vsub.f32 v22, v28  }
0x499: {  	v22 =	vsub.f32 v25, v29;
	vm3 =	vlt.s32 v10, $0x9;
	v16 =	vmul.f32 $5.000000000e-01, v5  }
0x49a: {  	vm6 =	vlt.s32 v30, $0x9;
	vm5 =	vlt.s32 v8, $0x9;
	v14 =	vmul.f32 v11, v28  }
0x49b: {  	[tilespmem:v24+s3+$0x0] =	vst.idx.add.f32.msk $0xffff, v1;
	vm1 =	vlt.s32 v7, $0x9;
	v11 =	vmul.f32 v32, v29;
	v9 =	vmul.f32 v4, v31  }
0x49c: {  	s11 =	simm.s32 $0x3A40;
	s10 =	simm.s32 $0x0;
	[tilespmem:v24+s4+$0x0] =	vst.idx.add.f32.msk $0xffff, v27;
	v4 =	vmul.f32 v16, v5;
	v24 =	vnsel vm6, $0x9, v30;
	v16 =	vsub.f32 v26, v31  }
.LBB2_20:
0x49d: {  	v25 =	vld [tilespmem:s11+$0x30];
	v15 =	vnsel vm0, $0x9, v15;
	v13 =	vnsel vm4, $0x9, v13;
	v3 =	vsub.f32 v3, v5;
	s9 =	sadd.s32 $0x80, s9  }
0x49e: {  	v12 =	vnsel vm2, $0x9, v12;
	v10 =	vnsel vm3, $0x9, v10;
	v8 =	vnsel vm5, $0x9, v8;
	v5 =	vld [tilespmem:s9+$0x30]  }
0x49f: {  	s10 =	sadd.s32 $0x80, s10;
	v24 =	vshll.u32 v24, $0x7;
	v7 =	vnsel vm1, $0x9, v7;
	v15 =	vshll.u32 v15, $0x7;
	v26 =	vld [tilespmem:s9+$0xFFFFFFC0]  }
0x4a0: {  	p1 =	slt.u32 s10, $0x3900;
	v13 =	vshll.u32 v13, $0x7;
	v12 =	vshll.u32 v12, $0x7;
	v10 =	vshll.u32 v10, $0x7;
	v27 =	vld [tilespmem:s11+$0xFFFFFFD0]  }
0x4a1: {  	v6 =	vadd.f32 v23, v6;
	v8 =	vshll.u32 v8, $0x7;
	v7 =	vshll.u32 v7, $0x7;
	v28 =	vld [tilespmem:s9+$0xFFFFFFD0]  }
0x4a2: {  	v18 =	vadd.f32 v18, v20;
	v17 =	vadd.f32 v17, v21;
	v24 =	vor.u32 v2, v24;
	v23 =	vld [tilespmem:s11+$0xFFFFFFE0]  }
0x4a3: {  	v14 =	vadd.f32 v14, v19;
	v15 =	vor.u32 v2, v15;
	v20 =	vld [tilespmem:s9+$0xFFFFFFE0];
	v5 =	vsub.f32 v25, v5  }
0x4a4: {  	v11 =	vadd.f32 v11, v22;
	v9 =	vadd.f32 v9, v16;
	v13 =	vor.u32 v2, v13;
	v19 =	vld [tilespmem:s11+$0xFFFFFFF0]  }
0x4a5: {  	v12 =	vor.u32 v2, v12;
	v21 =	vadd.f32 v4, v3;
	v16 =	vld [tilespmem:s9+$0xFFFFFFF0];
	v5 =	vand.u32 $0x7FFFFFFF, v5  }
0x4a6: {  	v10 =	vor.u32 v2, v10;
	v3 =	vsub.f32 v27, v28;
	v22 =	vld [tilespmem:s11+$0x0];
	v25 =	vsub.f32 $3.600000000e+02, v5  }
0x4a7: {  	v8 =	vor.u32 v2, v8;
	v7 =	vor.u32 v2, v7;
	v27 =	vld [tilespmem:s9+$0x0]  }
0x4a8: {  	v4 =	vand.u32 $0x7FFFFFFF, v3;
	v3 =	vsub.f32 v23, v20;
	v20 =	vld [tilespmem:s11+$0x10];
	v23 =	vmin.f32 v5, v25  }
0x4a9: {  	v25 =	vsub.f32 $3.600000000e+02, v4;
	v28 =	vmin.f32 v4, $1.000000000e+00;
	v29 =	vld [tilespmem:s9+$0x10];
	v23 =	vmul.f32 $5.555555600e-02, v23  }
0x4aa: {  	v30 =	vmul.f32 $5.000000000e-01, v28;
	v31 =	vand.u32 $0x7FFFFFFF, v3;
	v3 =	vsub.f32 v19, v16;
	v16 =	vld [tilespmem:s11+$0x20]  }
0x4ab: {  	v19 =	vmin.f32 v4, v25;
	v25 =	vsub.f32 $3.600000000e+02, v31;
	v32 =	vld [tilespmem:s9+$0x20];
	v23 =	vtrunc.f32 v23  }
0x4ac: {  	v33 =	vld [tilespmem:s11+$0xFFFFFFC0];
	v34 =	vand.u32 $0x7FFFFFFF, v3;
	v3 =	vsub.f32 v22, v27;
	v22 =	vcvt.f32.s32 v23  }
0x4ad: {  	v19 =	vmul.f32 $5.555555600e-02, v19;
	v23 =	vmin.f32 v31, v25;
	v25 =	vsub.f32 $3.600000000e+02, v34;
	[tilespmem:v24+s3+$0x0] =	vst.idx.add.f32.msk $0xffff, v1  }
0x4ae: {  	v27 =	vand.u32 $0x7FFFFFFF, v3;
	v3 =	vsub.f32 v20, v29;
	vm0 =	vlt.s32 v22, $0x9;
	[tilespmem:v24+s4+$0x0] =	vst.idx.add.f32.msk $0xffff, v6  }
0x4af: {  	v6 =	vmin.f32 v34, v25;
	v20 =	vsub.f32 $3.600000000e+02, v27;
	v22 =	vnsel vm0, $0x9, v22;
	[tilespmem:v15+s3+$0x0] =	vst.idx.add.f32.msk $0xffff, v1  }
0x4b0: {  	v24 =	vmin.f32 v5, $1.000000000e+00;
	v16 =	vsub.f32 v16, v32;
	v22 =	vshll.u32 v22, $0x7;
	[tilespmem:v15+s4+$0x0] =	vst.idx.add.f32.msk $0xffff, v18  }
0x4b1: {  	v18 =	vmul.f32 $5.000000000e-01, v24;
	v15 =	vsub.f32 v33, v26;
	v22 =	vor.u32 v2, v22;
	[tilespmem:v13+s3+$0x0] =	vst.idx.add.f32.msk $0xffff, v1  }
0x4b2: {  	v25 =	vand.u32 $0x7FFFFFFF, v3;
	v20 =	vmin.f32 v27, v20;
	v3 =	vand.u32 $0x7FFFFFFF, v16;
	[tilespmem:v13+s4+$0x0] =	vst.idx.add.f32.msk $0xffff, v17  }
0x4b3: {  	v5 =	vsub.f32 v5, v24;
	v13 =	vand.u32 $0x7FFFFFFF, v15;
	v15 =	vmul.f32 v18, v24;
	[tilespmem:v12+s3+$0x0] =	vst.idx.add.f32.msk $0xffff, v1  }
0x4b4: {  	v17 =	vmul.f32 $5.555555600e-02, v23;
	v18 =	vsub.f32 $3.600000000e+02, v25;
	v16 =	vsub.f32 $3.600000000e+02, v13;
	[tilespmem:v12+s4+$0x0] =	vst.idx.add.f32.msk $0xffff, v14  }
0x4b5: {  	v6 =	vmul.f32 $5.555555600e-02, v6;
	v12 =	vsub.f32 $3.600000000e+02, v3;
	v5 =	vadd.f32 v15, v5;
	[tilespmem:v10+s3+$0x0] =	vst.idx.add.f32.msk $0xffff, v1  }
0x4b6: {  	v15 =	vmul.f32 $5.555555600e-02, v20;
	v14 =	vmin.f32 v13, v16;
	v16 =	vmin.f32 v25, v18;
	[tilespmem:v22+s3+$0x0] =	vst.idx.add.f32.msk $0xffff, v1  }
0x4b7: {  	v12 =	vmin.f32 v3, v12;
	v14 =	vmul.f32 $5.555555600e-02, v14;
	v16 =	vmul.f32 $5.555555600e-02, v16;
	[tilespmem:v22+s4+$0x0] =	vst.idx.add.f32.msk $0xffff, v5  }
0x4b8: {  	v19 =	vtrunc.f32 v19;
	v18 =	vmin.f32 v13, $1.000000000e+00;
	v5 =	vmul.f32 $5.555555600e-02, v12;
	[tilespmem:v10+s4+$0x0] =	vst.idx.add.f32.msk $0xffff, v11  }
0x4b9: {  	v11 =	vtrunc.f32 v17;
	v10 =	vtrunc.f32 v14;
	v14 =	vmin.f32 v31, $1.000000000e+00;
	[tilespmem:v8+s3+$0x0] =	vst.idx.add.f32.msk $0xffff, v1  }
0x4ba: {  	v12 =	vtrunc.f32 v6;
	v22 =	vmin.f32 v34, $1.000000000e+00;
	v17 =	vtrunc.f32 v15;
	[tilespmem:v8+s4+$0x0] =	vst.idx.add.f32.msk $0xffff, v9  }
0x4bb: {  	v26 =	vmin.f32 v27, $1.000000000e+00;
	v8 =	vtrunc.f32 v16;
	v9 =	vtrunc.f32 v5;
	[tilespmem:v7+s3+$0x0] =	vst.idx.add.f32.msk $0xffff, v1  }
0x4bc: {  	v29 =	vmin.f32 v25, $1.000000000e+00;
	v16 =	vcvt.f32.s32 v10;
	v5 =	vmin.f32 v3, $1.000000000e+00;
	[tilespmem:v7+s4+$0x0] =	vst.idx.add.f32.msk $0xffff, v21  }
0x4bd: {  	v6 =	vsub.f32 v13, v18;
	v15 =	vcvt.f32.s32 v19;
	v13 =	vcvt.f32.s32 v11  }
0x4be: {  	v12 =	vcvt.f32.s32 v12;
	v10 =	vcvt.f32.s32 v17;
	vm6 =	vlt.s32 v16, $0x9  }
0x4bf: {  	vm0 =	vlt.s32 v15, $0x9;
	v8 =	vcvt.f32.s32 v8;
	v7 =	vcvt.f32.s32 v9  }
0x4c0: {  	v11 =	vmul.f32 $5.000000000e-01, v14;
	vm4 =	vlt.s32 v13, $0x9;
	v9 =	vmul.f32 $5.000000000e-01, v18  }
0x4c1: {  	v24 =	vmul.f32 $5.000000000e-01, v26;
	v19 =	vmul.f32 $5.000000000e-01, v22;
	vm2 =	vlt.s32 v12, $0x9  }
0x4c2: {  	v32 =	vmul.f32 $5.000000000e-01, v29;
	v33 =	vmul.f32 $5.000000000e-01, v5;
	vm3 =	vlt.s32 v10, $0x9  }
.Ltmp11:
0x4c3: {  	vm5 =	vlt.s32 v8, $0x9;
	v23 =	vmul.f32 v9, v18;
	vm1 =	vlt.s32 v7, $0x9;
	(pc) =	sbr.rel @p1 .LBB2_20-.Ltmp11, $4  }
0x4c4: {  	v20 =	vsub.f32 v4, v28;
	v17 =	vmul.f32 v11, v14;
	v18 =	vmul.f32 v30, v28  }
0x4c5: {  	v21 =	vsub.f32 v31, v14;
	v14 =	vmul.f32 v19, v22;
	v11 =	vmul.f32 v24, v26  }
0x4c6: {  	v19 =	vsub.f32 v34, v22;
	v4 =	vmul.f32 v33, v5;
	v9 =	vmul.f32 v32, v29  }
0x4c7: {  	s11 =	sadd.s32 $0x80, s11;
	v22 =	vsub.f32 v27, v26;
	v24 =	vnsel vm6, $0x9, v16;
	v16 =	vsub.f32 v25, v29  }
0x4c8: {  	v24 =	vshll.u32 v24, $0x7  }
0x4c9: {  	v15 =	vnsel vm0, $0x9, v15;
	v24 =	vor.u32 v2, v24  }
0x4ca: {  	v13 =	vnsel vm4, $0x9, v13;
	v12 =	vnsel vm2, $0x9, v12;
	v15 =	vshll.u32 v15, $0x7  }
0x4cb: {  	v6 =	vadd.f32 v23, v6;
	v13 =	vshll.u32 v13, $0x7;
	v15 =	vor.u32 v2, v15  }
0x4cc: {  	v8 =	vnsel vm5, $0x9, v8;
	v12 =	vshll.u32 v12, $0x7;
	v13 =	vor.u32 v2, v13  }
0x4cd: {  	v7 =	vnsel vm1, $0x9, v7;
	v8 =	vshll.u32 v8, $0x7;
	v12 =	vor.u32 v2, v12  }
0x4ce: {  	v7 =	vshll.u32 v7, $0x7;
	v8 =	vor.u32 v2, v8;
	[tilespmem:v24+s3+$0x0] =	vst.idx.add.f32.msk $0xffff, v1  }
0x4cf: {  	v7 =	vor.u32 v2, v7;
	[tilespmem:v24+s4+$0x0] =	vst.idx.add.f32.msk $0xffff, v6  }
0x4d0: {  	[tilespmem:v15+s3+$0x0] =	vst.idx.add.f32.msk $0xffff, v1  }
0x4d1: {  	[tilespmem:v13+s3+$0x0] =	vst.idx.add.f32.msk $0xffff, v1  }
0x4d2: {  	[tilespmem:v12+s3+$0x0] =	vst.idx.add.f32.msk $0xffff, v1  }
0x4d3: {  	v10 =	vnsel vm3, $0x9, v10;
	v18 =	vadd.f32 v18, v20;
	[tilespmem:v8+s3+$0x0] =	vst.idx.add.f32.msk $0xffff, v1  }
0x4d4: {  	v14 =	vadd.f32 v14, v19;
	v3 =	vsub.f32 v3, v5;
	v6 =	vshll.u32 v10, $0x7;
	[tilespmem:v7+s3+$0x0] =	vst.idx.add.f32.msk $0xffff, v1  }
0x4d5: {  	v5 =	vadd.f32 v9, v16;
	v6 =	vor.u32 v2, v6;
	[tilespmem:v15+s4+$0x0] =	vst.idx.add.f32.msk $0xffff, v18  }
0x4d6: {  	v3 =	vadd.f32 v4, v3;
	[tilespmem:v12+s4+$0x0] =	vst.idx.add.f32.msk $0xffff, v14  }
0x4d7: {  	v10 =	vadd.f32 v17, v21;
	[tilespmem:v8+s4+$0x0] =	vst.idx.add.f32.msk $0xffff, v5  }
0x4d8: {  	[tilespmem:v7+s4+$0x0] =	vst.idx.add.f32.msk $0xffff, v3  }
0x4d9: {  	[tilespmem:v13+s4+$0x0] =	vst.idx.add.f32.msk $0xffff, v10;
	v10 =	vadd.f32 v11, v22  }
0x4da: {  	[tilespmem:v6+s3+$0x0] =	vst.idx.add.f32.msk $0xffff, v1  }
0x4db: {  	[tilespmem:v6+s4+$0x0] =	vst.idx.add.f32.msk $0xffff, v10  }
0x4dc: {  	_ =	swait.ge [sflag:s25], $0x3980  }
0x4dd: {  	[sflag:s25] =	ssyncset.done $0x0  }
0x4de: {  	[sflag:s25] =	ssyncadd.s32 $0xFFFFC680  }
0x4df: {  	_ =	swait.ge [sflag:s26], $0x3980  }
0x4e0: {  	[sflag:s26] =	ssyncset.done $0x0  }
0x4e1: {  	s10 =	simm.s32 $0x40;
	[sflag:s26] =	ssyncadd.s32 $0xFFFFC680  }
0x4e2: {  	s9 =	simm.s32 $0x7340;
	v3 =	vld [tilespmem:s10+$0x30]  }
0x4e3: {  	v4 =	vld [tilespmem:s9+$0x30]  }
0x4e4: {  	v5 =	vld [tilespmem:s9+$0xFFFFFFC0]  }
0x4e5: {  	v6 =	vld [tilespmem:s10+$0xFFFFFFD0]  }
0x4e6: {  	v7 =	vld [tilespmem:s9+$0xFFFFFFD0]  }
0x4e7: {  	v8 =	vld [tilespmem:s10+$0xFFFFFFE0]  }
0x4e8: {  	v9 =	vld [tilespmem:s9+$0xFFFFFFE0]  }
0x4e9: {  	v18 =	vld [tilespmem:s10+$0xFFFFFFC0]  }
0x4ea: {  	v10 =	vld [tilespmem:s9+$0xFFFFFFF0];
	v3 =	vsub.f32 v3, v4  }
0x4eb: {  	v4 =	vld [tilespmem:s10+$0xFFFFFFF0]  }
0x4ec: {  	v11 =	vand.u32 $0x7FFFFFFF, v3;
	v3 =	vsub.f32 v6, v7  }
0x4ed: {  	v12 =	vld [tilespmem:s9+$0x0];
	v7 =	vsub.f32 $3.600000000e+02, v11  }
0x4ee: {  	v5 =	vsub.f32 v18, v5;
	v6 =	vld [tilespmem:s10+$0x0];
	v14 =	vand.u32 $0x7FFFFFFF, v3;
	v3 =	vsub.f32 v8, v9  }
0x4ef: {  	v13 =	vld [tilespmem:s9+$0x10];
	v7 =	vmin.f32 v11, v7;
	v9 =	vsub.f32 $3.600000000e+02, v14;
	v16 =	vmin.f32 v14, $1.000000000e+00  }
0x4f0: {  	v8 =	vld [tilespmem:s10+$0x10];
	v7 =	vmul.f32 $5.555555600e-02, v7;
	v19 =	vand.u32 $0x7FFFFFFF, v3;
	v3 =	vsub.f32 v4, v10  }
0x4f1: {  	v15 =	vld [tilespmem:s9+$0x20];
	v17 =	vmul.f32 $5.000000000e-01, v16;
	v9 =	vmin.f32 v14, v9;
	v10 =	vsub.f32 $3.600000000e+02, v19  }
0x4f2: {  	v4 =	vld [tilespmem:s10+$0x20];
	v21 =	vmin.f32 v19, $1.000000000e+00;
	v7 =	vtrunc.f32 v7;
	v22 =	vand.u32 $0x7FFFFFFF, v3  }
0x4f3: {  	v3 =	vsub.f32 v6, v12;
	v12 =	vmin.f32 v11, $1.000000000e+00;
	v6 =	vcvt.f32.s32 v7  }
0x4f4: {  	v7 =	vmul.f32 $5.555555600e-02, v9;
	v9 =	vmin.f32 v19, v10;
	v10 =	vsub.f32 $3.600000000e+02, v22  }
0x4f5: {  	v28 =	vmin.f32 v22, $1.000000000e+00;
	v25 =	vand.u32 $0x7FFFFFFF, v3;
	v3 =	vsub.f32 v8, v13  }
0x4f6: {  	v13 =	vmul.f32 $5.000000000e-01, v12;
	v9 =	vmul.f32 $5.555555600e-02, v9;
	vm0 =	vlt.s32 v6, $0x9  }
0x4f7: {  	v8 =	vmin.f32 v22, v10;
	v10 =	vsub.f32 $3.600000000e+02, v25;
	v4 =	vsub.f32 v4, v15  }
0x4f8: {  	v7 =	vtrunc.f32 v7;
	v29 =	vmin.f32 v25, $1.000000000e+00;
	v6 =	vnsel vm0, $0x9, v6  }
0x4f9: {  	v26 =	vand.u32 $0x7FFFFFFF, v3;
	v8 =	vmul.f32 $5.555555600e-02, v8;
	v9 =	vtrunc.f32 v9  }
0x4fa: {  	v15 =	vcvt.f32.s32 v7;
	v6 =	vshll.u32 v6, $0x7;
	v3 =	vand.u32 $0x7FFFFFFF, v4  }
0x4fb: {  	v4 =	vand.u32 $0x7FFFFFFF, v5;
	v5 =	vmul.f32 v13, v12;
	v24 =	vor.u32 v2, v6  }
0x4fc: {  	v6 =	vmin.f32 v25, v10;
	v10 =	vsub.f32 v11, v12;
	v11 =	vsub.f32 $3.600000000e+02, v4  }
0x4fd: {  	v32 =	vmul.f32 $5.000000000e-01, v29;
	v12 =	vsub.f32 $3.600000000e+02, v26;
	v13 =	vsub.f32 $3.600000000e+02, v3  }
0x4fe: {  	v8 =	vtrunc.f32 v8;
	v6 =	vmul.f32 $5.555555600e-02, v6;
	v27 =	vadd.f32 v5, v10  }
0x4ff: {  	v5 =	vmin.f32 v4, v11;
	v11 =	vmin.f32 v3, v13;
	v13 =	vcvt.f32.s32 v9  }
0x500: {  	v10 =	vmin.f32 v26, v12;
	v12 =	vcvt.f32.s32 v8;
	v9 =	vmul.f32 $5.000000000e-01, v21  }
0x501: {  	v31 =	vmin.f32 v26, $1.000000000e+00;
	v5 =	vmul.f32 $5.555555600e-02, v5;
	v10 =	vmul.f32 $5.555555600e-02, v10  }
0x502: {  	v18 =	vmin.f32 v4, $1.000000000e+00;
	v11 =	vmul.f32 $5.555555600e-02, v11;
	v20 =	vtrunc.f32 v6  }
0x503: {  	v6 =	vsub.f32 v4, v18;
	v4 =	vmul.f32 $5.000000000e-01, v18;
	v5 =	vtrunc.f32 v5  }
0x504: {  	vm0 =	vlt.s32 v15, $0x9;
	v23 =	vtrunc.f32 v10;
	v11 =	vtrunc.f32 v11  }
0x505: {  	vm4 =	vlt.s32 v13, $0x9;
	v10 =	vcvt.f32.s32 v20;
	v30 =	vcvt.f32.s32 v5  }
0x506: {  	vm2 =	vlt.s32 v12, $0x9;
	v8 =	vcvt.f32.s32 v23;
	v7 =	vcvt.f32.s32 v11  }
0x507: {  	v20 =	vsub.f32 v14, v16;
	v11 =	vmul.f32 $5.000000000e-01, v28;
	v23 =	vmul.f32 v4, v18  }
0x508: {  	v5 =	vmin.f32 v3, $1.000000000e+00;
	v4 =	vmul.f32 $5.000000000e-01, v31;
	v18 =	vmul.f32 v17, v16  }
0x509: {  	v17 =	vmul.f32 v9, v21;
	v21 =	vsub.f32 v19, v21;
	v19 =	vsub.f32 v22, v28  }
0x50a: {  	v22 =	vsub.f32 v25, v29;
	vm3 =	vlt.s32 v10, $0x9;
	v16 =	vmul.f32 $5.000000000e-01, v5  }
0x50b: {  	vm6 =	vlt.s32 v30, $0x9;
	vm5 =	vlt.s32 v8, $0x9;
	v14 =	vmul.f32 v11, v28  }
0x50c: {  	[tilespmem:v24+s3+$0x0] =	vst.idx.add.f32.msk $0xffff, v1;
	vm1 =	vlt.s32 v7, $0x9;
	v11 =	vmul.f32 v32, v29;
	v9 =	vmul.f32 v4, v31  }
0x50d: {  	s11 =	simm.s32 $0xC0;
	s10 =	simm.s32 $0x0;
	[tilespmem:v24+s4+$0x0] =	vst.idx.add.f32.msk $0xffff, v27;
	v4 =	vmul.f32 v16, v5;
	v24 =	vnsel vm6, $0x9, v30;
	v16 =	vsub.f32 v26, v31  }
.LBB2_22:
0x50e: {  	v25 =	vld [tilespmem:s11+$0x30];
	v15 =	vnsel vm0, $0x9, v15;
	v13 =	vnsel vm4, $0x9, v13;
	v3 =	vsub.f32 v3, v5;
	s9 =	sadd.s32 $0x80, s9  }
0x50f: {  	v12 =	vnsel vm2, $0x9, v12;
	v10 =	vnsel vm3, $0x9, v10;
	v8 =	vnsel vm5, $0x9, v8;
	v5 =	vld [tilespmem:s9+$0x30]  }
0x510: {  	s10 =	sadd.s32 $0x80, s10;
	v24 =	vshll.u32 v24, $0x7;
	v7 =	vnsel vm1, $0x9, v7;
	v15 =	vshll.u32 v15, $0x7;
	v26 =	vld [tilespmem:s9+$0xFFFFFFC0]  }
0x511: {  	p1 =	slt.u32 s10, $0x3900;
	v13 =	vshll.u32 v13, $0x7;
	v12 =	vshll.u32 v12, $0x7;
	v10 =	vshll.u32 v10, $0x7;
	v27 =	vld [tilespmem:s11+$0xFFFFFFD0]  }
0x512: {  	v6 =	vadd.f32 v23, v6;
	v8 =	vshll.u32 v8, $0x7;
	v7 =	vshll.u32 v7, $0x7;
	v28 =	vld [tilespmem:s9+$0xFFFFFFD0]  }
0x513: {  	v18 =	vadd.f32 v18, v20;
	v17 =	vadd.f32 v17, v21;
	v24 =	vor.u32 v2, v24;
	v23 =	vld [tilespmem:s11+$0xFFFFFFE0]  }
0x514: {  	v14 =	vadd.f32 v14, v19;
	v15 =	vor.u32 v2, v15;
	v20 =	vld [tilespmem:s9+$0xFFFFFFE0];
	v5 =	vsub.f32 v25, v5  }
0x515: {  	v11 =	vadd.f32 v11, v22;
	v9 =	vadd.f32 v9, v16;
	v13 =	vor.u32 v2, v13;
	v19 =	vld [tilespmem:s11+$0xFFFFFFF0]  }
0x516: {  	v12 =	vor.u32 v2, v12;
	v21 =	vadd.f32 v4, v3;
	v16 =	vld [tilespmem:s9+$0xFFFFFFF0];
	v5 =	vand.u32 $0x7FFFFFFF, v5  }
0x517: {  	v10 =	vor.u32 v2, v10;
	v3 =	vsub.f32 v27, v28;
	v22 =	vld [tilespmem:s11+$0x0];
	v25 =	vsub.f32 $3.600000000e+02, v5  }
0x518: {  	v8 =	vor.u32 v2, v8;
	v7 =	vor.u32 v2, v7;
	v27 =	vld [tilespmem:s9+$0x0]  }
0x519: {  	v4 =	vand.u32 $0x7FFFFFFF, v3;
	v3 =	vsub.f32 v23, v20;
	v20 =	vld [tilespmem:s11+$0x10];
	v23 =	vmin.f32 v5, v25  }
0x51a: {  	v25 =	vsub.f32 $3.600000000e+02, v4;
	v28 =	vmin.f32 v4, $1.000000000e+00;
	v29 =	vld [tilespmem:s9+$0x10];
	v23 =	vmul.f32 $5.555555600e-02, v23  }
0x51b: {  	v30 =	vmul.f32 $5.000000000e-01, v28;
	v31 =	vand.u32 $0x7FFFFFFF, v3;
	v3 =	vsub.f32 v19, v16;
	v16 =	vld [tilespmem:s11+$0x20]  }
0x51c: {  	v19 =	vmin.f32 v4, v25;
	v25 =	vsub.f32 $3.600000000e+02, v31;
	v32 =	vld [tilespmem:s9+$0x20];
	v23 =	vtrunc.f32 v23  }
0x51d: {  	v33 =	vld [tilespmem:s11+$0xFFFFFFC0];
	v34 =	vand.u32 $0x7FFFFFFF, v3;
	v3 =	vsub.f32 v22, v27;
	v22 =	vcvt.f32.s32 v23  }
0x51e: {  	v19 =	vmul.f32 $5.555555600e-02, v19;
	v23 =	vmin.f32 v31, v25;
	v25 =	vsub.f32 $3.600000000e+02, v34;
	[tilespmem:v24+s3+$0x0] =	vst.idx.add.f32.msk $0xffff, v1  }
0x51f: {  	v27 =	vand.u32 $0x7FFFFFFF, v3;
	v3 =	vsub.f32 v20, v29;
	vm0 =	vlt.s32 v22, $0x9;
	[tilespmem:v24+s4+$0x0] =	vst.idx.add.f32.msk $0xffff, v6  }
0x520: {  	v6 =	vmin.f32 v34, v25;
	v20 =	vsub.f32 $3.600000000e+02, v27;
	v22 =	vnsel vm0, $0x9, v22;
	[tilespmem:v15+s3+$0x0] =	vst.idx.add.f32.msk $0xffff, v1  }
0x521: {  	v24 =	vmin.f32 v5, $1.000000000e+00;
	v16 =	vsub.f32 v16, v32;
	v22 =	vshll.u32 v22, $0x7;
	[tilespmem:v15+s4+$0x0] =	vst.idx.add.f32.msk $0xffff, v18  }
0x522: {  	v18 =	vmul.f32 $5.000000000e-01, v24;
	v15 =	vsub.f32 v33, v26;
	v22 =	vor.u32 v2, v22;
	[tilespmem:v13+s3+$0x0] =	vst.idx.add.f32.msk $0xffff, v1  }
0x523: {  	v25 =	vand.u32 $0x7FFFFFFF, v3;
	v20 =	vmin.f32 v27, v20;
	v3 =	vand.u32 $0x7FFFFFFF, v16;
	[tilespmem:v13+s4+$0x0] =	vst.idx.add.f32.msk $0xffff, v17  }
0x524: {  	v5 =	vsub.f32 v5, v24;
	v13 =	vand.u32 $0x7FFFFFFF, v15;
	v15 =	vmul.f32 v18, v24;
	[tilespmem:v12+s3+$0x0] =	vst.idx.add.f32.msk $0xffff, v1  }
0x525: {  	v17 =	vmul.f32 $5.555555600e-02, v23;
	v18 =	vsub.f32 $3.600000000e+02, v25;
	v16 =	vsub.f32 $3.600000000e+02, v13;
	[tilespmem:v12+s4+$0x0] =	vst.idx.add.f32.msk $0xffff, v14  }
0x526: {  	v6 =	vmul.f32 $5.555555600e-02, v6;
	v12 =	vsub.f32 $3.600000000e+02, v3;
	v5 =	vadd.f32 v15, v5;
	[tilespmem:v10+s3+$0x0] =	vst.idx.add.f32.msk $0xffff, v1  }
0x527: {  	v15 =	vmul.f32 $5.555555600e-02, v20;
	v14 =	vmin.f32 v13, v16;
	v16 =	vmin.f32 v25, v18;
	[tilespmem:v22+s3+$0x0] =	vst.idx.add.f32.msk $0xffff, v1  }
0x528: {  	v12 =	vmin.f32 v3, v12;
	v14 =	vmul.f32 $5.555555600e-02, v14;
	v16 =	vmul.f32 $5.555555600e-02, v16;
	[tilespmem:v22+s4+$0x0] =	vst.idx.add.f32.msk $0xffff, v5  }
0x529: {  	v19 =	vtrunc.f32 v19;
	v18 =	vmin.f32 v13, $1.000000000e+00;
	v5 =	vmul.f32 $5.555555600e-02, v12;
	[tilespmem:v10+s4+$0x0] =	vst.idx.add.f32.msk $0xffff, v11  }
0x52a: {  	v11 =	vtrunc.f32 v17;
	v10 =	vtrunc.f32 v14;
	v14 =	vmin.f32 v31, $1.000000000e+00;
	[tilespmem:v8+s3+$0x0] =	vst.idx.add.f32.msk $0xffff, v1  }
0x52b: {  	v12 =	vtrunc.f32 v6;
	v22 =	vmin.f32 v34, $1.000000000e+00;
	v17 =	vtrunc.f32 v15;
	[tilespmem:v8+s4+$0x0] =	vst.idx.add.f32.msk $0xffff, v9  }
0x52c: {  	v26 =	vmin.f32 v27, $1.000000000e+00;
	v8 =	vtrunc.f32 v16;
	v9 =	vtrunc.f32 v5;
	[tilespmem:v7+s3+$0x0] =	vst.idx.add.f32.msk $0xffff, v1  }
0x52d: {  	v29 =	vmin.f32 v25, $1.000000000e+00;
	v16 =	vcvt.f32.s32 v10;
	v5 =	vmin.f32 v3, $1.000000000e+00;
	[tilespmem:v7+s4+$0x0] =	vst.idx.add.f32.msk $0xffff, v21  }
0x52e: {  	v6 =	vsub.f32 v13, v18;
	v15 =	vcvt.f32.s32 v19;
	v13 =	vcvt.f32.s32 v11  }
0x52f: {  	v12 =	vcvt.f32.s32 v12;
	v10 =	vcvt.f32.s32 v17;
	vm6 =	vlt.s32 v16, $0x9  }
0x530: {  	vm0 =	vlt.s32 v15, $0x9;
	v8 =	vcvt.f32.s32 v8;
	v7 =	vcvt.f32.s32 v9  }
0x531: {  	v11 =	vmul.f32 $5.000000000e-01, v14;
	vm4 =	vlt.s32 v13, $0x9;
	v9 =	vmul.f32 $5.000000000e-01, v18  }
0x532: {  	v24 =	vmul.f32 $5.000000000e-01, v26;
	v19 =	vmul.f32 $5.000000000e-01, v22;
	vm2 =	vlt.s32 v12, $0x9  }
0x533: {  	v32 =	vmul.f32 $5.000000000e-01, v29;
	v33 =	vmul.f32 $5.000000000e-01, v5;
	vm3 =	vlt.s32 v10, $0x9  }
.Ltmp12:
0x534: {  	vm5 =	vlt.s32 v8, $0x9;
	v23 =	vmul.f32 v9, v18;
	vm1 =	vlt.s32 v7, $0x9;
	(pc) =	sbr.rel @p1 .LBB2_22-.Ltmp12, $4  }
0x535: {  	v20 =	vsub.f32 v4, v28;
	v17 =	vmul.f32 v11, v14;
	v18 =	vmul.f32 v30, v28  }
0x536: {  	v21 =	vsub.f32 v31, v14;
	v14 =	vmul.f32 v19, v22;
	v11 =	vmul.f32 v24, v26  }
0x537: {  	v19 =	vsub.f32 v34, v22;
	v4 =	vmul.f32 v33, v5;
	v9 =	vmul.f32 v32, v29  }
0x538: {  	s11 =	sadd.s32 $0x80, s11;
	v22 =	vsub.f32 v27, v26;
	v24 =	vnsel vm6, $0x9, v16;
	v16 =	vsub.f32 v25, v29  }
0x539: {  	v24 =	vshll.u32 v24, $0x7  }
0x53a: {  	v15 =	vnsel vm0, $0x9, v15;
	v24 =	vor.u32 v2, v24  }
0x53b: {  	v13 =	vnsel vm4, $0x9, v13;
	v12 =	vnsel vm2, $0x9, v12;
	v15 =	vshll.u32 v15, $0x7  }
0x53c: {  	v6 =	vadd.f32 v23, v6;
	v13 =	vshll.u32 v13, $0x7;
	v15 =	vor.u32 v2, v15  }
0x53d: {  	v8 =	vnsel vm5, $0x9, v8;
	v12 =	vshll.u32 v12, $0x7;
	v13 =	vor.u32 v2, v13  }
0x53e: {  	v7 =	vnsel vm1, $0x9, v7;
	v8 =	vshll.u32 v8, $0x7;
	v12 =	vor.u32 v2, v12  }
0x53f: {  	v7 =	vshll.u32 v7, $0x7;
	v8 =	vor.u32 v2, v8;
	[tilespmem:v24+s3+$0x0] =	vst.idx.add.f32.msk $0xffff, v1  }
0x540: {  	v7 =	vor.u32 v2, v7;
	[tilespmem:v24+s4+$0x0] =	vst.idx.add.f32.msk $0xffff, v6  }
0x541: {  	[tilespmem:v15+s3+$0x0] =	vst.idx.add.f32.msk $0xffff, v1  }
0x542: {  	[tilespmem:v13+s3+$0x0] =	vst.idx.add.f32.msk $0xffff, v1  }
0x543: {  	[tilespmem:v12+s3+$0x0] =	vst.idx.add.f32.msk $0xffff, v1  }
0x544: {  	v10 =	vnsel vm3, $0x9, v10;
	v18 =	vadd.f32 v18, v20;
	[tilespmem:v8+s3+$0x0] =	vst.idx.add.f32.msk $0xffff, v1  }
0x545: {  	v61 =	vadd.f32 v17, v21;
	v14 =	vadd.f32 v14, v19;
	v60 =	vshll.u32 v10, $0x7;
	[tilespmem:v7+s3+$0x0] =	vst.idx.add.f32.msk $0xffff, v1  }
0x546: {  	v3 =	vsub.f32 v3, v5;
	v6 =	vor.u32 v2, v60;
	[tilespmem:v15+s4+$0x0] =	vst.idx.add.f32.msk $0xffff, v18  }
0x547: {  	v63 =	vadd.f32 v9, v16;
	[tilespmem:v13+s4+$0x0] =	vst.idx.add.f32.msk $0xffff, v61  }
.Ltmp13:
0x548: {  	v3 =	vadd.f32 v4, v3;
	[tilespmem:v12+s4+$0x0] =	vst.idx.add.f32.msk $0xffff, v14;
	(pc) =	sbr.rel @p0 .LBB2_27-.Ltmp13, $4  }
0x549: {  	[tilespmem:v8+s4+$0x0] =	vst.idx.add.f32.msk $0xffff, v63  }
0x54a: {  	v62 =	vadd.f32 v11, v22;
	[tilespmem:v7+s4+$0x0] =	vst.idx.add.f32.msk $0xffff, v3  }
0x54b: {  	[tilespmem:v6+s3+$0x0] =	vst.idx.add.f32.msk $0xffff, v1  }
0x54c: {  	[tilespmem:v6+s4+$0x0] =	vst.idx.add.f32.msk $0xffff, v62  }
0x54d: {  	s9 =	rddreg [dreg:$0xd]  }
0x54e: {  	[tilespmem:s2], [sflag:$0x1] =	stream.linear.gather [hbm4b:s9+s2], $0x200, $0x38;
	[tilespmem:$0xF600] =	vst v63  }
0x54f: {  	s11 =	rddreg [dreg:$0xe]  }
0x550: {  	[tilespmem:s31], [sflag:$0x3] =	stream.linear.gather [hbm4b:s11+s2], $0x200, $0x38;
	[tilespmem:$0xF600] =	vst v63  }
0x551: {  	_ =	swait.ge [sflag:s25], $0x200  }
0x552: {  	[sflag:s25] =	ssyncset.done $0x0  }
0x553: {  	[sflag:s25] =	ssyncadd.s32 $0xFFFFFE00  }
0x554: {  	_ =	swait.ge [sflag:s26], $0x200  }
0x555: {  	[sflag:s26] =	ssyncset.done $0x0  }
0x556: {  	s10 =	simm.s32 $0x40;
	[sflag:s26] =	ssyncadd.s32 $0xFFFFFE00  }
0x557: {  	s9 =	simm.s32 $0x7340;
	v3 =	vld [tilespmem:s10+$0x30]  }
0x558: {  	v4 =	vld [tilespmem:s9+$0x30]  }
0x559: {  	v5 =	vld [tilespmem:s9+$0xFFFFFFC0]  }
0x55a: {  	v6 =	vld [tilespmem:s10+$0xFFFFFFD0]  }
0x55b: {  	v7 =	vld [tilespmem:s9+$0xFFFFFFD0]  }
0x55c: {  	v8 =	vld [tilespmem:s10+$0xFFFFFFE0]  }
0x55d: {  	v9 =	vld [tilespmem:s9+$0xFFFFFFE0]  }
0x55e: {  	v18 =	vld [tilespmem:s10+$0xFFFFFFC0]  }
0x55f: {  	v10 =	vld [tilespmem:s9+$0xFFFFFFF0];
	v3 =	vsub.f32 v3, v4  }
0x560: {  	v4 =	vld [tilespmem:s10+$0xFFFFFFF0]  }
0x561: {  	v11 =	vand.u32 $0x7FFFFFFF, v3;
	v3 =	vsub.f32 v6, v7  }
0x562: {  	v12 =	vld [tilespmem:s9+$0x0];
	v7 =	vsub.f32 $3.600000000e+02, v11  }
0x563: {  	v5 =	vsub.f32 v18, v5;
	v6 =	vld [tilespmem:s10+$0x0];
	v14 =	vand.u32 $0x7FFFFFFF, v3;
	v3 =	vsub.f32 v8, v9  }
0x564: {  	v13 =	vld [tilespmem:s9+$0x10];
	v7 =	vmin.f32 v11, v7;
	v9 =	vsub.f32 $3.600000000e+02, v14;
	v16 =	vmin.f32 v14, $1.000000000e+00  }
0x565: {  	v8 =	vld [tilespmem:s10+$0x10];
	v7 =	vmul.f32 $5.555555600e-02, v7;
	v19 =	vand.u32 $0x7FFFFFFF, v3;
	v3 =	vsub.f32 v4, v10  }
0x566: {  	v15 =	vld [tilespmem:s9+$0x20];
	v17 =	vmul.f32 $5.000000000e-01, v16;
	v9 =	vmin.f32 v14, v9;
	v10 =	vsub.f32 $3.600000000e+02, v19  }
0x567: {  	v4 =	vld [tilespmem:s10+$0x20];
	v21 =	vmin.f32 v19, $1.000000000e+00;
	v7 =	vtrunc.f32 v7;
	v22 =	vand.u32 $0x7FFFFFFF, v3  }
0x568: {  	v3 =	vsub.f32 v6, v12;
	v12 =	vmin.f32 v11, $1.000000000e+00;
	v6 =	vcvt.f32.s32 v7  }
0x569: {  	v7 =	vmul.f32 $5.555555600e-02, v9;
	v9 =	vmin.f32 v19, v10;
	v10 =	vsub.f32 $3.600000000e+02, v22  }
0x56a: {  	v28 =	vmin.f32 v22, $1.000000000e+00;
	v25 =	vand.u32 $0x7FFFFFFF, v3;
	v3 =	vsub.f32 v8, v13  }
0x56b: {  	v13 =	vmul.f32 $5.000000000e-01, v12;
	v9 =	vmul.f32 $5.555555600e-02, v9;
	vm0 =	vlt.s32 v6, $0x9  }
0x56c: {  	v8 =	vmin.f32 v22, v10;
	v10 =	vsub.f32 $3.600000000e+02, v25;
	v4 =	vsub.f32 v4, v15  }
0x56d: {  	v7 =	vtrunc.f32 v7;
	v29 =	vmin.f32 v25, $1.000000000e+00;
	v6 =	vnsel vm0, $0x9, v6  }
0x56e: {  	v26 =	vand.u32 $0x7FFFFFFF, v3;
	v8 =	vmul.f32 $5.555555600e-02, v8;
	v9 =	vtrunc.f32 v9  }
0x56f: {  	v15 =	vcvt.f32.s32 v7;
	v6 =	vshll.u32 v6, $0x7;
	v3 =	vand.u32 $0x7FFFFFFF, v4  }
0x570: {  	v4 =	vand.u32 $0x7FFFFFFF, v5;
	v5 =	vmul.f32 v13, v12;
	v24 =	vor.u32 v2, v6  }
0x571: {  	v6 =	vmin.f32 v25, v10;
	v10 =	vsub.f32 v11, v12;
	v11 =	vsub.f32 $3.600000000e+02, v4  }
0x572: {  	v32 =	vmul.f32 $5.000000000e-01, v29;
	v12 =	vsub.f32 $3.600000000e+02, v26;
	v13 =	vsub.f32 $3.600000000e+02, v3  }
0x573: {  	v8 =	vtrunc.f32 v8;
	v6 =	vmul.f32 $5.555555600e-02, v6;
	v27 =	vadd.f32 v5, v10  }
0x574: {  	v5 =	vmin.f32 v4, v11;
	v11 =	vmin.f32 v3, v13;
	v13 =	vcvt.f32.s32 v9  }
0x575: {  	v10 =	vmin.f32 v26, v12;
	v12 =	vcvt.f32.s32 v8;
	v9 =	vmul.f32 $5.000000000e-01, v21  }
0x576: {  	v31 =	vmin.f32 v26, $1.000000000e+00;
	v5 =	vmul.f32 $5.555555600e-02, v5;
	v10 =	vmul.f32 $5.555555600e-02, v10  }
0x577: {  	v18 =	vmin.f32 v4, $1.000000000e+00;
	v11 =	vmul.f32 $5.555555600e-02, v11;
	v20 =	vtrunc.f32 v6  }
0x578: {  	v6 =	vsub.f32 v4, v18;
	v4 =	vmul.f32 $5.000000000e-01, v18;
	v5 =	vtrunc.f32 v5  }
0x579: {  	vm0 =	vlt.s32 v15, $0x9;
	v23 =	vtrunc.f32 v10;
	v11 =	vtrunc.f32 v11  }
0x57a: {  	vm4 =	vlt.s32 v13, $0x9;
	v10 =	vcvt.f32.s32 v20;
	v30 =	vcvt.f32.s32 v5  }
0x57b: {  	vm2 =	vlt.s32 v12, $0x9;
	v8 =	vcvt.f32.s32 v23;
	v7 =	vcvt.f32.s32 v11  }
0x57c: {  	v20 =	vsub.f32 v14, v16;
	v11 =	vmul.f32 $5.000000000e-01, v28;
	v23 =	vmul.f32 v4, v18  }
0x57d: {  	v5 =	vmin.f32 v3, $1.000000000e+00;
	v4 =	vmul.f32 $5.000000000e-01, v31;
	v18 =	vmul.f32 v17, v16  }
0x57e: {  	v17 =	vmul.f32 v9, v21;
	v21 =	vsub.f32 v19, v21;
	v19 =	vsub.f32 v22, v28  }
0x57f: {  	v22 =	vsub.f32 v25, v29;
	vm3 =	vlt.s32 v10, $0x9;
	v16 =	vmul.f32 $5.000000000e-01, v5  }
0x580: {  	vm6 =	vlt.s32 v30, $0x9;
	vm5 =	vlt.s32 v8, $0x9;
	v14 =	vmul.f32 v11, v28  }
0x581: {  	[tilespmem:v24+s3+$0x0] =	vst.idx.add.f32.msk $0xffff, v1;
	vm1 =	vlt.s32 v7, $0x9;
	v11 =	vmul.f32 v32, v29;
	v9 =	vmul.f32 v4, v31  }
0x582: {  	s11 =	simm.s32 $0xC0;
	s10 =	simm.s32 $0x0;
	[tilespmem:v24+s4+$0x0] =	vst.idx.add.f32.msk $0xffff, v27;
	v4 =	vmul.f32 v16, v5;
	v24 =	vnsel vm6, $0x9, v30;
	v16 =	vsub.f32 v26, v31  }
.LBB2_25:
0x583: {  	v25 =	vld [tilespmem:s11+$0x30];
	v15 =	vnsel vm0, $0x9, v15;
	v13 =	vnsel vm4, $0x9, v13;
	v3 =	vsub.f32 v3, v5;
	s9 =	sadd.s32 $0x80, s9  }
0x584: {  	v12 =	vnsel vm2, $0x9, v12;
	v10 =	vnsel vm3, $0x9, v10;
	v8 =	vnsel vm5, $0x9, v8;
	v5 =	vld [tilespmem:s9+$0x30]  }
0x585: {  	s10 =	sadd.s32 $0x80, s10;
	v24 =	vshll.u32 v24, $0x7;
	v7 =	vnsel vm1, $0x9, v7;
	v15 =	vshll.u32 v15, $0x7;
	v26 =	vld [tilespmem:s9+$0xFFFFFFC0]  }
0x586: {  	p1 =	slt.u32 s10, $0x180;
	v13 =	vshll.u32 v13, $0x7;
	v12 =	vshll.u32 v12, $0x7;
	v10 =	vshll.u32 v10, $0x7;
	v27 =	vld [tilespmem:s11+$0xFFFFFFD0]  }
0x587: {  	v6 =	vadd.f32 v23, v6;
	v8 =	vshll.u32 v8, $0x7;
	v7 =	vshll.u32 v7, $0x7;
	v28 =	vld [tilespmem:s9+$0xFFFFFFD0]  }
0x588: {  	v18 =	vadd.f32 v18, v20;
	v17 =	vadd.f32 v17, v21;
	v24 =	vor.u32 v2, v24;
	v23 =	vld [tilespmem:s11+$0xFFFFFFE0]  }
0x589: {  	v14 =	vadd.f32 v14, v19;
	v15 =	vor.u32 v2, v15;
	v20 =	vld [tilespmem:s9+$0xFFFFFFE0];
	v5 =	vsub.f32 v25, v5  }
0x58a: {  	v11 =	vadd.f32 v11, v22;
	v9 =	vadd.f32 v9, v16;
	v13 =	vor.u32 v2, v13;
	v19 =	vld [tilespmem:s11+$0xFFFFFFF0]  }
0x58b: {  	v12 =	vor.u32 v2, v12;
	v21 =	vadd.f32 v4, v3;
	v16 =	vld [tilespmem:s9+$0xFFFFFFF0];
	v5 =	vand.u32 $0x7FFFFFFF, v5  }
0x58c: {  	v10 =	vor.u32 v2, v10;
	v3 =	vsub.f32 v27, v28;
	v22 =	vld [tilespmem:s11+$0x0];
	v25 =	vsub.f32 $3.600000000e+02, v5  }
0x58d: {  	v8 =	vor.u32 v2, v8;
	v7 =	vor.u32 v2, v7;
	v27 =	vld [tilespmem:s9+$0x0]  }
0x58e: {  	v4 =	vand.u32 $0x7FFFFFFF, v3;
	v3 =	vsub.f32 v23, v20;
	v20 =	vld [tilespmem:s11+$0x10];
	v23 =	vmin.f32 v5, v25  }
0x58f: {  	v25 =	vsub.f32 $3.600000000e+02, v4;
	v28 =	vmin.f32 v4, $1.000000000e+00;
	v29 =	vld [tilespmem:s9+$0x10];
	v23 =	vmul.f32 $5.555555600e-02, v23  }
0x590: {  	v30 =	vmul.f32 $5.000000000e-01, v28;
	v31 =	vand.u32 $0x7FFFFFFF, v3;
	v3 =	vsub.f32 v19, v16;
	v16 =	vld [tilespmem:s11+$0x20]  }
0x591: {  	v19 =	vmin.f32 v4, v25;
	v25 =	vsub.f32 $3.600000000e+02, v31;
	v32 =	vld [tilespmem:s9+$0x20];
	v23 =	vtrunc.f32 v23  }
0x592: {  	v33 =	vld [tilespmem:s11+$0xFFFFFFC0];
	v34 =	vand.u32 $0x7FFFFFFF, v3;
	v3 =	vsub.f32 v22, v27;
	v22 =	vcvt.f32.s32 v23  }
0x593: {  	v19 =	vmul.f32 $5.555555600e-02, v19;
	v23 =	vmin.f32 v31, v25;
	v25 =	vsub.f32 $3.600000000e+02, v34;
	[tilespmem:v24+s3+$0x0] =	vst.idx.add.f32.msk $0xffff, v1  }
0x594: {  	v27 =	vand.u32 $0x7FFFFFFF, v3;
	v3 =	vsub.f32 v20, v29;
	vm0 =	vlt.s32 v22, $0x9;
	[tilespmem:v24+s4+$0x0] =	vst.idx.add.f32.msk $0xffff, v6  }
0x595: {  	v6 =	vmin.f32 v34, v25;
	v20 =	vsub.f32 $3.600000000e+02, v27;
	v22 =	vnsel vm0, $0x9, v22;
	[tilespmem:v15+s3+$0x0] =	vst.idx.add.f32.msk $0xffff, v1  }
0x596: {  	v24 =	vmin.f32 v5, $1.000000000e+00;
	v16 =	vsub.f32 v16, v32;
	v22 =	vshll.u32 v22, $0x7;
	[tilespmem:v15+s4+$0x0] =	vst.idx.add.f32.msk $0xffff, v18  }
0x597: {  	v18 =	vmul.f32 $5.000000000e-01, v24;
	v15 =	vsub.f32 v33, v26;
	v22 =	vor.u32 v2, v22;
	[tilespmem:v13+s3+$0x0] =	vst.idx.add.f32.msk $0xffff, v1  }
0x598: {  	v25 =	vand.u32 $0x7FFFFFFF, v3;
	v20 =	vmin.f32 v27, v20;
	v3 =	vand.u32 $0x7FFFFFFF, v16;
	[tilespmem:v13+s4+$0x0] =	vst.idx.add.f32.msk $0xffff, v17  }
0x599: {  	v5 =	vsub.f32 v5, v24;
	v13 =	vand.u32 $0x7FFFFFFF, v15;
	v15 =	vmul.f32 v18, v24;
	[tilespmem:v12+s3+$0x0] =	vst.idx.add.f32.msk $0xffff, v1  }
0x59a: {  	v17 =	vmul.f32 $5.555555600e-02, v23;
	v18 =	vsub.f32 $3.600000000e+02, v25;
	v16 =	vsub.f32 $3.600000000e+02, v13;
	[tilespmem:v12+s4+$0x0] =	vst.idx.add.f32.msk $0xffff, v14  }
0x59b: {  	v6 =	vmul.f32 $5.555555600e-02, v6;
	v12 =	vsub.f32 $3.600000000e+02, v3;
	v5 =	vadd.f32 v15, v5;
	[tilespmem:v10+s3+$0x0] =	vst.idx.add.f32.msk $0xffff, v1  }
0x59c: {  	v15 =	vmul.f32 $5.555555600e-02, v20;
	v14 =	vmin.f32 v13, v16;
	v16 =	vmin.f32 v25, v18;
	[tilespmem:v22+s3+$0x0] =	vst.idx.add.f32.msk $0xffff, v1  }
0x59d: {  	v12 =	vmin.f32 v3, v12;
	v14 =	vmul.f32 $5.555555600e-02, v14;
	v16 =	vmul.f32 $5.555555600e-02, v16;
	[tilespmem:v22+s4+$0x0] =	vst.idx.add.f32.msk $0xffff, v5  }
0x59e: {  	v19 =	vtrunc.f32 v19;
	v18 =	vmin.f32 v13, $1.000000000e+00;
	v5 =	vmul.f32 $5.555555600e-02, v12;
	[tilespmem:v10+s4+$0x0] =	vst.idx.add.f32.msk $0xffff, v11  }
0x59f: {  	v11 =	vtrunc.f32 v17;
	v10 =	vtrunc.f32 v14;
	v14 =	vmin.f32 v31, $1.000000000e+00;
	[tilespmem:v8+s3+$0x0] =	vst.idx.add.f32.msk $0xffff, v1  }
0x5a0: {  	v12 =	vtrunc.f32 v6;
	v22 =	vmin.f32 v34, $1.000000000e+00;
	v17 =	vtrunc.f32 v15;
	[tilespmem:v8+s4+$0x0] =	vst.idx.add.f32.msk $0xffff, v9  }
0x5a1: {  	v26 =	vmin.f32 v27, $1.000000000e+00;
	v8 =	vtrunc.f32 v16;
	v9 =	vtrunc.f32 v5;
	[tilespmem:v7+s3+$0x0] =	vst.idx.add.f32.msk $0xffff, v1  }
0x5a2: {  	v29 =	vmin.f32 v25, $1.000000000e+00;
	v16 =	vcvt.f32.s32 v10;
	v5 =	vmin.f32 v3, $1.000000000e+00;
	[tilespmem:v7+s4+$0x0] =	vst.idx.add.f32.msk $0xffff, v21  }
0x5a3: {  	v6 =	vsub.f32 v13, v18;
	v15 =	vcvt.f32.s32 v19;
	v13 =	vcvt.f32.s32 v11  }
0x5a4: {  	v12 =	vcvt.f32.s32 v12;
	v10 =	vcvt.f32.s32 v17;
	vm6 =	vlt.s32 v16, $0x9  }
0x5a5: {  	vm0 =	vlt.s32 v15, $0x9;
	v8 =	vcvt.f32.s32 v8;
	v7 =	vcvt.f32.s32 v9  }
0x5a6: {  	v11 =	vmul.f32 $5.000000000e-01, v14;
	vm4 =	vlt.s32 v13, $0x9;
	v9 =	vmul.f32 $5.000000000e-01, v18  }
0x5a7: {  	v24 =	vmul.f32 $5.000000000e-01, v26;
	v19 =	vmul.f32 $5.000000000e-01, v22;
	vm2 =	vlt.s32 v12, $0x9  }
0x5a8: {  	v32 =	vmul.f32 $5.000000000e-01, v29;
	v33 =	vmul.f32 $5.000000000e-01, v5;
	vm3 =	vlt.s32 v10, $0x9  }
.Ltmp14:
0x5a9: {  	vm5 =	vlt.s32 v8, $0x9;
	v23 =	vmul.f32 v9, v18;
	vm1 =	vlt.s32 v7, $0x9;
	(pc) =	sbr.rel @p1 .LBB2_25-.Ltmp14, $4  }
0x5aa: {  	v20 =	vsub.f32 v4, v28;
	v17 =	vmul.f32 v11, v14;
	v18 =	vmul.f32 v30, v28  }
0x5ab: {  	v21 =	vsub.f32 v31, v14;
	v14 =	vmul.f32 v19, v22;
	v11 =	vmul.f32 v24, v26  }
0x5ac: {  	v19 =	vsub.f32 v34, v22;
	v4 =	vmul.f32 v33, v5;
	v9 =	vmul.f32 v32, v29  }
0x5ad: {  	s11 =	sadd.s32 $0x80, s11;
	v22 =	vsub.f32 v27, v26;
	v24 =	vnsel vm6, $0x9, v16;
	v16 =	vsub.f32 v25, v29  }
.Ltmp15:
0x5ae: {  	_ = 	snop;
	(pc) =	sbr.rel .LBB2_26-.Ltmp15, $1  }
0x5af: {  	_ =	sdelay $0x3  }
.LBB2_28:
0x5b0: {  	_ =	sfence.sel $0x180000  }
0x5b1: {  	[bflag:$0x0] =	sbarrier.arrive $0xFFFF  }
0x5b2: {  	_ =	strace $0x90000047  }
0x5b3: {  	s0 =	stileid.u32;
	[bflag:$0x2] =	sbarrier.arrive $0xFFFF  }
0x5b4: {  	p0 =	sne.s32 s0, $0x0;
	s0 =	rddreg [dreg:$0x3]  }
0x5b5: {  	s0 =	sadd.s32 @!p0 $0x100000, s0  }
0x5b6: {  	[sflag:s0] =	ssyncadd.tile.s32 @!p0 $0x1;
	_ =	shalt  }
.Lfunc_end2:
_tile_overlayer_lowered:
.L_overlay_start_2:
0x5b7: {  	(tag) =	ssettag $0x2  }
0x5b8: {  	s0 =	rddreg [dreg:$0x0];
	s2 =	stileid.u32  }
0x5b9: {  	s1 =	rddreg [dreg:$0x1];
	p0 =	sne.s32 s2, $0x0  }
0x5ba: {  	s3 =	rddreg [dreg:$0x2];
	[bflag:$0x3] =	sbarrier.arrive $0xFFFF;
	s2 =	simm.s32 @!p0 $0x1C05  }
0x5bb: {  	[timem:s3], [sflag:s2] =	dma.local @!p0 [hbm:s0], s1  }
0x5bc: {  	s0 =	simm.s32 @!p0 $0x5  }
0x5bd: {  	_ =	swait.ge @!p0 [sflag:s0], s1  }
0x5be: {  	s1 =	ssub.s32 @!p0 $0x0, s1;
	[sflag:s0] =	ssyncset.done @!p0 $0x0  }
0x5bf: {  	[sflag:s0] =	ssyncadd.s32 @!p0 s1  }
0x5c0: {  	[bflag:$0x3] =	sbarrier.arrive $0xFFFF  }
0x5c1: {  	_ =	shalt  }

</sc_bundles>
